<compile_context>
chip_gen: v7x
topology: tpu7x:2x2x1
jax: 0.10.2.dev20260603
libtpu: 0.0.44.dev20260713+nightly
codegen_flags: <defaults>
</compile_context>

<pallas_src>
import functools

import jax
import jax.numpy as jnp
from jax import lax
from jax.experimental import pallas as pl
from jax.experimental.pallas import tpu as pltpu
from jax.experimental.pallas import tpu_sc as plsc

B, S, EMB = 16, 1024, 1024
NC, NS = 2, 16
NW = NC * NS
SPW = S // NW
CH = 16
NCHS = SPW // CH
NCHUNK = B * NCHS
NBUF = 4
NG = NCHUNK // NBUF
LANES = 16
KPC = EMB // LANES

_mesh = plsc.VectorSubcoreMesh(core_axis_name="c", subcore_axis_name="s")


@functools.partial(
    pl.kernel,
    out_type=jax.ShapeDtypeStruct((B * S, EMB), jnp.float32),
    mesh=_mesh,
    scratch_types=[
        pltpu.VMEM((NCHUNK, CH), jnp.int32),
        pltpu.VMEM((SPW, EMB), jnp.float32),
        pltpu.VMEM((NBUF, CH, EMB), jnp.float32),
        [pltpu.SemaphoreType.DMA] * NBUF,
        [pltpu.SemaphoreType.DMA] * NBUF,
    ],
)
def _emb_lookup(ids_hbm, tok_hbm, pos_hbm, out_hbm, idx_v, pos_v, buf_v,
                gat_sems, out_sems):
    wid = lax.axis_index("s") * NC + lax.axis_index("c")
    s_base = wid * SPW

    pltpu.sync_copy(ids_hbm.at[wid], idx_v)

    def start_gather(c, slot):
        return pltpu.async_copy(
            tok_hbm.at[idx_v.at[c]], buf_v.at[slot], gat_sems[slot])

    def out_rows(c, h):
        return (c - h) * (S // NCHS) + s_base + h * CH

    def start_out(c, h, slot):
        return pltpu.async_copy(
            buf_v.at[slot],
            out_hbm.at[pl.ds(out_rows(c, h), CH)], out_sems[slot])

    def wait_gather(c, slot):
        pltpu.make_async_copy(
            tok_hbm.at[pl.ds(0, CH)], buf_v.at[slot], gat_sems[slot]).wait()

    def wait_out(c, h, slot):
        pltpu.make_async_copy(
            buf_v.at[slot],
            out_hbm.at[pl.ds(0, CH)], out_sems[slot]).wait()

    def add_pair(h, s0, s1):
        @plsc.parallel_loop(0, CH, unroll=1)
        def _(r):
            prow = h * CH + r
            for k in range(KPC):
                sl = pl.ds(k * LANES, LANES)
                pvec = pos_v[prow, sl]
                plsc.addupdate(buf_v.at[s0, r, sl], pvec)
                plsc.addupdate(buf_v.at[s1, r, sl], pvec)

    start_gather(0, 0)
    start_gather(2, 2)
    pltpu.sync_copy(pos_hbm.at[pl.ds(s_base, SPW)], pos_v)

    @pl.loop(0, NG)
    def _(g):
        wait_gather(4 * g, 0)
        wait_gather(4 * g + 2, 2)
        @pl.when(g > 0)
        def _():
            wait_out(4 * g - 3, 1, 1)
            wait_out(4 * g - 1, 1, 3)
        start_gather(4 * g + 1, 1)
        start_gather(4 * g + 3, 3)
        add_pair(0, 0, 2)
        start_out(4 * g, 0, 0)
        start_out(4 * g + 2, 0, 2)

        wait_gather(4 * g + 1, 1)
        wait_gather(4 * g + 3, 3)
        @pl.when(g < NG - 1)
        def _():
            wait_out(4 * g, 0, 0)
            wait_out(4 * g + 2, 0, 2)
            start_gather(4 * g + 4, 0)
            start_gather(4 * g + 6, 2)
        add_pair(1, 1, 3)
        start_out(4 * g + 1, 1, 1)
        start_out(4 * g + 3, 1, 3)

    wait_out(NCHUNK - 4, 0, 0)
    wait_out(NCHUNK - 2, 0, 2)
    wait_out(NCHUNK - 3, 1, 1)
    wait_out(NCHUNK - 1, 1, 3)


def kernel(input_ids, tok_table, pos_table):
    ids3 = (input_ids.astype(jnp.int32)
            .reshape(B, NW, NCHS, CH)
            .transpose(1, 0, 2, 3)
            .reshape(NW, NCHUNK, CH))
    out = _emb_lookup(ids3, tok_table, pos_table)
    return out.reshape(B, S, EMB)

# --- scband reference (transcript-rebuilt; emitter-appended) ---
"""Pipeline reference for scband-embedding-32358283608296 (READ-ONLY COPY).

The authoritative reference and input builder live on the scoring server;
editing this copy changes nothing except your own understanding.
"""

import jax, jax.numpy as jnp
import numpy as np

VOCAB = 151936
CTX = 1024
EMB = 1024
B, S = 16, 1024

def setup_inputs(seed: int = 0) -> dict:
    key = jax.random.key(seed)
    k1, k2, k3 = jax.random.split(key, 3)
    input_ids = jax.random.randint(k1, (B, S), 0, VOCAB, dtype=jnp.int64 if jax.config.read('jax_enable_x64') else jnp.int32)
    tok_table = jax.random.normal(k2, (VOCAB, EMB), dtype=jnp.float32) * 0.02
    pos_table = jax.random.normal(k3, (CTX, EMB), dtype=jnp.float32) * 0.02
    return {"input_ids": input_ids, "tok_table": tok_table, "pos_table": pos_table}

def reference(input_ids, tok_table, pos_table):
    # position_ids = arange(seq_size)[None, :]
    seq_size = input_ids.shape[1]
    position_ids = jnp.arange(seq_size)[None, :]            # (1, S)
    pos_emb = jnp.take(pos_table, position_ids, axis=0)     # (1, S, EMB)
    tok_emb = jnp.take(tok_table, input_ids, axis=0)        # (B, S, EMB)
    emb = pos_emb + tok_emb                                 # broadcast over batch
    return emb

if __name__ == "__main__":
    import jax
    _d = setup_inputs()
    print(jax.jit(kernel)(*tuple(_d.values())))

</pallas_src>

<mosaic_0001>
#map = affine_map<(d0, d1) -> (0, 0, 0)>
#map1 = affine_map<(d0, d1) -> (0, 0)>
module attributes {stable_mosaic.version = 14 : i64} {
  func.func @_emb_lookup(%arg0: i32, %arg1: i32, %arg2: memref<32x32x16xi32, #tpu.memory_space<hbm>>, %arg3: memref<151936x1024xf32, #tpu.memory_space<hbm>>, %arg4: memref<1024x1024xf32, #tpu.memory_space<hbm>>, %arg5: memref<16384x1024xf32, #tpu.memory_space<hbm>>, %arg6: memref<32x16xi32, #tpu.memory_space<vmem>>, %arg7: memref<32x1024xf32, #tpu.memory_space<vmem>>, %arg8: memref<4x16x1024xf32, #tpu.memory_space<vmem>>, %arg9: memref<!tpu.dma_semaphore, #tpu.memory_space<semaphore_mem>>, %arg10: memref<!tpu.dma_semaphore, #tpu.memory_space<semaphore_mem>>, %arg11: memref<!tpu.dma_semaphore, #tpu.memory_space<semaphore_mem>>, %arg12: memref<!tpu.dma_semaphore, #tpu.memory_space<semaphore_mem>>, %arg13: memref<!tpu.dma_semaphore, #tpu.memory_space<semaphore_mem>>, %arg14: memref<!tpu.dma_semaphore, #tpu.memory_space<semaphore_mem>>, %arg15: memref<!tpu.dma_semaphore, #tpu.memory_space<semaphore_mem>>, %arg16: memref<!tpu.dma_semaphore, #tpu.memory_space<semaphore_mem>>) attributes {dimension_semantics = [#tpu.dimension_semantics<core_parallel>, #tpu.dimension_semantics<subcore_parallel>], iteration_bounds = array<i64: 2, 16>, scalar_prefetch = 0 : i64, scratch_operands = 11 : i64, tpu.core_type = #tpu.core_type<sc_vector_subcore>, window_params = [{transform_indices = #map}, {transform_indices = #map1}, {transform_indices = #map1}, {transform_indices = #map1}]} {
    %mul3A = arith.constant 2 : i32
    %mul3A_0 = arith.muli %arg1, %mul3A : i32
    %add3A = arith.addi %mul3A_0, %arg0 : i32
    %mul3A_1 = arith.constant 32 : i32
    %mul3A_2 = arith.muli %add3A, %mul3A_1 : i32
    "tpu.region"() ({
      %run_scoped3A = tpu.sem_alloc : memref<!tpu.dma_semaphore, #tpu.memory_space<semaphore_mem>>
      %dma_start3A_89 = arith.constant 0 : i32
      %dma_start3A_90 = arith.constant 0 : i32
      %dma_start3A_91 = tpu.memref_slice %arg2[%add3A, %dma_start3A_89, %dma_start3A_90] : memref<32x32x16xi32, #tpu.memory_space<hbm>> -> memref<1x32x16xi32, #tpu.memory_space<hbm>>
      %dma_start3A_92 = tpu.memref_squeeze %dma_start3A_91 : memref<1x32x16xi32, #tpu.memory_space<hbm>> -> memref<32x16xi32, #tpu.memory_space<hbm>>
      %dma_start3A_93 = arith.constant 0 : i32
      %dma_start3A_94 = arith.constant 0 : i32
      %dma_start3A_95 = tpu.memref_slice %arg2[%add3A, %dma_start3A_93, %dma_start3A_94] : memref<32x32x16xi32, #tpu.memory_space<hbm>> -> memref<1x32x16xi32, #tpu.memory_space<hbm>>
      %dma_start3A_96 = tpu.memref_squeeze %dma_start3A_95 : memref<1x32x16xi32, #tpu.memory_space<hbm>> -> memref<32x16xi32, #tpu.memory_space<hbm>>
      tpu.enqueue_dma source(%dma_start3A_96 : memref<32x16xi32, #tpu.memory_space<hbm>>) target(%arg6 : memref<32x16xi32, #tpu.memory_space<vmem>>) target_semaphore(%run_scoped3A : memref<!tpu.dma_semaphore, #tpu.memory_space<semaphore_mem>>)
      %dma_wait3A_97 = arith.constant 0 : i32
      %dma_wait3A_98 = arith.constant 0 : i32
      %dma_wait3A_99 = tpu.memref_slice %arg2[%add3A, %dma_wait3A_97, %dma_wait3A_98] : memref<32x32x16xi32, #tpu.memory_space<hbm>> -> memref<1x32x16xi32, #tpu.memory_space<hbm>>
      %dma_wait3A_100 = tpu.memref_squeeze %dma_wait3A_99 : memref<1x32x16xi32, #tpu.memory_space<hbm>> -> memref<32x16xi32, #tpu.memory_space<hbm>>
      %dma_wait3A_101 = arith.constant 0 : i32
      %dma_wait3A_102 = arith.constant 0 : i32
      %dma_wait3A_103 = tpu.memref_slice %arg2[%add3A, %dma_wait3A_101, %dma_wait3A_102] : memref<32x32x16xi32, #tpu.memory_space<hbm>> -> memref<1x32x16xi32, #tpu.memory_space<hbm>>
      %dma_wait3A_104 = tpu.memref_squeeze %dma_wait3A_103 : memref<1x32x16xi32, #tpu.memory_space<hbm>> -> memref<32x16xi32, #tpu.memory_space<hbm>>
      tpu.wait_dma2 semaphore(%run_scoped3A : memref<!tpu.dma_semaphore, #tpu.memory_space<semaphore_mem>>) src(%dma_wait3A_104 : memref<32x16xi32, #tpu.memory_space<hbm>>) dst(%arg6 : memref<32x16xi32, #tpu.memory_space<vmem>>)
      tpu.yield
    }) : () -> ()
    %dma_start3A = arith.constant 0 : i32
    %dma_start3A_3 = arith.constant 0 : i32
    %dma_start3A_4 = arith.constant 0 : i32
    %dma_start3A_5 = arith.constant 0 : i32
    %dma_start3A_6 = tpu.memref_slice %arg8[%dma_start3A_3, %dma_start3A_4, %dma_start3A_5] : memref<4x16x1024xf32, #tpu.memory_space<vmem>> -> memref<1x16x1024xf32, #tpu.memory_space<vmem>>
    %dma_start3A_7 = tpu.memref_squeeze %dma_start3A_6 : memref<1x16x1024xf32, #tpu.memory_space<vmem>> -> memref<16x1024xf32, #tpu.memory_space<vmem>>
    %dma_start3A_8 = arith.constant 0 : i32
    %dma_start3A_9 = tpu.memref_slice %arg6[%dma_start3A, %dma_start3A_8] : memref<32x16xi32, #tpu.memory_space<vmem>> -> memref<1x16xi32, #tpu.memory_space<vmem>>
    %dma_start3A_10 = tpu.memref_squeeze %dma_start3A_9 : memref<1x16xi32, #tpu.memory_space<vmem>> -> memref<16xi32, #tpu.memory_space<vmem>>
    %dma_start3A_11 = arith.constant 0 : i32
    %dma_start3A_12 = arith.constant 0 : i32
    %dma_start3A_13 = tpu.memref_slice %arg3[%dma_start3A_11, %dma_start3A_12] : memref<151936x1024xf32, #tpu.memory_space<hbm>> -> memref<151936x1024xf32, #tpu.memory_space<hbm>>
    tpu.enqueue_indirect_dma source(%dma_start3A_13 : memref<151936x1024xf32, #tpu.memory_space<hbm>>) target(%dma_start3A_7 : memref<16x1024xf32, #tpu.memory_space<vmem>>) offsets(%dma_start3A_10 : memref<16xi32, #tpu.memory_space<vmem>>) semaphore(%arg9 : memref<!tpu.dma_semaphore, #tpu.memory_space<semaphore_mem>>)
    %dma_start3A_14 = arith.constant 2 : i32
    %dma_start3A_15 = arith.constant 2 : i32
    %dma_start3A_16 = arith.constant 0 : i32
    %dma_start3A_17 = arith.constant 0 : i32
    %dma_start3A_18 = tpu.memref_slice %arg8[%dma_start3A_15, %dma_start3A_16, %dma_start3A_17] : memref<4x16x1024xf32, #tpu.memory_space<vmem>> -> memref<1x16x1024xf32, #tpu.memory_space<vmem>>
    %dma_start3A_19 = tpu.memref_squeeze %dma_start3A_18 : memref<1x16x1024xf32, #tpu.memory_space<vmem>> -> memref<16x1024xf32, #tpu.memory_space<vmem>>
    %dma_start3A_20 = arith.constant 0 : i32
    %dma_start3A_21 = tpu.memref_slice %arg6[%dma_start3A_14, %dma_start3A_20] : memref<32x16xi32, #tpu.memory_space<vmem>> -> memref<1x16xi32, #tpu.memory_space<vmem>>
    %dma_start3A_22 = tpu.memref_squeeze %dma_start3A_21 : memref<1x16xi32, #tpu.memory_space<vmem>> -> memref<16xi32, #tpu.memory_space<vmem>>
    %dma_start3A_23 = arith.constant 0 : i32
    %dma_start3A_24 = arith.constant 0 : i32
    %dma_start3A_25 = tpu.memref_slice %arg3[%dma_start3A_23, %dma_start3A_24] : memref<151936x1024xf32, #tpu.memory_space<hbm>> -> memref<151936x1024xf32, #tpu.memory_space<hbm>>
    tpu.enqueue_indirect_dma source(%dma_start3A_25 : memref<151936x1024xf32, #tpu.memory_space<hbm>>) target(%dma_start3A_19 : memref<16x1024xf32, #tpu.memory_space<vmem>>) offsets(%dma_start3A_22 : memref<16xi32, #tpu.memory_space<vmem>>) semaphore(%arg11 : memref<!tpu.dma_semaphore, #tpu.memory_space<semaphore_mem>>)
    "tpu.region"() ({
      %run_scoped3A = tpu.sem_alloc : memref<!tpu.dma_semaphore, #tpu.memory_space<semaphore_mem>>
      %dma_start3A_89 = arith.constant 0 : i32
      %dma_start3A_90 = tpu.memref_slice %arg4[%mul3A_2, %dma_start3A_89] : memref<1024x1024xf32, #tpu.memory_space<hbm>> -> memref<32x1024xf32, #tpu.memory_space<hbm>>
      %dma_start3A_91 = arith.constant 0 : i32
      %dma_start3A_92 = tpu.memref_slice %arg4[%mul3A_2, %dma_start3A_91] : memref<1024x1024xf32, #tpu.memory_space<hbm>> -> memref<32x1024xf32, #tpu.memory_space<hbm>>
      tpu.enqueue_dma source(%dma_start3A_92 : memref<32x1024xf32, #tpu.memory_space<hbm>>) target(%arg7 : memref<32x1024xf32, #tpu.memory_space<vmem>>) target_semaphore(%run_scoped3A : memref<!tpu.dma_semaphore, #tpu.memory_space<semaphore_mem>>)
      %dma_wait3A_93 = arith.constant 0 : i32
      %dma_wait3A_94 = tpu.memref_slice %arg4[%mul3A_2, %dma_wait3A_93] : memref<1024x1024xf32, #tpu.memory_space<hbm>> -> memref<32x1024xf32, #tpu.memory_space<hbm>>
      %dma_wait3A_95 = arith.constant 0 : i32
      %dma_wait3A_96 = tpu.memref_slice %arg4[%mul3A_2, %dma_wait3A_95] : memref<1024x1024xf32, #tpu.memory_space<hbm>> -> memref<32x1024xf32, #tpu.memory_space<hbm>>
      tpu.wait_dma2 semaphore(%run_scoped3A : memref<!tpu.dma_semaphore, #tpu.memory_space<semaphore_mem>>) src(%dma_wait3A_96 : memref<32x1024xf32, #tpu.memory_space<hbm>>) dst(%arg7 : memref<32x1024xf32, #tpu.memory_space<vmem>>)
      tpu.yield
    }) : () -> ()
    %scan3A = arith.constant 0 : i32
    %scan3A_26 = arith.constant 8 : i32
    %scan3A_27 = arith.addi %scan3A, %scan3A_26 : i32
    %scan3A_28 = arith.constant 1 : i32
    scf.for %scan3A_89 = %scan3A to %scan3A_27 step %scan3A_28  : i32 {
      %mul3A_90 = arith.constant 1 : i32
      %mul3A_91 = arith.muli %scan3A_89, %mul3A_90 : i32
      %add3A_92 = arith.constant 0 : i32
      %add3A_93 = arith.addi %add3A_92, %mul3A_91 : i32
      %mul3A_94 = arith.constant 4 : i32
      %mul3A_95 = arith.muli %mul3A_94, %add3A_93 : i32
      %dma_wait3A_96 = arith.constant 0 : i32
      %dma_wait3A_97 = arith.constant 0 : i32
      %dma_wait3A_98 = arith.constant 0 : i32
      %dma_wait3A_99 = tpu.memref_slice %arg8[%dma_wait3A_96, %dma_wait3A_97, %dma_wait3A_98] : memref<4x16x1024xf32, #tpu.memory_space<vmem>> -> memref<1x16x1024xf32, #tpu.memory_space<vmem>>
      %dma_wait3A_100 = tpu.memref_squeeze %dma_wait3A_99 : memref<1x16x1024xf32, #tpu.memory_space<vmem>> -> memref<16x1024xf32, #tpu.memory_space<vmem>>
      %dma_wait3A_101 = arith.constant 0 : i32
      %dma_wait3A_102 = arith.constant 0 : i32
      %dma_wait3A_103 = tpu.memref_slice %arg3[%dma_wait3A_101, %dma_wait3A_102] : memref<151936x1024xf32, #tpu.memory_space<hbm>> -> memref<16x1024xf32, #tpu.memory_space<hbm>>
      %dma_wait3A_104 = arith.constant 0 : i32
      %dma_wait3A_105 = arith.constant 0 : i32
      %dma_wait3A_106 = tpu.memref_slice %arg8[%dma_wait3A_96, %dma_wait3A_104, %dma_wait3A_105] : memref<4x16x1024xf32, #tpu.memory_space<vmem>> -> memref<1x16x1024xf32, #tpu.memory_space<vmem>>
      %dma_wait3A_107 = tpu.memref_squeeze %dma_wait3A_106 : memref<1x16x1024xf32, #tpu.memory_space<vmem>> -> memref<16x1024xf32, #tpu.memory_space<vmem>>
      %dma_wait3A_108 = arith.constant 0 : i32
      %dma_wait3A_109 = arith.constant 0 : i32
      %dma_wait3A_110 = tpu.memref_slice %arg3[%dma_wait3A_108, %dma_wait3A_109] : memref<151936x1024xf32, #tpu.memory_space<hbm>> -> memref<16x1024xf32, #tpu.memory_space<hbm>>
      tpu.wait_dma2 semaphore(%arg9 : memref<!tpu.dma_semaphore, #tpu.memory_space<semaphore_mem>>) src(%dma_wait3A_110 : memref<16x1024xf32, #tpu.memory_space<hbm>>) dst(%dma_wait3A_107 : memref<16x1024xf32, #tpu.memory_space<vmem>>)
      %mul3A_111 = arith.constant 4 : i32
      %mul3A_112 = arith.muli %mul3A_111, %add3A_93 : i32
      %add3A_113 = arith.constant 2 : i32
      %add3A_114 = arith.addi %mul3A_112, %add3A_113 : i32
      %dma_wait3A_115 = arith.constant 2 : i32
      %dma_wait3A_116 = arith.constant 0 : i32
      %dma_wait3A_117 = arith.constant 0 : i32
      %dma_wait3A_118 = tpu.memref_slice %arg8[%dma_wait3A_115, %dma_wait3A_116, %dma_wait3A_117] : memref<4x16x1024xf32, #tpu.memory_space<vmem>> -> memref<1x16x1024xf32, #tpu.memory_space<vmem>>
      %dma_wait3A_119 = tpu.memref_squeeze %dma_wait3A_118 : memref<1x16x1024xf32, #tpu.memory_space<vmem>> -> memref<16x1024xf32, #tpu.memory_space<vmem>>
      %dma_wait3A_120 = arith.constant 0 : i32
      %dma_wait3A_121 = arith.constant 0 : i32
      %dma_wait3A_122 = tpu.memref_slice %arg3[%dma_wait3A_120, %dma_wait3A_121] : memref<151936x1024xf32, #tpu.memory_space<hbm>> -> memref<16x1024xf32, #tpu.memory_space<hbm>>
      %dma_wait3A_123 = arith.constant 0 : i32
      %dma_wait3A_124 = arith.constant 0 : i32
      %dma_wait3A_125 = tpu.memref_slice %arg8[%dma_wait3A_115, %dma_wait3A_123, %dma_wait3A_124] : memref<4x16x1024xf32, #tpu.memory_space<vmem>> -> memref<1x16x1024xf32, #tpu.memory_space<vmem>>
      %dma_wait3A_126 = tpu.memref_squeeze %dma_wait3A_125 : memref<1x16x1024xf32, #tpu.memory_space<vmem>> -> memref<16x1024xf32, #tpu.memory_space<vmem>>
      %dma_wait3A_127 = arith.constant 0 : i32
      %dma_wait3A_128 = arith.constant 0 : i32
      %dma_wait3A_129 = tpu.memref_slice %arg3[%dma_wait3A_127, %dma_wait3A_128] : memref<151936x1024xf32, #tpu.memory_space<hbm>> -> memref<16x1024xf32, #tpu.memory_space<hbm>>
      tpu.wait_dma2 semaphore(%arg11 : memref<!tpu.dma_semaphore, #tpu.memory_space<semaphore_mem>>) src(%dma_wait3A_129 : memref<16x1024xf32, #tpu.memory_space<hbm>>) dst(%dma_wait3A_126 : memref<16x1024xf32, #tpu.memory_space<vmem>>)
      %gt3A = arith.constant 0 : i32
      %gt3A_130 = arith.cmpi sgt, %add3A_93, %gt3A : i32
      %convert_element_type3A = arith.extui %gt3A_130 : i1 to i32
      %cond3A = arith.constant 0 : i32
      %cond3A_131 = arith.cmpi ne, %convert_element_type3A, %cond3A : i32
      scf.if %cond3A_131 {
        %mul3A_302 = arith.constant 4 : i32
        %mul3A_303 = arith.muli %mul3A_302, %add3A_93 : i32
        %sub3A_304 = arith.constant 3 : i32
        %sub3A_305 = arith.subi %mul3A_303, %sub3A_304 : i32
        %dma_wait3A_306 = arith.constant 1 : i32
        %dma_wait3A_307 = arith.constant 0 : i32
        %dma_wait3A_308 = arith.constant 0 : i32
        %dma_wait3A_309 = tpu.memref_slice %arg8[%dma_wait3A_306, %dma_wait3A_307, %dma_wait3A_308] : memref<4x16x1024xf32, #tpu.memory_space<vmem>> -> memref<1x16x1024xf32, #tpu.memory_space<vmem>>
        %dma_wait3A_310 = tpu.memref_squeeze %dma_wait3A_309 : memref<1x16x1024xf32, #tpu.memory_space<vmem>> -> memref<16x1024xf32, #tpu.memory_space<vmem>>
        %dma_wait3A_311 = arith.constant 0 : i32
        %dma_wait3A_312 = arith.constant 0 : i32
        %dma_wait3A_313 = tpu.memref_slice %arg5[%dma_wait3A_311, %dma_wait3A_312] : memref<16384x1024xf32, #tpu.memory_space<hbm>> -> memref<16x1024xf32, #tpu.memory_space<hbm>>
        %dma_wait3A_314 = arith.constant 0 : i32
        %dma_wait3A_315 = arith.constant 0 : i32
        %dma_wait3A_316 = tpu.memref_slice %arg5[%dma_wait3A_314, %dma_wait3A_315] : memref<16384x1024xf32, #tpu.memory_space<hbm>> -> memref<16x1024xf32, #tpu.memory_space<hbm>>
        %dma_wait3A_317 = arith.constant 0 : i32
        %dma_wait3A_318 = arith.constant 0 : i32
        %dma_wait3A_319 = tpu.memref_slice %arg8[%dma_wait3A_306, %dma_wait3A_317, %dma_wait3A_318] : memref<4x16x1024xf32, #tpu.memory_space<vmem>> -> memref<1x16x1024xf32, #tpu.memory_space<vmem>>
        %dma_wait3A_320 = tpu.memref_squeeze %dma_wait3A_319 : memref<1x16x1024xf32, #tpu.memory_space<vmem>> -> memref<16x1024xf32, #tpu.memory_space<vmem>>
        tpu.wait_dma2 semaphore(%arg14 : memref<!tpu.dma_semaphore, #tpu.memory_space<semaphore_mem>>) src(%dma_wait3A_320 : memref<16x1024xf32, #tpu.memory_space<vmem>>) dst(%dma_wait3A_316 : memref<16x1024xf32, #tpu.memory_space<hbm>>)
        %mul3A_321 = arith.constant 4 : i32
        %mul3A_322 = arith.muli %mul3A_321, %add3A_93 : i32
        %sub3A_323 = arith.constant 1 : i32
        %sub3A_324 = arith.subi %mul3A_322, %sub3A_323 : i32
        %dma_wait3A_325 = arith.constant 3 : i32
        %dma_wait3A_326 = arith.constant 0 : i32
        %dma_wait3A_327 = arith.constant 0 : i32
        %dma_wait3A_328 = tpu.memref_slice %arg8[%dma_wait3A_325, %dma_wait3A_326, %dma_wait3A_327] : memref<4x16x1024xf32, #tpu.memory_space<vmem>> -> memref<1x16x1024xf32, #tpu.memory_space<vmem>>
        %dma_wait3A_329 = tpu.memref_squeeze %dma_wait3A_328 : memref<1x16x1024xf32, #tpu.memory_space<vmem>> -> memref<16x1024xf32, #tpu.memory_space<vmem>>
        %dma_wait3A_330 = arith.constant 0 : i32
        %dma_wait3A_331 = arith.constant 0 : i32
        %dma_wait3A_332 = tpu.memref_slice %arg5[%dma_wait3A_330, %dma_wait3A_331] : memref<16384x1024xf32, #tpu.memory_space<hbm>> -> memref<16x1024xf32, #tpu.memory_space<hbm>>
        %dma_wait3A_333 = arith.constant 0 : i32
        %dma_wait3A_334 = arith.constant 0 : i32
        %dma_wait3A_335 = tpu.memref_slice %arg5[%dma_wait3A_333, %dma_wait3A_334] : memref<16384x1024xf32, #tpu.memory_space<hbm>> -> memref<16x1024xf32, #tpu.memory_space<hbm>>
        %dma_wait3A_336 = arith.constant 0 : i32
        %dma_wait3A_337 = arith.constant 0 : i32
        %dma_wait3A_338 = tpu.memref_slice %arg8[%dma_wait3A_325, %dma_wait3A_336, %dma_wait3A_337] : memref<4x16x1024xf32, #tpu.memory_space<vmem>> -> memref<1x16x1024xf32, #tpu.memory_space<vmem>>
        %dma_wait3A_339 = tpu.memref_squeeze %dma_wait3A_338 : memref<1x16x1024xf32, #tpu.memory_space<vmem>> -> memref<16x1024xf32, #tpu.memory_space<vmem>>
        tpu.wait_dma2 semaphore(%arg16 : memref<!tpu.dma_semaphore, #tpu.memory_space<semaphore_mem>>) src(%dma_wait3A_339 : memref<16x1024xf32, #tpu.memory_space<vmem>>) dst(%dma_wait3A_335 : memref<16x1024xf32, #tpu.memory_space<hbm>>)
      } else {
      }
      %mul3A_132 = arith.constant 4 : i32
      %mul3A_133 = arith.muli %mul3A_132, %add3A_93 : i32
      %add3A_134 = arith.constant 1 : i32
      %add3A_135 = arith.addi %mul3A_133, %add3A_134 : i32
      %dma_start3A_136 = arith.constant 1 : i32
      %dma_start3A_137 = arith.constant 0 : i32
      %dma_start3A_138 = arith.constant 0 : i32
      %dma_start3A_139 = tpu.memref_slice %arg8[%dma_start3A_136, %dma_start3A_137, %dma_start3A_138] : memref<4x16x1024xf32, #tpu.memory_space<vmem>> -> memref<1x16x1024xf32, #tpu.memory_space<vmem>>
      %dma_start3A_140 = tpu.memref_squeeze %dma_start3A_139 : memref<1x16x1024xf32, #tpu.memory_space<vmem>> -> memref<16x1024xf32, #tpu.memory_space<vmem>>
      %dma_start3A_141 = arith.constant 0 : i32
      %dma_start3A_142 = tpu.memref_slice %arg6[%add3A_135, %dma_start3A_141] : memref<32x16xi32, #tpu.memory_space<vmem>> -> memref<1x16xi32, #tpu.memory_space<vmem>>
      %dma_start3A_143 = tpu.memref_squeeze %dma_start3A_142 : memref<1x16xi32, #tpu.memory_space<vmem>> -> memref<16xi32, #tpu.memory_space<vmem>>
      %dma_start3A_144 = arith.constant 0 : i32
      %dma_start3A_145 = arith.constant 0 : i32
      %dma_start3A_146 = tpu.memref_slice %arg3[%dma_start3A_144, %dma_start3A_145] : memref<151936x1024xf32, #tpu.memory_space<hbm>> -> memref<151936x1024xf32, #tpu.memory_space<hbm>>
      tpu.enqueue_indirect_dma source(%dma_start3A_146 : memref<151936x1024xf32, #tpu.memory_space<hbm>>) target(%dma_start3A_140 : memref<16x1024xf32, #tpu.memory_space<vmem>>) offsets(%dma_start3A_143 : memref<16xi32, #tpu.memory_space<vmem>>) semaphore(%arg10 : memref<!tpu.dma_semaphore, #tpu.memory_space<semaphore_mem>>)
      %mul3A_147 = arith.constant 4 : i32
      %mul3A_148 = arith.muli %mul3A_147, %add3A_93 : i32
      %add3A_149 = arith.constant 3 : i32
      %add3A_150 = arith.addi %mul3A_148, %add3A_149 : i32
      %dma_start3A_151 = arith.constant 3 : i32
      %dma_start3A_152 = arith.constant 0 : i32
      %dma_start3A_153 = arith.constant 0 : i32
      %dma_start3A_154 = tpu.memref_slice %arg8[%dma_start3A_151, %dma_start3A_152, %dma_start3A_153] : memref<4x16x1024xf32, #tpu.memory_space<vmem>> -> memref<1x16x1024xf32, #tpu.memory_space<vmem>>
      %dma_start3A_155 = tpu.memref_squeeze %dma_start3A_154 : memref<1x16x1024xf32, #tpu.memory_space<vmem>> -> memref<16x1024xf32, #tpu.memory_space<vmem>>
      %dma_start3A_156 = arith.constant 0 : i32
      %dma_start3A_157 = tpu.memref_slice %arg6[%add3A_150, %dma_start3A_156] : memref<32x16xi32, #tpu.memory_space<vmem>> -> memref<1x16xi32, #tpu.memory_space<vmem>>
      %dma_start3A_158 = tpu.memref_squeeze %dma_start3A_157 : memref<1x16xi32, #tpu.memory_space<vmem>> -> memref<16xi32, #tpu.memory_space<vmem>>
      %dma_start3A_159 = arith.constant 0 : i32
      %dma_start3A_160 = arith.constant 0 : i32
      %dma_start3A_161 = tpu.memref_slice %arg3[%dma_start3A_159, %dma_start3A_160] : memref<151936x1024xf32, #tpu.memory_space<hbm>> -> memref<151936x1024xf32, #tpu.memory_space<hbm>>
      tpu.enqueue_indirect_dma source(%dma_start3A_161 : memref<151936x1024xf32, #tpu.memory_space<hbm>>) target(%dma_start3A_155 : memref<16x1024xf32, #tpu.memory_space<vmem>>) offsets(%dma_start3A_158 : memref<16xi32, #tpu.memory_space<vmem>>) semaphore(%arg12 : memref<!tpu.dma_semaphore, #tpu.memory_space<semaphore_mem>>)
      %parallel_loop3A = arith.constant 0 : i32
      %parallel_loop3A_162 = arith.constant 16 : i32
      %parallel_loop3A_163 = arith.constant 1 : i32
      scf.for %parallel_loop3A_302 = %parallel_loop3A to %parallel_loop3A_162 step %parallel_loop3A_163  : i32 {
        %parallel_loop3A_303 = arith.constant 0 : i32
        %parallel_loop3A_304 = arith.addi %parallel_loop3A_303, %parallel_loop3A_302 : i32
        %parallel_loop3A_305 = arith.index_cast %parallel_loop3A_304 : i32 to index
        %parallel_loop3A_306 = arith.constant 0 : index
        %parallel_loop3A_307 = tpu.vector_load %arg7[%parallel_loop3A_305, %parallel_loop3A_306] {strides = array<i32>} : memref<32x1024xf32, #tpu.memory_space<vmem>>, vector<1x16xf32>,
        %parallel_loop3A_308 = vector.shape_cast %parallel_loop3A_307 : vector<1x16xf32> to vector<16xf32>
        %parallel_loop3A_309 = arith.constant 0 : i32
        %parallel_loop3A_310 = arith.index_cast %parallel_loop3A_309 : i32 to index
        %parallel_loop3A_311 = arith.index_cast %parallel_loop3A_302 : i32 to index
        %parallel_loop3A_312 = arith.constant 0 : index
        %parallel_loop3A_313 = tpu.vector_load %arg8[%parallel_loop3A_310, %parallel_loop3A_311, %parallel_loop3A_312] {strides = array<i32>} : memref<4x16x1024xf32, #tpu.memory_space<vmem>>, vector<1x1x16xf32>,
        %parallel_loop3A_314 = vector.shape_cast %parallel_loop3A_313 : vector<1x1x16xf32> to vector<16xf32>
        %parallel_loop3A_315 = vector.shape_cast %parallel_loop3A_308 : vector<16xf32> to vector<1x1x16xf32>
        tpu.vector_store %arg8[%parallel_loop3A_310, %parallel_loop3A_311, %parallel_loop3A_312], %parallel_loop3A_315 {add = true, strides = array<i32>} : memref<4x16x1024xf32, #tpu.memory_space<vmem>>, vector<1x1x16xf32>,
        %parallel_loop3A_316 = arith.constant 2 : i32
        %parallel_loop3A_317 = arith.index_cast %parallel_loop3A_316 : i32 to index
        %parallel_loop3A_318 = arith.index_cast %parallel_loop3A_302 : i32 to index
        %parallel_loop3A_319 = arith.constant 0 : index
        %parallel_loop3A_320 = tpu.vector_load %arg8[%parallel_loop3A_317, %parallel_loop3A_318, %parallel_loop3A_319] {strides = array<i32>} : memref<4x16x1024xf32, #tpu.memory_space<vmem>>, vector<1x1x16xf32>,
        %parallel_loop3A_321 = vector.shape_cast %parallel_loop3A_320 : vector<1x1x16xf32> to vector<16xf32>
        %parallel_loop3A_322 = vector.shape_cast %parallel_loop3A_308 : vector<16xf32> to vector<1x1x16xf32>
        tpu.vector_store %arg8[%parallel_loop3A_317, %parallel_loop3A_318, %parallel_loop3A_319], %parallel_loop3A_322 {add = true, strides = array<i32>} : memref<4x16x1024xf32, #tpu.memory_space<vmem>>, vector<1x1x16xf32>,
        %parallel_loop3A_323 = arith.index_cast %parallel_loop3A_304 : i32 to index
        %parallel_loop3A_324 = arith.constant 16 : index
        %parallel_loop3A_325 = tpu.vector_load %arg7[%parallel_loop3A_323, %parallel_loop3A_324] {strides = array<i32>} : memref<32x1024xf32, #tpu.memory_space<vmem>>, vector<1x16xf32>,
        %parallel_loop3A_326 = vector.shape_cast %parallel_loop3A_325 : vector<1x16xf32> to vector<16xf32>
        %parallel_loop3A_327 = arith.constant 0 : i32
        %parallel_loop3A_328 = arith.index_cast %parallel_loop3A_327 : i32 to index
        %parallel_loop3A_329 = arith.index_cast %parallel_loop3A_302 : i32 to index
        %parallel_loop3A_330 = arith.constant 16 : index
        %parallel_loop3A_331 = tpu.vector_load %arg8[%parallel_loop3A_328, %parallel_loop3A_329, %parallel_loop3A_330] {strides = array<i32>} : memref<4x16x1024xf32, #tpu.memory_space<vmem>>, vector<1x1x16xf32>,
        %parallel_loop3A_332 = vector.shape_cast %parallel_loop3A_331 : vector<1x1x16xf32> to vector<16xf32>
        %parallel_loop3A_333 = vector.shape_cast %parallel_loop3A_326 : vector<16xf32> to vector<1x1x16xf32>
        tpu.vector_store %arg8[%parallel_loop3A_328, %parallel_loop3A_329, %parallel_loop3A_330], %parallel_loop3A_333 {add = true, strides = array<i32>} : memref<4x16x1024xf32, #tpu.memory_space<vmem>>, vector<1x1x16xf32>,
        %parallel_loop3A_334 = arith.constant 2 : i32
        %parallel_loop3A_335 = arith.index_cast %parallel_loop3A_334 : i32 to index
        %parallel_loop3A_336 = arith.index_cast %parallel_loop3A_302 : i32 to index
        %parallel_loop3A_337 = arith.constant 16 : index
        %parallel_loop3A_338 = tpu.vector_load %arg8[%parallel_loop3A_335, %parallel_loop3A_336, %parallel_loop3A_337] {strides = array<i32>} : memref<4x16x1024xf32, #tpu.memory_space<vmem>>, vector<1x1x16xf32>,
        %parallel_loop3A_339 = vector.shape_cast %parallel_loop3A_338 : vector<1x1x16xf32> to vector<16xf32>
        %parallel_loop3A_340 = vector.shape_cast %parallel_loop3A_326 : vector<16xf32> to vector<1x1x16xf32>
        tpu.vector_store %arg8[%parallel_loop3A_335, %parallel_loop3A_336, %parallel_loop3A_337], %parallel_loop3A_340 {add = true, strides = array<i32>} : memref<4x16x1024xf32, #tpu.memory_space<vmem>>, vector<1x1x16xf32>,
        %parallel_loop3A_341 = arith.index_cast %parallel_loop3A_304 : i32 to index
        %parallel_loop3A_342 = arith.constant 32 : index
        %parallel_loop3A_343 = tpu.vector_load %arg7[%parallel_loop3A_341, %parallel_loop3A_342] {strides = array<i32>} : memref<32x1024xf32, #tpu.memory_space<vmem>>, vector<1x16xf32>,
        %parallel_loop3A_344 = vector.shape_cast %parallel_loop3A_343 : vector<1x16xf32> to vector<16xf32>
        %parallel_loop3A_345 = arith.constant 0 : i32
        %parallel_loop3A_346 = arith.index_cast %parallel_loop3A_345 : i32 to index
        %parallel_loop3A_347 = arith.index_cast %parallel_loop3A_302 : i32 to index
        %parallel_loop3A_348 = arith.constant 32 : index
        %parallel_loop3A_349 = tpu.vector_load %arg8[%parallel_loop3A_346, %parallel_loop3A_347, %parallel_loop3A_348] {strides = array<i32>} : memref<4x16x1024xf32, #tpu.memory_space<vmem>>, vector<1x1x16xf32>,
        %parallel_loop3A_350 = vector.shape_cast %parallel_loop3A_349 : vector<1x1x16xf32> to vector<16xf32>
        %parallel_loop3A_351 = vector.shape_cast %parallel_loop3A_344 : vector<16xf32> to vector<1x1x16xf32>
        tpu.vector_store %arg8[%parallel_loop3A_346, %parallel_loop3A_347, %parallel_loop3A_348], %parallel_loop3A_351 {add = true, strides = array<i32>} : memref<4x16x1024xf32, #tpu.memory_space<vmem>>, vector<1x1x16xf32>,
        %parallel_loop3A_352 = arith.constant 2 : i32
        %parallel_loop3A_353 = arith.index_cast %parallel_loop3A_352 : i32 to index
        %parallel_loop3A_354 = arith.index_cast %parallel_loop3A_302 : i32 to index
        %parallel_loop3A_355 = arith.constant 32 : index
        %parallel_loop3A_356 = tpu.vector_load %arg8[%parallel_loop3A_353, %parallel_loop3A_354, %parallel_loop3A_355] {strides = array<i32>} : memref<4x16x1024xf32, #tpu.memory_space<vmem>>, vector<1x1x16xf32>,
        %parallel_loop3A_357 = vector.shape_cast %parallel_loop3A_356 : vector<1x1x16xf32> to vector<16xf32>
        %parallel_loop3A_358 = vector.shape_cast %parallel_loop3A_344 : vector<16xf32> to vector<1x1x16xf32>
        tpu.vector_store %arg8[%parallel_loop3A_353, %parallel_loop3A_354, %parallel_loop3A_355], %parallel_loop3A_358 {add = true, strides = array<i32>} : memref<4x16x1024xf32, #tpu.memory_space<vmem>>, vector<1x1x16xf32>,
        %parallel_loop3A_359 = arith.index_cast %parallel_loop3A_304 : i32 to index
        %parallel_loop3A_360 = arith.constant 48 : index
        %parallel_loop3A_361 = tpu.vector_load %arg7[%parallel_loop3A_359, %parallel_loop3A_360] {strides = array<i32>} : memref<32x1024xf32, #tpu.memory_space<vmem>>, vector<1x16xf32>,
        %parallel_loop3A_362 = vector.shape_cast %parallel_loop3A_361 : vector<1x16xf32> to vector<16xf32>
        %parallel_loop3A_363 = arith.constant 0 : i32
        %parallel_loop3A_364 = arith.index_cast %parallel_loop3A_363 : i32 to index
        %parallel_loop3A_365 = arith.index_cast %parallel_loop3A_302 : i32 to index
        %parallel_loop3A_366 = arith.constant 48 : index
        %parallel_loop3A_367 = tpu.vector_load %arg8[%parallel_loop3A_364, %parallel_loop3A_365, %parallel_loop3A_366] {strides = array<i32>} : memref<4x16x1024xf32, #tpu.memory_space<vmem>>, vector<1x1x16xf32>,
        %parallel_loop3A_368 = vector.shape_cast %parallel_loop3A_367 : vector<1x1x16xf32> to vector<16xf32>
        %parallel_loop3A_369 = vector.shape_cast %parallel_loop3A_362 : vector<16xf32> to vector<1x1x16xf32>
        tpu.vector_store %arg8[%parallel_loop3A_364, %parallel_loop3A_365, %parallel_loop3A_366], %parallel_loop3A_369 {add = true, strides = array<i32>} : memref<4x16x1024xf32, #tpu.memory_space<vmem>>, vector<1x1x16xf32>,
        %parallel_loop3A_370 = arith.constant 2 : i32
        %parallel_loop3A_371 = arith.index_cast %parallel_loop3A_370 : i32 to index
        %parallel_loop3A_372 = arith.index_cast %parallel_loop3A_302 : i32 to index
        %parallel_loop3A_373 = arith.constant 48 : index
        %parallel_loop3A_374 = tpu.vector_load %arg8[%parallel_loop3A_371, %parallel_loop3A_372, %parallel_loop3A_373] {strides = array<i32>} : memref<4x16x1024xf32, #tpu.memory_space<vmem>>, vector<1x1x16xf32>,
        %parallel_loop3A_375 = vector.shape_cast %parallel_loop3A_374 : vector<1x1x16xf32> to vector<16xf32>
        %parallel_loop3A_376 = vector.shape_cast %parallel_loop3A_362 : vector<16xf32> to vector<1x1x16xf32>
        tpu.vector_store %arg8[%parallel_loop3A_371, %parallel_loop3A_372, %parallel_loop3A_373], %parallel_loop3A_376 {add = true, strides = array<i32>} : memref<4x16x1024xf32, #tpu.memory_space<vmem>>, vector<1x1x16xf32>,
        %parallel_loop3A_377 = arith.index_cast %parallel_loop3A_304 : i32 to index
        %parallel_loop3A_378 = arith.constant 64 : index
        %parallel_loop3A_379 = tpu.vector_load %arg7[%parallel_loop3A_377, %parallel_loop3A_378] {strides = array<i32>} : memref<32x1024xf32, #tpu.memory_space<vmem>>, vector<1x16xf32>,
        %parallel_loop3A_380 = vector.shape_cast %parallel_loop3A_379 : vector<1x16xf32> to vector<16xf32>
        %parallel_loop3A_381 = arith.constant 0 : i32
        %parallel_loop3A_382 = arith.index_cast %parallel_loop3A_381 : i32 to index
        %parallel_loop3A_383 = arith.index_cast %parallel_loop3A_302 : i32 to index
        %parallel_loop3A_384 = arith.constant 64 : index
        %parallel_loop3A_385 = tpu.vector_load %arg8[%parallel_loop3A_382, %parallel_loop3A_383, %parallel_loop3A_384] {strides = array<i32>} : memref<4x16x1024xf32, #tpu.memory_space<vmem>>, vector<1x1x16xf32>,
        %parallel_loop3A_386 = vector.shape_cast %parallel_loop3A_385 : vector<1x1x16xf32> to vector<16xf32>
        %parallel_loop3A_387 = vector.shape_cast %parallel_loop3A_380 : vector<16xf32> to vector<1x1x16xf32>
        tpu.vector_store %arg8[%parallel_loop3A_382, %parallel_loop3A_383, %parallel_loop3A_384], %parallel_loop3A_387 {add = true, strides = array<i32>} : memref<4x16x1024xf32, #tpu.memory_space<vmem>>, vector<1x1x16xf32>,
        %parallel_loop3A_388 = arith.constant 2 : i32
        %parallel_loop3A_389 = arith.index_cast %parallel_loop3A_388 : i32 to index
        %parallel_loop3A_390 = arith.index_cast %parallel_loop3A_302 : i32 to index
        %parallel_loop3A_391 = arith.constant 64 : index
        %parallel_loop3A_392 = tpu.vector_load %arg8[%parallel_loop3A_389, %parallel_loop3A_390, %parallel_loop3A_391] {strides = array<i32>} : memref<4x16x1024xf32, #tpu.memory_space<vmem>>, vector<1x1x16xf32>,
        %parallel_loop3A_393 = vector.shape_cast %parallel_loop3A_392 : vector<1x1x16xf32> to vector<16xf32>
        %parallel_loop3A_394 = vector.shape_cast %parallel_loop3A_380 : vector<16xf32> to vector<1x1x16xf32>
        tpu.vector_store %arg8[%parallel_loop3A_389, %parallel_loop3A_390, %parallel_loop3A_391], %parallel_loop3A_394 {add = true, strides = array<i32>} : memref<4x16x1024xf32, #tpu.memory_space<vmem>>, vector<1x1x16xf32>,
        %parallel_loop3A_395 = arith.index_cast %parallel_loop3A_304 : i32 to index
        %parallel_loop3A_396 = arith.constant 80 : index
        %parallel_loop3A_397 = tpu.vector_load %arg7[%parallel_loop3A_395, %parallel_loop3A_396] {strides = array<i32>} : memref<32x1024xf32, #tpu.memory_space<vmem>>, vector<1x16xf32>,
        %parallel_loop3A_398 = vector.shape_cast %parallel_loop3A_397 : vector<1x16xf32> to vector<16xf32>
        %parallel_loop3A_399 = arith.constant 0 : i32
        %parallel_loop3A_400 = arith.index_cast %parallel_loop3A_399 : i32 to index
        %parallel_loop3A_401 = arith.index_cast %parallel_loop3A_302 : i32 to index
        %parallel_loop3A_402 = arith.constant 80 : index
        %parallel_loop3A_403 = tpu.vector_load %arg8[%parallel_loop3A_400, %parallel_loop3A_401, %parallel_loop3A_402] {strides = array<i32>} : memref<4x16x1024xf32, #tpu.memory_space<vmem>>, vector<1x1x16xf32>,
        %parallel_loop3A_404 = vector.shape_cast %parallel_loop3A_403 : vector<1x1x16xf32> to vector<16xf32>
        %parallel_loop3A_405 = vector.shape_cast %parallel_loop3A_398 : vector<16xf32> to vector<1x1x16xf32>
        tpu.vector_store %arg8[%parallel_loop3A_400, %parallel_loop3A_401, %parallel_loop3A_402], %parallel_loop3A_405 {add = true, strides = array<i32>} : memref<4x16x1024xf32, #tpu.memory_space<vmem>>, vector<1x1x16xf32>,
        %parallel_loop3A_406 = arith.constant 2 : i32
        %parallel_loop3A_407 = arith.index_cast %parallel_loop3A_406 : i32 to index
        %parallel_loop3A_408 = arith.index_cast %parallel_loop3A_302 : i32 to index
        %parallel_loop3A_409 = arith.constant 80 : index
        %parallel_loop3A_410 = tpu.vector_load %arg8[%parallel_loop3A_407, %parallel_loop3A_408, %parallel_loop3A_409] {strides = array<i32>} : memref<4x16x1024xf32, #tpu.memory_space<vmem>>, vector<1x1x16xf32>,
        %parallel_loop3A_411 = vector.shape_cast %parallel_loop3A_410 : vector<1x1x16xf32> to vector<16xf32>
        %parallel_loop3A_412 = vector.shape_cast %parallel_loop3A_398 : vector<16xf32> to vector<1x1x16xf32>
        tpu.vector_store %arg8[%parallel_loop3A_407, %parallel_loop3A_408, %parallel_loop3A_409], %parallel_loop3A_412 {add = true, strides = array<i32>} : memref<4x16x1024xf32, #tpu.memory_space<vmem>>, vector<1x1x16xf32>,
        %parallel_loop3A_413 = arith.index_cast %parallel_loop3A_304 : i32 to index
        %parallel_loop3A_414 = arith.constant 96 : index
        %parallel_loop3A_415 = tpu.vector_load %arg7[%parallel_loop3A_413, %parallel_loop3A_414] {strides = array<i32>} : memref<32x1024xf32, #tpu.memory_space<vmem>>, vector<1x16xf32>,
        %parallel_loop3A_416 = vector.shape_cast %parallel_loop3A_415 : vector<1x16xf32> to vector<16xf32>
        %parallel_loop3A_417 = arith.constant 0 : i32
        %parallel_loop3A_418 = arith.index_cast %parallel_loop3A_417 : i32 to index
        %parallel_loop3A_419 = arith.index_cast %parallel_loop3A_302 : i32 to index
        %parallel_loop3A_420 = arith.constant 96 : index
        %parallel_loop3A_421 = tpu.vector_load %arg8[%parallel_loop3A_418, %parallel_loop3A_419, %parallel_loop3A_420] {strides = array<i32>} : memref<4x16x1024xf32, #tpu.memory_space<vmem>>, vector<1x1x16xf32>,
        %parallel_loop3A_422 = vector.shape_cast %parallel_loop3A_421 : vector<1x1x16xf32> to vector<16xf32>
        %parallel_loop3A_423 = vector.shape_cast %parallel_loop3A_416 : vector<16xf32> to vector<1x1x16xf32>
        tpu.vector_store %arg8[%parallel_loop3A_418, %parallel_loop3A_419, %parallel_loop3A_420], %parallel_loop3A_423 {add = true, strides = array<i32>} : memref<4x16x1024xf32, #tpu.memory_space<vmem>>, vector<1x1x16xf32>,
        %parallel_loop3A_424 = arith.constant 2 : i32
        %parallel_loop3A_425 = arith.index_cast %parallel_loop3A_424 : i32 to index
        %parallel_loop3A_426 = arith.index_cast %parallel_loop3A_302 : i32 to index
        %parallel_loop3A_427 = arith.constant 96 : index
        %parallel_loop3A_428 = tpu.vector_load %arg8[%parallel_loop3A_425, %parallel_loop3A_426, %parallel_loop3A_427] {strides = array<i32>} : memref<4x16x1024xf32, #tpu.memory_space<vmem>>, vector<1x1x16xf32>,
        %parallel_loop3A_429 = vector.shape_cast %parallel_loop3A_428 : vector<1x1x16xf32> to vector<16xf32>
        %parallel_loop3A_430 = vector.shape_cast %parallel_loop3A_416 : vector<16xf32> to vector<1x1x16xf32>
        tpu.vector_store %arg8[%parallel_loop3A_425, %parallel_loop3A_426, %parallel_loop3A_427], %parallel_loop3A_430 {add = true, strides = array<i32>} : memref<4x16x1024xf32, #tpu.memory_space<vmem>>, vector<1x1x16xf32>,
        %parallel_loop3A_431 = arith.index_cast %parallel_loop3A_304 : i32 to index
        %parallel_loop3A_432 = arith.constant 112 : index
        %parallel_loop3A_433 = tpu.vector_load %arg7[%parallel_loop3A_431, %parallel_loop3A_432] {strides = array<i32>} : memref<32x1024xf32, #tpu.memory_space<vmem>>, vector<1x16xf32>,
        %parallel_loop3A_434 = vector.shape_cast %parallel_loop3A_433 : vector<1x16xf32> to vector<16xf32>
        %parallel_loop3A_435 = arith.constant 0 : i32
        %parallel_loop3A_436 = arith.index_cast %parallel_loop3A_435 : i32 to index
        %parallel_loop3A_437 = arith.index_cast %parallel_loop3A_302 : i32 to index
        %parallel_loop3A_438 = arith.constant 112 : index
        %parallel_loop3A_439 = tpu.vector_load %arg8[%parallel_loop3A_436, %parallel_loop3A_437, %parallel_loop3A_438] {strides = array<i32>} : memref<4x16x1024xf32, #tpu.memory_space<vmem>>, vector<1x1x16xf32>,
        %parallel_loop3A_440 = vector.shape_cast %parallel_loop3A_439 : vector<1x1x16xf32> to vector<16xf32>
        %parallel_loop3A_441 = vector.shape_cast %parallel_loop3A_434 : vector<16xf32> to vector<1x1x16xf32>
        tpu.vector_store %arg8[%parallel_loop3A_436, %parallel_loop3A_437, %parallel_loop3A_438], %parallel_loop3A_441 {add = true, strides = array<i32>} : memref<4x16x1024xf32, #tpu.memory_space<vmem>>, vector<1x1x16xf32>,
        %parallel_loop3A_442 = arith.constant 2 : i32
        %parallel_loop3A_443 = arith.index_cast %parallel_loop3A_442 : i32 to index
        %parallel_loop3A_444 = arith.index_cast %parallel_loop3A_302 : i32 to index
        %parallel_loop3A_445 = arith.constant 112 : index
        %parallel_loop3A_446 = tpu.vector_load %arg8[%parallel_loop3A_443, %parallel_loop3A_444, %parallel_loop3A_445] {strides = array<i32>} : memref<4x16x1024xf32, #tpu.memory_space<vmem>>, vector<1x1x16xf32>,
        %parallel_loop3A_447 = vector.shape_cast %parallel_loop3A_446 : vector<1x1x16xf32> to vector<16xf32>
        %parallel_loop3A_448 = vector.shape_cast %parallel_loop3A_434 : vector<16xf32> to vector<1x1x16xf32>
        tpu.vector_store %arg8[%parallel_loop3A_443, %parallel_loop3A_444, %parallel_loop3A_445], %parallel_loop3A_448 {add = true, strides = array<i32>} : memref<4x16x1024xf32, #tpu.memory_space<vmem>>, vector<1x1x16xf32>,
        %parallel_loop3A_449 = arith.index_cast %parallel_loop3A_304 : i32 to index
        %parallel_loop3A_450 = arith.constant 128 : index
        %parallel_loop3A_451 = tpu.vector_load %arg7[%parallel_loop3A_449, %parallel_loop3A_450] {strides = array<i32>} : memref<32x1024xf32, #tpu.memory_space<vmem>>, vector<1x16xf32>,
        %parallel_loop3A_452 = vector.shape_cast %parallel_loop3A_451 : vector<1x16xf32> to vector<16xf32>
        %parallel_loop3A_453 = arith.constant 0 : i32
        %parallel_loop3A_454 = arith.index_cast %parallel_loop3A_453 : i32 to index
        %parallel_loop3A_455 = arith.index_cast %parallel_loop3A_302 : i32 to index
        %parallel_loop3A_456 = arith.constant 128 : index
        %parallel_loop3A_457 = tpu.vector_load %arg8[%parallel_loop3A_454, %parallel_loop3A_455, %parallel_loop3A_456] {strides = array<i32>} : memref<4x16x1024xf32, #tpu.memory_space<vmem>>, vector<1x1x16xf32>,
        %parallel_loop3A_458 = vector.shape_cast %parallel_loop3A_457 : vector<1x1x16xf32> to vector<16xf32>
        %parallel_loop3A_459 = vector.shape_cast %parallel_loop3A_452 : vector<16xf32> to vector<1x1x16xf32>
        tpu.vector_store %arg8[%parallel_loop3A_454, %parallel_loop3A_455, %parallel_loop3A_456], %parallel_loop3A_459 {add = true, strides = array<i32>} : memref<4x16x1024xf32, #tpu.memory_space<vmem>>, vector<1x1x16xf32>,
        %parallel_loop3A_460 = arith.constant 2 : i32
        %parallel_loop3A_461 = arith.index_cast %parallel_loop3A_460 : i32 to index
        %parallel_loop3A_462 = arith.index_cast %parallel_loop3A_302 : i32 to index
        %parallel_loop3A_463 = arith.constant 128 : index
        %parallel_loop3A_464 = tpu.vector_load %arg8[%parallel_loop3A_461, %parallel_loop3A_462, %parallel_loop3A_463] {strides = array<i32>} : memref<4x16x1024xf32, #tpu.memory_space<vmem>>, vector<1x1x16xf32>,
        %parallel_loop3A_465 = vector.shape_cast %parallel_loop3A_464 : vector<1x1x16xf32> to vector<16xf32>
        %parallel_loop3A_466 = vector.shape_cast %parallel_loop3A_452 : vector<16xf32> to vector<1x1x16xf32>
        tpu.vector_store %arg8[%parallel_loop3A_461, %parallel_loop3A_462, %parallel_loop3A_463], %parallel_loop3A_466 {add = true, strides = array<i32>} : memref<4x16x1024xf32, #tpu.memory_space<vmem>>, vector<1x1x16xf32>,
        %parallel_loop3A_467 = arith.index_cast %parallel_loop3A_304 : i32 to index
        %parallel_loop3A_468 = arith.constant 144 : index
        %parallel_loop3A_469 = tpu.vector_load %arg7[%parallel_loop3A_467, %parallel_loop3A_468] {strides = array<i32>} : memref<32x1024xf32, #tpu.memory_space<vmem>>, vector<1x16xf32>,
        %parallel_loop3A_470 = vector.shape_cast %parallel_loop3A_469 : vector<1x16xf32> to vector<16xf32>
        %parallel_loop3A_471 = arith.constant 0 : i32
        %parallel_loop3A_472 = arith.index_cast %parallel_loop3A_471 : i32 to index
        %parallel_loop3A_473 = arith.index_cast %parallel_loop3A_302 : i32 to index
        %parallel_loop3A_474 = arith.constant 144 : index
        %parallel_loop3A_475 = tpu.vector_load %arg8[%parallel_loop3A_472, %parallel_loop3A_473, %parallel_loop3A_474] {strides = array<i32>} : memref<4x16x1024xf32, #tpu.memory_space<vmem>>, vector<1x1x16xf32>,
        %parallel_loop3A_476 = vector.shape_cast %parallel_loop3A_475 : vector<1x1x16xf32> to vector<16xf32>
        %parallel_loop3A_477 = vector.shape_cast %parallel_loop3A_470 : vector<16xf32> to vector<1x1x16xf32>
        tpu.vector_store %arg8[%parallel_loop3A_472, %parallel_loop3A_473, %parallel_loop3A_474], %parallel_loop3A_477 {add = true, strides = array<i32>} : memref<4x16x1024xf32, #tpu.memory_space<vmem>>, vector<1x1x16xf32>,
        %parallel_loop3A_478 = arith.constant 2 : i32
        %parallel_loop3A_479 = arith.index_cast %parallel_loop3A_478 : i32 to index
        %parallel_loop3A_480 = arith.index_cast %parallel_loop3A_302 : i32 to index
        %parallel_loop3A_481 = arith.constant 144 : index
        %parallel_loop3A_482 = tpu.vector_load %arg8[%parallel_loop3A_479, %parallel_loop3A_480, %parallel_loop3A_481] {strides = array<i32>} : memref<4x16x1024xf32, #tpu.memory_space<vmem>>, vector<1x1x16xf32>,
        %parallel_loop3A_483 = vector.shape_cast %parallel_loop3A_482 : vector<1x1x16xf32> to vector<16xf32>
        %parallel_loop3A_484 = vector.shape_cast %parallel_loop3A_470 : vector<16xf32> to vector<1x1x16xf32>
        tpu.vector_store %arg8[%parallel_loop3A_479, %parallel_loop3A_480, %parallel_loop3A_481], %parallel_loop3A_484 {add = true, strides = array<i32>} : memref<4x16x1024xf32, #tpu.memory_space<vmem>>, vector<1x1x16xf32>,
        %parallel_loop3A_485 = arith.index_cast %parallel_loop3A_304 : i32 to index
        %parallel_loop3A_486 = arith.constant 160 : index
        %parallel_loop3A_487 = tpu.vector_load %arg7[%parallel_loop3A_485, %parallel_loop3A_486] {strides = array<i32>} : memref<32x1024xf32, #tpu.memory_space<vmem>>, vector<1x16xf32>,
        %parallel_loop3A_488 = vector.shape_cast %parallel_loop3A_487 : vector<1x16xf32> to vector<16xf32>
        %parallel_loop3A_489 = arith.constant 0 : i32
        %parallel_loop3A_490 = arith.index_cast %parallel_loop3A_489 : i32 to index
        %parallel_loop3A_491 = arith.index_cast %parallel_loop3A_302 : i32 to index
        %parallel_loop3A_492 = arith.constant 160 : index
        %parallel_loop3A_493 = tpu.vector_load %arg8[%parallel_loop3A_490, %parallel_loop3A_491, %parallel_loop3A_492] {strides = array<i32>} : memref<4x16x1024xf32, #tpu.memory_space<vmem>>, vector<1x1x16xf32>,
        %parallel_loop3A_494 = vector.shape_cast %parallel_loop3A_493 : vector<1x1x16xf32> to vector<16xf32>
        %parallel_loop3A_495 = vector.shape_cast %parallel_loop3A_488 : vector<16xf32> to vector<1x1x16xf32>
        tpu.vector_store %arg8[%parallel_loop3A_490, %parallel_loop3A_491, %parallel_loop3A_492], %parallel_loop3A_495 {add = true, strides = array<i32>} : memref<4x16x1024xf32, #tpu.memory_space<vmem>>, vector<1x1x16xf32>,
        %parallel_loop3A_496 = arith.constant 2 : i32
        %parallel_loop3A_497 = arith.index_cast %parallel_loop3A_496 : i32 to index
        %parallel_loop3A_498 = arith.index_cast %parallel_loop3A_302 : i32 to index
        %parallel_loop3A_499 = arith.constant 160 : index
        %parallel_loop3A_500 = tpu.vector_load %arg8[%parallel_loop3A_497, %parallel_loop3A_498, %parallel_loop3A_499] {strides = array<i32>} : memref<4x16x1024xf32, #tpu.memory_space<vmem>>, vector<1x1x16xf32>,
        %parallel_loop3A_501 = vector.shape_cast %parallel_loop3A_500 : vector<1x1x16xf32> to vector<16xf32>
        %parallel_loop3A_502 = vector.shape_cast %parallel_loop3A_488 : vector<16xf32> to vector<1x1x16xf32>
        tpu.vector_store %arg8[%parallel_loop3A_497, %parallel_loop3A_498, %parallel_loop3A_499], %parallel_loop3A_502 {add = true, strides = array<i32>} : memref<4x16x1024xf32, #tpu.memory_space<vmem>>, vector<1x1x16xf32>,
        %parallel_loop3A_503 = arith.index_cast %parallel_loop3A_304 : i32 to index
        %parallel_loop3A_504 = arith.constant 176 : index
        %parallel_loop3A_505 = tpu.vector_load %arg7[%parallel_loop3A_503, %parallel_loop3A_504] {strides = array<i32>} : memref<32x1024xf32, #tpu.memory_space<vmem>>, vector<1x16xf32>,
        %parallel_loop3A_506 = vector.shape_cast %parallel_loop3A_505 : vector<1x16xf32> to vector<16xf32>
        %parallel_loop3A_507 = arith.constant 0 : i32
        %parallel_loop3A_508 = arith.index_cast %parallel_loop3A_507 : i32 to index
        %parallel_loop3A_509 = arith.index_cast %parallel_loop3A_302 : i32 to index
        %parallel_loop3A_510 = arith.constant 176 : index
        %parallel_loop3A_511 = tpu.vector_load %arg8[%parallel_loop3A_508, %parallel_loop3A_509, %parallel_loop3A_510] {strides = array<i32>} : memref<4x16x1024xf32, #tpu.memory_space<vmem>>, vector<1x1x16xf32>,
        %parallel_loop3A_512 = vector.shape_cast %parallel_loop3A_511 : vector<1x1x16xf32> to vector<16xf32>
        %parallel_loop3A_513 = vector.shape_cast %parallel_loop3A_506 : vector<16xf32> to vector<1x1x16xf32>
        tpu.vector_store %arg8[%parallel_loop3A_508, %parallel_loop3A_509, %parallel_loop3A_510], %parallel_loop3A_513 {add = true, strides = array<i32>} : memref<4x16x1024xf32, #tpu.memory_space<vmem>>, vector<1x1x16xf32>,
        %parallel_loop3A_514 = arith.constant 2 : i32
        %parallel_loop3A_515 = arith.index_cast %parallel_loop3A_514 : i32 to index
        %parallel_loop3A_516 = arith.index_cast %parallel_loop3A_302 : i32 to index
        %parallel_loop3A_517 = arith.constant 176 : index
        %parallel_loop3A_518 = tpu.vector_load %arg8[%parallel_loop3A_515, %parallel_loop3A_516, %parallel_loop3A_517] {strides = array<i32>} : memref<4x16x1024xf32, #tpu.memory_space<vmem>>, vector<1x1x16xf32>,
        %parallel_loop3A_519 = vector.shape_cast %parallel_loop3A_518 : vector<1x1x16xf32> to vector<16xf32>
        %parallel_loop3A_520 = vector.shape_cast %parallel_loop3A_506 : vector<16xf32> to vector<1x1x16xf32>
        tpu.vector_store %arg8[%parallel_loop3A_515, %parallel_loop3A_516, %parallel_loop3A_517], %parallel_loop3A_520 {add = true, strides = array<i32>} : memref<4x16x1024xf32, #tpu.memory_space<vmem>>, vector<1x1x16xf32>,
        %parallel_loop3A_521 = arith.index_cast %parallel_loop3A_304 : i32 to index
        %parallel_loop3A_522 = arith.constant 192 : index
        %parallel_loop3A_523 = tpu.vector_load %arg7[%parallel_loop3A_521, %parallel_loop3A_522] {strides = array<i32>} : memref<32x1024xf32, #tpu.memory_space<vmem>>, vector<1x16xf32>,
        %parallel_loop3A_524 = vector.shape_cast %parallel_loop3A_523 : vector<1x16xf32> to vector<16xf32>
        %parallel_loop3A_525 = arith.constant 0 : i32
        %parallel_loop3A_526 = arith.index_cast %parallel_loop3A_525 : i32 to index
        %parallel_loop3A_527 = arith.index_cast %parallel_loop3A_302 : i32 to index
        %parallel_loop3A_528 = arith.constant 192 : index
        %parallel_loop3A_529 = tpu.vector_load %arg8[%parallel_loop3A_526, %parallel_loop3A_527, %parallel_loop3A_528] {strides = array<i32>} : memref<4x16x1024xf32, #tpu.memory_space<vmem>>, vector<1x1x16xf32>,
        %parallel_loop3A_530 = vector.shape_cast %parallel_loop3A_529 : vector<1x1x16xf32> to vector<16xf32>
        %parallel_loop3A_531 = vector.shape_cast %parallel_loop3A_524 : vector<16xf32> to vector<1x1x16xf32>
        tpu.vector_store %arg8[%parallel_loop3A_526, %parallel_loop3A_527, %parallel_loop3A_528], %parallel_loop3A_531 {add = true, strides = array<i32>} : memref<4x16x1024xf32, #tpu.memory_space<vmem>>, vector<1x1x16xf32>,
        %parallel_loop3A_532 = arith.constant 2 : i32
        %parallel_loop3A_533 = arith.index_cast %parallel_loop3A_532 : i32 to index
        %parallel_loop3A_534 = arith.index_cast %parallel_loop3A_302 : i32 to index
        %parallel_loop3A_535 = arith.constant 192 : index
        %parallel_loop3A_536 = tpu.vector_load %arg8[%parallel_loop3A_533, %parallel_loop3A_534, %parallel_loop3A_535] {strides = array<i32>} : memref<4x16x1024xf32, #tpu.memory_space<vmem>>, vector<1x1x16xf32>,
        %parallel_loop3A_537 = vector.shape_cast %parallel_loop3A_536 : vector<1x1x16xf32> to vector<16xf32>
        %parallel_loop3A_538 = vector.shape_cast %parallel_loop3A_524 : vector<16xf32> to vector<1x1x16xf32>
        tpu.vector_store %arg8[%parallel_loop3A_533, %parallel_loop3A_534, %parallel_loop3A_535], %parallel_loop3A_538 {add = true, strides = array<i32>} : memref<4x16x1024xf32, #tpu.memory_space<vmem>>, vector<1x1x16xf32>,
        %parallel_loop3A_539 = arith.index_cast %parallel_loop3A_304 : i32 to index
        %parallel_loop3A_540 = arith.constant 208 : index
        %parallel_loop3A_541 = tpu.vector_load %arg7[%parallel_loop3A_539, %parallel_loop3A_540] {strides = array<i32>} : memref<32x1024xf32, #tpu.memory_space<vmem>>, vector<1x16xf32>,
        %parallel_loop3A_542 = vector.shape_cast %parallel_loop3A_541 : vector<1x16xf32> to vector<16xf32>
        %parallel_loop3A_543 = arith.constant 0 : i32
        %parallel_loop3A_544 = arith.index_cast %parallel_loop3A_543 : i32 to index
        %parallel_loop3A_545 = arith.index_cast %parallel_loop3A_302 : i32 to index
        %parallel_loop3A_546 = arith.constant 208 : index
        %parallel_loop3A_547 = tpu.vector_load %arg8[%parallel_loop3A_544, %parallel_loop3A_545, %parallel_loop3A_546] {strides = array<i32>} : memref<4x16x1024xf32, #tpu.memory_space<vmem>>, vector<1x1x16xf32>,
        %parallel_loop3A_548 = vector.shape_cast %parallel_loop3A_547 : vector<1x1x16xf32> to vector<16xf32>
        %parallel_loop3A_549 = vector.shape_cast %parallel_loop3A_542 : vector<16xf32> to vector<1x1x16xf32>
        tpu.vector_store %arg8[%parallel_loop3A_544, %parallel_loop3A_545, %parallel_loop3A_546], %parallel_loop3A_549 {add = true, strides = array<i32>} : memref<4x16x1024xf32, #tpu.memory_space<vmem>>, vector<1x1x16xf32>,
        %parallel_loop3A_550 = arith.constant 2 : i32
        %parallel_loop3A_551 = arith.index_cast %parallel_loop3A_550 : i32 to index
        %parallel_loop3A_552 = arith.index_cast %parallel_loop3A_302 : i32 to index
        %parallel_loop3A_553 = arith.constant 208 : index
        %parallel_loop3A_554 = tpu.vector_load %arg8[%parallel_loop3A_551, %parallel_loop3A_552, %parallel_loop3A_553] {strides = array<i32>} : memref<4x16x1024xf32, #tpu.memory_space<vmem>>, vector<1x1x16xf32>,
        %parallel_loop3A_555 = vector.shape_cast %parallel_loop3A_554 : vector<1x1x16xf32> to vector<16xf32>
        %parallel_loop3A_556 = vector.shape_cast %parallel_loop3A_542 : vector<16xf32> to vector<1x1x16xf32>
        tpu.vector_store %arg8[%parallel_loop3A_551, %parallel_loop3A_552, %parallel_loop3A_553], %parallel_loop3A_556 {add = true, strides = array<i32>} : memref<4x16x1024xf32, #tpu.memory_space<vmem>>, vector<1x1x16xf32>,
        %parallel_loop3A_557 = arith.index_cast %parallel_loop3A_304 : i32 to index
        %parallel_loop3A_558 = arith.constant 224 : index
        %parallel_loop3A_559 = tpu.vector_load %arg7[%parallel_loop3A_557, %parallel_loop3A_558] {strides = array<i32>} : memref<32x1024xf32, #tpu.memory_space<vmem>>, vector<1x16xf32>,
        %parallel_loop3A_560 = vector.shape_cast %parallel_loop3A_559 : vector<1x16xf32> to vector<16xf32>
        %parallel_loop3A_561 = arith.constant 0 : i32
        %parallel_loop3A_562 = arith.index_cast %parallel_loop3A_561 : i32 to index
        %parallel_loop3A_563 = arith.index_cast %parallel_loop3A_302 : i32 to index
        %parallel_loop3A_564 = arith.constant 224 : index
        %parallel_loop3A_565 = tpu.vector_load %arg8[%parallel_loop3A_562, %parallel_loop3A_563, %parallel_loop3A_564] {strides = array<i32>} : memref<4x16x1024xf32, #tpu.memory_space<vmem>>, vector<1x1x16xf32>,
        %parallel_loop3A_566 = vector.shape_cast %parallel_loop3A_565 : vector<1x1x16xf32> to vector<16xf32>
        %parallel_loop3A_567 = vector.shape_cast %parallel_loop3A_560 : vector<16xf32> to vector<1x1x16xf32>
        tpu.vector_store %arg8[%parallel_loop3A_562, %parallel_loop3A_563, %parallel_loop3A_564], %parallel_loop3A_567 {add = true, strides = array<i32>} : memref<4x16x1024xf32, #tpu.memory_space<vmem>>, vector<1x1x16xf32>,
        %parallel_loop3A_568 = arith.constant 2 : i32
        %parallel_loop3A_569 = arith.index_cast %parallel_loop3A_568 : i32 to index
        %parallel_loop3A_570 = arith.index_cast %parallel_loop3A_302 : i32 to index
        %parallel_loop3A_571 = arith.constant 224 : index
        %parallel_loop3A_572 = tpu.vector_load %arg8[%parallel_loop3A_569, %parallel_loop3A_570, %parallel_loop3A_571] {strides = array<i32>} : memref<4x16x1024xf32, #tpu.memory_space<vmem>>, vector<1x1x16xf32>,
        %parallel_loop3A_573 = vector.shape_cast %parallel_loop3A_572 : vector<1x1x16xf32> to vector<16xf32>
        %parallel_loop3A_574 = vector.shape_cast %parallel_loop3A_560 : vector<16xf32> to vector<1x1x16xf32>
        tpu.vector_store %arg8[%parallel_loop3A_569, %parallel_loop3A_570, %parallel_loop3A_571], %parallel_loop3A_574 {add = true, strides = array<i32>} : memref<4x16x1024xf32, #tpu.memory_space<vmem>>, vector<1x1x16xf32>,
        %parallel_loop3A_575 = arith.index_cast %parallel_loop3A_304 : i32 to index
        %parallel_loop3A_576 = arith.constant 240 : index
        %parallel_loop3A_577 = tpu.vector_load %arg7[%parallel_loop3A_575, %parallel_loop3A_576] {strides = array<i32>} : memref<32x1024xf32, #tpu.memory_space<vmem>>, vector<1x16xf32>,
        %parallel_loop3A_578 = vector.shape_cast %parallel_loop3A_577 : vector<1x16xf32> to vector<16xf32>
        %parallel_loop3A_579 = arith.constant 0 : i32
        %parallel_loop3A_580 = arith.index_cast %parallel_loop3A_579 : i32 to index
        %parallel_loop3A_581 = arith.index_cast %parallel_loop3A_302 : i32 to index
        %parallel_loop3A_582 = arith.constant 240 : index
        %parallel_loop3A_583 = tpu.vector_load %arg8[%parallel_loop3A_580, %parallel_loop3A_581, %parallel_loop3A_582] {strides = array<i32>} : memref<4x16x1024xf32, #tpu.memory_space<vmem>>, vector<1x1x16xf32>,
        %parallel_loop3A_584 = vector.shape_cast %parallel_loop3A_583 : vector<1x1x16xf32> to vector<16xf32>
        %parallel_loop3A_585 = vector.shape_cast %parallel_loop3A_578 : vector<16xf32> to vector<1x1x16xf32>
        tpu.vector_store %arg8[%parallel_loop3A_580, %parallel_loop3A_581, %parallel_loop3A_582], %parallel_loop3A_585 {add = true, strides = array<i32>} : memref<4x16x1024xf32, #tpu.memory_space<vmem>>, vector<1x1x16xf32>,
        %parallel_loop3A_586 = arith.constant 2 : i32
        %parallel_loop3A_587 = arith.index_cast %parallel_loop3A_586 : i32 to index
        %parallel_loop3A_588 = arith.index_cast %parallel_loop3A_302 : i32 to index
        %parallel_loop3A_589 = arith.constant 240 : index
        %parallel_loop3A_590 = tpu.vector_load %arg8[%parallel_loop3A_587, %parallel_loop3A_588, %parallel_loop3A_589] {strides = array<i32>} : memref<4x16x1024xf32, #tpu.memory_space<vmem>>, vector<1x1x16xf32>,
        %parallel_loop3A_591 = vector.shape_cast %parallel_loop3A_590 : vector<1x1x16xf32> to vector<16xf32>
        %parallel_loop3A_592 = vector.shape_cast %parallel_loop3A_578 : vector<16xf32> to vector<1x1x16xf32>
        tpu.vector_store %arg8[%parallel_loop3A_587, %parallel_loop3A_588, %parallel_loop3A_589], %parallel_loop3A_592 {add = true, strides = array<i32>} : memref<4x16x1024xf32, #tpu.memory_space<vmem>>, vector<1x1x16xf32>,
        %parallel_loop3A_593 = arith.index_cast %parallel_loop3A_304 : i32 to index
        %parallel_loop3A_594 = arith.constant 256 : index
        %parallel_loop3A_595 = tpu.vector_load %arg7[%parallel_loop3A_593, %parallel_loop3A_594] {strides = array<i32>} : memref<32x1024xf32, #tpu.memory_space<vmem>>, vector<1x16xf32>,
        %parallel_loop3A_596 = vector.shape_cast %parallel_loop3A_595 : vector<1x16xf32> to vector<16xf32>
        %parallel_loop3A_597 = arith.constant 0 : i32
        %parallel_loop3A_598 = arith.index_cast %parallel_loop3A_597 : i32 to index
        %parallel_loop3A_599 = arith.index_cast %parallel_loop3A_302 : i32 to index
        %parallel_loop3A_600 = arith.constant 256 : index
        %parallel_loop3A_601 = tpu.vector_load %arg8[%parallel_loop3A_598, %parallel_loop3A_599, %parallel_loop3A_600] {strides = array<i32>} : memref<4x16x1024xf32, #tpu.memory_space<vmem>>, vector<1x1x16xf32>,
        %parallel_loop3A_602 = vector.shape_cast %parallel_loop3A_601 : vector<1x1x16xf32> to vector<16xf32>
        %parallel_loop3A_603 = vector.shape_cast %parallel_loop3A_596 : vector<16xf32> to vector<1x1x16xf32>
        tpu.vector_store %arg8[%parallel_loop3A_598, %parallel_loop3A_599, %parallel_loop3A_600], %parallel_loop3A_603 {add = true, strides = array<i32>} : memref<4x16x1024xf32, #tpu.memory_space<vmem>>, vector<1x1x16xf32>,
        %parallel_loop3A_604 = arith.constant 2 : i32
        %parallel_loop3A_605 = arith.index_cast %parallel_loop3A_604 : i32 to index
        %parallel_loop3A_606 = arith.index_cast %parallel_loop3A_302 : i32 to index
        %parallel_loop3A_607 = arith.constant 256 : index
        %parallel_loop3A_608 = tpu.vector_load %arg8[%parallel_loop3A_605, %parallel_loop3A_606, %parallel_loop3A_607] {strides = array<i32>} : memref<4x16x1024xf32, #tpu.memory_space<vmem>>, vector<1x1x16xf32>,
        %parallel_loop3A_609 = vector.shape_cast %parallel_loop3A_608 : vector<1x1x16xf32> to vector<16xf32>
        %parallel_loop3A_610 = vector.shape_cast %parallel_loop3A_596 : vector<16xf32> to vector<1x1x16xf32>
        tpu.vector_store %arg8[%parallel_loop3A_605, %parallel_loop3A_606, %parallel_loop3A_607], %parallel_loop3A_610 {add = true, strides = array<i32>} : memref<4x16x1024xf32, #tpu.memory_space<vmem>>, vector<1x1x16xf32>,
        %parallel_loop3A_611 = arith.index_cast %parallel_loop3A_304 : i32 to index
        %parallel_loop3A_612 = arith.constant 272 : index
        %parallel_loop3A_613 = tpu.vector_load %arg7[%parallel_loop3A_611, %parallel_loop3A_612] {strides = array<i32>} : memref<32x1024xf32, #tpu.memory_space<vmem>>, vector<1x16xf32>,
        %parallel_loop3A_614 = vector.shape_cast %parallel_loop3A_613 : vector<1x16xf32> to vector<16xf32>
        %parallel_loop3A_615 = arith.constant 0 : i32
        %parallel_loop3A_616 = arith.index_cast %parallel_loop3A_615 : i32 to index
        %parallel_loop3A_617 = arith.index_cast %parallel_loop3A_302 : i32 to index
        %parallel_loop3A_618 = arith.constant 272 : index
        %parallel_loop3A_619 = tpu.vector_load %arg8[%parallel_loop3A_616, %parallel_loop3A_617, %parallel_loop3A_618] {strides = array<i32>} : memref<4x16x1024xf32, #tpu.memory_space<vmem>>, vector<1x1x16xf32>,
        %parallel_loop3A_620 = vector.shape_cast %parallel_loop3A_619 : vector<1x1x16xf32> to vector<16xf32>
        %parallel_loop3A_621 = vector.shape_cast %parallel_loop3A_614 : vector<16xf32> to vector<1x1x16xf32>
        tpu.vector_store %arg8[%parallel_loop3A_616, %parallel_loop3A_617, %parallel_loop3A_618], %parallel_loop3A_621 {add = true, strides = array<i32>} : memref<4x16x1024xf32, #tpu.memory_space<vmem>>, vector<1x1x16xf32>,
        %parallel_loop3A_622 = arith.constant 2 : i32
        %parallel_loop3A_623 = arith.index_cast %parallel_loop3A_622 : i32 to index
        %parallel_loop3A_624 = arith.index_cast %parallel_loop3A_302 : i32 to index
        %parallel_loop3A_625 = arith.constant 272 : index
        %parallel_loop3A_626 = tpu.vector_load %arg8[%parallel_loop3A_623, %parallel_loop3A_624, %parallel_loop3A_625] {strides = array<i32>} : memref<4x16x1024xf32, #tpu.memory_space<vmem>>, vector<1x1x16xf32>,
        %parallel_loop3A_627 = vector.shape_cast %parallel_loop3A_626 : vector<1x1x16xf32> to vector<16xf32>
        %parallel_loop3A_628 = vector.shape_cast %parallel_loop3A_614 : vector<16xf32> to vector<1x1x16xf32>
        tpu.vector_store %arg8[%parallel_loop3A_623, %parallel_loop3A_624, %parallel_loop3A_625], %parallel_loop3A_628 {add = true, strides = array<i32>} : memref<4x16x1024xf32, #tpu.memory_space<vmem>>, vector<1x1x16xf32>,
        %parallel_loop3A_629 = arith.index_cast %parallel_loop3A_304 : i32 to index
        %parallel_loop3A_630 = arith.constant 288 : index
        %parallel_loop3A_631 = tpu.vector_load %arg7[%parallel_loop3A_629, %parallel_loop3A_630] {strides = array<i32>} : memref<32x1024xf32, #tpu.memory_space<vmem>>, vector<1x16xf32>,
        %parallel_loop3A_632 = vector.shape_cast %parallel_loop3A_631 : vector<1x16xf32> to vector<16xf32>
        %parallel_loop3A_633 = arith.constant 0 : i32
        %parallel_loop3A_634 = arith.index_cast %parallel_loop3A_633 : i32 to index
        %parallel_loop3A_635 = arith.index_cast %parallel_loop3A_302 : i32 to index
        %parallel_loop3A_636 = arith.constant 288 : index
        %parallel_loop3A_637 = tpu.vector_load %arg8[%parallel_loop3A_634, %parallel_loop3A_635, %parallel_loop3A_636] {strides = array<i32>} : memref<4x16x1024xf32, #tpu.memory_space<vmem>>, vector<1x1x16xf32>,
        %parallel_loop3A_638 = vector.shape_cast %parallel_loop3A_637 : vector<1x1x16xf32> to vector<16xf32>
        %parallel_loop3A_639 = vector.shape_cast %parallel_loop3A_632 : vector<16xf32> to vector<1x1x16xf32>
        tpu.vector_store %arg8[%parallel_loop3A_634, %parallel_loop3A_635, %parallel_loop3A_636], %parallel_loop3A_639 {add = true, strides = array<i32>} : memref<4x16x1024xf32, #tpu.memory_space<vmem>>, vector<1x1x16xf32>,
        %parallel_loop3A_640 = arith.constant 2 : i32
        %parallel_loop3A_641 = arith.index_cast %parallel_loop3A_640 : i32 to index
        %parallel_loop3A_642 = arith.index_cast %parallel_loop3A_302 : i32 to index
        %parallel_loop3A_643 = arith.constant 288 : index
        %parallel_loop3A_644 = tpu.vector_load %arg8[%parallel_loop3A_641, %parallel_loop3A_642, %parallel_loop3A_643] {strides = array<i32>} : memref<4x16x1024xf32, #tpu.memory_space<vmem>>, vector<1x1x16xf32>,
        %parallel_loop3A_645 = vector.shape_cast %parallel_loop3A_644 : vector<1x1x16xf32> to vector<16xf32>
        %parallel_loop3A_646 = vector.shape_cast %parallel_loop3A_632 : vector<16xf32> to vector<1x1x16xf32>
        tpu.vector_store %arg8[%parallel_loop3A_641, %parallel_loop3A_642, %parallel_loop3A_643], %parallel_loop3A_646 {add = true, strides = array<i32>} : memref<4x16x1024xf32, #tpu.memory_space<vmem>>, vector<1x1x16xf32>,
        %parallel_loop3A_647 = arith.index_cast %parallel_loop3A_304 : i32 to index
        %parallel_loop3A_648 = arith.constant 304 : index
        %parallel_loop3A_649 = tpu.vector_load %arg7[%parallel_loop3A_647, %parallel_loop3A_648] {strides = array<i32>} : memref<32x1024xf32, #tpu.memory_space<vmem>>, vector<1x16xf32>,
        %parallel_loop3A_650 = vector.shape_cast %parallel_loop3A_649 : vector<1x16xf32> to vector<16xf32>
        %parallel_loop3A_651 = arith.constant 0 : i32
        %parallel_loop3A_652 = arith.index_cast %parallel_loop3A_651 : i32 to index
        %parallel_loop3A_653 = arith.index_cast %parallel_loop3A_302 : i32 to index
        %parallel_loop3A_654 = arith.constant 304 : index
        %parallel_loop3A_655 = tpu.vector_load %arg8[%parallel_loop3A_652, %parallel_loop3A_653, %parallel_loop3A_654] {strides = array<i32>} : memref<4x16x1024xf32, #tpu.memory_space<vmem>>, vector<1x1x16xf32>,
        %parallel_loop3A_656 = vector.shape_cast %parallel_loop3A_655 : vector<1x1x16xf32> to vector<16xf32>
        %parallel_loop3A_657 = vector.shape_cast %parallel_loop3A_650 : vector<16xf32> to vector<1x1x16xf32>
        tpu.vector_store %arg8[%parallel_loop3A_652, %parallel_loop3A_653, %parallel_loop3A_654], %parallel_loop3A_657 {add = true, strides = array<i32>} : memref<4x16x1024xf32, #tpu.memory_space<vmem>>, vector<1x1x16xf32>,
        %parallel_loop3A_658 = arith.constant 2 : i32
        %parallel_loop3A_659 = arith.index_cast %parallel_loop3A_658 : i32 to index
        %parallel_loop3A_660 = arith.index_cast %parallel_loop3A_302 : i32 to index
        %parallel_loop3A_661 = arith.constant 304 : index
        %parallel_loop3A_662 = tpu.vector_load %arg8[%parallel_loop3A_659, %parallel_loop3A_660, %parallel_loop3A_661] {strides = array<i32>} : memref<4x16x1024xf32, #tpu.memory_space<vmem>>, vector<1x1x16xf32>,
        %parallel_loop3A_663 = vector.shape_cast %parallel_loop3A_662 : vector<1x1x16xf32> to vector<16xf32>
        %parallel_loop3A_664 = vector.shape_cast %parallel_loop3A_650 : vector<16xf32> to vector<1x1x16xf32>
        tpu.vector_store %arg8[%parallel_loop3A_659, %parallel_loop3A_660, %parallel_loop3A_661], %parallel_loop3A_664 {add = true, strides = array<i32>} : memref<4x16x1024xf32, #tpu.memory_space<vmem>>, vector<1x1x16xf32>,
        %parallel_loop3A_665 = arith.index_cast %parallel_loop3A_304 : i32 to index
        %parallel_loop3A_666 = arith.constant 320 : index
        %parallel_loop3A_667 = tpu.vector_load %arg7[%parallel_loop3A_665, %parallel_loop3A_666] {strides = array<i32>} : memref<32x1024xf32, #tpu.memory_space<vmem>>, vector<1x16xf32>,
        %parallel_loop3A_668 = vector.shape_cast %parallel_loop3A_667 : vector<1x16xf32> to vector<16xf32>
        %parallel_loop3A_669 = arith.constant 0 : i32
        %parallel_loop3A_670 = arith.index_cast %parallel_loop3A_669 : i32 to index
        %parallel_loop3A_671 = arith.index_cast %parallel_loop3A_302 : i32 to index
        %parallel_loop3A_672 = arith.constant 320 : index
        %parallel_loop3A_673 = tpu.vector_load %arg8[%parallel_loop3A_670, %parallel_loop3A_671, %parallel_loop3A_672] {strides = array<i32>} : memref<4x16x1024xf32, #tpu.memory_space<vmem>>, vector<1x1x16xf32>,
        %parallel_loop3A_674 = vector.shape_cast %parallel_loop3A_673 : vector<1x1x16xf32> to vector<16xf32>
        %parallel_loop3A_675 = vector.shape_cast %parallel_loop3A_668 : vector<16xf32> to vector<1x1x16xf32>
        tpu.vector_store %arg8[%parallel_loop3A_670, %parallel_loop3A_671, %parallel_loop3A_672], %parallel_loop3A_675 {add = true, strides = array<i32>} : memref<4x16x1024xf32, #tpu.memory_space<vmem>>, vector<1x1x16xf32>,
        %parallel_loop3A_676 = arith.constant 2 : i32
        %parallel_loop3A_677 = arith.index_cast %parallel_loop3A_676 : i32 to index
        %parallel_loop3A_678 = arith.index_cast %parallel_loop3A_302 : i32 to index
        %parallel_loop3A_679 = arith.constant 320 : index
        %parallel_loop3A_680 = tpu.vector_load %arg8[%parallel_loop3A_677, %parallel_loop3A_678, %parallel_loop3A_679] {strides = array<i32>} : memref<4x16x1024xf32, #tpu.memory_space<vmem>>, vector<1x1x16xf32>,
        %parallel_loop3A_681 = vector.shape_cast %parallel_loop3A_680 : vector<1x1x16xf32> to vector<16xf32>
        %parallel_loop3A_682 = vector.shape_cast %parallel_loop3A_668 : vector<16xf32> to vector<1x1x16xf32>
        tpu.vector_store %arg8[%parallel_loop3A_677, %parallel_loop3A_678, %parallel_loop3A_679], %parallel_loop3A_682 {add = true, strides = array<i32>} : memref<4x16x1024xf32, #tpu.memory_space<vmem>>, vector<1x1x16xf32>,
        %parallel_loop3A_683 = arith.index_cast %parallel_loop3A_304 : i32 to index
        %parallel_loop3A_684 = arith.constant 336 : index
        %parallel_loop3A_685 = tpu.vector_load %arg7[%parallel_loop3A_683, %parallel_loop3A_684] {strides = array<i32>} : memref<32x1024xf32, #tpu.memory_space<vmem>>, vector<1x16xf32>,
        %parallel_loop3A_686 = vector.shape_cast %parallel_loop3A_685 : vector<1x16xf32> to vector<16xf32>
        %parallel_loop3A_687 = arith.constant 0 : i32
        %parallel_loop3A_688 = arith.index_cast %parallel_loop3A_687 : i32 to index
        %parallel_loop3A_689 = arith.index_cast %parallel_loop3A_302 : i32 to index
        %parallel_loop3A_690 = arith.constant 336 : index
        %parallel_loop3A_691 = tpu.vector_load %arg8[%parallel_loop3A_688, %parallel_loop3A_689, %parallel_loop3A_690] {strides = array<i32>} : memref<4x16x1024xf32, #tpu.memory_space<vmem>>, vector<1x1x16xf32>,
        %parallel_loop3A_692 = vector.shape_cast %parallel_loop3A_691 : vector<1x1x16xf32> to vector<16xf32>
        %parallel_loop3A_693 = vector.shape_cast %parallel_loop3A_686 : vector<16xf32> to vector<1x1x16xf32>
        tpu.vector_store %arg8[%parallel_loop3A_688, %parallel_loop3A_689, %parallel_loop3A_690], %parallel_loop3A_693 {add = true, strides = array<i32>} : memref<4x16x1024xf32, #tpu.memory_space<vmem>>, vector<1x1x16xf32>,
        %parallel_loop3A_694 = arith.constant 2 : i32
        %parallel_loop3A_695 = arith.index_cast %parallel_loop3A_694 : i32 to index
        %parallel_loop3A_696 = arith.index_cast %parallel_loop3A_302 : i32 to index
        %parallel_loop3A_697 = arith.constant 336 : index
        %parallel_loop3A_698 = tpu.vector_load %arg8[%parallel_loop3A_695, %parallel_loop3A_696, %parallel_loop3A_697] {strides = array<i32>} : memref<4x16x1024xf32, #tpu.memory_space<vmem>>, vector<1x1x16xf32>,
        %parallel_loop3A_699 = vector.shape_cast %parallel_loop3A_698 : vector<1x1x16xf32> to vector<16xf32>
        %parallel_loop3A_700 = vector.shape_cast %parallel_loop3A_686 : vector<16xf32> to vector<1x1x16xf32>
        tpu.vector_store %arg8[%parallel_loop3A_695, %parallel_loop3A_696, %parallel_loop3A_697], %parallel_loop3A_700 {add = true, strides = array<i32>} : memref<4x16x1024xf32, #tpu.memory_space<vmem>>, vector<1x1x16xf32>,
        %parallel_loop3A_701 = arith.index_cast %parallel_loop3A_304 : i32 to index
        %parallel_loop3A_702 = arith.constant 352 : index
        %parallel_loop3A_703 = tpu.vector_load %arg7[%parallel_loop3A_701, %parallel_loop3A_702] {strides = array<i32>} : memref<32x1024xf32, #tpu.memory_space<vmem>>, vector<1x16xf32>,
        %parallel_loop3A_704 = vector.shape_cast %parallel_loop3A_703 : vector<1x16xf32> to vector<16xf32>
        %parallel_loop3A_705 = arith.constant 0 : i32
        %parallel_loop3A_706 = arith.index_cast %parallel_loop3A_705 : i32 to index
        %parallel_loop3A_707 = arith.index_cast %parallel_loop3A_302 : i32 to index
        %parallel_loop3A_708 = arith.constant 352 : index
        %parallel_loop3A_709 = tpu.vector_load %arg8[%parallel_loop3A_706, %parallel_loop3A_707, %parallel_loop3A_708] {strides = array<i32>} : memref<4x16x1024xf32, #tpu.memory_space<vmem>>, vector<1x1x16xf32>,
        %parallel_loop3A_710 = vector.shape_cast %parallel_loop3A_709 : vector<1x1x16xf32> to vector<16xf32>
        %parallel_loop3A_711 = vector.shape_cast %parallel_loop3A_704 : vector<16xf32> to vector<1x1x16xf32>
        tpu.vector_store %arg8[%parallel_loop3A_706, %parallel_loop3A_707, %parallel_loop3A_708], %parallel_loop3A_711 {add = true, strides = array<i32>} : memref<4x16x1024xf32, #tpu.memory_space<vmem>>, vector<1x1x16xf32>,
        %parallel_loop3A_712 = arith.constant 2 : i32
        %parallel_loop3A_713 = arith.index_cast %parallel_loop3A_712 : i32 to index
        %parallel_loop3A_714 = arith.index_cast %parallel_loop3A_302 : i32 to index
        %parallel_loop3A_715 = arith.constant 352 : index
        %parallel_loop3A_716 = tpu.vector_load %arg8[%parallel_loop3A_713, %parallel_loop3A_714, %parallel_loop3A_715] {strides = array<i32>} : memref<4x16x1024xf32, #tpu.memory_space<vmem>>, vector<1x1x16xf32>,
        %parallel_loop3A_717 = vector.shape_cast %parallel_loop3A_716 : vector<1x1x16xf32> to vector<16xf32>
        %parallel_loop3A_718 = vector.shape_cast %parallel_loop3A_704 : vector<16xf32> to vector<1x1x16xf32>
        tpu.vector_store %arg8[%parallel_loop3A_713, %parallel_loop3A_714, %parallel_loop3A_715], %parallel_loop3A_718 {add = true, strides = array<i32>} : memref<4x16x1024xf32, #tpu.memory_space<vmem>>, vector<1x1x16xf32>,
        %parallel_loop3A_719 = arith.index_cast %parallel_loop3A_304 : i32 to index
        %parallel_loop3A_720 = arith.constant 368 : index
        %parallel_loop3A_721 = tpu.vector_load %arg7[%parallel_loop3A_719, %parallel_loop3A_720] {strides = array<i32>} : memref<32x1024xf32, #tpu.memory_space<vmem>>, vector<1x16xf32>,
        %parallel_loop3A_722 = vector.shape_cast %parallel_loop3A_721 : vector<1x16xf32> to vector<16xf32>
        %parallel_loop3A_723 = arith.constant 0 : i32
        %parallel_loop3A_724 = arith.index_cast %parallel_loop3A_723 : i32 to index
        %parallel_loop3A_725 = arith.index_cast %parallel_loop3A_302 : i32 to index
        %parallel_loop3A_726 = arith.constant 368 : index
        %parallel_loop3A_727 = tpu.vector_load %arg8[%parallel_loop3A_724, %parallel_loop3A_725, %parallel_loop3A_726] {strides = array<i32>} : memref<4x16x1024xf32, #tpu.memory_space<vmem>>, vector<1x1x16xf32>,
        %parallel_loop3A_728 = vector.shape_cast %parallel_loop3A_727 : vector<1x1x16xf32> to vector<16xf32>
        %parallel_loop3A_729 = vector.shape_cast %parallel_loop3A_722 : vector<16xf32> to vector<1x1x16xf32>
        tpu.vector_store %arg8[%parallel_loop3A_724, %parallel_loop3A_725, %parallel_loop3A_726], %parallel_loop3A_729 {add = true, strides = array<i32>} : memref<4x16x1024xf32, #tpu.memory_space<vmem>>, vector<1x1x16xf32>,
        %parallel_loop3A_730 = arith.constant 2 : i32
        %parallel_loop3A_731 = arith.index_cast %parallel_loop3A_730 : i32 to index
        %parallel_loop3A_732 = arith.index_cast %parallel_loop3A_302 : i32 to index
        %parallel_loop3A_733 = arith.constant 368 : index
        %parallel_loop3A_734 = tpu.vector_load %arg8[%parallel_loop3A_731, %parallel_loop3A_732, %parallel_loop3A_733] {strides = array<i32>} : memref<4x16x1024xf32, #tpu.memory_space<vmem>>, vector<1x1x16xf32>,
        %parallel_loop3A_735 = vector.shape_cast %parallel_loop3A_734 : vector<1x1x16xf32> to vector<16xf32>
        %parallel_loop3A_736 = vector.shape_cast %parallel_loop3A_722 : vector<16xf32> to vector<1x1x16xf32>
        tpu.vector_store %arg8[%parallel_loop3A_731, %parallel_loop3A_732, %parallel_loop3A_733], %parallel_loop3A_736 {add = true, strides = array<i32>} : memref<4x16x1024xf32, #tpu.memory_space<vmem>>, vector<1x1x16xf32>,
        %parallel_loop3A_737 = arith.index_cast %parallel_loop3A_304 : i32 to index
        %parallel_loop3A_738 = arith.constant 384 : index
        %parallel_loop3A_739 = tpu.vector_load %arg7[%parallel_loop3A_737, %parallel_loop3A_738] {strides = array<i32>} : memref<32x1024xf32, #tpu.memory_space<vmem>>, vector<1x16xf32>,
        %parallel_loop3A_740 = vector.shape_cast %parallel_loop3A_739 : vector<1x16xf32> to vector<16xf32>
        %parallel_loop3A_741 = arith.constant 0 : i32
        %parallel_loop3A_742 = arith.index_cast %parallel_loop3A_741 : i32 to index
        %parallel_loop3A_743 = arith.index_cast %parallel_loop3A_302 : i32 to index
        %parallel_loop3A_744 = arith.constant 384 : index
        %parallel_loop3A_745 = tpu.vector_load %arg8[%parallel_loop3A_742, %parallel_loop3A_743, %parallel_loop3A_744] {strides = array<i32>} : memref<4x16x1024xf32, #tpu.memory_space<vmem>>, vector<1x1x16xf32>,
        %parallel_loop3A_746 = vector.shape_cast %parallel_loop3A_745 : vector<1x1x16xf32> to vector<16xf32>
        %parallel_loop3A_747 = vector.shape_cast %parallel_loop3A_740 : vector<16xf32> to vector<1x1x16xf32>
        tpu.vector_store %arg8[%parallel_loop3A_742, %parallel_loop3A_743, %parallel_loop3A_744], %parallel_loop3A_747 {add = true, strides = array<i32>} : memref<4x16x1024xf32, #tpu.memory_space<vmem>>, vector<1x1x16xf32>,
        %parallel_loop3A_748 = arith.constant 2 : i32
        %parallel_loop3A_749 = arith.index_cast %parallel_loop3A_748 : i32 to index
        %parallel_loop3A_750 = arith.index_cast %parallel_loop3A_302 : i32 to index
        %parallel_loop3A_751 = arith.constant 384 : index
        %parallel_loop3A_752 = tpu.vector_load %arg8[%parallel_loop3A_749, %parallel_loop3A_750, %parallel_loop3A_751] {strides = array<i32>} : memref<4x16x1024xf32, #tpu.memory_space<vmem>>, vector<1x1x16xf32>,
        %parallel_loop3A_753 = vector.shape_cast %parallel_loop3A_752 : vector<1x1x16xf32> to vector<16xf32>
        %parallel_loop3A_754 = vector.shape_cast %parallel_loop3A_740 : vector<16xf32> to vector<1x1x16xf32>
        tpu.vector_store %arg8[%parallel_loop3A_749, %parallel_loop3A_750, %parallel_loop3A_751], %parallel_loop3A_754 {add = true, strides = array<i32>} : memref<4x16x1024xf32, #tpu.memory_space<vmem>>, vector<1x1x16xf32>,
        %parallel_loop3A_755 = arith.index_cast %parallel_loop3A_304 : i32 to index
        %parallel_loop3A_756 = arith.constant 400 : index
        %parallel_loop3A_757 = tpu.vector_load %arg7[%parallel_loop3A_755, %parallel_loop3A_756] {strides = array<i32>} : memref<32x1024xf32, #tpu.memory_space<vmem>>, vector<1x16xf32>,
        %parallel_loop3A_758 = vector.shape_cast %parallel_loop3A_757 : vector<1x16xf32> to vector<16xf32>
        %parallel_loop3A_759 = arith.constant 0 : i32
        %parallel_loop3A_760 = arith.index_cast %parallel_loop3A_759 : i32 to index
        %parallel_loop3A_761 = arith.index_cast %parallel_loop3A_302 : i32 to index
        %parallel_loop3A_762 = arith.constant 400 : index
        %parallel_loop3A_763 = tpu.vector_load %arg8[%parallel_loop3A_760, %parallel_loop3A_761, %parallel_loop3A_762] {strides = array<i32>} : memref<4x16x1024xf32, #tpu.memory_space<vmem>>, vector<1x1x16xf32>,
        %parallel_loop3A_764 = vector.shape_cast %parallel_loop3A_763 : vector<1x1x16xf32> to vector<16xf32>
        %parallel_loop3A_765 = vector.shape_cast %parallel_loop3A_758 : vector<16xf32> to vector<1x1x16xf32>
        tpu.vector_store %arg8[%parallel_loop3A_760, %parallel_loop3A_761, %parallel_loop3A_762], %parallel_loop3A_765 {add = true, strides = array<i32>} : memref<4x16x1024xf32, #tpu.memory_space<vmem>>, vector<1x1x16xf32>,
        %parallel_loop3A_766 = arith.constant 2 : i32
        %parallel_loop3A_767 = arith.index_cast %parallel_loop3A_766 : i32 to index
        %parallel_loop3A_768 = arith.index_cast %parallel_loop3A_302 : i32 to index
        %parallel_loop3A_769 = arith.constant 400 : index
        %parallel_loop3A_770 = tpu.vector_load %arg8[%parallel_loop3A_767, %parallel_loop3A_768, %parallel_loop3A_769] {strides = array<i32>} : memref<4x16x1024xf32, #tpu.memory_space<vmem>>, vector<1x1x16xf32>,
        %parallel_loop3A_771 = vector.shape_cast %parallel_loop3A_770 : vector<1x1x16xf32> to vector<16xf32>
        %parallel_loop3A_772 = vector.shape_cast %parallel_loop3A_758 : vector<16xf32> to vector<1x1x16xf32>
        tpu.vector_store %arg8[%parallel_loop3A_767, %parallel_loop3A_768, %parallel_loop3A_769], %parallel_loop3A_772 {add = true, strides = array<i32>} : memref<4x16x1024xf32, #tpu.memory_space<vmem>>, vector<1x1x16xf32>,
        %parallel_loop3A_773 = arith.index_cast %parallel_loop3A_304 : i32 to index
        %parallel_loop3A_774 = arith.constant 416 : index
        %parallel_loop3A_775 = tpu.vector_load %arg7[%parallel_loop3A_773, %parallel_loop3A_774] {strides = array<i32>} : memref<32x1024xf32, #tpu.memory_space<vmem>>, vector<1x16xf32>,
        %parallel_loop3A_776 = vector.shape_cast %parallel_loop3A_775 : vector<1x16xf32> to vector<16xf32>
        %parallel_loop3A_777 = arith.constant 0 : i32
        %parallel_loop3A_778 = arith.index_cast %parallel_loop3A_777 : i32 to index
        %parallel_loop3A_779 = arith.index_cast %parallel_loop3A_302 : i32 to index
        %parallel_loop3A_780 = arith.constant 416 : index
        %parallel_loop3A_781 = tpu.vector_load %arg8[%parallel_loop3A_778, %parallel_loop3A_779, %parallel_loop3A_780] {strides = array<i32>} : memref<4x16x1024xf32, #tpu.memory_space<vmem>>, vector<1x1x16xf32>,
        %parallel_loop3A_782 = vector.shape_cast %parallel_loop3A_781 : vector<1x1x16xf32> to vector<16xf32>
        %parallel_loop3A_783 = vector.shape_cast %parallel_loop3A_776 : vector<16xf32> to vector<1x1x16xf32>
        tpu.vector_store %arg8[%parallel_loop3A_778, %parallel_loop3A_779, %parallel_loop3A_780], %parallel_loop3A_783 {add = true, strides = array<i32>} : memref<4x16x1024xf32, #tpu.memory_space<vmem>>, vector<1x1x16xf32>,
        %parallel_loop3A_784 = arith.constant 2 : i32
        %parallel_loop3A_785 = arith.index_cast %parallel_loop3A_784 : i32 to index
        %parallel_loop3A_786 = arith.index_cast %parallel_loop3A_302 : i32 to index
        %parallel_loop3A_787 = arith.constant 416 : index
        %parallel_loop3A_788 = tpu.vector_load %arg8[%parallel_loop3A_785, %parallel_loop3A_786, %parallel_loop3A_787] {strides = array<i32>} : memref<4x16x1024xf32, #tpu.memory_space<vmem>>, vector<1x1x16xf32>,
        %parallel_loop3A_789 = vector.shape_cast %parallel_loop3A_788 : vector<1x1x16xf32> to vector<16xf32>
        %parallel_loop3A_790 = vector.shape_cast %parallel_loop3A_776 : vector<16xf32> to vector<1x1x16xf32>
        tpu.vector_store %arg8[%parallel_loop3A_785, %parallel_loop3A_786, %parallel_loop3A_787], %parallel_loop3A_790 {add = true, strides = array<i32>} : memref<4x16x1024xf32, #tpu.memory_space<vmem>>, vector<1x1x16xf32>,
        %parallel_loop3A_791 = arith.index_cast %parallel_loop3A_304 : i32 to index
        %parallel_loop3A_792 = arith.constant 432 : index
        %parallel_loop3A_793 = tpu.vector_load %arg7[%parallel_loop3A_791, %parallel_loop3A_792] {strides = array<i32>} : memref<32x1024xf32, #tpu.memory_space<vmem>>, vector<1x16xf32>,
        %parallel_loop3A_794 = vector.shape_cast %parallel_loop3A_793 : vector<1x16xf32> to vector<16xf32>
        %parallel_loop3A_795 = arith.constant 0 : i32
        %parallel_loop3A_796 = arith.index_cast %parallel_loop3A_795 : i32 to index
        %parallel_loop3A_797 = arith.index_cast %parallel_loop3A_302 : i32 to index
        %parallel_loop3A_798 = arith.constant 432 : index
        %parallel_loop3A_799 = tpu.vector_load %arg8[%parallel_loop3A_796, %parallel_loop3A_797, %parallel_loop3A_798] {strides = array<i32>} : memref<4x16x1024xf32, #tpu.memory_space<vmem>>, vector<1x1x16xf32>,
        %parallel_loop3A_800 = vector.shape_cast %parallel_loop3A_799 : vector<1x1x16xf32> to vector<16xf32>
        %parallel_loop3A_801 = vector.shape_cast %parallel_loop3A_794 : vector<16xf32> to vector<1x1x16xf32>
        tpu.vector_store %arg8[%parallel_loop3A_796, %parallel_loop3A_797, %parallel_loop3A_798], %parallel_loop3A_801 {add = true, strides = array<i32>} : memref<4x16x1024xf32, #tpu.memory_space<vmem>>, vector<1x1x16xf32>,
        %parallel_loop3A_802 = arith.constant 2 : i32
        %parallel_loop3A_803 = arith.index_cast %parallel_loop3A_802 : i32 to index
        %parallel_loop3A_804 = arith.index_cast %parallel_loop3A_302 : i32 to index
        %parallel_loop3A_805 = arith.constant 432 : index
        %parallel_loop3A_806 = tpu.vector_load %arg8[%parallel_loop3A_803, %parallel_loop3A_804, %parallel_loop3A_805] {strides = array<i32>} : memref<4x16x1024xf32, #tpu.memory_space<vmem>>, vector<1x1x16xf32>,
        %parallel_loop3A_807 = vector.shape_cast %parallel_loop3A_806 : vector<1x1x16xf32> to vector<16xf32>
        %parallel_loop3A_808 = vector.shape_cast %parallel_loop3A_794 : vector<16xf32> to vector<1x1x16xf32>
        tpu.vector_store %arg8[%parallel_loop3A_803, %parallel_loop3A_804, %parallel_loop3A_805], %parallel_loop3A_808 {add = true, strides = array<i32>} : memref<4x16x1024xf32, #tpu.memory_space<vmem>>, vector<1x1x16xf32>,
        %parallel_loop3A_809 = arith.index_cast %parallel_loop3A_304 : i32 to index
        %parallel_loop3A_810 = arith.constant 448 : index
        %parallel_loop3A_811 = tpu.vector_load %arg7[%parallel_loop3A_809, %parallel_loop3A_810] {strides = array<i32>} : memref<32x1024xf32, #tpu.memory_space<vmem>>, vector<1x16xf32>,
        %parallel_loop3A_812 = vector.shape_cast %parallel_loop3A_811 : vector<1x16xf32> to vector<16xf32>
        %parallel_loop3A_813 = arith.constant 0 : i32
        %parallel_loop3A_814 = arith.index_cast %parallel_loop3A_813 : i32 to index
        %parallel_loop3A_815 = arith.index_cast %parallel_loop3A_302 : i32 to index
        %parallel_loop3A_816 = arith.constant 448 : index
        %parallel_loop3A_817 = tpu.vector_load %arg8[%parallel_loop3A_814, %parallel_loop3A_815, %parallel_loop3A_816] {strides = array<i32>} : memref<4x16x1024xf32, #tpu.memory_space<vmem>>, vector<1x1x16xf32>,
        %parallel_loop3A_818 = vector.shape_cast %parallel_loop3A_817 : vector<1x1x16xf32> to vector<16xf32>
        %parallel_loop3A_819 = vector.shape_cast %parallel_loop3A_812 : vector<16xf32> to vector<1x1x16xf32>
        tpu.vector_store %arg8[%parallel_loop3A_814, %parallel_loop3A_815, %parallel_loop3A_816], %parallel_loop3A_819 {add = true, strides = array<i32>} : memref<4x16x1024xf32, #tpu.memory_space<vmem>>, vector<1x1x16xf32>,
        %parallel_loop3A_820 = arith.constant 2 : i32
        %parallel_loop3A_821 = arith.index_cast %parallel_loop3A_820 : i32 to index
        %parallel_loop3A_822 = arith.index_cast %parallel_loop3A_302 : i32 to index
        %parallel_loop3A_823 = arith.constant 448 : index
        %parallel_loop3A_824 = tpu.vector_load %arg8[%parallel_loop3A_821, %parallel_loop3A_822, %parallel_loop3A_823] {strides = array<i32>} : memref<4x16x1024xf32, #tpu.memory_space<vmem>>, vector<1x1x16xf32>,
        %parallel_loop3A_825 = vector.shape_cast %parallel_loop3A_824 : vector<1x1x16xf32> to vector<16xf32>
        %parallel_loop3A_826 = vector.shape_cast %parallel_loop3A_812 : vector<16xf32> to vector<1x1x16xf32>
        tpu.vector_store %arg8[%parallel_loop3A_821, %parallel_loop3A_822, %parallel_loop3A_823], %parallel_loop3A_826 {add = true, strides = array<i32>} : memref<4x16x1024xf32, #tpu.memory_space<vmem>>, vector<1x1x16xf32>,
        %parallel_loop3A_827 = arith.index_cast %parallel_loop3A_304 : i32 to index
        %parallel_loop3A_828 = arith.constant 464 : index
        %parallel_loop3A_829 = tpu.vector_load %arg7[%parallel_loop3A_827, %parallel_loop3A_828] {strides = array<i32>} : memref<32x1024xf32, #tpu.memory_space<vmem>>, vector<1x16xf32>,
        %parallel_loop3A_830 = vector.shape_cast %parallel_loop3A_829 : vector<1x16xf32> to vector<16xf32>
        %parallel_loop3A_831 = arith.constant 0 : i32
        %parallel_loop3A_832 = arith.index_cast %parallel_loop3A_831 : i32 to index
        %parallel_loop3A_833 = arith.index_cast %parallel_loop3A_302 : i32 to index
        %parallel_loop3A_834 = arith.constant 464 : index
        %parallel_loop3A_835 = tpu.vector_load %arg8[%parallel_loop3A_832, %parallel_loop3A_833, %parallel_loop3A_834] {strides = array<i32>} : memref<4x16x1024xf32, #tpu.memory_space<vmem>>, vector<1x1x16xf32>,
        %parallel_loop3A_836 = vector.shape_cast %parallel_loop3A_835 : vector<1x1x16xf32> to vector<16xf32>
        %parallel_loop3A_837 = vector.shape_cast %parallel_loop3A_830 : vector<16xf32> to vector<1x1x16xf32>
        tpu.vector_store %arg8[%parallel_loop3A_832, %parallel_loop3A_833, %parallel_loop3A_834], %parallel_loop3A_837 {add = true, strides = array<i32>} : memref<4x16x1024xf32, #tpu.memory_space<vmem>>, vector<1x1x16xf32>,
        %parallel_loop3A_838 = arith.constant 2 : i32
        %parallel_loop3A_839 = arith.index_cast %parallel_loop3A_838 : i32 to index
        %parallel_loop3A_840 = arith.index_cast %parallel_loop3A_302 : i32 to index
        %parallel_loop3A_841 = arith.constant 464 : index
        %parallel_loop3A_842 = tpu.vector_load %arg8[%parallel_loop3A_839, %parallel_loop3A_840, %parallel_loop3A_841] {strides = array<i32>} : memref<4x16x1024xf32, #tpu.memory_space<vmem>>, vector<1x1x16xf32>,
        %parallel_loop3A_843 = vector.shape_cast %parallel_loop3A_842 : vector<1x1x16xf32> to vector<16xf32>
        %parallel_loop3A_844 = vector.shape_cast %parallel_loop3A_830 : vector<16xf32> to vector<1x1x16xf32>
        tpu.vector_store %arg8[%parallel_loop3A_839, %parallel_loop3A_840, %parallel_loop3A_841], %parallel_loop3A_844 {add = true, strides = array<i32>} : memref<4x16x1024xf32, #tpu.memory_space<vmem>>, vector<1x1x16xf32>,
        %parallel_loop3A_845 = arith.index_cast %parallel_loop3A_304 : i32 to index
        %parallel_loop3A_846 = arith.constant 480 : index
        %parallel_loop3A_847 = tpu.vector_load %arg7[%parallel_loop3A_845, %parallel_loop3A_846] {strides = array<i32>} : memref<32x1024xf32, #tpu.memory_space<vmem>>, vector<1x16xf32>,
        %parallel_loop3A_848 = vector.shape_cast %parallel_loop3A_847 : vector<1x16xf32> to vector<16xf32>
        %parallel_loop3A_849 = arith.constant 0 : i32
        %parallel_loop3A_850 = arith.index_cast %parallel_loop3A_849 : i32 to index
        %parallel_loop3A_851 = arith.index_cast %parallel_loop3A_302 : i32 to index
        %parallel_loop3A_852 = arith.constant 480 : index
        %parallel_loop3A_853 = tpu.vector_load %arg8[%parallel_loop3A_850, %parallel_loop3A_851, %parallel_loop3A_852] {strides = array<i32>} : memref<4x16x1024xf32, #tpu.memory_space<vmem>>, vector<1x1x16xf32>,
        %parallel_loop3A_854 = vector.shape_cast %parallel_loop3A_853 : vector<1x1x16xf32> to vector<16xf32>
        %parallel_loop3A_855 = vector.shape_cast %parallel_loop3A_848 : vector<16xf32> to vector<1x1x16xf32>
        tpu.vector_store %arg8[%parallel_loop3A_850, %parallel_loop3A_851, %parallel_loop3A_852], %parallel_loop3A_855 {add = true, strides = array<i32>} : memref<4x16x1024xf32, #tpu.memory_space<vmem>>, vector<1x1x16xf32>,
        %parallel_loop3A_856 = arith.constant 2 : i32
        %parallel_loop3A_857 = arith.index_cast %parallel_loop3A_856 : i32 to index
        %parallel_loop3A_858 = arith.index_cast %parallel_loop3A_302 : i32 to index
        %parallel_loop3A_859 = arith.constant 480 : index
        %parallel_loop3A_860 = tpu.vector_load %arg8[%parallel_loop3A_857, %parallel_loop3A_858, %parallel_loop3A_859] {strides = array<i32>} : memref<4x16x1024xf32, #tpu.memory_space<vmem>>, vector<1x1x16xf32>,
        %parallel_loop3A_861 = vector.shape_cast %parallel_loop3A_860 : vector<1x1x16xf32> to vector<16xf32>
        %parallel_loop3A_862 = vector.shape_cast %parallel_loop3A_848 : vector<16xf32> to vector<1x1x16xf32>
        tpu.vector_store %arg8[%parallel_loop3A_857, %parallel_loop3A_858, %parallel_loop3A_859], %parallel_loop3A_862 {add = true, strides = array<i32>} : memref<4x16x1024xf32, #tpu.memory_space<vmem>>, vector<1x1x16xf32>,
        %parallel_loop3A_863 = arith.index_cast %parallel_loop3A_304 : i32 to index
        %parallel_loop3A_864 = arith.constant 496 : index
        %parallel_loop3A_865 = tpu.vector_load %arg7[%parallel_loop3A_863, %parallel_loop3A_864] {strides = array<i32>} : memref<32x1024xf32, #tpu.memory_space<vmem>>, vector<1x16xf32>,
        %parallel_loop3A_866 = vector.shape_cast %parallel_loop3A_865 : vector<1x16xf32> to vector<16xf32>
        %parallel_loop3A_867 = arith.constant 0 : i32
        %parallel_loop3A_868 = arith.index_cast %parallel_loop3A_867 : i32 to index
        %parallel_loop3A_869 = arith.index_cast %parallel_loop3A_302 : i32 to index
        %parallel_loop3A_870 = arith.constant 496 : index
        %parallel_loop3A_871 = tpu.vector_load %arg8[%parallel_loop3A_868, %parallel_loop3A_869, %parallel_loop3A_870] {strides = array<i32>} : memref<4x16x1024xf32, #tpu.memory_space<vmem>>, vector<1x1x16xf32>,
        %parallel_loop3A_872 = vector.shape_cast %parallel_loop3A_871 : vector<1x1x16xf32> to vector<16xf32>
        %parallel_loop3A_873 = vector.shape_cast %parallel_loop3A_866 : vector<16xf32> to vector<1x1x16xf32>
        tpu.vector_store %arg8[%parallel_loop3A_868, %parallel_loop3A_869, %parallel_loop3A_870], %parallel_loop3A_873 {add = true, strides = array<i32>} : memref<4x16x1024xf32, #tpu.memory_space<vmem>>, vector<1x1x16xf32>,
        %parallel_loop3A_874 = arith.constant 2 : i32
        %parallel_loop3A_875 = arith.index_cast %parallel_loop3A_874 : i32 to index
        %parallel_loop3A_876 = arith.index_cast %parallel_loop3A_302 : i32 to index
        %parallel_loop3A_877 = arith.constant 496 : index
        %parallel_loop3A_878 = tpu.vector_load %arg8[%parallel_loop3A_875, %parallel_loop3A_876, %parallel_loop3A_877] {strides = array<i32>} : memref<4x16x1024xf32, #tpu.memory_space<vmem>>, vector<1x1x16xf32>,
        %parallel_loop3A_879 = vector.shape_cast %parallel_loop3A_878 : vector<1x1x16xf32> to vector<16xf32>
        %parallel_loop3A_880 = vector.shape_cast %parallel_loop3A_866 : vector<16xf32> to vector<1x1x16xf32>
        tpu.vector_store %arg8[%parallel_loop3A_875, %parallel_loop3A_876, %parallel_loop3A_877], %parallel_loop3A_880 {add = true, strides = array<i32>} : memref<4x16x1024xf32, #tpu.memory_space<vmem>>, vector<1x1x16xf32>,
        %parallel_loop3A_881 = arith.index_cast %parallel_loop3A_304 : i32 to index
        %parallel_loop3A_882 = arith.constant 512 : index
        %parallel_loop3A_883 = tpu.vector_load %arg7[%parallel_loop3A_881, %parallel_loop3A_882] {strides = array<i32>} : memref<32x1024xf32, #tpu.memory_space<vmem>>, vector<1x16xf32>,
        %parallel_loop3A_884 = vector.shape_cast %parallel_loop3A_883 : vector<1x16xf32> to vector<16xf32>
        %parallel_loop3A_885 = arith.constant 0 : i32
        %parallel_loop3A_886 = arith.index_cast %parallel_loop3A_885 : i32 to index
        %parallel_loop3A_887 = arith.index_cast %parallel_loop3A_302 : i32 to index
        %parallel_loop3A_888 = arith.constant 512 : index
        %parallel_loop3A_889 = tpu.vector_load %arg8[%parallel_loop3A_886, %parallel_loop3A_887, %parallel_loop3A_888] {strides = array<i32>} : memref<4x16x1024xf32, #tpu.memory_space<vmem>>, vector<1x1x16xf32>,
        %parallel_loop3A_890 = vector.shape_cast %parallel_loop3A_889 : vector<1x1x16xf32> to vector<16xf32>
        %parallel_loop3A_891 = vector.shape_cast %parallel_loop3A_884 : vector<16xf32> to vector<1x1x16xf32>
        tpu.vector_store %arg8[%parallel_loop3A_886, %parallel_loop3A_887, %parallel_loop3A_888], %parallel_loop3A_891 {add = true, strides = array<i32>} : memref<4x16x1024xf32, #tpu.memory_space<vmem>>, vector<1x1x16xf32>,
        %parallel_loop3A_892 = arith.constant 2 : i32
        %parallel_loop3A_893 = arith.index_cast %parallel_loop3A_892 : i32 to index
        %parallel_loop3A_894 = arith.index_cast %parallel_loop3A_302 : i32 to index
        %parallel_loop3A_895 = arith.constant 512 : index
        %parallel_loop3A_896 = tpu.vector_load %arg8[%parallel_loop3A_893, %parallel_loop3A_894, %parallel_loop3A_895] {strides = array<i32>} : memref<4x16x1024xf32, #tpu.memory_space<vmem>>, vector<1x1x16xf32>,
        %parallel_loop3A_897 = vector.shape_cast %parallel_loop3A_896 : vector<1x1x16xf32> to vector<16xf32>
        %parallel_loop3A_898 = vector.shape_cast %parallel_loop3A_884 : vector<16xf32> to vector<1x1x16xf32>
        tpu.vector_store %arg8[%parallel_loop3A_893, %parallel_loop3A_894, %parallel_loop3A_895], %parallel_loop3A_898 {add = true, strides = array<i32>} : memref<4x16x1024xf32, #tpu.memory_space<vmem>>, vector<1x1x16xf32>,
        %parallel_loop3A_899 = arith.index_cast %parallel_loop3A_304 : i32 to index
        %parallel_loop3A_900 = arith.constant 528 : index
        %parallel_loop3A_901 = tpu.vector_load %arg7[%parallel_loop3A_899, %parallel_loop3A_900] {strides = array<i32>} : memref<32x1024xf32, #tpu.memory_space<vmem>>, vector<1x16xf32>,
        %parallel_loop3A_902 = vector.shape_cast %parallel_loop3A_901 : vector<1x16xf32> to vector<16xf32>
        %parallel_loop3A_903 = arith.constant 0 : i32
        %parallel_loop3A_904 = arith.index_cast %parallel_loop3A_903 : i32 to index
        %parallel_loop3A_905 = arith.index_cast %parallel_loop3A_302 : i32 to index
        %parallel_loop3A_906 = arith.constant 528 : index
        %parallel_loop3A_907 = tpu.vector_load %arg8[%parallel_loop3A_904, %parallel_loop3A_905, %parallel_loop3A_906] {strides = array<i32>} : memref<4x16x1024xf32, #tpu.memory_space<vmem>>, vector<1x1x16xf32>,
        %parallel_loop3A_908 = vector.shape_cast %parallel_loop3A_907 : vector<1x1x16xf32> to vector<16xf32>
        %parallel_loop3A_909 = vector.shape_cast %parallel_loop3A_902 : vector<16xf32> to vector<1x1x16xf32>
        tpu.vector_store %arg8[%parallel_loop3A_904, %parallel_loop3A_905, %parallel_loop3A_906], %parallel_loop3A_909 {add = true, strides = array<i32>} : memref<4x16x1024xf32, #tpu.memory_space<vmem>>, vector<1x1x16xf32>,
        %parallel_loop3A_910 = arith.constant 2 : i32
        %parallel_loop3A_911 = arith.index_cast %parallel_loop3A_910 : i32 to index
        %parallel_loop3A_912 = arith.index_cast %parallel_loop3A_302 : i32 to index
        %parallel_loop3A_913 = arith.constant 528 : index
        %parallel_loop3A_914 = tpu.vector_load %arg8[%parallel_loop3A_911, %parallel_loop3A_912, %parallel_loop3A_913] {strides = array<i32>} : memref<4x16x1024xf32, #tpu.memory_space<vmem>>, vector<1x1x16xf32>,
        %parallel_loop3A_915 = vector.shape_cast %parallel_loop3A_914 : vector<1x1x16xf32> to vector<16xf32>
        %parallel_loop3A_916 = vector.shape_cast %parallel_loop3A_902 : vector<16xf32> to vector<1x1x16xf32>
        tpu.vector_store %arg8[%parallel_loop3A_911, %parallel_loop3A_912, %parallel_loop3A_913], %parallel_loop3A_916 {add = true, strides = array<i32>} : memref<4x16x1024xf32, #tpu.memory_space<vmem>>, vector<1x1x16xf32>,
        %parallel_loop3A_917 = arith.index_cast %parallel_loop3A_304 : i32 to index
        %parallel_loop3A_918 = arith.constant 544 : index
        %parallel_loop3A_919 = tpu.vector_load %arg7[%parallel_loop3A_917, %parallel_loop3A_918] {strides = array<i32>} : memref<32x1024xf32, #tpu.memory_space<vmem>>, vector<1x16xf32>,
        %parallel_loop3A_920 = vector.shape_cast %parallel_loop3A_919 : vector<1x16xf32> to vector<16xf32>
        %parallel_loop3A_921 = arith.constant 0 : i32
        %parallel_loop3A_922 = arith.index_cast %parallel_loop3A_921 : i32 to index
        %parallel_loop3A_923 = arith.index_cast %parallel_loop3A_302 : i32 to index
        %parallel_loop3A_924 = arith.constant 544 : index
        %parallel_loop3A_925 = tpu.vector_load %arg8[%parallel_loop3A_922, %parallel_loop3A_923, %parallel_loop3A_924] {strides = array<i32>} : memref<4x16x1024xf32, #tpu.memory_space<vmem>>, vector<1x1x16xf32>,
        %parallel_loop3A_926 = vector.shape_cast %parallel_loop3A_925 : vector<1x1x16xf32> to vector<16xf32>
        %parallel_loop3A_927 = vector.shape_cast %parallel_loop3A_920 : vector<16xf32> to vector<1x1x16xf32>
        tpu.vector_store %arg8[%parallel_loop3A_922, %parallel_loop3A_923, %parallel_loop3A_924], %parallel_loop3A_927 {add = true, strides = array<i32>} : memref<4x16x1024xf32, #tpu.memory_space<vmem>>, vector<1x1x16xf32>,
        %parallel_loop3A_928 = arith.constant 2 : i32
        %parallel_loop3A_929 = arith.index_cast %parallel_loop3A_928 : i32 to index
        %parallel_loop3A_930 = arith.index_cast %parallel_loop3A_302 : i32 to index
        %parallel_loop3A_931 = arith.constant 544 : index
        %parallel_loop3A_932 = tpu.vector_load %arg8[%parallel_loop3A_929, %parallel_loop3A_930, %parallel_loop3A_931] {strides = array<i32>} : memref<4x16x1024xf32, #tpu.memory_space<vmem>>, vector<1x1x16xf32>,
        %parallel_loop3A_933 = vector.shape_cast %parallel_loop3A_932 : vector<1x1x16xf32> to vector<16xf32>
        %parallel_loop3A_934 = vector.shape_cast %parallel_loop3A_920 : vector<16xf32> to vector<1x1x16xf32>
        tpu.vector_store %arg8[%parallel_loop3A_929, %parallel_loop3A_930, %parallel_loop3A_931], %parallel_loop3A_934 {add = true, strides = array<i32>} : memref<4x16x1024xf32, #tpu.memory_space<vmem>>, vector<1x1x16xf32>,
        %parallel_loop3A_935 = arith.index_cast %parallel_loop3A_304 : i32 to index
        %parallel_loop3A_936 = arith.constant 560 : index
        %parallel_loop3A_937 = tpu.vector_load %arg7[%parallel_loop3A_935, %parallel_loop3A_936] {strides = array<i32>} : memref<32x1024xf32, #tpu.memory_space<vmem>>, vector<1x16xf32>,
        %parallel_loop3A_938 = vector.shape_cast %parallel_loop3A_937 : vector<1x16xf32> to vector<16xf32>
        %parallel_loop3A_939 = arith.constant 0 : i32
        %parallel_loop3A_940 = arith.index_cast %parallel_loop3A_939 : i32 to index
        %parallel_loop3A_941 = arith.index_cast %parallel_loop3A_302 : i32 to index
        %parallel_loop3A_942 = arith.constant 560 : index
        %parallel_loop3A_943 = tpu.vector_load %arg8[%parallel_loop3A_940, %parallel_loop3A_941, %parallel_loop3A_942] {strides = array<i32>} : memref<4x16x1024xf32, #tpu.memory_space<vmem>>, vector<1x1x16xf32>,
        %parallel_loop3A_944 = vector.shape_cast %parallel_loop3A_943 : vector<1x1x16xf32> to vector<16xf32>
        %parallel_loop3A_945 = vector.shape_cast %parallel_loop3A_938 : vector<16xf32> to vector<1x1x16xf32>
        tpu.vector_store %arg8[%parallel_loop3A_940, %parallel_loop3A_941, %parallel_loop3A_942], %parallel_loop3A_945 {add = true, strides = array<i32>} : memref<4x16x1024xf32, #tpu.memory_space<vmem>>, vector<1x1x16xf32>,
        %parallel_loop3A_946 = arith.constant 2 : i32
        %parallel_loop3A_947 = arith.index_cast %parallel_loop3A_946 : i32 to index
        %parallel_loop3A_948 = arith.index_cast %parallel_loop3A_302 : i32 to index
        %parallel_loop3A_949 = arith.constant 560 : index
        %parallel_loop3A_950 = tpu.vector_load %arg8[%parallel_loop3A_947, %parallel_loop3A_948, %parallel_loop3A_949] {strides = array<i32>} : memref<4x16x1024xf32, #tpu.memory_space<vmem>>, vector<1x1x16xf32>,
        %parallel_loop3A_951 = vector.shape_cast %parallel_loop3A_950 : vector<1x1x16xf32> to vector<16xf32>
        %parallel_loop3A_952 = vector.shape_cast %parallel_loop3A_938 : vector<16xf32> to vector<1x1x16xf32>
        tpu.vector_store %arg8[%parallel_loop3A_947, %parallel_loop3A_948, %parallel_loop3A_949], %parallel_loop3A_952 {add = true, strides = array<i32>} : memref<4x16x1024xf32, #tpu.memory_space<vmem>>, vector<1x1x16xf32>,
        %parallel_loop3A_953 = arith.index_cast %parallel_loop3A_304 : i32 to index
        %parallel_loop3A_954 = arith.constant 576 : index
        %parallel_loop3A_955 = tpu.vector_load %arg7[%parallel_loop3A_953, %parallel_loop3A_954] {strides = array<i32>} : memref<32x1024xf32, #tpu.memory_space<vmem>>, vector<1x16xf32>,
        %parallel_loop3A_956 = vector.shape_cast %parallel_loop3A_955 : vector<1x16xf32> to vector<16xf32>
        %parallel_loop3A_957 = arith.constant 0 : i32
        %parallel_loop3A_958 = arith.index_cast %parallel_loop3A_957 : i32 to index
        %parallel_loop3A_959 = arith.index_cast %parallel_loop3A_302 : i32 to index
        %parallel_loop3A_960 = arith.constant 576 : index
        %parallel_loop3A_961 = tpu.vector_load %arg8[%parallel_loop3A_958, %parallel_loop3A_959, %parallel_loop3A_960] {strides = array<i32>} : memref<4x16x1024xf32, #tpu.memory_space<vmem>>, vector<1x1x16xf32>,
        %parallel_loop3A_962 = vector.shape_cast %parallel_loop3A_961 : vector<1x1x16xf32> to vector<16xf32>
        %parallel_loop3A_963 = vector.shape_cast %parallel_loop3A_956 : vector<16xf32> to vector<1x1x16xf32>
        tpu.vector_store %arg8[%parallel_loop3A_958, %parallel_loop3A_959, %parallel_loop3A_960], %parallel_loop3A_963 {add = true, strides = array<i32>} : memref<4x16x1024xf32, #tpu.memory_space<vmem>>, vector<1x1x16xf32>,
        %parallel_loop3A_964 = arith.constant 2 : i32
        %parallel_loop3A_965 = arith.index_cast %parallel_loop3A_964 : i32 to index
        %parallel_loop3A_966 = arith.index_cast %parallel_loop3A_302 : i32 to index
        %parallel_loop3A_967 = arith.constant 576 : index
        %parallel_loop3A_968 = tpu.vector_load %arg8[%parallel_loop3A_965, %parallel_loop3A_966, %parallel_loop3A_967] {strides = array<i32>} : memref<4x16x1024xf32, #tpu.memory_space<vmem>>, vector<1x1x16xf32>,
        %parallel_loop3A_969 = vector.shape_cast %parallel_loop3A_968 : vector<1x1x16xf32> to vector<16xf32>
        %parallel_loop3A_970 = vector.shape_cast %parallel_loop3A_956 : vector<16xf32> to vector<1x1x16xf32>
        tpu.vector_store %arg8[%parallel_loop3A_965, %parallel_loop3A_966, %parallel_loop3A_967], %parallel_loop3A_970 {add = true, strides = array<i32>} : memref<4x16x1024xf32, #tpu.memory_space<vmem>>, vector<1x1x16xf32>,
        %parallel_loop3A_971 = arith.index_cast %parallel_loop3A_304 : i32 to index
        %parallel_loop3A_972 = arith.constant 592 : index
        %parallel_loop3A_973 = tpu.vector_load %arg7[%parallel_loop3A_971, %parallel_loop3A_972] {strides = array<i32>} : memref<32x1024xf32, #tpu.memory_space<vmem>>, vector<1x16xf32>,
        %parallel_loop3A_974 = vector.shape_cast %parallel_loop3A_973 : vector<1x16xf32> to vector<16xf32>
        %parallel_loop3A_975 = arith.constant 0 : i32
        %parallel_loop3A_976 = arith.index_cast %parallel_loop3A_975 : i32 to index
        %parallel_loop3A_977 = arith.index_cast %parallel_loop3A_302 : i32 to index
        %parallel_loop3A_978 = arith.constant 592 : index
        %parallel_loop3A_979 = tpu.vector_load %arg8[%parallel_loop3A_976, %parallel_loop3A_977, %parallel_loop3A_978] {strides = array<i32>} : memref<4x16x1024xf32, #tpu.memory_space<vmem>>, vector<1x1x16xf32>,
        %parallel_loop3A_980 = vector.shape_cast %parallel_loop3A_979 : vector<1x1x16xf32> to vector<16xf32>
        %parallel_loop3A_981 = vector.shape_cast %parallel_loop3A_974 : vector<16xf32> to vector<1x1x16xf32>
        tpu.vector_store %arg8[%parallel_loop3A_976, %parallel_loop3A_977, %parallel_loop3A_978], %parallel_loop3A_981 {add = true, strides = array<i32>} : memref<4x16x1024xf32, #tpu.memory_space<vmem>>, vector<1x1x16xf32>,
        %parallel_loop3A_982 = arith.constant 2 : i32
        %parallel_loop3A_983 = arith.index_cast %parallel_loop3A_982 : i32 to index
        %parallel_loop3A_984 = arith.index_cast %parallel_loop3A_302 : i32 to index
        %parallel_loop3A_985 = arith.constant 592 : index
        %parallel_loop3A_986 = tpu.vector_load %arg8[%parallel_loop3A_983, %parallel_loop3A_984, %parallel_loop3A_985] {strides = array<i32>} : memref<4x16x1024xf32, #tpu.memory_space<vmem>>, vector<1x1x16xf32>,
        %parallel_loop3A_987 = vector.shape_cast %parallel_loop3A_986 : vector<1x1x16xf32> to vector<16xf32>
        %parallel_loop3A_988 = vector.shape_cast %parallel_loop3A_974 : vector<16xf32> to vector<1x1x16xf32>
        tpu.vector_store %arg8[%parallel_loop3A_983, %parallel_loop3A_984, %parallel_loop3A_985], %parallel_loop3A_988 {add = true, strides = array<i32>} : memref<4x16x1024xf32, #tpu.memory_space<vmem>>, vector<1x1x16xf32>,
        %parallel_loop3A_989 = arith.index_cast %parallel_loop3A_304 : i32 to index
        %parallel_loop3A_990 = arith.constant 608 : index
        %parallel_loop3A_991 = tpu.vector_load %arg7[%parallel_loop3A_989, %parallel_loop3A_990] {strides = array<i32>} : memref<32x1024xf32, #tpu.memory_space<vmem>>, vector<1x16xf32>,
        %parallel_loop3A_992 = vector.shape_cast %parallel_loop3A_991 : vector<1x16xf32> to vector<16xf32>
        %parallel_loop3A_993 = arith.constant 0 : i32
        %parallel_loop3A_994 = arith.index_cast %parallel_loop3A_993 : i32 to index
        %parallel_loop3A_995 = arith.index_cast %parallel_loop3A_302 : i32 to index
        %parallel_loop3A_996 = arith.constant 608 : index
        %parallel_loop3A_997 = tpu.vector_load %arg8[%parallel_loop3A_994, %parallel_loop3A_995, %parallel_loop3A_996] {strides = array<i32>} : memref<4x16x1024xf32, #tpu.memory_space<vmem>>, vector<1x1x16xf32>,
        %parallel_loop3A_998 = vector.shape_cast %parallel_loop3A_997 : vector<1x1x16xf32> to vector<16xf32>
        %parallel_loop3A_999 = vector.shape_cast %parallel_loop3A_992 : vector<16xf32> to vector<1x1x16xf32>
        tpu.vector_store %arg8[%parallel_loop3A_994, %parallel_loop3A_995, %parallel_loop3A_996], %parallel_loop3A_999 {add = true, strides = array<i32>} : memref<4x16x1024xf32, #tpu.memory_space<vmem>>, vector<1x1x16xf32>,
        %parallel_loop3A_1000 = arith.constant 2 : i32
        %parallel_loop3A_1001 = arith.index_cast %parallel_loop3A_1000 : i32 to index
        %parallel_loop3A_1002 = arith.index_cast %parallel_loop3A_302 : i32 to index
        %parallel_loop3A_1003 = arith.constant 608 : index
        %parallel_loop3A_1004 = tpu.vector_load %arg8[%parallel_loop3A_1001, %parallel_loop3A_1002, %parallel_loop3A_1003] {strides = array<i32>} : memref<4x16x1024xf32, #tpu.memory_space<vmem>>, vector<1x1x16xf32>,
        %parallel_loop3A_1005 = vector.shape_cast %parallel_loop3A_1004 : vector<1x1x16xf32> to vector<16xf32>
        %parallel_loop3A_1006 = vector.shape_cast %parallel_loop3A_992 : vector<16xf32> to vector<1x1x16xf32>
        tpu.vector_store %arg8[%parallel_loop3A_1001, %parallel_loop3A_1002, %parallel_loop3A_1003], %parallel_loop3A_1006 {add = true, strides = array<i32>} : memref<4x16x1024xf32, #tpu.memory_space<vmem>>, vector<1x1x16xf32>,
        %parallel_loop3A_1007 = arith.index_cast %parallel_loop3A_304 : i32 to index
        %parallel_loop3A_1008 = arith.constant 624 : index
        %parallel_loop3A_1009 = tpu.vector_load %arg7[%parallel_loop3A_1007, %parallel_loop3A_1008] {strides = array<i32>} : memref<32x1024xf32, #tpu.memory_space<vmem>>, vector<1x16xf32>,
        %parallel_loop3A_1010 = vector.shape_cast %parallel_loop3A_1009 : vector<1x16xf32> to vector<16xf32>
        %parallel_loop3A_1011 = arith.constant 0 : i32
        %parallel_loop3A_1012 = arith.index_cast %parallel_loop3A_1011 : i32 to index
        %parallel_loop3A_1013 = arith.index_cast %parallel_loop3A_302 : i32 to index
        %parallel_loop3A_1014 = arith.constant 624 : index
        %parallel_loop3A_1015 = tpu.vector_load %arg8[%parallel_loop3A_1012, %parallel_loop3A_1013, %parallel_loop3A_1014] {strides = array<i32>} : memref<4x16x1024xf32, #tpu.memory_space<vmem>>, vector<1x1x16xf32>,
        %parallel_loop3A_1016 = vector.shape_cast %parallel_loop3A_1015 : vector<1x1x16xf32> to vector<16xf32>
        %parallel_loop3A_1017 = vector.shape_cast %parallel_loop3A_1010 : vector<16xf32> to vector<1x1x16xf32>
        tpu.vector_store %arg8[%parallel_loop3A_1012, %parallel_loop3A_1013, %parallel_loop3A_1014], %parallel_loop3A_1017 {add = true, strides = array<i32>} : memref<4x16x1024xf32, #tpu.memory_space<vmem>>, vector<1x1x16xf32>,
        %parallel_loop3A_1018 = arith.constant 2 : i32
        %parallel_loop3A_1019 = arith.index_cast %parallel_loop3A_1018 : i32 to index
        %parallel_loop3A_1020 = arith.index_cast %parallel_loop3A_302 : i32 to index
        %parallel_loop3A_1021 = arith.constant 624 : index
        %parallel_loop3A_1022 = tpu.vector_load %arg8[%parallel_loop3A_1019, %parallel_loop3A_1020, %parallel_loop3A_1021] {strides = array<i32>} : memref<4x16x1024xf32, #tpu.memory_space<vmem>>, vector<1x1x16xf32>,
        %parallel_loop3A_1023 = vector.shape_cast %parallel_loop3A_1022 : vector<1x1x16xf32> to vector<16xf32>
        %parallel_loop3A_1024 = vector.shape_cast %parallel_loop3A_1010 : vector<16xf32> to vector<1x1x16xf32>
        tpu.vector_store %arg8[%parallel_loop3A_1019, %parallel_loop3A_1020, %parallel_loop3A_1021], %parallel_loop3A_1024 {add = true, strides = array<i32>} : memref<4x16x1024xf32, #tpu.memory_space<vmem>>, vector<1x1x16xf32>,
        %parallel_loop3A_1025 = arith.index_cast %parallel_loop3A_304 : i32 to index
        %parallel_loop3A_1026 = arith.constant 640 : index
        %parallel_loop3A_1027 = tpu.vector_load %arg7[%parallel_loop3A_1025, %parallel_loop3A_1026] {strides = array<i32>} : memref<32x1024xf32, #tpu.memory_space<vmem>>, vector<1x16xf32>,
        %parallel_loop3A_1028 = vector.shape_cast %parallel_loop3A_1027 : vector<1x16xf32> to vector<16xf32>
        %parallel_loop3A_1029 = arith.constant 0 : i32
        %parallel_loop3A_1030 = arith.index_cast %parallel_loop3A_1029 : i32 to index
        %parallel_loop3A_1031 = arith.index_cast %parallel_loop3A_302 : i32 to index
        %parallel_loop3A_1032 = arith.constant 640 : index
        %parallel_loop3A_1033 = tpu.vector_load %arg8[%parallel_loop3A_1030, %parallel_loop3A_1031, %parallel_loop3A_1032] {strides = array<i32>} : memref<4x16x1024xf32, #tpu.memory_space<vmem>>, vector<1x1x16xf32>,
        %parallel_loop3A_1034 = vector.shape_cast %parallel_loop3A_1033 : vector<1x1x16xf32> to vector<16xf32>
        %parallel_loop3A_1035 = vector.shape_cast %parallel_loop3A_1028 : vector<16xf32> to vector<1x1x16xf32>
        tpu.vector_store %arg8[%parallel_loop3A_1030, %parallel_loop3A_1031, %parallel_loop3A_1032], %parallel_loop3A_1035 {add = true, strides = array<i32>} : memref<4x16x1024xf32, #tpu.memory_space<vmem>>, vector<1x1x16xf32>,
        %parallel_loop3A_1036 = arith.constant 2 : i32
        %parallel_loop3A_1037 = arith.index_cast %parallel_loop3A_1036 : i32 to index
        %parallel_loop3A_1038 = arith.index_cast %parallel_loop3A_302 : i32 to index
        %parallel_loop3A_1039 = arith.constant 640 : index
        %parallel_loop3A_1040 = tpu.vector_load %arg8[%parallel_loop3A_1037, %parallel_loop3A_1038, %parallel_loop3A_1039] {strides = array<i32>} : memref<4x16x1024xf32, #tpu.memory_space<vmem>>, vector<1x1x16xf32>,
        %parallel_loop3A_1041 = vector.shape_cast %parallel_loop3A_1040 : vector<1x1x16xf32> to vector<16xf32>
        %parallel_loop3A_1042 = vector.shape_cast %parallel_loop3A_1028 : vector<16xf32> to vector<1x1x16xf32>
        tpu.vector_store %arg8[%parallel_loop3A_1037, %parallel_loop3A_1038, %parallel_loop3A_1039], %parallel_loop3A_1042 {add = true, strides = array<i32>} : memref<4x16x1024xf32, #tpu.memory_space<vmem>>, vector<1x1x16xf32>,
        %parallel_loop3A_1043 = arith.index_cast %parallel_loop3A_304 : i32 to index
        %parallel_loop3A_1044 = arith.constant 656 : index
        %parallel_loop3A_1045 = tpu.vector_load %arg7[%parallel_loop3A_1043, %parallel_loop3A_1044] {strides = array<i32>} : memref<32x1024xf32, #tpu.memory_space<vmem>>, vector<1x16xf32>,
        %parallel_loop3A_1046 = vector.shape_cast %parallel_loop3A_1045 : vector<1x16xf32> to vector<16xf32>
        %parallel_loop3A_1047 = arith.constant 0 : i32
        %parallel_loop3A_1048 = arith.index_cast %parallel_loop3A_1047 : i32 to index
        %parallel_loop3A_1049 = arith.index_cast %parallel_loop3A_302 : i32 to index
        %parallel_loop3A_1050 = arith.constant 656 : index
        %parallel_loop3A_1051 = tpu.vector_load %arg8[%parallel_loop3A_1048, %parallel_loop3A_1049, %parallel_loop3A_1050] {strides = array<i32>} : memref<4x16x1024xf32, #tpu.memory_space<vmem>>, vector<1x1x16xf32>,
        %parallel_loop3A_1052 = vector.shape_cast %parallel_loop3A_1051 : vector<1x1x16xf32> to vector<16xf32>
        %parallel_loop3A_1053 = vector.shape_cast %parallel_loop3A_1046 : vector<16xf32> to vector<1x1x16xf32>
        tpu.vector_store %arg8[%parallel_loop3A_1048, %parallel_loop3A_1049, %parallel_loop3A_1050], %parallel_loop3A_1053 {add = true, strides = array<i32>} : memref<4x16x1024xf32, #tpu.memory_space<vmem>>, vector<1x1x16xf32>,
        %parallel_loop3A_1054 = arith.constant 2 : i32
        %parallel_loop3A_1055 = arith.index_cast %parallel_loop3A_1054 : i32 to index
        %parallel_loop3A_1056 = arith.index_cast %parallel_loop3A_302 : i32 to index
        %parallel_loop3A_1057 = arith.constant 656 : index
        %parallel_loop3A_1058 = tpu.vector_load %arg8[%parallel_loop3A_1055, %parallel_loop3A_1056, %parallel_loop3A_1057] {strides = array<i32>} : memref<4x16x1024xf32, #tpu.memory_space<vmem>>, vector<1x1x16xf32>,
        %parallel_loop3A_1059 = vector.shape_cast %parallel_loop3A_1058 : vector<1x1x16xf32> to vector<16xf32>
        %parallel_loop3A_1060 = vector.shape_cast %parallel_loop3A_1046 : vector<16xf32> to vector<1x1x16xf32>
        tpu.vector_store %arg8[%parallel_loop3A_1055, %parallel_loop3A_1056, %parallel_loop3A_1057], %parallel_loop3A_1060 {add = true, strides = array<i32>} : memref<4x16x1024xf32, #tpu.memory_space<vmem>>, vector<1x1x16xf32>,
        %parallel_loop3A_1061 = arith.index_cast %parallel_loop3A_304 : i32 to index
        %parallel_loop3A_1062 = arith.constant 672 : index
        %parallel_loop3A_1063 = tpu.vector_load %arg7[%parallel_loop3A_1061, %parallel_loop3A_1062] {strides = array<i32>} : memref<32x1024xf32, #tpu.memory_space<vmem>>, vector<1x16xf32>,
        %parallel_loop3A_1064 = vector.shape_cast %parallel_loop3A_1063 : vector<1x16xf32> to vector<16xf32>
        %parallel_loop3A_1065 = arith.constant 0 : i32
        %parallel_loop3A_1066 = arith.index_cast %parallel_loop3A_1065 : i32 to index
        %parallel_loop3A_1067 = arith.index_cast %parallel_loop3A_302 : i32 to index
        %parallel_loop3A_1068 = arith.constant 672 : index
        %parallel_loop3A_1069 = tpu.vector_load %arg8[%parallel_loop3A_1066, %parallel_loop3A_1067, %parallel_loop3A_1068] {strides = array<i32>} : memref<4x16x1024xf32, #tpu.memory_space<vmem>>, vector<1x1x16xf32>,
        %parallel_loop3A_1070 = vector.shape_cast %parallel_loop3A_1069 : vector<1x1x16xf32> to vector<16xf32>
        %parallel_loop3A_1071 = vector.shape_cast %parallel_loop3A_1064 : vector<16xf32> to vector<1x1x16xf32>
        tpu.vector_store %arg8[%parallel_loop3A_1066, %parallel_loop3A_1067, %parallel_loop3A_1068], %parallel_loop3A_1071 {add = true, strides = array<i32>} : memref<4x16x1024xf32, #tpu.memory_space<vmem>>, vector<1x1x16xf32>,
        %parallel_loop3A_1072 = arith.constant 2 : i32
        %parallel_loop3A_1073 = arith.index_cast %parallel_loop3A_1072 : i32 to index
        %parallel_loop3A_1074 = arith.index_cast %parallel_loop3A_302 : i32 to index
        %parallel_loop3A_1075 = arith.constant 672 : index
        %parallel_loop3A_1076 = tpu.vector_load %arg8[%parallel_loop3A_1073, %parallel_loop3A_1074, %parallel_loop3A_1075] {strides = array<i32>} : memref<4x16x1024xf32, #tpu.memory_space<vmem>>, vector<1x1x16xf32>,
        %parallel_loop3A_1077 = vector.shape_cast %parallel_loop3A_1076 : vector<1x1x16xf32> to vector<16xf32>
        %parallel_loop3A_1078 = vector.shape_cast %parallel_loop3A_1064 : vector<16xf32> to vector<1x1x16xf32>
        tpu.vector_store %arg8[%parallel_loop3A_1073, %parallel_loop3A_1074, %parallel_loop3A_1075], %parallel_loop3A_1078 {add = true, strides = array<i32>} : memref<4x16x1024xf32, #tpu.memory_space<vmem>>, vector<1x1x16xf32>,
        %parallel_loop3A_1079 = arith.index_cast %parallel_loop3A_304 : i32 to index
        %parallel_loop3A_1080 = arith.constant 688 : index
        %parallel_loop3A_1081 = tpu.vector_load %arg7[%parallel_loop3A_1079, %parallel_loop3A_1080] {strides = array<i32>} : memref<32x1024xf32, #tpu.memory_space<vmem>>, vector<1x16xf32>,
        %parallel_loop3A_1082 = vector.shape_cast %parallel_loop3A_1081 : vector<1x16xf32> to vector<16xf32>
        %parallel_loop3A_1083 = arith.constant 0 : i32
        %parallel_loop3A_1084 = arith.index_cast %parallel_loop3A_1083 : i32 to index
        %parallel_loop3A_1085 = arith.index_cast %parallel_loop3A_302 : i32 to index
        %parallel_loop3A_1086 = arith.constant 688 : index
        %parallel_loop3A_1087 = tpu.vector_load %arg8[%parallel_loop3A_1084, %parallel_loop3A_1085, %parallel_loop3A_1086] {strides = array<i32>} : memref<4x16x1024xf32, #tpu.memory_space<vmem>>, vector<1x1x16xf32>,
        %parallel_loop3A_1088 = vector.shape_cast %parallel_loop3A_1087 : vector<1x1x16xf32> to vector<16xf32>
        %parallel_loop3A_1089 = vector.shape_cast %parallel_loop3A_1082 : vector<16xf32> to vector<1x1x16xf32>
        tpu.vector_store %arg8[%parallel_loop3A_1084, %parallel_loop3A_1085, %parallel_loop3A_1086], %parallel_loop3A_1089 {add = true, strides = array<i32>} : memref<4x16x1024xf32, #tpu.memory_space<vmem>>, vector<1x1x16xf32>,
        %parallel_loop3A_1090 = arith.constant 2 : i32
        %parallel_loop3A_1091 = arith.index_cast %parallel_loop3A_1090 : i32 to index
        %parallel_loop3A_1092 = arith.index_cast %parallel_loop3A_302 : i32 to index
        %parallel_loop3A_1093 = arith.constant 688 : index
        %parallel_loop3A_1094 = tpu.vector_load %arg8[%parallel_loop3A_1091, %parallel_loop3A_1092, %parallel_loop3A_1093] {strides = array<i32>} : memref<4x16x1024xf32, #tpu.memory_space<vmem>>, vector<1x1x16xf32>,
        %parallel_loop3A_1095 = vector.shape_cast %parallel_loop3A_1094 : vector<1x1x16xf32> to vector<16xf32>
        %parallel_loop3A_1096 = vector.shape_cast %parallel_loop3A_1082 : vector<16xf32> to vector<1x1x16xf32>
        tpu.vector_store %arg8[%parallel_loop3A_1091, %parallel_loop3A_1092, %parallel_loop3A_1093], %parallel_loop3A_1096 {add = true, strides = array<i32>} : memref<4x16x1024xf32, #tpu.memory_space<vmem>>, vector<1x1x16xf32>,
        %parallel_loop3A_1097 = arith.index_cast %parallel_loop3A_304 : i32 to index
        %parallel_loop3A_1098 = arith.constant 704 : index
        %parallel_loop3A_1099 = tpu.vector_load %arg7[%parallel_loop3A_1097, %parallel_loop3A_1098] {strides = array<i32>} : memref<32x1024xf32, #tpu.memory_space<vmem>>, vector<1x16xf32>,
        %parallel_loop3A_1100 = vector.shape_cast %parallel_loop3A_1099 : vector<1x16xf32> to vector<16xf32>
        %parallel_loop3A_1101 = arith.constant 0 : i32
        %parallel_loop3A_1102 = arith.index_cast %parallel_loop3A_1101 : i32 to index
        %parallel_loop3A_1103 = arith.index_cast %parallel_loop3A_302 : i32 to index
        %parallel_loop3A_1104 = arith.constant 704 : index
        %parallel_loop3A_1105 = tpu.vector_load %arg8[%parallel_loop3A_1102, %parallel_loop3A_1103, %parallel_loop3A_1104] {strides = array<i32>} : memref<4x16x1024xf32, #tpu.memory_space<vmem>>, vector<1x1x16xf32>,
        %parallel_loop3A_1106 = vector.shape_cast %parallel_loop3A_1105 : vector<1x1x16xf32> to vector<16xf32>
        %parallel_loop3A_1107 = vector.shape_cast %parallel_loop3A_1100 : vector<16xf32> to vector<1x1x16xf32>
        tpu.vector_store %arg8[%parallel_loop3A_1102, %parallel_loop3A_1103, %parallel_loop3A_1104], %parallel_loop3A_1107 {add = true, strides = array<i32>} : memref<4x16x1024xf32, #tpu.memory_space<vmem>>, vector<1x1x16xf32>,
        %parallel_loop3A_1108 = arith.constant 2 : i32
        %parallel_loop3A_1109 = arith.index_cast %parallel_loop3A_1108 : i32 to index
        %parallel_loop3A_1110 = arith.index_cast %parallel_loop3A_302 : i32 to index
        %parallel_loop3A_1111 = arith.constant 704 : index
        %parallel_loop3A_1112 = tpu.vector_load %arg8[%parallel_loop3A_1109, %parallel_loop3A_1110, %parallel_loop3A_1111] {strides = array<i32>} : memref<4x16x1024xf32, #tpu.memory_space<vmem>>, vector<1x1x16xf32>,
        %parallel_loop3A_1113 = vector.shape_cast %parallel_loop3A_1112 : vector<1x1x16xf32> to vector<16xf32>
        %parallel_loop3A_1114 = vector.shape_cast %parallel_loop3A_1100 : vector<16xf32> to vector<1x1x16xf32>
        tpu.vector_store %arg8[%parallel_loop3A_1109, %parallel_loop3A_1110, %parallel_loop3A_1111], %parallel_loop3A_1114 {add = true, strides = array<i32>} : memref<4x16x1024xf32, #tpu.memory_space<vmem>>, vector<1x1x16xf32>,
        %parallel_loop3A_1115 = arith.index_cast %parallel_loop3A_304 : i32 to index
        %parallel_loop3A_1116 = arith.constant 720 : index
        %parallel_loop3A_1117 = tpu.vector_load %arg7[%parallel_loop3A_1115, %parallel_loop3A_1116] {strides = array<i32>} : memref<32x1024xf32, #tpu.memory_space<vmem>>, vector<1x16xf32>,
        %parallel_loop3A_1118 = vector.shape_cast %parallel_loop3A_1117 : vector<1x16xf32> to vector<16xf32>
        %parallel_loop3A_1119 = arith.constant 0 : i32
        %parallel_loop3A_1120 = arith.index_cast %parallel_loop3A_1119 : i32 to index
        %parallel_loop3A_1121 = arith.index_cast %parallel_loop3A_302 : i32 to index
        %parallel_loop3A_1122 = arith.constant 720 : index
        %parallel_loop3A_1123 = tpu.vector_load %arg8[%parallel_loop3A_1120, %parallel_loop3A_1121, %parallel_loop3A_1122] {strides = array<i32>} : memref<4x16x1024xf32, #tpu.memory_space<vmem>>, vector<1x1x16xf32>,
        %parallel_loop3A_1124 = vector.shape_cast %parallel_loop3A_1123 : vector<1x1x16xf32> to vector<16xf32>
        %parallel_loop3A_1125 = vector.shape_cast %parallel_loop3A_1118 : vector<16xf32> to vector<1x1x16xf32>
        tpu.vector_store %arg8[%parallel_loop3A_1120, %parallel_loop3A_1121, %parallel_loop3A_1122], %parallel_loop3A_1125 {add = true, strides = array<i32>} : memref<4x16x1024xf32, #tpu.memory_space<vmem>>, vector<1x1x16xf32>,
        %parallel_loop3A_1126 = arith.constant 2 : i32
        %parallel_loop3A_1127 = arith.index_cast %parallel_loop3A_1126 : i32 to index
        %parallel_loop3A_1128 = arith.index_cast %parallel_loop3A_302 : i32 to index
        %parallel_loop3A_1129 = arith.constant 720 : index
        %parallel_loop3A_1130 = tpu.vector_load %arg8[%parallel_loop3A_1127, %parallel_loop3A_1128, %parallel_loop3A_1129] {strides = array<i32>} : memref<4x16x1024xf32, #tpu.memory_space<vmem>>, vector<1x1x16xf32>,
        %parallel_loop3A_1131 = vector.shape_cast %parallel_loop3A_1130 : vector<1x1x16xf32> to vector<16xf32>
        %parallel_loop3A_1132 = vector.shape_cast %parallel_loop3A_1118 : vector<16xf32> to vector<1x1x16xf32>
        tpu.vector_store %arg8[%parallel_loop3A_1127, %parallel_loop3A_1128, %parallel_loop3A_1129], %parallel_loop3A_1132 {add = true, strides = array<i32>} : memref<4x16x1024xf32, #tpu.memory_space<vmem>>, vector<1x1x16xf32>,
        %parallel_loop3A_1133 = arith.index_cast %parallel_loop3A_304 : i32 to index
        %parallel_loop3A_1134 = arith.constant 736 : index
        %parallel_loop3A_1135 = tpu.vector_load %arg7[%parallel_loop3A_1133, %parallel_loop3A_1134] {strides = array<i32>} : memref<32x1024xf32, #tpu.memory_space<vmem>>, vector<1x16xf32>,
        %parallel_loop3A_1136 = vector.shape_cast %parallel_loop3A_1135 : vector<1x16xf32> to vector<16xf32>
        %parallel_loop3A_1137 = arith.constant 0 : i32
        %parallel_loop3A_1138 = arith.index_cast %parallel_loop3A_1137 : i32 to index
        %parallel_loop3A_1139 = arith.index_cast %parallel_loop3A_302 : i32 to index
        %parallel_loop3A_1140 = arith.constant 736 : index
        %parallel_loop3A_1141 = tpu.vector_load %arg8[%parallel_loop3A_1138, %parallel_loop3A_1139, %parallel_loop3A_1140] {strides = array<i32>} : memref<4x16x1024xf32, #tpu.memory_space<vmem>>, vector<1x1x16xf32>,
        %parallel_loop3A_1142 = vector.shape_cast %parallel_loop3A_1141 : vector<1x1x16xf32> to vector<16xf32>
        %parallel_loop3A_1143 = vector.shape_cast %parallel_loop3A_1136 : vector<16xf32> to vector<1x1x16xf32>
        tpu.vector_store %arg8[%parallel_loop3A_1138, %parallel_loop3A_1139, %parallel_loop3A_1140], %parallel_loop3A_1143 {add = true, strides = array<i32>} : memref<4x16x1024xf32, #tpu.memory_space<vmem>>, vector<1x1x16xf32>,
        %parallel_loop3A_1144 = arith.constant 2 : i32
        %parallel_loop3A_1145 = arith.index_cast %parallel_loop3A_1144 : i32 to index
        %parallel_loop3A_1146 = arith.index_cast %parallel_loop3A_302 : i32 to index
        %parallel_loop3A_1147 = arith.constant 736 : index
        %parallel_loop3A_1148 = tpu.vector_load %arg8[%parallel_loop3A_1145, %parallel_loop3A_1146, %parallel_loop3A_1147] {strides = array<i32>} : memref<4x16x1024xf32, #tpu.memory_space<vmem>>, vector<1x1x16xf32>,
        %parallel_loop3A_1149 = vector.shape_cast %parallel_loop3A_1148 : vector<1x1x16xf32> to vector<16xf32>
        %parallel_loop3A_1150 = vector.shape_cast %parallel_loop3A_1136 : vector<16xf32> to vector<1x1x16xf32>
        tpu.vector_store %arg8[%parallel_loop3A_1145, %parallel_loop3A_1146, %parallel_loop3A_1147], %parallel_loop3A_1150 {add = true, strides = array<i32>} : memref<4x16x1024xf32, #tpu.memory_space<vmem>>, vector<1x1x16xf32>,
        %parallel_loop3A_1151 = arith.index_cast %parallel_loop3A_304 : i32 to index
        %parallel_loop3A_1152 = arith.constant 752 : index
        %parallel_loop3A_1153 = tpu.vector_load %arg7[%parallel_loop3A_1151, %parallel_loop3A_1152] {strides = array<i32>} : memref<32x1024xf32, #tpu.memory_space<vmem>>, vector<1x16xf32>,
        %parallel_loop3A_1154 = vector.shape_cast %parallel_loop3A_1153 : vector<1x16xf32> to vector<16xf32>
        %parallel_loop3A_1155 = arith.constant 0 : i32
        %parallel_loop3A_1156 = arith.index_cast %parallel_loop3A_1155 : i32 to index
        %parallel_loop3A_1157 = arith.index_cast %parallel_loop3A_302 : i32 to index
        %parallel_loop3A_1158 = arith.constant 752 : index
        %parallel_loop3A_1159 = tpu.vector_load %arg8[%parallel_loop3A_1156, %parallel_loop3A_1157, %parallel_loop3A_1158] {strides = array<i32>} : memref<4x16x1024xf32, #tpu.memory_space<vmem>>, vector<1x1x16xf32>,
        %parallel_loop3A_1160 = vector.shape_cast %parallel_loop3A_1159 : vector<1x1x16xf32> to vector<16xf32>
        %parallel_loop3A_1161 = vector.shape_cast %parallel_loop3A_1154 : vector<16xf32> to vector<1x1x16xf32>
        tpu.vector_store %arg8[%parallel_loop3A_1156, %parallel_loop3A_1157, %parallel_loop3A_1158], %parallel_loop3A_1161 {add = true, strides = array<i32>} : memref<4x16x1024xf32, #tpu.memory_space<vmem>>, vector<1x1x16xf32>,
        %parallel_loop3A_1162 = arith.constant 2 : i32
        %parallel_loop3A_1163 = arith.index_cast %parallel_loop3A_1162 : i32 to index
        %parallel_loop3A_1164 = arith.index_cast %parallel_loop3A_302 : i32 to index
        %parallel_loop3A_1165 = arith.constant 752 : index
        %parallel_loop3A_1166 = tpu.vector_load %arg8[%parallel_loop3A_1163, %parallel_loop3A_1164, %parallel_loop3A_1165] {strides = array<i32>} : memref<4x16x1024xf32, #tpu.memory_space<vmem>>, vector<1x1x16xf32>,
        %parallel_loop3A_1167 = vector.shape_cast %parallel_loop3A_1166 : vector<1x1x16xf32> to vector<16xf32>
        %parallel_loop3A_1168 = vector.shape_cast %parallel_loop3A_1154 : vector<16xf32> to vector<1x1x16xf32>
        tpu.vector_store %arg8[%parallel_loop3A_1163, %parallel_loop3A_1164, %parallel_loop3A_1165], %parallel_loop3A_1168 {add = true, strides = array<i32>} : memref<4x16x1024xf32, #tpu.memory_space<vmem>>, vector<1x1x16xf32>,
        %parallel_loop3A_1169 = arith.index_cast %parallel_loop3A_304 : i32 to index
        %parallel_loop3A_1170 = arith.constant 768 : index
        %parallel_loop3A_1171 = tpu.vector_load %arg7[%parallel_loop3A_1169, %parallel_loop3A_1170] {strides = array<i32>} : memref<32x1024xf32, #tpu.memory_space<vmem>>, vector<1x16xf32>,
        %parallel_loop3A_1172 = vector.shape_cast %parallel_loop3A_1171 : vector<1x16xf32> to vector<16xf32>
        %parallel_loop3A_1173 = arith.constant 0 : i32
        %parallel_loop3A_1174 = arith.index_cast %parallel_loop3A_1173 : i32 to index
        %parallel_loop3A_1175 = arith.index_cast %parallel_loop3A_302 : i32 to index
        %parallel_loop3A_1176 = arith.constant 768 : index
        %parallel_loop3A_1177 = tpu.vector_load %arg8[%parallel_loop3A_1174, %parallel_loop3A_1175, %parallel_loop3A_1176] {strides = array<i32>} : memref<4x16x1024xf32, #tpu.memory_space<vmem>>, vector<1x1x16xf32>,
        %parallel_loop3A_1178 = vector.shape_cast %parallel_loop3A_1177 : vector<1x1x16xf32> to vector<16xf32>
        %parallel_loop3A_1179 = vector.shape_cast %parallel_loop3A_1172 : vector<16xf32> to vector<1x1x16xf32>
        tpu.vector_store %arg8[%parallel_loop3A_1174, %parallel_loop3A_1175, %parallel_loop3A_1176], %parallel_loop3A_1179 {add = true, strides = array<i32>} : memref<4x16x1024xf32, #tpu.memory_space<vmem>>, vector<1x1x16xf32>,
        %parallel_loop3A_1180 = arith.constant 2 : i32
        %parallel_loop3A_1181 = arith.index_cast %parallel_loop3A_1180 : i32 to index
        %parallel_loop3A_1182 = arith.index_cast %parallel_loop3A_302 : i32 to index
        %parallel_loop3A_1183 = arith.constant 768 : index
        %parallel_loop3A_1184 = tpu.vector_load %arg8[%parallel_loop3A_1181, %parallel_loop3A_1182, %parallel_loop3A_1183] {strides = array<i32>} : memref<4x16x1024xf32, #tpu.memory_space<vmem>>, vector<1x1x16xf32>,
        %parallel_loop3A_1185 = vector.shape_cast %parallel_loop3A_1184 : vector<1x1x16xf32> to vector<16xf32>
        %parallel_loop3A_1186 = vector.shape_cast %parallel_loop3A_1172 : vector<16xf32> to vector<1x1x16xf32>
        tpu.vector_store %arg8[%parallel_loop3A_1181, %parallel_loop3A_1182, %parallel_loop3A_1183], %parallel_loop3A_1186 {add = true, strides = array<i32>} : memref<4x16x1024xf32, #tpu.memory_space<vmem>>, vector<1x1x16xf32>,
        %parallel_loop3A_1187 = arith.index_cast %parallel_loop3A_304 : i32 to index
        %parallel_loop3A_1188 = arith.constant 784 : index
        %parallel_loop3A_1189 = tpu.vector_load %arg7[%parallel_loop3A_1187, %parallel_loop3A_1188] {strides = array<i32>} : memref<32x1024xf32, #tpu.memory_space<vmem>>, vector<1x16xf32>,
        %parallel_loop3A_1190 = vector.shape_cast %parallel_loop3A_1189 : vector<1x16xf32> to vector<16xf32>
        %parallel_loop3A_1191 = arith.constant 0 : i32
        %parallel_loop3A_1192 = arith.index_cast %parallel_loop3A_1191 : i32 to index
        %parallel_loop3A_1193 = arith.index_cast %parallel_loop3A_302 : i32 to index
        %parallel_loop3A_1194 = arith.constant 784 : index
        %parallel_loop3A_1195 = tpu.vector_load %arg8[%parallel_loop3A_1192, %parallel_loop3A_1193, %parallel_loop3A_1194] {strides = array<i32>} : memref<4x16x1024xf32, #tpu.memory_space<vmem>>, vector<1x1x16xf32>,
        %parallel_loop3A_1196 = vector.shape_cast %parallel_loop3A_1195 : vector<1x1x16xf32> to vector<16xf32>
        %parallel_loop3A_1197 = vector.shape_cast %parallel_loop3A_1190 : vector<16xf32> to vector<1x1x16xf32>
        tpu.vector_store %arg8[%parallel_loop3A_1192, %parallel_loop3A_1193, %parallel_loop3A_1194], %parallel_loop3A_1197 {add = true, strides = array<i32>} : memref<4x16x1024xf32, #tpu.memory_space<vmem>>, vector<1x1x16xf32>,
        %parallel_loop3A_1198 = arith.constant 2 : i32
        %parallel_loop3A_1199 = arith.index_cast %parallel_loop3A_1198 : i32 to index
        %parallel_loop3A_1200 = arith.index_cast %parallel_loop3A_302 : i32 to index
        %parallel_loop3A_1201 = arith.constant 784 : index
        %parallel_loop3A_1202 = tpu.vector_load %arg8[%parallel_loop3A_1199, %parallel_loop3A_1200, %parallel_loop3A_1201] {strides = array<i32>} : memref<4x16x1024xf32, #tpu.memory_space<vmem>>, vector<1x1x16xf32>,
        %parallel_loop3A_1203 = vector.shape_cast %parallel_loop3A_1202 : vector<1x1x16xf32> to vector<16xf32>
        %parallel_loop3A_1204 = vector.shape_cast %parallel_loop3A_1190 : vector<16xf32> to vector<1x1x16xf32>
        tpu.vector_store %arg8[%parallel_loop3A_1199, %parallel_loop3A_1200, %parallel_loop3A_1201], %parallel_loop3A_1204 {add = true, strides = array<i32>} : memref<4x16x1024xf32, #tpu.memory_space<vmem>>, vector<1x1x16xf32>,
        %parallel_loop3A_1205 = arith.index_cast %parallel_loop3A_304 : i32 to index
        %parallel_loop3A_1206 = arith.constant 800 : index
        %parallel_loop3A_1207 = tpu.vector_load %arg7[%parallel_loop3A_1205, %parallel_loop3A_1206] {strides = array<i32>} : memref<32x1024xf32, #tpu.memory_space<vmem>>, vector<1x16xf32>,
        %parallel_loop3A_1208 = vector.shape_cast %parallel_loop3A_1207 : vector<1x16xf32> to vector<16xf32>
        %parallel_loop3A_1209 = arith.constant 0 : i32
        %parallel_loop3A_1210 = arith.index_cast %parallel_loop3A_1209 : i32 to index
        %parallel_loop3A_1211 = arith.index_cast %parallel_loop3A_302 : i32 to index
        %parallel_loop3A_1212 = arith.constant 800 : index
        %parallel_loop3A_1213 = tpu.vector_load %arg8[%parallel_loop3A_1210, %parallel_loop3A_1211, %parallel_loop3A_1212] {strides = array<i32>} : memref<4x16x1024xf32, #tpu.memory_space<vmem>>, vector<1x1x16xf32>,
        %parallel_loop3A_1214 = vector.shape_cast %parallel_loop3A_1213 : vector<1x1x16xf32> to vector<16xf32>
        %parallel_loop3A_1215 = vector.shape_cast %parallel_loop3A_1208 : vector<16xf32> to vector<1x1x16xf32>
        tpu.vector_store %arg8[%parallel_loop3A_1210, %parallel_loop3A_1211, %parallel_loop3A_1212], %parallel_loop3A_1215 {add = true, strides = array<i32>} : memref<4x16x1024xf32, #tpu.memory_space<vmem>>, vector<1x1x16xf32>,
        %parallel_loop3A_1216 = arith.constant 2 : i32
        %parallel_loop3A_1217 = arith.index_cast %parallel_loop3A_1216 : i32 to index
        %parallel_loop3A_1218 = arith.index_cast %parallel_loop3A_302 : i32 to index
        %parallel_loop3A_1219 = arith.constant 800 : index
        %parallel_loop3A_1220 = tpu.vector_load %arg8[%parallel_loop3A_1217, %parallel_loop3A_1218, %parallel_loop3A_1219] {strides = array<i32>} : memref<4x16x1024xf32, #tpu.memory_space<vmem>>, vector<1x1x16xf32>,
        %parallel_loop3A_1221 = vector.shape_cast %parallel_loop3A_1220 : vector<1x1x16xf32> to vector<16xf32>
        %parallel_loop3A_1222 = vector.shape_cast %parallel_loop3A_1208 : vector<16xf32> to vector<1x1x16xf32>
        tpu.vector_store %arg8[%parallel_loop3A_1217, %parallel_loop3A_1218, %parallel_loop3A_1219], %parallel_loop3A_1222 {add = true, strides = array<i32>} : memref<4x16x1024xf32, #tpu.memory_space<vmem>>, vector<1x1x16xf32>,
        %parallel_loop3A_1223 = arith.index_cast %parallel_loop3A_304 : i32 to index
        %parallel_loop3A_1224 = arith.constant 816 : index
        %parallel_loop3A_1225 = tpu.vector_load %arg7[%parallel_loop3A_1223, %parallel_loop3A_1224] {strides = array<i32>} : memref<32x1024xf32, #tpu.memory_space<vmem>>, vector<1x16xf32>,
        %parallel_loop3A_1226 = vector.shape_cast %parallel_loop3A_1225 : vector<1x16xf32> to vector<16xf32>
        %parallel_loop3A_1227 = arith.constant 0 : i32
        %parallel_loop3A_1228 = arith.index_cast %parallel_loop3A_1227 : i32 to index
        %parallel_loop3A_1229 = arith.index_cast %parallel_loop3A_302 : i32 to index
        %parallel_loop3A_1230 = arith.constant 816 : index
        %parallel_loop3A_1231 = tpu.vector_load %arg8[%parallel_loop3A_1228, %parallel_loop3A_1229, %parallel_loop3A_1230] {strides = array<i32>} : memref<4x16x1024xf32, #tpu.memory_space<vmem>>, vector<1x1x16xf32>,
        %parallel_loop3A_1232 = vector.shape_cast %parallel_loop3A_1231 : vector<1x1x16xf32> to vector<16xf32>
        %parallel_loop3A_1233 = vector.shape_cast %parallel_loop3A_1226 : vector<16xf32> to vector<1x1x16xf32>
        tpu.vector_store %arg8[%parallel_loop3A_1228, %parallel_loop3A_1229, %parallel_loop3A_1230], %parallel_loop3A_1233 {add = true, strides = array<i32>} : memref<4x16x1024xf32, #tpu.memory_space<vmem>>, vector<1x1x16xf32>,
        %parallel_loop3A_1234 = arith.constant 2 : i32
        %parallel_loop3A_1235 = arith.index_cast %parallel_loop3A_1234 : i32 to index
        %parallel_loop3A_1236 = arith.index_cast %parallel_loop3A_302 : i32 to index
        %parallel_loop3A_1237 = arith.constant 816 : index
        %parallel_loop3A_1238 = tpu.vector_load %arg8[%parallel_loop3A_1235, %parallel_loop3A_1236, %parallel_loop3A_1237] {strides = array<i32>} : memref<4x16x1024xf32, #tpu.memory_space<vmem>>, vector<1x1x16xf32>,
        %parallel_loop3A_1239 = vector.shape_cast %parallel_loop3A_1238 : vector<1x1x16xf32> to vector<16xf32>
        %parallel_loop3A_1240 = vector.shape_cast %parallel_loop3A_1226 : vector<16xf32> to vector<1x1x16xf32>
        tpu.vector_store %arg8[%parallel_loop3A_1235, %parallel_loop3A_1236, %parallel_loop3A_1237], %parallel_loop3A_1240 {add = true, strides = array<i32>} : memref<4x16x1024xf32, #tpu.memory_space<vmem>>, vector<1x1x16xf32>,
        %parallel_loop3A_1241 = arith.index_cast %parallel_loop3A_304 : i32 to index
        %parallel_loop3A_1242 = arith.constant 832 : index
        %parallel_loop3A_1243 = tpu.vector_load %arg7[%parallel_loop3A_1241, %parallel_loop3A_1242] {strides = array<i32>} : memref<32x1024xf32, #tpu.memory_space<vmem>>, vector<1x16xf32>,
        %parallel_loop3A_1244 = vector.shape_cast %parallel_loop3A_1243 : vector<1x16xf32> to vector<16xf32>
        %parallel_loop3A_1245 = arith.constant 0 : i32
        %parallel_loop3A_1246 = arith.index_cast %parallel_loop3A_1245 : i32 to index
        %parallel_loop3A_1247 = arith.index_cast %parallel_loop3A_302 : i32 to index
        %parallel_loop3A_1248 = arith.constant 832 : index
        %parallel_loop3A_1249 = tpu.vector_load %arg8[%parallel_loop3A_1246, %parallel_loop3A_1247, %parallel_loop3A_1248] {strides = array<i32>} : memref<4x16x1024xf32, #tpu.memory_space<vmem>>, vector<1x1x16xf32>,
        %parallel_loop3A_1250 = vector.shape_cast %parallel_loop3A_1249 : vector<1x1x16xf32> to vector<16xf32>
        %parallel_loop3A_1251 = vector.shape_cast %parallel_loop3A_1244 : vector<16xf32> to vector<1x1x16xf32>
        tpu.vector_store %arg8[%parallel_loop3A_1246, %parallel_loop3A_1247, %parallel_loop3A_1248], %parallel_loop3A_1251 {add = true, strides = array<i32>} : memref<4x16x1024xf32, #tpu.memory_space<vmem>>, vector<1x1x16xf32>,
        %parallel_loop3A_1252 = arith.constant 2 : i32
        %parallel_loop3A_1253 = arith.index_cast %parallel_loop3A_1252 : i32 to index
        %parallel_loop3A_1254 = arith.index_cast %parallel_loop3A_302 : i32 to index
        %parallel_loop3A_1255 = arith.constant 832 : index
        %parallel_loop3A_1256 = tpu.vector_load %arg8[%parallel_loop3A_1253, %parallel_loop3A_1254, %parallel_loop3A_1255] {strides = array<i32>} : memref<4x16x1024xf32, #tpu.memory_space<vmem>>, vector<1x1x16xf32>,
        %parallel_loop3A_1257 = vector.shape_cast %parallel_loop3A_1256 : vector<1x1x16xf32> to vector<16xf32>
        %parallel_loop3A_1258 = vector.shape_cast %parallel_loop3A_1244 : vector<16xf32> to vector<1x1x16xf32>
        tpu.vector_store %arg8[%parallel_loop3A_1253, %parallel_loop3A_1254, %parallel_loop3A_1255], %parallel_loop3A_1258 {add = true, strides = array<i32>} : memref<4x16x1024xf32, #tpu.memory_space<vmem>>, vector<1x1x16xf32>,
        %parallel_loop3A_1259 = arith.index_cast %parallel_loop3A_304 : i32 to index
        %parallel_loop3A_1260 = arith.constant 848 : index
        %parallel_loop3A_1261 = tpu.vector_load %arg7[%parallel_loop3A_1259, %parallel_loop3A_1260] {strides = array<i32>} : memref<32x1024xf32, #tpu.memory_space<vmem>>, vector<1x16xf32>,
        %parallel_loop3A_1262 = vector.shape_cast %parallel_loop3A_1261 : vector<1x16xf32> to vector<16xf32>
        %parallel_loop3A_1263 = arith.constant 0 : i32
        %parallel_loop3A_1264 = arith.index_cast %parallel_loop3A_1263 : i32 to index
        %parallel_loop3A_1265 = arith.index_cast %parallel_loop3A_302 : i32 to index
        %parallel_loop3A_1266 = arith.constant 848 : index
        %parallel_loop3A_1267 = tpu.vector_load %arg8[%parallel_loop3A_1264, %parallel_loop3A_1265, %parallel_loop3A_1266] {strides = array<i32>} : memref<4x16x1024xf32, #tpu.memory_space<vmem>>, vector<1x1x16xf32>,
        %parallel_loop3A_1268 = vector.shape_cast %parallel_loop3A_1267 : vector<1x1x16xf32> to vector<16xf32>
        %parallel_loop3A_1269 = vector.shape_cast %parallel_loop3A_1262 : vector<16xf32> to vector<1x1x16xf32>
        tpu.vector_store %arg8[%parallel_loop3A_1264, %parallel_loop3A_1265, %parallel_loop3A_1266], %parallel_loop3A_1269 {add = true, strides = array<i32>} : memref<4x16x1024xf32, #tpu.memory_space<vmem>>, vector<1x1x16xf32>,
        %parallel_loop3A_1270 = arith.constant 2 : i32
        %parallel_loop3A_1271 = arith.index_cast %parallel_loop3A_1270 : i32 to index
        %parallel_loop3A_1272 = arith.index_cast %parallel_loop3A_302 : i32 to index
        %parallel_loop3A_1273 = arith.constant 848 : index
        %parallel_loop3A_1274 = tpu.vector_load %arg8[%parallel_loop3A_1271, %parallel_loop3A_1272, %parallel_loop3A_1273] {strides = array<i32>} : memref<4x16x1024xf32, #tpu.memory_space<vmem>>, vector<1x1x16xf32>,
        %parallel_loop3A_1275 = vector.shape_cast %parallel_loop3A_1274 : vector<1x1x16xf32> to vector<16xf32>
        %parallel_loop3A_1276 = vector.shape_cast %parallel_loop3A_1262 : vector<16xf32> to vector<1x1x16xf32>
        tpu.vector_store %arg8[%parallel_loop3A_1271, %parallel_loop3A_1272, %parallel_loop3A_1273], %parallel_loop3A_1276 {add = true, strides = array<i32>} : memref<4x16x1024xf32, #tpu.memory_space<vmem>>, vector<1x1x16xf32>,
        %parallel_loop3A_1277 = arith.index_cast %parallel_loop3A_304 : i32 to index
        %parallel_loop3A_1278 = arith.constant 864 : index
        %parallel_loop3A_1279 = tpu.vector_load %arg7[%parallel_loop3A_1277, %parallel_loop3A_1278] {strides = array<i32>} : memref<32x1024xf32, #tpu.memory_space<vmem>>, vector<1x16xf32>,
        %parallel_loop3A_1280 = vector.shape_cast %parallel_loop3A_1279 : vector<1x16xf32> to vector<16xf32>
        %parallel_loop3A_1281 = arith.constant 0 : i32
        %parallel_loop3A_1282 = arith.index_cast %parallel_loop3A_1281 : i32 to index
        %parallel_loop3A_1283 = arith.index_cast %parallel_loop3A_302 : i32 to index
        %parallel_loop3A_1284 = arith.constant 864 : index
        %parallel_loop3A_1285 = tpu.vector_load %arg8[%parallel_loop3A_1282, %parallel_loop3A_1283, %parallel_loop3A_1284] {strides = array<i32>} : memref<4x16x1024xf32, #tpu.memory_space<vmem>>, vector<1x1x16xf32>,
        %parallel_loop3A_1286 = vector.shape_cast %parallel_loop3A_1285 : vector<1x1x16xf32> to vector<16xf32>
        %parallel_loop3A_1287 = vector.shape_cast %parallel_loop3A_1280 : vector<16xf32> to vector<1x1x16xf32>
        tpu.vector_store %arg8[%parallel_loop3A_1282, %parallel_loop3A_1283, %parallel_loop3A_1284], %parallel_loop3A_1287 {add = true, strides = array<i32>} : memref<4x16x1024xf32, #tpu.memory_space<vmem>>, vector<1x1x16xf32>,
        %parallel_loop3A_1288 = arith.constant 2 : i32
        %parallel_loop3A_1289 = arith.index_cast %parallel_loop3A_1288 : i32 to index
        %parallel_loop3A_1290 = arith.index_cast %parallel_loop3A_302 : i32 to index
        %parallel_loop3A_1291 = arith.constant 864 : index
        %parallel_loop3A_1292 = tpu.vector_load %arg8[%parallel_loop3A_1289, %parallel_loop3A_1290, %parallel_loop3A_1291] {strides = array<i32>} : memref<4x16x1024xf32, #tpu.memory_space<vmem>>, vector<1x1x16xf32>,
        %parallel_loop3A_1293 = vector.shape_cast %parallel_loop3A_1292 : vector<1x1x16xf32> to vector<16xf32>
        %parallel_loop3A_1294 = vector.shape_cast %parallel_loop3A_1280 : vector<16xf32> to vector<1x1x16xf32>
        tpu.vector_store %arg8[%parallel_loop3A_1289, %parallel_loop3A_1290, %parallel_loop3A_1291], %parallel_loop3A_1294 {add = true, strides = array<i32>} : memref<4x16x1024xf32, #tpu.memory_space<vmem>>, vector<1x1x16xf32>,
        %parallel_loop3A_1295 = arith.index_cast %parallel_loop3A_304 : i32 to index
        %parallel_loop3A_1296 = arith.constant 880 : index
        %parallel_loop3A_1297 = tpu.vector_load %arg7[%parallel_loop3A_1295, %parallel_loop3A_1296] {strides = array<i32>} : memref<32x1024xf32, #tpu.memory_space<vmem>>, vector<1x16xf32>,
        %parallel_loop3A_1298 = vector.shape_cast %parallel_loop3A_1297 : vector<1x16xf32> to vector<16xf32>
        %parallel_loop3A_1299 = arith.constant 0 : i32
        %parallel_loop3A_1300 = arith.index_cast %parallel_loop3A_1299 : i32 to index
        %parallel_loop3A_1301 = arith.index_cast %parallel_loop3A_302 : i32 to index
        %parallel_loop3A_1302 = arith.constant 880 : index
        %parallel_loop3A_1303 = tpu.vector_load %arg8[%parallel_loop3A_1300, %parallel_loop3A_1301, %parallel_loop3A_1302] {strides = array<i32>} : memref<4x16x1024xf32, #tpu.memory_space<vmem>>, vector<1x1x16xf32>,
        %parallel_loop3A_1304 = vector.shape_cast %parallel_loop3A_1303 : vector<1x1x16xf32> to vector<16xf32>
        %parallel_loop3A_1305 = vector.shape_cast %parallel_loop3A_1298 : vector<16xf32> to vector<1x1x16xf32>
        tpu.vector_store %arg8[%parallel_loop3A_1300, %parallel_loop3A_1301, %parallel_loop3A_1302], %parallel_loop3A_1305 {add = true, strides = array<i32>} : memref<4x16x1024xf32, #tpu.memory_space<vmem>>, vector<1x1x16xf32>,
        %parallel_loop3A_1306 = arith.constant 2 : i32
        %parallel_loop3A_1307 = arith.index_cast %parallel_loop3A_1306 : i32 to index
        %parallel_loop3A_1308 = arith.index_cast %parallel_loop3A_302 : i32 to index
        %parallel_loop3A_1309 = arith.constant 880 : index
        %parallel_loop3A_1310 = tpu.vector_load %arg8[%parallel_loop3A_1307, %parallel_loop3A_1308, %parallel_loop3A_1309] {strides = array<i32>} : memref<4x16x1024xf32, #tpu.memory_space<vmem>>, vector<1x1x16xf32>,
        %parallel_loop3A_1311 = vector.shape_cast %parallel_loop3A_1310 : vector<1x1x16xf32> to vector<16xf32>
        %parallel_loop3A_1312 = vector.shape_cast %parallel_loop3A_1298 : vector<16xf32> to vector<1x1x16xf32>
        tpu.vector_store %arg8[%parallel_loop3A_1307, %parallel_loop3A_1308, %parallel_loop3A_1309], %parallel_loop3A_1312 {add = true, strides = array<i32>} : memref<4x16x1024xf32, #tpu.memory_space<vmem>>, vector<1x1x16xf32>,
        %parallel_loop3A_1313 = arith.index_cast %parallel_loop3A_304 : i32 to index
        %parallel_loop3A_1314 = arith.constant 896 : index
        %parallel_loop3A_1315 = tpu.vector_load %arg7[%parallel_loop3A_1313, %parallel_loop3A_1314] {strides = array<i32>} : memref<32x1024xf32, #tpu.memory_space<vmem>>, vector<1x16xf32>,
        %parallel_loop3A_1316 = vector.shape_cast %parallel_loop3A_1315 : vector<1x16xf32> to vector<16xf32>
        %parallel_loop3A_1317 = arith.constant 0 : i32
        %parallel_loop3A_1318 = arith.index_cast %parallel_loop3A_1317 : i32 to index
        %parallel_loop3A_1319 = arith.index_cast %parallel_loop3A_302 : i32 to index
        %parallel_loop3A_1320 = arith.constant 896 : index
        %parallel_loop3A_1321 = tpu.vector_load %arg8[%parallel_loop3A_1318, %parallel_loop3A_1319, %parallel_loop3A_1320] {strides = array<i32>} : memref<4x16x1024xf32, #tpu.memory_space<vmem>>, vector<1x1x16xf32>,
        %parallel_loop3A_1322 = vector.shape_cast %parallel_loop3A_1321 : vector<1x1x16xf32> to vector<16xf32>
        %parallel_loop3A_1323 = vector.shape_cast %parallel_loop3A_1316 : vector<16xf32> to vector<1x1x16xf32>
        tpu.vector_store %arg8[%parallel_loop3A_1318, %parallel_loop3A_1319, %parallel_loop3A_1320], %parallel_loop3A_1323 {add = true, strides = array<i32>} : memref<4x16x1024xf32, #tpu.memory_space<vmem>>, vector<1x1x16xf32>,
        %parallel_loop3A_1324 = arith.constant 2 : i32
        %parallel_loop3A_1325 = arith.index_cast %parallel_loop3A_1324 : i32 to index
        %parallel_loop3A_1326 = arith.index_cast %parallel_loop3A_302 : i32 to index
        %parallel_loop3A_1327 = arith.constant 896 : index
        %parallel_loop3A_1328 = tpu.vector_load %arg8[%parallel_loop3A_1325, %parallel_loop3A_1326, %parallel_loop3A_1327] {strides = array<i32>} : memref<4x16x1024xf32, #tpu.memory_space<vmem>>, vector<1x1x16xf32>,
        %parallel_loop3A_1329 = vector.shape_cast %parallel_loop3A_1328 : vector<1x1x16xf32> to vector<16xf32>
        %parallel_loop3A_1330 = vector.shape_cast %parallel_loop3A_1316 : vector<16xf32> to vector<1x1x16xf32>
        tpu.vector_store %arg8[%parallel_loop3A_1325, %parallel_loop3A_1326, %parallel_loop3A_1327], %parallel_loop3A_1330 {add = true, strides = array<i32>} : memref<4x16x1024xf32, #tpu.memory_space<vmem>>, vector<1x1x16xf32>,
        %parallel_loop3A_1331 = arith.index_cast %parallel_loop3A_304 : i32 to index
        %parallel_loop3A_1332 = arith.constant 912 : index
        %parallel_loop3A_1333 = tpu.vector_load %arg7[%parallel_loop3A_1331, %parallel_loop3A_1332] {strides = array<i32>} : memref<32x1024xf32, #tpu.memory_space<vmem>>, vector<1x16xf32>,
        %parallel_loop3A_1334 = vector.shape_cast %parallel_loop3A_1333 : vector<1x16xf32> to vector<16xf32>
        %parallel_loop3A_1335 = arith.constant 0 : i32
        %parallel_loop3A_1336 = arith.index_cast %parallel_loop3A_1335 : i32 to index
        %parallel_loop3A_1337 = arith.index_cast %parallel_loop3A_302 : i32 to index
        %parallel_loop3A_1338 = arith.constant 912 : index
        %parallel_loop3A_1339 = tpu.vector_load %arg8[%parallel_loop3A_1336, %parallel_loop3A_1337, %parallel_loop3A_1338] {strides = array<i32>} : memref<4x16x1024xf32, #tpu.memory_space<vmem>>, vector<1x1x16xf32>,
        %parallel_loop3A_1340 = vector.shape_cast %parallel_loop3A_1339 : vector<1x1x16xf32> to vector<16xf32>
        %parallel_loop3A_1341 = vector.shape_cast %parallel_loop3A_1334 : vector<16xf32> to vector<1x1x16xf32>
        tpu.vector_store %arg8[%parallel_loop3A_1336, %parallel_loop3A_1337, %parallel_loop3A_1338], %parallel_loop3A_1341 {add = true, strides = array<i32>} : memref<4x16x1024xf32, #tpu.memory_space<vmem>>, vector<1x1x16xf32>,
        %parallel_loop3A_1342 = arith.constant 2 : i32
        %parallel_loop3A_1343 = arith.index_cast %parallel_loop3A_1342 : i32 to index
        %parallel_loop3A_1344 = arith.index_cast %parallel_loop3A_302 : i32 to index
        %parallel_loop3A_1345 = arith.constant 912 : index
        %parallel_loop3A_1346 = tpu.vector_load %arg8[%parallel_loop3A_1343, %parallel_loop3A_1344, %parallel_loop3A_1345] {strides = array<i32>} : memref<4x16x1024xf32, #tpu.memory_space<vmem>>, vector<1x1x16xf32>,
        %parallel_loop3A_1347 = vector.shape_cast %parallel_loop3A_1346 : vector<1x1x16xf32> to vector<16xf32>
        %parallel_loop3A_1348 = vector.shape_cast %parallel_loop3A_1334 : vector<16xf32> to vector<1x1x16xf32>
        tpu.vector_store %arg8[%parallel_loop3A_1343, %parallel_loop3A_1344, %parallel_loop3A_1345], %parallel_loop3A_1348 {add = true, strides = array<i32>} : memref<4x16x1024xf32, #tpu.memory_space<vmem>>, vector<1x1x16xf32>,
        %parallel_loop3A_1349 = arith.index_cast %parallel_loop3A_304 : i32 to index
        %parallel_loop3A_1350 = arith.constant 928 : index
        %parallel_loop3A_1351 = tpu.vector_load %arg7[%parallel_loop3A_1349, %parallel_loop3A_1350] {strides = array<i32>} : memref<32x1024xf32, #tpu.memory_space<vmem>>, vector<1x16xf32>,
        %parallel_loop3A_1352 = vector.shape_cast %parallel_loop3A_1351 : vector<1x16xf32> to vector<16xf32>
        %parallel_loop3A_1353 = arith.constant 0 : i32
        %parallel_loop3A_1354 = arith.index_cast %parallel_loop3A_1353 : i32 to index
        %parallel_loop3A_1355 = arith.index_cast %parallel_loop3A_302 : i32 to index
        %parallel_loop3A_1356 = arith.constant 928 : index
        %parallel_loop3A_1357 = tpu.vector_load %arg8[%parallel_loop3A_1354, %parallel_loop3A_1355, %parallel_loop3A_1356] {strides = array<i32>} : memref<4x16x1024xf32, #tpu.memory_space<vmem>>, vector<1x1x16xf32>,
        %parallel_loop3A_1358 = vector.shape_cast %parallel_loop3A_1357 : vector<1x1x16xf32> to vector<16xf32>
        %parallel_loop3A_1359 = vector.shape_cast %parallel_loop3A_1352 : vector<16xf32> to vector<1x1x16xf32>
        tpu.vector_store %arg8[%parallel_loop3A_1354, %parallel_loop3A_1355, %parallel_loop3A_1356], %parallel_loop3A_1359 {add = true, strides = array<i32>} : memref<4x16x1024xf32, #tpu.memory_space<vmem>>, vector<1x1x16xf32>,
        %parallel_loop3A_1360 = arith.constant 2 : i32
        %parallel_loop3A_1361 = arith.index_cast %parallel_loop3A_1360 : i32 to index
        %parallel_loop3A_1362 = arith.index_cast %parallel_loop3A_302 : i32 to index
        %parallel_loop3A_1363 = arith.constant 928 : index
        %parallel_loop3A_1364 = tpu.vector_load %arg8[%parallel_loop3A_1361, %parallel_loop3A_1362, %parallel_loop3A_1363] {strides = array<i32>} : memref<4x16x1024xf32, #tpu.memory_space<vmem>>, vector<1x1x16xf32>,
        %parallel_loop3A_1365 = vector.shape_cast %parallel_loop3A_1364 : vector<1x1x16xf32> to vector<16xf32>
        %parallel_loop3A_1366 = vector.shape_cast %parallel_loop3A_1352 : vector<16xf32> to vector<1x1x16xf32>
        tpu.vector_store %arg8[%parallel_loop3A_1361, %parallel_loop3A_1362, %parallel_loop3A_1363], %parallel_loop3A_1366 {add = true, strides = array<i32>} : memref<4x16x1024xf32, #tpu.memory_space<vmem>>, vector<1x1x16xf32>,
        %parallel_loop3A_1367 = arith.index_cast %parallel_loop3A_304 : i32 to index
        %parallel_loop3A_1368 = arith.constant 944 : index
        %parallel_loop3A_1369 = tpu.vector_load %arg7[%parallel_loop3A_1367, %parallel_loop3A_1368] {strides = array<i32>} : memref<32x1024xf32, #tpu.memory_space<vmem>>, vector<1x16xf32>,
        %parallel_loop3A_1370 = vector.shape_cast %parallel_loop3A_1369 : vector<1x16xf32> to vector<16xf32>
        %parallel_loop3A_1371 = arith.constant 0 : i32
        %parallel_loop3A_1372 = arith.index_cast %parallel_loop3A_1371 : i32 to index
        %parallel_loop3A_1373 = arith.index_cast %parallel_loop3A_302 : i32 to index
        %parallel_loop3A_1374 = arith.constant 944 : index
        %parallel_loop3A_1375 = tpu.vector_load %arg8[%parallel_loop3A_1372, %parallel_loop3A_1373, %parallel_loop3A_1374] {strides = array<i32>} : memref<4x16x1024xf32, #tpu.memory_space<vmem>>, vector<1x1x16xf32>,
        %parallel_loop3A_1376 = vector.shape_cast %parallel_loop3A_1375 : vector<1x1x16xf32> to vector<16xf32>
        %parallel_loop3A_1377 = vector.shape_cast %parallel_loop3A_1370 : vector<16xf32> to vector<1x1x16xf32>
        tpu.vector_store %arg8[%parallel_loop3A_1372, %parallel_loop3A_1373, %parallel_loop3A_1374], %parallel_loop3A_1377 {add = true, strides = array<i32>} : memref<4x16x1024xf32, #tpu.memory_space<vmem>>, vector<1x1x16xf32>,
        %parallel_loop3A_1378 = arith.constant 2 : i32
        %parallel_loop3A_1379 = arith.index_cast %parallel_loop3A_1378 : i32 to index
        %parallel_loop3A_1380 = arith.index_cast %parallel_loop3A_302 : i32 to index
        %parallel_loop3A_1381 = arith.constant 944 : index
        %parallel_loop3A_1382 = tpu.vector_load %arg8[%parallel_loop3A_1379, %parallel_loop3A_1380, %parallel_loop3A_1381] {strides = array<i32>} : memref<4x16x1024xf32, #tpu.memory_space<vmem>>, vector<1x1x16xf32>,
        %parallel_loop3A_1383 = vector.shape_cast %parallel_loop3A_1382 : vector<1x1x16xf32> to vector<16xf32>
        %parallel_loop3A_1384 = vector.shape_cast %parallel_loop3A_1370 : vector<16xf32> to vector<1x1x16xf32>
        tpu.vector_store %arg8[%parallel_loop3A_1379, %parallel_loop3A_1380, %parallel_loop3A_1381], %parallel_loop3A_1384 {add = true, strides = array<i32>} : memref<4x16x1024xf32, #tpu.memory_space<vmem>>, vector<1x1x16xf32>,
        %parallel_loop3A_1385 = arith.index_cast %parallel_loop3A_304 : i32 to index
        %parallel_loop3A_1386 = arith.constant 960 : index
        %parallel_loop3A_1387 = tpu.vector_load %arg7[%parallel_loop3A_1385, %parallel_loop3A_1386] {strides = array<i32>} : memref<32x1024xf32, #tpu.memory_space<vmem>>, vector<1x16xf32>,
        %parallel_loop3A_1388 = vector.shape_cast %parallel_loop3A_1387 : vector<1x16xf32> to vector<16xf32>
        %parallel_loop3A_1389 = arith.constant 0 : i32
        %parallel_loop3A_1390 = arith.index_cast %parallel_loop3A_1389 : i32 to index
        %parallel_loop3A_1391 = arith.index_cast %parallel_loop3A_302 : i32 to index
        %parallel_loop3A_1392 = arith.constant 960 : index
        %parallel_loop3A_1393 = tpu.vector_load %arg8[%parallel_loop3A_1390, %parallel_loop3A_1391, %parallel_loop3A_1392] {strides = array<i32>} : memref<4x16x1024xf32, #tpu.memory_space<vmem>>, vector<1x1x16xf32>,
        %parallel_loop3A_1394 = vector.shape_cast %parallel_loop3A_1393 : vector<1x1x16xf32> to vector<16xf32>
        %parallel_loop3A_1395 = vector.shape_cast %parallel_loop3A_1388 : vector<16xf32> to vector<1x1x16xf32>
        tpu.vector_store %arg8[%parallel_loop3A_1390, %parallel_loop3A_1391, %parallel_loop3A_1392], %parallel_loop3A_1395 {add = true, strides = array<i32>} : memref<4x16x1024xf32, #tpu.memory_space<vmem>>, vector<1x1x16xf32>,
        %parallel_loop3A_1396 = arith.constant 2 : i32
        %parallel_loop3A_1397 = arith.index_cast %parallel_loop3A_1396 : i32 to index
        %parallel_loop3A_1398 = arith.index_cast %parallel_loop3A_302 : i32 to index
        %parallel_loop3A_1399 = arith.constant 960 : index
        %parallel_loop3A_1400 = tpu.vector_load %arg8[%parallel_loop3A_1397, %parallel_loop3A_1398, %parallel_loop3A_1399] {strides = array<i32>} : memref<4x16x1024xf32, #tpu.memory_space<vmem>>, vector<1x1x16xf32>,
        %parallel_loop3A_1401 = vector.shape_cast %parallel_loop3A_1400 : vector<1x1x16xf32> to vector<16xf32>
        %parallel_loop3A_1402 = vector.shape_cast %parallel_loop3A_1388 : vector<16xf32> to vector<1x1x16xf32>
        tpu.vector_store %arg8[%parallel_loop3A_1397, %parallel_loop3A_1398, %parallel_loop3A_1399], %parallel_loop3A_1402 {add = true, strides = array<i32>} : memref<4x16x1024xf32, #tpu.memory_space<vmem>>, vector<1x1x16xf32>,
        %parallel_loop3A_1403 = arith.index_cast %parallel_loop3A_304 : i32 to index
        %parallel_loop3A_1404 = arith.constant 976 : index
        %parallel_loop3A_1405 = tpu.vector_load %arg7[%parallel_loop3A_1403, %parallel_loop3A_1404] {strides = array<i32>} : memref<32x1024xf32, #tpu.memory_space<vmem>>, vector<1x16xf32>,
        %parallel_loop3A_1406 = vector.shape_cast %parallel_loop3A_1405 : vector<1x16xf32> to vector<16xf32>
        %parallel_loop3A_1407 = arith.constant 0 : i32
        %parallel_loop3A_1408 = arith.index_cast %parallel_loop3A_1407 : i32 to index
        %parallel_loop3A_1409 = arith.index_cast %parallel_loop3A_302 : i32 to index
        %parallel_loop3A_1410 = arith.constant 976 : index
        %parallel_loop3A_1411 = tpu.vector_load %arg8[%parallel_loop3A_1408, %parallel_loop3A_1409, %parallel_loop3A_1410] {strides = array<i32>} : memref<4x16x1024xf32, #tpu.memory_space<vmem>>, vector<1x1x16xf32>,
        %parallel_loop3A_1412 = vector.shape_cast %parallel_loop3A_1411 : vector<1x1x16xf32> to vector<16xf32>
        %parallel_loop3A_1413 = vector.shape_cast %parallel_loop3A_1406 : vector<16xf32> to vector<1x1x16xf32>
        tpu.vector_store %arg8[%parallel_loop3A_1408, %parallel_loop3A_1409, %parallel_loop3A_1410], %parallel_loop3A_1413 {add = true, strides = array<i32>} : memref<4x16x1024xf32, #tpu.memory_space<vmem>>, vector<1x1x16xf32>,
        %parallel_loop3A_1414 = arith.constant 2 : i32
        %parallel_loop3A_1415 = arith.index_cast %parallel_loop3A_1414 : i32 to index
        %parallel_loop3A_1416 = arith.index_cast %parallel_loop3A_302 : i32 to index
        %parallel_loop3A_1417 = arith.constant 976 : index
        %parallel_loop3A_1418 = tpu.vector_load %arg8[%parallel_loop3A_1415, %parallel_loop3A_1416, %parallel_loop3A_1417] {strides = array<i32>} : memref<4x16x1024xf32, #tpu.memory_space<vmem>>, vector<1x1x16xf32>,
        %parallel_loop3A_1419 = vector.shape_cast %parallel_loop3A_1418 : vector<1x1x16xf32> to vector<16xf32>
        %parallel_loop3A_1420 = vector.shape_cast %parallel_loop3A_1406 : vector<16xf32> to vector<1x1x16xf32>
        tpu.vector_store %arg8[%parallel_loop3A_1415, %parallel_loop3A_1416, %parallel_loop3A_1417], %parallel_loop3A_1420 {add = true, strides = array<i32>} : memref<4x16x1024xf32, #tpu.memory_space<vmem>>, vector<1x1x16xf32>,
        %parallel_loop3A_1421 = arith.index_cast %parallel_loop3A_304 : i32 to index
        %parallel_loop3A_1422 = arith.constant 992 : index
        %parallel_loop3A_1423 = tpu.vector_load %arg7[%parallel_loop3A_1421, %parallel_loop3A_1422] {strides = array<i32>} : memref<32x1024xf32, #tpu.memory_space<vmem>>, vector<1x16xf32>,
        %parallel_loop3A_1424 = vector.shape_cast %parallel_loop3A_1423 : vector<1x16xf32> to vector<16xf32>
        %parallel_loop3A_1425 = arith.constant 0 : i32
        %parallel_loop3A_1426 = arith.index_cast %parallel_loop3A_1425 : i32 to index
        %parallel_loop3A_1427 = arith.index_cast %parallel_loop3A_302 : i32 to index
        %parallel_loop3A_1428 = arith.constant 992 : index
        %parallel_loop3A_1429 = tpu.vector_load %arg8[%parallel_loop3A_1426, %parallel_loop3A_1427, %parallel_loop3A_1428] {strides = array<i32>} : memref<4x16x1024xf32, #tpu.memory_space<vmem>>, vector<1x1x16xf32>,
        %parallel_loop3A_1430 = vector.shape_cast %parallel_loop3A_1429 : vector<1x1x16xf32> to vector<16xf32>
        %parallel_loop3A_1431 = vector.shape_cast %parallel_loop3A_1424 : vector<16xf32> to vector<1x1x16xf32>
        tpu.vector_store %arg8[%parallel_loop3A_1426, %parallel_loop3A_1427, %parallel_loop3A_1428], %parallel_loop3A_1431 {add = true, strides = array<i32>} : memref<4x16x1024xf32, #tpu.memory_space<vmem>>, vector<1x1x16xf32>,
        %parallel_loop3A_1432 = arith.constant 2 : i32
        %parallel_loop3A_1433 = arith.index_cast %parallel_loop3A_1432 : i32 to index
        %parallel_loop3A_1434 = arith.index_cast %parallel_loop3A_302 : i32 to index
        %parallel_loop3A_1435 = arith.constant 992 : index
        %parallel_loop3A_1436 = tpu.vector_load %arg8[%parallel_loop3A_1433, %parallel_loop3A_1434, %parallel_loop3A_1435] {strides = array<i32>} : memref<4x16x1024xf32, #tpu.memory_space<vmem>>, vector<1x1x16xf32>,
        %parallel_loop3A_1437 = vector.shape_cast %parallel_loop3A_1436 : vector<1x1x16xf32> to vector<16xf32>
        %parallel_loop3A_1438 = vector.shape_cast %parallel_loop3A_1424 : vector<16xf32> to vector<1x1x16xf32>
        tpu.vector_store %arg8[%parallel_loop3A_1433, %parallel_loop3A_1434, %parallel_loop3A_1435], %parallel_loop3A_1438 {add = true, strides = array<i32>} : memref<4x16x1024xf32, #tpu.memory_space<vmem>>, vector<1x1x16xf32>,
        %parallel_loop3A_1439 = arith.index_cast %parallel_loop3A_304 : i32 to index
        %parallel_loop3A_1440 = arith.constant 1008 : index
        %parallel_loop3A_1441 = tpu.vector_load %arg7[%parallel_loop3A_1439, %parallel_loop3A_1440] {strides = array<i32>} : memref<32x1024xf32, #tpu.memory_space<vmem>>, vector<1x16xf32>,
        %parallel_loop3A_1442 = vector.shape_cast %parallel_loop3A_1441 : vector<1x16xf32> to vector<16xf32>
        %parallel_loop3A_1443 = arith.constant 0 : i32
        %parallel_loop3A_1444 = arith.index_cast %parallel_loop3A_1443 : i32 to index
        %parallel_loop3A_1445 = arith.index_cast %parallel_loop3A_302 : i32 to index
        %parallel_loop3A_1446 = arith.constant 1008 : index
        %parallel_loop3A_1447 = tpu.vector_load %arg8[%parallel_loop3A_1444, %parallel_loop3A_1445, %parallel_loop3A_1446] {strides = array<i32>} : memref<4x16x1024xf32, #tpu.memory_space<vmem>>, vector<1x1x16xf32>,
        %parallel_loop3A_1448 = vector.shape_cast %parallel_loop3A_1447 : vector<1x1x16xf32> to vector<16xf32>
        %parallel_loop3A_1449 = vector.shape_cast %parallel_loop3A_1442 : vector<16xf32> to vector<1x1x16xf32>
        tpu.vector_store %arg8[%parallel_loop3A_1444, %parallel_loop3A_1445, %parallel_loop3A_1446], %parallel_loop3A_1449 {add = true, strides = array<i32>} : memref<4x16x1024xf32, #tpu.memory_space<vmem>>, vector<1x1x16xf32>,
        %parallel_loop3A_1450 = arith.constant 2 : i32
        %parallel_loop3A_1451 = arith.index_cast %parallel_loop3A_1450 : i32 to index
        %parallel_loop3A_1452 = arith.index_cast %parallel_loop3A_302 : i32 to index
        %parallel_loop3A_1453 = arith.constant 1008 : index
        %parallel_loop3A_1454 = tpu.vector_load %arg8[%parallel_loop3A_1451, %parallel_loop3A_1452, %parallel_loop3A_1453] {strides = array<i32>} : memref<4x16x1024xf32, #tpu.memory_space<vmem>>, vector<1x1x16xf32>,
        %parallel_loop3A_1455 = vector.shape_cast %parallel_loop3A_1454 : vector<1x1x16xf32> to vector<16xf32>
        %parallel_loop3A_1456 = vector.shape_cast %parallel_loop3A_1442 : vector<16xf32> to vector<1x1x16xf32>
        tpu.vector_store %arg8[%parallel_loop3A_1451, %parallel_loop3A_1452, %parallel_loop3A_1453], %parallel_loop3A_1456 {add = true, strides = array<i32>} : memref<4x16x1024xf32, #tpu.memory_space<vmem>>, vector<1x1x16xf32>,
      } {sc.loop_unroll_factor = 1 : i64, sc.parallel_access}
      %mul3A_164 = arith.constant 4 : i32
      %mul3A_165 = arith.muli %mul3A_164, %add3A_93 : i32
      %sub3A = arith.constant 0 : i32
      %sub3A_166 = arith.subi %mul3A_165, %sub3A : i32
      %mul3A_167 = arith.constant 512 : i32
      %mul3A_168 = arith.muli %sub3A_166, %mul3A_167 : i32
      %add3A_169 = arith.addi %mul3A_168, %mul3A_2 : i32
      %add3A_170 = arith.constant 0 : i32
      %add3A_171 = arith.addi %add3A_169, %add3A_170 : i32
      %dma_start3A_172 = arith.constant 0 : i32
      %dma_start3A_173 = arith.constant 0 : i32
      %dma_start3A_174 = arith.constant 0 : i32
      %dma_start3A_175 = tpu.memref_slice %arg8[%dma_start3A_172, %dma_start3A_173, %dma_start3A_174] : memref<4x16x1024xf32, #tpu.memory_space<vmem>> -> memref<1x16x1024xf32, #tpu.memory_space<vmem>>
      %dma_start3A_176 = tpu.memref_squeeze %dma_start3A_175 : memref<1x16x1024xf32, #tpu.memory_space<vmem>> -> memref<16x1024xf32, #tpu.memory_space<vmem>>
      %dma_start3A_177 = arith.constant 0 : i32
      %dma_start3A_178 = tpu.memref_slice %arg5[%add3A_171, %dma_start3A_177] : memref<16384x1024xf32, #tpu.memory_space<hbm>> -> memref<16x1024xf32, #tpu.memory_space<hbm>>
      %dma_start3A_179 = arith.constant 0 : i32
      %dma_start3A_180 = tpu.memref_slice %arg5[%add3A_171, %dma_start3A_179] : memref<16384x1024xf32, #tpu.memory_space<hbm>> -> memref<16x1024xf32, #tpu.memory_space<hbm>>
      %dma_start3A_181 = arith.constant 0 : i32
      %dma_start3A_182 = arith.constant 0 : i32
      %dma_start3A_183 = tpu.memref_slice %arg8[%dma_start3A_172, %dma_start3A_181, %dma_start3A_182] : memref<4x16x1024xf32, #tpu.memory_space<vmem>> -> memref<1x16x1024xf32, #tpu.memory_space<vmem>>
      %dma_start3A_184 = tpu.memref_squeeze %dma_start3A_183 : memref<1x16x1024xf32, #tpu.memory_space<vmem>> -> memref<16x1024xf32, #tpu.memory_space<vmem>>
      tpu.enqueue_dma source(%dma_start3A_184 : memref<16x1024xf32, #tpu.memory_space<vmem>>) target(%dma_start3A_180 : memref<16x1024xf32, #tpu.memory_space<hbm>>) target_semaphore(%arg13 : memref<!tpu.dma_semaphore, #tpu.memory_space<semaphore_mem>>)
      %mul3A_185 = arith.constant 4 : i32
      %mul3A_186 = arith.muli %mul3A_185, %add3A_93 : i32
      %add3A_187 = arith.constant 2 : i32
      %add3A_188 = arith.addi %mul3A_186, %add3A_187 : i32
      %sub3A_189 = arith.constant 0 : i32
      %sub3A_190 = arith.subi %add3A_188, %sub3A_189 : i32
      %mul3A_191 = arith.constant 512 : i32
      %mul3A_192 = arith.muli %sub3A_190, %mul3A_191 : i32
      %add3A_193 = arith.addi %mul3A_192, %mul3A_2 : i32
      %add3A_194 = arith.constant 0 : i32
      %add3A_195 = arith.addi %add3A_193, %add3A_194 : i32
      %dma_start3A_196 = arith.constant 2 : i32
      %dma_start3A_197 = arith.constant 0 : i32
      %dma_start3A_198 = arith.constant 0 : i32
      %dma_start3A_199 = tpu.memref_slice %arg8[%dma_start3A_196, %dma_start3A_197, %dma_start3A_198] : memref<4x16x1024xf32, #tpu.memory_space<vmem>> -> memref<1x16x1024xf32, #tpu.memory_space<vmem>>
      %dma_start3A_200 = tpu.memref_squeeze %dma_start3A_199 : memref<1x16x1024xf32, #tpu.memory_space<vmem>> -> memref<16x1024xf32, #tpu.memory_space<vmem>>
      %dma_start3A_201 = arith.constant 0 : i32
      %dma_start3A_202 = tpu.memref_slice %arg5[%add3A_195, %dma_start3A_201] : memref<16384x1024xf32, #tpu.memory_space<hbm>> -> memref<16x1024xf32, #tpu.memory_space<hbm>>
      %dma_start3A_203 = arith.constant 0 : i32
      %dma_start3A_204 = tpu.memref_slice %arg5[%add3A_195, %dma_start3A_203] : memref<16384x1024xf32, #tpu.memory_space<hbm>> -> memref<16x1024xf32, #tpu.memory_space<hbm>>
      %dma_start3A_205 = arith.constant 0 : i32
      %dma_start3A_206 = arith.constant 0 : i32
      %dma_start3A_207 = tpu.memref_slice %arg8[%dma_start3A_196, %dma_start3A_205, %dma_start3A_206] : memref<4x16x1024xf32, #tpu.memory_space<vmem>> -> memref<1x16x1024xf32, #tpu.memory_space<vmem>>
      %dma_start3A_208 = tpu.memref_squeeze %dma_start3A_207 : memref<1x16x1024xf32, #tpu.memory_space<vmem>> -> memref<16x1024xf32, #tpu.memory_space<vmem>>
      tpu.enqueue_dma source(%dma_start3A_208 : memref<16x1024xf32, #tpu.memory_space<vmem>>) target(%dma_start3A_204 : memref<16x1024xf32, #tpu.memory_space<hbm>>) target_semaphore(%arg15 : memref<!tpu.dma_semaphore, #tpu.memory_space<semaphore_mem>>)
      %mul3A_209 = arith.constant 4 : i32
      %mul3A_210 = arith.muli %mul3A_209, %add3A_93 : i32
      %add3A_211 = arith.constant 1 : i32
      %add3A_212 = arith.addi %mul3A_210, %add3A_211 : i32
      %dma_wait3A_213 = arith.constant 1 : i32
      %dma_wait3A_214 = arith.constant 0 : i32
      %dma_wait3A_215 = arith.constant 0 : i32
      %dma_wait3A_216 = tpu.memref_slice %arg8[%dma_wait3A_213, %dma_wait3A_214, %dma_wait3A_215] : memref<4x16x1024xf32, #tpu.memory_space<vmem>> -> memref<1x16x1024xf32, #tpu.memory_space<vmem>>
      %dma_wait3A_217 = tpu.memref_squeeze %dma_wait3A_216 : memref<1x16x1024xf32, #tpu.memory_space<vmem>> -> memref<16x1024xf32, #tpu.memory_space<vmem>>
      %dma_wait3A_218 = arith.constant 0 : i32
      %dma_wait3A_219 = arith.constant 0 : i32
      %dma_wait3A_220 = tpu.memref_slice %arg3[%dma_wait3A_218, %dma_wait3A_219] : memref<151936x1024xf32, #tpu.memory_space<hbm>> -> memref<16x1024xf32, #tpu.memory_space<hbm>>
      %dma_wait3A_221 = arith.constant 0 : i32
      %dma_wait3A_222 = arith.constant 0 : i32
      %dma_wait3A_223 = tpu.memref_slice %arg8[%dma_wait3A_213, %dma_wait3A_221, %dma_wait3A_222] : memref<4x16x1024xf32, #tpu.memory_space<vmem>> -> memref<1x16x1024xf32, #tpu.memory_space<vmem>>
      %dma_wait3A_224 = tpu.memref_squeeze %dma_wait3A_223 : memref<1x16x1024xf32, #tpu.memory_space<vmem>> -> memref<16x1024xf32, #tpu.memory_space<vmem>>
      %dma_wait3A_225 = arith.constant 0 : i32
      %dma_wait3A_226 = arith.constant 0 : i32
      %dma_wait3A_227 = tpu.memref_slice %arg3[%dma_wait3A_225, %dma_wait3A_226] : memref<151936x1024xf32, #tpu.memory_space<hbm>> -> memref<16x1024xf32, #tpu.memory_space<hbm>>
      tpu.wait_dma2 semaphore(%arg10 : memref<!tpu.dma_semaphore, #tpu.memory_space<semaphore_mem>>) src(%dma_wait3A_227 : memref<16x1024xf32, #tpu.memory_space<hbm>>) dst(%dma_wait3A_224 : memref<16x1024xf32, #tpu.memory_space<vmem>>)
      %mul3A_228 = arith.constant 4 : i32
      %mul3A_229 = arith.muli %mul3A_228, %add3A_93 : i32
      %add3A_230 = arith.constant 3 : i32
      %add3A_231 = arith.addi %mul3A_229, %add3A_230 : i32
      %dma_wait3A_232 = arith.constant 3 : i32
      %dma_wait3A_233 = arith.constant 0 : i32
      %dma_wait3A_234 = arith.constant 0 : i32
      %dma_wait3A_235 = tpu.memref_slice %arg8[%dma_wait3A_232, %dma_wait3A_233, %dma_wait3A_234] : memref<4x16x1024xf32, #tpu.memory_space<vmem>> -> memref<1x16x1024xf32, #tpu.memory_space<vmem>>
      %dma_wait3A_236 = tpu.memref_squeeze %dma_wait3A_235 : memref<1x16x1024xf32, #tpu.memory_space<vmem>> -> memref<16x1024xf32, #tpu.memory_space<vmem>>
      %dma_wait3A_237 = arith.constant 0 : i32
      %dma_wait3A_238 = arith.constant 0 : i32
      %dma_wait3A_239 = tpu.memref_slice %arg3[%dma_wait3A_237, %dma_wait3A_238] : memref<151936x1024xf32, #tpu.memory_space<hbm>> -> memref<16x1024xf32, #tpu.memory_space<hbm>>
      %dma_wait3A_240 = arith.constant 0 : i32
      %dma_wait3A_241 = arith.constant 0 : i32
      %dma_wait3A_242 = tpu.memref_slice %arg8[%dma_wait3A_232, %dma_wait3A_240, %dma_wait3A_241] : memref<4x16x1024xf32, #tpu.memory_space<vmem>> -> memref<1x16x1024xf32, #tpu.memory_space<vmem>>
      %dma_wait3A_243 = tpu.memref_squeeze %dma_wait3A_242 : memref<1x16x1024xf32, #tpu.memory_space<vmem>> -> memref<16x1024xf32, #tpu.memory_space<vmem>>
      %dma_wait3A_244 = arith.constant 0 : i32
      %dma_wait3A_245 = arith.constant 0 : i32
      %dma_wait3A_246 = tpu.memref_slice %arg3[%dma_wait3A_244, %dma_wait3A_245] : memref<151936x1024xf32, #tpu.memory_space<hbm>> -> memref<16x1024xf32, #tpu.memory_space<hbm>>
      tpu.wait_dma2 semaphore(%arg12 : memref<!tpu.dma_semaphore, #tpu.memory_space<semaphore_mem>>) src(%dma_wait3A_246 : memref<16x1024xf32, #tpu.memory_space<hbm>>) dst(%dma_wait3A_243 : memref<16x1024xf32, #tpu.memory_space<vmem>>)
      %lt3A = arith.constant 7 : i32
      %lt3A_247 = arith.cmpi slt, %add3A_93, %lt3A : i32
      %convert_element_type3A_248 = arith.extui %lt3A_247 : i1 to i32
      %cond3A_249 = arith.constant 0 : i32
      %cond3A_250 = arith.cmpi ne, %convert_element_type3A_248, %cond3A_249 : i32
      scf.if %cond3A_250 {
        %mul3A_302 = arith.constant 4 : i32
        %mul3A_303 = arith.muli %mul3A_302, %add3A_93 : i32
        %dma_wait3A_304 = arith.constant 0 : i32
        %dma_wait3A_305 = arith.constant 0 : i32
        %dma_wait3A_306 = arith.constant 0 : i32
        %dma_wait3A_307 = tpu.memref_slice %arg8[%dma_wait3A_304, %dma_wait3A_305, %dma_wait3A_306] : memref<4x16x1024xf32, #tpu.memory_space<vmem>> -> memref<1x16x1024xf32, #tpu.memory_space<vmem>>
        %dma_wait3A_308 = tpu.memref_squeeze %dma_wait3A_307 : memref<1x16x1024xf32, #tpu.memory_space<vmem>> -> memref<16x1024xf32, #tpu.memory_space<vmem>>
        %dma_wait3A_309 = arith.constant 0 : i32
        %dma_wait3A_310 = arith.constant 0 : i32
        %dma_wait3A_311 = tpu.memref_slice %arg5[%dma_wait3A_309, %dma_wait3A_310] : memref<16384x1024xf32, #tpu.memory_space<hbm>> -> memref<16x1024xf32, #tpu.memory_space<hbm>>
        %dma_wait3A_312 = arith.constant 0 : i32
        %dma_wait3A_313 = arith.constant 0 : i32
        %dma_wait3A_314 = tpu.memref_slice %arg5[%dma_wait3A_312, %dma_wait3A_313] : memref<16384x1024xf32, #tpu.memory_space<hbm>> -> memref<16x1024xf32, #tpu.memory_space<hbm>>
        %dma_wait3A_315 = arith.constant 0 : i32
        %dma_wait3A_316 = arith.constant 0 : i32
        %dma_wait3A_317 = tpu.memref_slice %arg8[%dma_wait3A_304, %dma_wait3A_315, %dma_wait3A_316] : memref<4x16x1024xf32, #tpu.memory_space<vmem>> -> memref<1x16x1024xf32, #tpu.memory_space<vmem>>
        %dma_wait3A_318 = tpu.memref_squeeze %dma_wait3A_317 : memref<1x16x1024xf32, #tpu.memory_space<vmem>> -> memref<16x1024xf32, #tpu.memory_space<vmem>>
        tpu.wait_dma2 semaphore(%arg13 : memref<!tpu.dma_semaphore, #tpu.memory_space<semaphore_mem>>) src(%dma_wait3A_318 : memref<16x1024xf32, #tpu.memory_space<vmem>>) dst(%dma_wait3A_314 : memref<16x1024xf32, #tpu.memory_space<hbm>>)
        %mul3A_319 = arith.constant 4 : i32
        %mul3A_320 = arith.muli %mul3A_319, %add3A_93 : i32
        %add3A_321 = arith.constant 2 : i32
        %add3A_322 = arith.addi %mul3A_320, %add3A_321 : i32
        %dma_wait3A_323 = arith.constant 2 : i32
        %dma_wait3A_324 = arith.constant 0 : i32
        %dma_wait3A_325 = arith.constant 0 : i32
        %dma_wait3A_326 = tpu.memref_slice %arg8[%dma_wait3A_323, %dma_wait3A_324, %dma_wait3A_325] : memref<4x16x1024xf32, #tpu.memory_space<vmem>> -> memref<1x16x1024xf32, #tpu.memory_space<vmem>>
        %dma_wait3A_327 = tpu.memref_squeeze %dma_wait3A_326 : memref<1x16x1024xf32, #tpu.memory_space<vmem>> -> memref<16x1024xf32, #tpu.memory_space<vmem>>
        %dma_wait3A_328 = arith.constant 0 : i32
        %dma_wait3A_329 = arith.constant 0 : i32
        %dma_wait3A_330 = tpu.memref_slice %arg5[%dma_wait3A_328, %dma_wait3A_329] : memref<16384x1024xf32, #tpu.memory_space<hbm>> -> memref<16x1024xf32, #tpu.memory_space<hbm>>
        %dma_wait3A_331 = arith.constant 0 : i32
        %dma_wait3A_332 = arith.constant 0 : i32
        %dma_wait3A_333 = tpu.memref_slice %arg5[%dma_wait3A_331, %dma_wait3A_332] : memref<16384x1024xf32, #tpu.memory_space<hbm>> -> memref<16x1024xf32, #tpu.memory_space<hbm>>
        %dma_wait3A_334 = arith.constant 0 : i32
        %dma_wait3A_335 = arith.constant 0 : i32
        %dma_wait3A_336 = tpu.memref_slice %arg8[%dma_wait3A_323, %dma_wait3A_334, %dma_wait3A_335] : memref<4x16x1024xf32, #tpu.memory_space<vmem>> -> memref<1x16x1024xf32, #tpu.memory_space<vmem>>
        %dma_wait3A_337 = tpu.memref_squeeze %dma_wait3A_336 : memref<1x16x1024xf32, #tpu.memory_space<vmem>> -> memref<16x1024xf32, #tpu.memory_space<vmem>>
        tpu.wait_dma2 semaphore(%arg15 : memref<!tpu.dma_semaphore, #tpu.memory_space<semaphore_mem>>) src(%dma_wait3A_337 : memref<16x1024xf32, #tpu.memory_space<vmem>>) dst(%dma_wait3A_333 : memref<16x1024xf32, #tpu.memory_space<hbm>>)
        %mul3A_338 = arith.constant 4 : i32
        %mul3A_339 = arith.muli %mul3A_338, %add3A_93 : i32
        %add3A_340 = arith.constant 4 : i32
        %add3A_341 = arith.addi %mul3A_339, %add3A_340 : i32
        %dma_start3A_342 = arith.constant 0 : i32
        %dma_start3A_343 = arith.constant 0 : i32
        %dma_start3A_344 = arith.constant 0 : i32
        %dma_start3A_345 = tpu.memref_slice %arg8[%dma_start3A_342, %dma_start3A_343, %dma_start3A_344] : memref<4x16x1024xf32, #tpu.memory_space<vmem>> -> memref<1x16x1024xf32, #tpu.memory_space<vmem>>
        %dma_start3A_346 = tpu.memref_squeeze %dma_start3A_345 : memref<1x16x1024xf32, #tpu.memory_space<vmem>> -> memref<16x1024xf32, #tpu.memory_space<vmem>>
        %dma_start3A_347 = arith.constant 0 : i32
        %dma_start3A_348 = tpu.memref_slice %arg6[%add3A_341, %dma_start3A_347] : memref<32x16xi32, #tpu.memory_space<vmem>> -> memref<1x16xi32, #tpu.memory_space<vmem>>
        %dma_start3A_349 = tpu.memref_squeeze %dma_start3A_348 : memref<1x16xi32, #tpu.memory_space<vmem>> -> memref<16xi32, #tpu.memory_space<vmem>>
        %dma_start3A_350 = arith.constant 0 : i32
        %dma_start3A_351 = arith.constant 0 : i32
        %dma_start3A_352 = tpu.memref_slice %arg3[%dma_start3A_350, %dma_start3A_351] : memref<151936x1024xf32, #tpu.memory_space<hbm>> -> memref<151936x1024xf32, #tpu.memory_space<hbm>>
        tpu.enqueue_indirect_dma source(%dma_start3A_352 : memref<151936x1024xf32, #tpu.memory_space<hbm>>) target(%dma_start3A_346 : memref<16x1024xf32, #tpu.memory_space<vmem>>) offsets(%dma_start3A_349 : memref<16xi32, #tpu.memory_space<vmem>>) semaphore(%arg9 : memref<!tpu.dma_semaphore, #tpu.memory_space<semaphore_mem>>)
        %mul3A_353 = arith.constant 4 : i32
        %mul3A_354 = arith.muli %mul3A_353, %add3A_93 : i32
        %add3A_355 = arith.constant 6 : i32
        %add3A_356 = arith.addi %mul3A_354, %add3A_355 : i32
        %dma_start3A_357 = arith.constant 2 : i32
        %dma_start3A_358 = arith.constant 0 : i32
        %dma_start3A_359 = arith.constant 0 : i32
        %dma_start3A_360 = tpu.memref_slice %arg8[%dma_start3A_357, %dma_start3A_358, %dma_start3A_359] : memref<4x16x1024xf32, #tpu.memory_space<vmem>> -> memref<1x16x1024xf32, #tpu.memory_space<vmem>>
        %dma_start3A_361 = tpu.memref_squeeze %dma_start3A_360 : memref<1x16x1024xf32, #tpu.memory_space<vmem>> -> memref<16x1024xf32, #tpu.memory_space<vmem>>
        %dma_start3A_362 = arith.constant 0 : i32
        %dma_start3A_363 = tpu.memref_slice %arg6[%add3A_356, %dma_start3A_362] : memref<32x16xi32, #tpu.memory_space<vmem>> -> memref<1x16xi32, #tpu.memory_space<vmem>>
        %dma_start3A_364 = tpu.memref_squeeze %dma_start3A_363 : memref<1x16xi32, #tpu.memory_space<vmem>> -> memref<16xi32, #tpu.memory_space<vmem>>
        %dma_start3A_365 = arith.constant 0 : i32
        %dma_start3A_366 = arith.constant 0 : i32
        %dma_start3A_367 = tpu.memref_slice %arg3[%dma_start3A_365, %dma_start3A_366] : memref<151936x1024xf32, #tpu.memory_space<hbm>> -> memref<151936x1024xf32, #tpu.memory_space<hbm>>
        tpu.enqueue_indirect_dma source(%dma_start3A_367 : memref<151936x1024xf32, #tpu.memory_space<hbm>>) target(%dma_start3A_361 : memref<16x1024xf32, #tpu.memory_space<vmem>>) offsets(%dma_start3A_364 : memref<16xi32, #tpu.memory_space<vmem>>) semaphore(%arg11 : memref<!tpu.dma_semaphore, #tpu.memory_space<semaphore_mem>>)
      } else {
      }
      %parallel_loop3A_251 = arith.constant 0 : i32
      %parallel_loop3A_252 = arith.constant 16 : i32
      %parallel_loop3A_253 = arith.constant 1 : i32
      scf.for %parallel_loop3A_302 = %parallel_loop3A_251 to %parallel_loop3A_252 step %parallel_loop3A_253  : i32 {
        %parallel_loop3A_303 = arith.constant 16 : i32
        %parallel_loop3A_304 = arith.addi %parallel_loop3A_303, %parallel_loop3A_302 : i32
        %parallel_loop3A_305 = arith.index_cast %parallel_loop3A_304 : i32 to index
        %parallel_loop3A_306 = arith.constant 0 : index
        %parallel_loop3A_307 = tpu.vector_load %arg7[%parallel_loop3A_305, %parallel_loop3A_306] {strides = array<i32>} : memref<32x1024xf32, #tpu.memory_space<vmem>>, vector<1x16xf32>,
        %parallel_loop3A_308 = vector.shape_cast %parallel_loop3A_307 : vector<1x16xf32> to vector<16xf32>
        %parallel_loop3A_309 = arith.constant 1 : i32
        %parallel_loop3A_310 = arith.index_cast %parallel_loop3A_309 : i32 to index
        %parallel_loop3A_311 = arith.index_cast %parallel_loop3A_302 : i32 to index
        %parallel_loop3A_312 = arith.constant 0 : index
        %parallel_loop3A_313 = tpu.vector_load %arg8[%parallel_loop3A_310, %parallel_loop3A_311, %parallel_loop3A_312] {strides = array<i32>} : memref<4x16x1024xf32, #tpu.memory_space<vmem>>, vector<1x1x16xf32>,
        %parallel_loop3A_314 = vector.shape_cast %parallel_loop3A_313 : vector<1x1x16xf32> to vector<16xf32>
        %parallel_loop3A_315 = vector.shape_cast %parallel_loop3A_308 : vector<16xf32> to vector<1x1x16xf32>
        tpu.vector_store %arg8[%parallel_loop3A_310, %parallel_loop3A_311, %parallel_loop3A_312], %parallel_loop3A_315 {add = true, strides = array<i32>} : memref<4x16x1024xf32, #tpu.memory_space<vmem>>, vector<1x1x16xf32>,
        %parallel_loop3A_316 = arith.constant 3 : i32
        %parallel_loop3A_317 = arith.index_cast %parallel_loop3A_316 : i32 to index
        %parallel_loop3A_318 = arith.index_cast %parallel_loop3A_302 : i32 to index
        %parallel_loop3A_319 = arith.constant 0 : index
        %parallel_loop3A_320 = tpu.vector_load %arg8[%parallel_loop3A_317, %parallel_loop3A_318, %parallel_loop3A_319] {strides = array<i32>} : memref<4x16x1024xf32, #tpu.memory_space<vmem>>, vector<1x1x16xf32>,
        %parallel_loop3A_321 = vector.shape_cast %parallel_loop3A_320 : vector<1x1x16xf32> to vector<16xf32>
        %parallel_loop3A_322 = vector.shape_cast %parallel_loop3A_308 : vector<16xf32> to vector<1x1x16xf32>
        tpu.vector_store %arg8[%parallel_loop3A_317, %parallel_loop3A_318, %parallel_loop3A_319], %parallel_loop3A_322 {add = true, strides = array<i32>} : memref<4x16x1024xf32, #tpu.memory_space<vmem>>, vector<1x1x16xf32>,
        %parallel_loop3A_323 = arith.index_cast %parallel_loop3A_304 : i32 to index
        %parallel_loop3A_324 = arith.constant 16 : index
        %parallel_loop3A_325 = tpu.vector_load %arg7[%parallel_loop3A_323, %parallel_loop3A_324] {strides = array<i32>} : memref<32x1024xf32, #tpu.memory_space<vmem>>, vector<1x16xf32>,
        %parallel_loop3A_326 = vector.shape_cast %parallel_loop3A_325 : vector<1x16xf32> to vector<16xf32>
        %parallel_loop3A_327 = arith.constant 1 : i32
        %parallel_loop3A_328 = arith.index_cast %parallel_loop3A_327 : i32 to index
        %parallel_loop3A_329 = arith.index_cast %parallel_loop3A_302 : i32 to index
        %parallel_loop3A_330 = arith.constant 16 : index
        %parallel_loop3A_331 = tpu.vector_load %arg8[%parallel_loop3A_328, %parallel_loop3A_329, %parallel_loop3A_330] {strides = array<i32>} : memref<4x16x1024xf32, #tpu.memory_space<vmem>>, vector<1x1x16xf32>,
        %parallel_loop3A_332 = vector.shape_cast %parallel_loop3A_331 : vector<1x1x16xf32> to vector<16xf32>
        %parallel_loop3A_333 = vector.shape_cast %parallel_loop3A_326 : vector<16xf32> to vector<1x1x16xf32>
        tpu.vector_store %arg8[%parallel_loop3A_328, %parallel_loop3A_329, %parallel_loop3A_330], %parallel_loop3A_333 {add = true, strides = array<i32>} : memref<4x16x1024xf32, #tpu.memory_space<vmem>>, vector<1x1x16xf32>,
        %parallel_loop3A_334 = arith.constant 3 : i32
        %parallel_loop3A_335 = arith.index_cast %parallel_loop3A_334 : i32 to index
        %parallel_loop3A_336 = arith.index_cast %parallel_loop3A_302 : i32 to index
        %parallel_loop3A_337 = arith.constant 16 : index
        %parallel_loop3A_338 = tpu.vector_load %arg8[%parallel_loop3A_335, %parallel_loop3A_336, %parallel_loop3A_337] {strides = array<i32>} : memref<4x16x1024xf32, #tpu.memory_space<vmem>>, vector<1x1x16xf32>,
        %parallel_loop3A_339 = vector.shape_cast %parallel_loop3A_338 : vector<1x1x16xf32> to vector<16xf32>
        %parallel_loop3A_340 = vector.shape_cast %parallel_loop3A_326 : vector<16xf32> to vector<1x1x16xf32>
        tpu.vector_store %arg8[%parallel_loop3A_335, %parallel_loop3A_336, %parallel_loop3A_337], %parallel_loop3A_340 {add = true, strides = array<i32>} : memref<4x16x1024xf32, #tpu.memory_space<vmem>>, vector<1x1x16xf32>,
        %parallel_loop3A_341 = arith.index_cast %parallel_loop3A_304 : i32 to index
        %parallel_loop3A_342 = arith.constant 32 : index
        %parallel_loop3A_343 = tpu.vector_load %arg7[%parallel_loop3A_341, %parallel_loop3A_342] {strides = array<i32>} : memref<32x1024xf32, #tpu.memory_space<vmem>>, vector<1x16xf32>,
        %parallel_loop3A_344 = vector.shape_cast %parallel_loop3A_343 : vector<1x16xf32> to vector<16xf32>
        %parallel_loop3A_345 = arith.constant 1 : i32
        %parallel_loop3A_346 = arith.index_cast %parallel_loop3A_345 : i32 to index
        %parallel_loop3A_347 = arith.index_cast %parallel_loop3A_302 : i32 to index
        %parallel_loop3A_348 = arith.constant 32 : index
        %parallel_loop3A_349 = tpu.vector_load %arg8[%parallel_loop3A_346, %parallel_loop3A_347, %parallel_loop3A_348] {strides = array<i32>} : memref<4x16x1024xf32, #tpu.memory_space<vmem>>, vector<1x1x16xf32>,
        %parallel_loop3A_350 = vector.shape_cast %parallel_loop3A_349 : vector<1x1x16xf32> to vector<16xf32>
        %parallel_loop3A_351 = vector.shape_cast %parallel_loop3A_344 : vector<16xf32> to vector<1x1x16xf32>
        tpu.vector_store %arg8[%parallel_loop3A_346, %parallel_loop3A_347, %parallel_loop3A_348], %parallel_loop3A_351 {add = true, strides = array<i32>} : memref<4x16x1024xf32, #tpu.memory_space<vmem>>, vector<1x1x16xf32>,
        %parallel_loop3A_352 = arith.constant 3 : i32
        %parallel_loop3A_353 = arith.index_cast %parallel_loop3A_352 : i32 to index
        %parallel_loop3A_354 = arith.index_cast %parallel_loop3A_302 : i32 to index
        %parallel_loop3A_355 = arith.constant 32 : index
        %parallel_loop3A_356 = tpu.vector_load %arg8[%parallel_loop3A_353, %parallel_loop3A_354, %parallel_loop3A_355] {strides = array<i32>} : memref<4x16x1024xf32, #tpu.memory_space<vmem>>, vector<1x1x16xf32>,
        %parallel_loop3A_357 = vector.shape_cast %parallel_loop3A_356 : vector<1x1x16xf32> to vector<16xf32>
        %parallel_loop3A_358 = vector.shape_cast %parallel_loop3A_344 : vector<16xf32> to vector<1x1x16xf32>
        tpu.vector_store %arg8[%parallel_loop3A_353, %parallel_loop3A_354, %parallel_loop3A_355], %parallel_loop3A_358 {add = true, strides = array<i32>} : memref<4x16x1024xf32, #tpu.memory_space<vmem>>, vector<1x1x16xf32>,
        %parallel_loop3A_359 = arith.index_cast %parallel_loop3A_304 : i32 to index
        %parallel_loop3A_360 = arith.constant 48 : index
        %parallel_loop3A_361 = tpu.vector_load %arg7[%parallel_loop3A_359, %parallel_loop3A_360] {strides = array<i32>} : memref<32x1024xf32, #tpu.memory_space<vmem>>, vector<1x16xf32>,
        %parallel_loop3A_362 = vector.shape_cast %parallel_loop3A_361 : vector<1x16xf32> to vector<16xf32>
        %parallel_loop3A_363 = arith.constant 1 : i32
        %parallel_loop3A_364 = arith.index_cast %parallel_loop3A_363 : i32 to index
        %parallel_loop3A_365 = arith.index_cast %parallel_loop3A_302 : i32 to index
        %parallel_loop3A_366 = arith.constant 48 : index
        %parallel_loop3A_367 = tpu.vector_load %arg8[%parallel_loop3A_364, %parallel_loop3A_365, %parallel_loop3A_366] {strides = array<i32>} : memref<4x16x1024xf32, #tpu.memory_space<vmem>>, vector<1x1x16xf32>,
        %parallel_loop3A_368 = vector.shape_cast %parallel_loop3A_367 : vector<1x1x16xf32> to vector<16xf32>
        %parallel_loop3A_369 = vector.shape_cast %parallel_loop3A_362 : vector<16xf32> to vector<1x1x16xf32>
        tpu.vector_store %arg8[%parallel_loop3A_364, %parallel_loop3A_365, %parallel_loop3A_366], %parallel_loop3A_369 {add = true, strides = array<i32>} : memref<4x16x1024xf32, #tpu.memory_space<vmem>>, vector<1x1x16xf32>,
        %parallel_loop3A_370 = arith.constant 3 : i32
        %parallel_loop3A_371 = arith.index_cast %parallel_loop3A_370 : i32 to index
        %parallel_loop3A_372 = arith.index_cast %parallel_loop3A_302 : i32 to index
        %parallel_loop3A_373 = arith.constant 48 : index
        %parallel_loop3A_374 = tpu.vector_load %arg8[%parallel_loop3A_371, %parallel_loop3A_372, %parallel_loop3A_373] {strides = array<i32>} : memref<4x16x1024xf32, #tpu.memory_space<vmem>>, vector<1x1x16xf32>,
        %parallel_loop3A_375 = vector.shape_cast %parallel_loop3A_374 : vector<1x1x16xf32> to vector<16xf32>
        %parallel_loop3A_376 = vector.shape_cast %parallel_loop3A_362 : vector<16xf32> to vector<1x1x16xf32>
        tpu.vector_store %arg8[%parallel_loop3A_371, %parallel_loop3A_372, %parallel_loop3A_373], %parallel_loop3A_376 {add = true, strides = array<i32>} : memref<4x16x1024xf32, #tpu.memory_space<vmem>>, vector<1x1x16xf32>,
        %parallel_loop3A_377 = arith.index_cast %parallel_loop3A_304 : i32 to index
        %parallel_loop3A_378 = arith.constant 64 : index
        %parallel_loop3A_379 = tpu.vector_load %arg7[%parallel_loop3A_377, %parallel_loop3A_378] {strides = array<i32>} : memref<32x1024xf32, #tpu.memory_space<vmem>>, vector<1x16xf32>,
        %parallel_loop3A_380 = vector.shape_cast %parallel_loop3A_379 : vector<1x16xf32> to vector<16xf32>
        %parallel_loop3A_381 = arith.constant 1 : i32
        %parallel_loop3A_382 = arith.index_cast %parallel_loop3A_381 : i32 to index
        %parallel_loop3A_383 = arith.index_cast %parallel_loop3A_302 : i32 to index
        %parallel_loop3A_384 = arith.constant 64 : index
        %parallel_loop3A_385 = tpu.vector_load %arg8[%parallel_loop3A_382, %parallel_loop3A_383, %parallel_loop3A_384] {strides = array<i32>} : memref<4x16x1024xf32, #tpu.memory_space<vmem>>, vector<1x1x16xf32>,
        %parallel_loop3A_386 = vector.shape_cast %parallel_loop3A_385 : vector<1x1x16xf32> to vector<16xf32>
        %parallel_loop3A_387 = vector.shape_cast %parallel_loop3A_380 : vector<16xf32> to vector<1x1x16xf32>
        tpu.vector_store %arg8[%parallel_loop3A_382, %parallel_loop3A_383, %parallel_loop3A_384], %parallel_loop3A_387 {add = true, strides = array<i32>} : memref<4x16x1024xf32, #tpu.memory_space<vmem>>, vector<1x1x16xf32>,
        %parallel_loop3A_388 = arith.constant 3 : i32
        %parallel_loop3A_389 = arith.index_cast %parallel_loop3A_388 : i32 to index
        %parallel_loop3A_390 = arith.index_cast %parallel_loop3A_302 : i32 to index
        %parallel_loop3A_391 = arith.constant 64 : index
        %parallel_loop3A_392 = tpu.vector_load %arg8[%parallel_loop3A_389, %parallel_loop3A_390, %parallel_loop3A_391] {strides = array<i32>} : memref<4x16x1024xf32, #tpu.memory_space<vmem>>, vector<1x1x16xf32>,
        %parallel_loop3A_393 = vector.shape_cast %parallel_loop3A_392 : vector<1x1x16xf32> to vector<16xf32>
        %parallel_loop3A_394 = vector.shape_cast %parallel_loop3A_380 : vector<16xf32> to vector<1x1x16xf32>
        tpu.vector_store %arg8[%parallel_loop3A_389, %parallel_loop3A_390, %parallel_loop3A_391], %parallel_loop3A_394 {add = true, strides = array<i32>} : memref<4x16x1024xf32, #tpu.memory_space<vmem>>, vector<1x1x16xf32>,
        %parallel_loop3A_395 = arith.index_cast %parallel_loop3A_304 : i32 to index
        %parallel_loop3A_396 = arith.constant 80 : index
        %parallel_loop3A_397 = tpu.vector_load %arg7[%parallel_loop3A_395, %parallel_loop3A_396] {strides = array<i32>} : memref<32x1024xf32, #tpu.memory_space<vmem>>, vector<1x16xf32>,
        %parallel_loop3A_398 = vector.shape_cast %parallel_loop3A_397 : vector<1x16xf32> to vector<16xf32>
        %parallel_loop3A_399 = arith.constant 1 : i32
        %parallel_loop3A_400 = arith.index_cast %parallel_loop3A_399 : i32 to index
        %parallel_loop3A_401 = arith.index_cast %parallel_loop3A_302 : i32 to index
        %parallel_loop3A_402 = arith.constant 80 : index
        %parallel_loop3A_403 = tpu.vector_load %arg8[%parallel_loop3A_400, %parallel_loop3A_401, %parallel_loop3A_402] {strides = array<i32>} : memref<4x16x1024xf32, #tpu.memory_space<vmem>>, vector<1x1x16xf32>,
        %parallel_loop3A_404 = vector.shape_cast %parallel_loop3A_403 : vector<1x1x16xf32> to vector<16xf32>
        %parallel_loop3A_405 = vector.shape_cast %parallel_loop3A_398 : vector<16xf32> to vector<1x1x16xf32>
        tpu.vector_store %arg8[%parallel_loop3A_400, %parallel_loop3A_401, %parallel_loop3A_402], %parallel_loop3A_405 {add = true, strides = array<i32>} : memref<4x16x1024xf32, #tpu.memory_space<vmem>>, vector<1x1x16xf32>,
        %parallel_loop3A_406 = arith.constant 3 : i32
        %parallel_loop3A_407 = arith.index_cast %parallel_loop3A_406 : i32 to index
        %parallel_loop3A_408 = arith.index_cast %parallel_loop3A_302 : i32 to index
        %parallel_loop3A_409 = arith.constant 80 : index
        %parallel_loop3A_410 = tpu.vector_load %arg8[%parallel_loop3A_407, %parallel_loop3A_408, %parallel_loop3A_409] {strides = array<i32>} : memref<4x16x1024xf32, #tpu.memory_space<vmem>>, vector<1x1x16xf32>,
        %parallel_loop3A_411 = vector.shape_cast %parallel_loop3A_410 : vector<1x1x16xf32> to vector<16xf32>
        %parallel_loop3A_412 = vector.shape_cast %parallel_loop3A_398 : vector<16xf32> to vector<1x1x16xf32>
        tpu.vector_store %arg8[%parallel_loop3A_407, %parallel_loop3A_408, %parallel_loop3A_409], %parallel_loop3A_412 {add = true, strides = array<i32>} : memref<4x16x1024xf32, #tpu.memory_space<vmem>>, vector<1x1x16xf32>,
        %parallel_loop3A_413 = arith.index_cast %parallel_loop3A_304 : i32 to index
        %parallel_loop3A_414 = arith.constant 96 : index
        %parallel_loop3A_415 = tpu.vector_load %arg7[%parallel_loop3A_413, %parallel_loop3A_414] {strides = array<i32>} : memref<32x1024xf32, #tpu.memory_space<vmem>>, vector<1x16xf32>,
        %parallel_loop3A_416 = vector.shape_cast %parallel_loop3A_415 : vector<1x16xf32> to vector<16xf32>
        %parallel_loop3A_417 = arith.constant 1 : i32
        %parallel_loop3A_418 = arith.index_cast %parallel_loop3A_417 : i32 to index
        %parallel_loop3A_419 = arith.index_cast %parallel_loop3A_302 : i32 to index
        %parallel_loop3A_420 = arith.constant 96 : index
        %parallel_loop3A_421 = tpu.vector_load %arg8[%parallel_loop3A_418, %parallel_loop3A_419, %parallel_loop3A_420] {strides = array<i32>} : memref<4x16x1024xf32, #tpu.memory_space<vmem>>, vector<1x1x16xf32>,
        %parallel_loop3A_422 = vector.shape_cast %parallel_loop3A_421 : vector<1x1x16xf32> to vector<16xf32>
        %parallel_loop3A_423 = vector.shape_cast %parallel_loop3A_416 : vector<16xf32> to vector<1x1x16xf32>
        tpu.vector_store %arg8[%parallel_loop3A_418, %parallel_loop3A_419, %parallel_loop3A_420], %parallel_loop3A_423 {add = true, strides = array<i32>} : memref<4x16x1024xf32, #tpu.memory_space<vmem>>, vector<1x1x16xf32>,
        %parallel_loop3A_424 = arith.constant 3 : i32
        %parallel_loop3A_425 = arith.index_cast %parallel_loop3A_424 : i32 to index
        %parallel_loop3A_426 = arith.index_cast %parallel_loop3A_302 : i32 to index
        %parallel_loop3A_427 = arith.constant 96 : index
        %parallel_loop3A_428 = tpu.vector_load %arg8[%parallel_loop3A_425, %parallel_loop3A_426, %parallel_loop3A_427] {strides = array<i32>} : memref<4x16x1024xf32, #tpu.memory_space<vmem>>, vector<1x1x16xf32>,
        %parallel_loop3A_429 = vector.shape_cast %parallel_loop3A_428 : vector<1x1x16xf32> to vector<16xf32>
        %parallel_loop3A_430 = vector.shape_cast %parallel_loop3A_416 : vector<16xf32> to vector<1x1x16xf32>
        tpu.vector_store %arg8[%parallel_loop3A_425, %parallel_loop3A_426, %parallel_loop3A_427], %parallel_loop3A_430 {add = true, strides = array<i32>} : memref<4x16x1024xf32, #tpu.memory_space<vmem>>, vector<1x1x16xf32>,
        %parallel_loop3A_431 = arith.index_cast %parallel_loop3A_304 : i32 to index
        %parallel_loop3A_432 = arith.constant 112 : index
        %parallel_loop3A_433 = tpu.vector_load %arg7[%parallel_loop3A_431, %parallel_loop3A_432] {strides = array<i32>} : memref<32x1024xf32, #tpu.memory_space<vmem>>, vector<1x16xf32>,
        %parallel_loop3A_434 = vector.shape_cast %parallel_loop3A_433 : vector<1x16xf32> to vector<16xf32>
        %parallel_loop3A_435 = arith.constant 1 : i32
        %parallel_loop3A_436 = arith.index_cast %parallel_loop3A_435 : i32 to index
        %parallel_loop3A_437 = arith.index_cast %parallel_loop3A_302 : i32 to index
        %parallel_loop3A_438 = arith.constant 112 : index
        %parallel_loop3A_439 = tpu.vector_load %arg8[%parallel_loop3A_436, %parallel_loop3A_437, %parallel_loop3A_438] {strides = array<i32>} : memref<4x16x1024xf32, #tpu.memory_space<vmem>>, vector<1x1x16xf32>,
        %parallel_loop3A_440 = vector.shape_cast %parallel_loop3A_439 : vector<1x1x16xf32> to vector<16xf32>
        %parallel_loop3A_441 = vector.shape_cast %parallel_loop3A_434 : vector<16xf32> to vector<1x1x16xf32>
        tpu.vector_store %arg8[%parallel_loop3A_436, %parallel_loop3A_437, %parallel_loop3A_438], %parallel_loop3A_441 {add = true, strides = array<i32>} : memref<4x16x1024xf32, #tpu.memory_space<vmem>>, vector<1x1x16xf32>,
        %parallel_loop3A_442 = arith.constant 3 : i32
        %parallel_loop3A_443 = arith.index_cast %parallel_loop3A_442 : i32 to index
        %parallel_loop3A_444 = arith.index_cast %parallel_loop3A_302 : i32 to index
        %parallel_loop3A_445 = arith.constant 112 : index
        %parallel_loop3A_446 = tpu.vector_load %arg8[%parallel_loop3A_443, %parallel_loop3A_444, %parallel_loop3A_445] {strides = array<i32>} : memref<4x16x1024xf32, #tpu.memory_space<vmem>>, vector<1x1x16xf32>,
        %parallel_loop3A_447 = vector.shape_cast %parallel_loop3A_446 : vector<1x1x16xf32> to vector<16xf32>
        %parallel_loop3A_448 = vector.shape_cast %parallel_loop3A_434 : vector<16xf32> to vector<1x1x16xf32>
        tpu.vector_store %arg8[%parallel_loop3A_443, %parallel_loop3A_444, %parallel_loop3A_445], %parallel_loop3A_448 {add = true, strides = array<i32>} : memref<4x16x1024xf32, #tpu.memory_space<vmem>>, vector<1x1x16xf32>,
        %parallel_loop3A_449 = arith.index_cast %parallel_loop3A_304 : i32 to index
        %parallel_loop3A_450 = arith.constant 128 : index
        %parallel_loop3A_451 = tpu.vector_load %arg7[%parallel_loop3A_449, %parallel_loop3A_450] {strides = array<i32>} : memref<32x1024xf32, #tpu.memory_space<vmem>>, vector<1x16xf32>,
        %parallel_loop3A_452 = vector.shape_cast %parallel_loop3A_451 : vector<1x16xf32> to vector<16xf32>
        %parallel_loop3A_453 = arith.constant 1 : i32
        %parallel_loop3A_454 = arith.index_cast %parallel_loop3A_453 : i32 to index
        %parallel_loop3A_455 = arith.index_cast %parallel_loop3A_302 : i32 to index
        %parallel_loop3A_456 = arith.constant 128 : index
        %parallel_loop3A_457 = tpu.vector_load %arg8[%parallel_loop3A_454, %parallel_loop3A_455, %parallel_loop3A_456] {strides = array<i32>} : memref<4x16x1024xf32, #tpu.memory_space<vmem>>, vector<1x1x16xf32>,
        %parallel_loop3A_458 = vector.shape_cast %parallel_loop3A_457 : vector<1x1x16xf32> to vector<16xf32>
        %parallel_loop3A_459 = vector.shape_cast %parallel_loop3A_452 : vector<16xf32> to vector<1x1x16xf32>
        tpu.vector_store %arg8[%parallel_loop3A_454, %parallel_loop3A_455, %parallel_loop3A_456], %parallel_loop3A_459 {add = true, strides = array<i32>} : memref<4x16x1024xf32, #tpu.memory_space<vmem>>, vector<1x1x16xf32>,
        %parallel_loop3A_460 = arith.constant 3 : i32
        %parallel_loop3A_461 = arith.index_cast %parallel_loop3A_460 : i32 to index
        %parallel_loop3A_462 = arith.index_cast %parallel_loop3A_302 : i32 to index
        %parallel_loop3A_463 = arith.constant 128 : index
        %parallel_loop3A_464 = tpu.vector_load %arg8[%parallel_loop3A_461, %parallel_loop3A_462, %parallel_loop3A_463] {strides = array<i32>} : memref<4x16x1024xf32, #tpu.memory_space<vmem>>, vector<1x1x16xf32>,
        %parallel_loop3A_465 = vector.shape_cast %parallel_loop3A_464 : vector<1x1x16xf32> to vector<16xf32>
        %parallel_loop3A_466 = vector.shape_cast %parallel_loop3A_452 : vector<16xf32> to vector<1x1x16xf32>
        tpu.vector_store %arg8[%parallel_loop3A_461, %parallel_loop3A_462, %parallel_loop3A_463], %parallel_loop3A_466 {add = true, strides = array<i32>} : memref<4x16x1024xf32, #tpu.memory_space<vmem>>, vector<1x1x16xf32>,
        %parallel_loop3A_467 = arith.index_cast %parallel_loop3A_304 : i32 to index
        %parallel_loop3A_468 = arith.constant 144 : index
        %parallel_loop3A_469 = tpu.vector_load %arg7[%parallel_loop3A_467, %parallel_loop3A_468] {strides = array<i32>} : memref<32x1024xf32, #tpu.memory_space<vmem>>, vector<1x16xf32>,
        %parallel_loop3A_470 = vector.shape_cast %parallel_loop3A_469 : vector<1x16xf32> to vector<16xf32>
        %parallel_loop3A_471 = arith.constant 1 : i32
        %parallel_loop3A_472 = arith.index_cast %parallel_loop3A_471 : i32 to index
        %parallel_loop3A_473 = arith.index_cast %parallel_loop3A_302 : i32 to index
        %parallel_loop3A_474 = arith.constant 144 : index
        %parallel_loop3A_475 = tpu.vector_load %arg8[%parallel_loop3A_472, %parallel_loop3A_473, %parallel_loop3A_474] {strides = array<i32>} : memref<4x16x1024xf32, #tpu.memory_space<vmem>>, vector<1x1x16xf32>,
        %parallel_loop3A_476 = vector.shape_cast %parallel_loop3A_475 : vector<1x1x16xf32> to vector<16xf32>
        %parallel_loop3A_477 = vector.shape_cast %parallel_loop3A_470 : vector<16xf32> to vector<1x1x16xf32>
        tpu.vector_store %arg8[%parallel_loop3A_472, %parallel_loop3A_473, %parallel_loop3A_474], %parallel_loop3A_477 {add = true, strides = array<i32>} : memref<4x16x1024xf32, #tpu.memory_space<vmem>>, vector<1x1x16xf32>,
        %parallel_loop3A_478 = arith.constant 3 : i32
        %parallel_loop3A_479 = arith.index_cast %parallel_loop3A_478 : i32 to index
        %parallel_loop3A_480 = arith.index_cast %parallel_loop3A_302 : i32 to index
        %parallel_loop3A_481 = arith.constant 144 : index
        %parallel_loop3A_482 = tpu.vector_load %arg8[%parallel_loop3A_479, %parallel_loop3A_480, %parallel_loop3A_481] {strides = array<i32>} : memref<4x16x1024xf32, #tpu.memory_space<vmem>>, vector<1x1x16xf32>,
        %parallel_loop3A_483 = vector.shape_cast %parallel_loop3A_482 : vector<1x1x16xf32> to vector<16xf32>
        %parallel_loop3A_484 = vector.shape_cast %parallel_loop3A_470 : vector<16xf32> to vector<1x1x16xf32>
        tpu.vector_store %arg8[%parallel_loop3A_479, %parallel_loop3A_480, %parallel_loop3A_481], %parallel_loop3A_484 {add = true, strides = array<i32>} : memref<4x16x1024xf32, #tpu.memory_space<vmem>>, vector<1x1x16xf32>,
        %parallel_loop3A_485 = arith.index_cast %parallel_loop3A_304 : i32 to index
        %parallel_loop3A_486 = arith.constant 160 : index
        %parallel_loop3A_487 = tpu.vector_load %arg7[%parallel_loop3A_485, %parallel_loop3A_486] {strides = array<i32>} : memref<32x1024xf32, #tpu.memory_space<vmem>>, vector<1x16xf32>,
        %parallel_loop3A_488 = vector.shape_cast %parallel_loop3A_487 : vector<1x16xf32> to vector<16xf32>
        %parallel_loop3A_489 = arith.constant 1 : i32
        %parallel_loop3A_490 = arith.index_cast %parallel_loop3A_489 : i32 to index
        %parallel_loop3A_491 = arith.index_cast %parallel_loop3A_302 : i32 to index
        %parallel_loop3A_492 = arith.constant 160 : index
        %parallel_loop3A_493 = tpu.vector_load %arg8[%parallel_loop3A_490, %parallel_loop3A_491, %parallel_loop3A_492] {strides = array<i32>} : memref<4x16x1024xf32, #tpu.memory_space<vmem>>, vector<1x1x16xf32>,
        %parallel_loop3A_494 = vector.shape_cast %parallel_loop3A_493 : vector<1x1x16xf32> to vector<16xf32>
        %parallel_loop3A_495 = vector.shape_cast %parallel_loop3A_488 : vector<16xf32> to vector<1x1x16xf32>
        tpu.vector_store %arg8[%parallel_loop3A_490, %parallel_loop3A_491, %parallel_loop3A_492], %parallel_loop3A_495 {add = true, strides = array<i32>} : memref<4x16x1024xf32, #tpu.memory_space<vmem>>, vector<1x1x16xf32>,
        %parallel_loop3A_496 = arith.constant 3 : i32
        %parallel_loop3A_497 = arith.index_cast %parallel_loop3A_496 : i32 to index
        %parallel_loop3A_498 = arith.index_cast %parallel_loop3A_302 : i32 to index
        %parallel_loop3A_499 = arith.constant 160 : index
        %parallel_loop3A_500 = tpu.vector_load %arg8[%parallel_loop3A_497, %parallel_loop3A_498, %parallel_loop3A_499] {strides = array<i32>} : memref<4x16x1024xf32, #tpu.memory_space<vmem>>, vector<1x1x16xf32>,
        %parallel_loop3A_501 = vector.shape_cast %parallel_loop3A_500 : vector<1x1x16xf32> to vector<16xf32>
        %parallel_loop3A_502 = vector.shape_cast %parallel_loop3A_488 : vector<16xf32> to vector<1x1x16xf32>
        tpu.vector_store %arg8[%parallel_loop3A_497, %parallel_loop3A_498, %parallel_loop3A_499], %parallel_loop3A_502 {add = true, strides = array<i32>} : memref<4x16x1024xf32, #tpu.memory_space<vmem>>, vector<1x1x16xf32>,
        %parallel_loop3A_503 = arith.index_cast %parallel_loop3A_304 : i32 to index
        %parallel_loop3A_504 = arith.constant 176 : index
        %parallel_loop3A_505 = tpu.vector_load %arg7[%parallel_loop3A_503, %parallel_loop3A_504] {strides = array<i32>} : memref<32x1024xf32, #tpu.memory_space<vmem>>, vector<1x16xf32>,
        %parallel_loop3A_506 = vector.shape_cast %parallel_loop3A_505 : vector<1x16xf32> to vector<16xf32>
        %parallel_loop3A_507 = arith.constant 1 : i32
        %parallel_loop3A_508 = arith.index_cast %parallel_loop3A_507 : i32 to index
        %parallel_loop3A_509 = arith.index_cast %parallel_loop3A_302 : i32 to index
        %parallel_loop3A_510 = arith.constant 176 : index
        %parallel_loop3A_511 = tpu.vector_load %arg8[%parallel_loop3A_508, %parallel_loop3A_509, %parallel_loop3A_510] {strides = array<i32>} : memref<4x16x1024xf32, #tpu.memory_space<vmem>>, vector<1x1x16xf32>,
        %parallel_loop3A_512 = vector.shape_cast %parallel_loop3A_511 : vector<1x1x16xf32> to vector<16xf32>
        %parallel_loop3A_513 = vector.shape_cast %parallel_loop3A_506 : vector<16xf32> to vector<1x1x16xf32>
        tpu.vector_store %arg8[%parallel_loop3A_508, %parallel_loop3A_509, %parallel_loop3A_510], %parallel_loop3A_513 {add = true, strides = array<i32>} : memref<4x16x1024xf32, #tpu.memory_space<vmem>>, vector<1x1x16xf32>,
        %parallel_loop3A_514 = arith.constant 3 : i32
        %parallel_loop3A_515 = arith.index_cast %parallel_loop3A_514 : i32 to index
        %parallel_loop3A_516 = arith.index_cast %parallel_loop3A_302 : i32 to index
        %parallel_loop3A_517 = arith.constant 176 : index
        %parallel_loop3A_518 = tpu.vector_load %arg8[%parallel_loop3A_515, %parallel_loop3A_516, %parallel_loop3A_517] {strides = array<i32>} : memref<4x16x1024xf32, #tpu.memory_space<vmem>>, vector<1x1x16xf32>,
        %parallel_loop3A_519 = vector.shape_cast %parallel_loop3A_518 : vector<1x1x16xf32> to vector<16xf32>
        %parallel_loop3A_520 = vector.shape_cast %parallel_loop3A_506 : vector<16xf32> to vector<1x1x16xf32>
        tpu.vector_store %arg8[%parallel_loop3A_515, %parallel_loop3A_516, %parallel_loop3A_517], %parallel_loop3A_520 {add = true, strides = array<i32>} : memref<4x16x1024xf32, #tpu.memory_space<vmem>>, vector<1x1x16xf32>,
        %parallel_loop3A_521 = arith.index_cast %parallel_loop3A_304 : i32 to index
        %parallel_loop3A_522 = arith.constant 192 : index
        %parallel_loop3A_523 = tpu.vector_load %arg7[%parallel_loop3A_521, %parallel_loop3A_522] {strides = array<i32>} : memref<32x1024xf32, #tpu.memory_space<vmem>>, vector<1x16xf32>,
        %parallel_loop3A_524 = vector.shape_cast %parallel_loop3A_523 : vector<1x16xf32> to vector<16xf32>
        %parallel_loop3A_525 = arith.constant 1 : i32
        %parallel_loop3A_526 = arith.index_cast %parallel_loop3A_525 : i32 to index
        %parallel_loop3A_527 = arith.index_cast %parallel_loop3A_302 : i32 to index
        %parallel_loop3A_528 = arith.constant 192 : index
        %parallel_loop3A_529 = tpu.vector_load %arg8[%parallel_loop3A_526, %parallel_loop3A_527, %parallel_loop3A_528] {strides = array<i32>} : memref<4x16x1024xf32, #tpu.memory_space<vmem>>, vector<1x1x16xf32>,
        %parallel_loop3A_530 = vector.shape_cast %parallel_loop3A_529 : vector<1x1x16xf32> to vector<16xf32>
        %parallel_loop3A_531 = vector.shape_cast %parallel_loop3A_524 : vector<16xf32> to vector<1x1x16xf32>
        tpu.vector_store %arg8[%parallel_loop3A_526, %parallel_loop3A_527, %parallel_loop3A_528], %parallel_loop3A_531 {add = true, strides = array<i32>} : memref<4x16x1024xf32, #tpu.memory_space<vmem>>, vector<1x1x16xf32>,
        %parallel_loop3A_532 = arith.constant 3 : i32
        %parallel_loop3A_533 = arith.index_cast %parallel_loop3A_532 : i32 to index
        %parallel_loop3A_534 = arith.index_cast %parallel_loop3A_302 : i32 to index
        %parallel_loop3A_535 = arith.constant 192 : index
        %parallel_loop3A_536 = tpu.vector_load %arg8[%parallel_loop3A_533, %parallel_loop3A_534, %parallel_loop3A_535] {strides = array<i32>} : memref<4x16x1024xf32, #tpu.memory_space<vmem>>, vector<1x1x16xf32>,
        %parallel_loop3A_537 = vector.shape_cast %parallel_loop3A_536 : vector<1x1x16xf32> to vector<16xf32>
        %parallel_loop3A_538 = vector.shape_cast %parallel_loop3A_524 : vector<16xf32> to vector<1x1x16xf32>
        tpu.vector_store %arg8[%parallel_loop3A_533, %parallel_loop3A_534, %parallel_loop3A_535], %parallel_loop3A_538 {add = true, strides = array<i32>} : memref<4x16x1024xf32, #tpu.memory_space<vmem>>, vector<1x1x16xf32>,
        %parallel_loop3A_539 = arith.index_cast %parallel_loop3A_304 : i32 to index
        %parallel_loop3A_540 = arith.constant 208 : index
        %parallel_loop3A_541 = tpu.vector_load %arg7[%parallel_loop3A_539, %parallel_loop3A_540] {strides = array<i32>} : memref<32x1024xf32, #tpu.memory_space<vmem>>, vector<1x16xf32>,
        %parallel_loop3A_542 = vector.shape_cast %parallel_loop3A_541 : vector<1x16xf32> to vector<16xf32>
        %parallel_loop3A_543 = arith.constant 1 : i32
        %parallel_loop3A_544 = arith.index_cast %parallel_loop3A_543 : i32 to index
        %parallel_loop3A_545 = arith.index_cast %parallel_loop3A_302 : i32 to index
        %parallel_loop3A_546 = arith.constant 208 : index
        %parallel_loop3A_547 = tpu.vector_load %arg8[%parallel_loop3A_544, %parallel_loop3A_545, %parallel_loop3A_546] {strides = array<i32>} : memref<4x16x1024xf32, #tpu.memory_space<vmem>>, vector<1x1x16xf32>,
        %parallel_loop3A_548 = vector.shape_cast %parallel_loop3A_547 : vector<1x1x16xf32> to vector<16xf32>
        %parallel_loop3A_549 = vector.shape_cast %parallel_loop3A_542 : vector<16xf32> to vector<1x1x16xf32>
        tpu.vector_store %arg8[%parallel_loop3A_544, %parallel_loop3A_545, %parallel_loop3A_546], %parallel_loop3A_549 {add = true, strides = array<i32>} : memref<4x16x1024xf32, #tpu.memory_space<vmem>>, vector<1x1x16xf32>,
        %parallel_loop3A_550 = arith.constant 3 : i32
        %parallel_loop3A_551 = arith.index_cast %parallel_loop3A_550 : i32 to index
        %parallel_loop3A_552 = arith.index_cast %parallel_loop3A_302 : i32 to index
        %parallel_loop3A_553 = arith.constant 208 : index
        %parallel_loop3A_554 = tpu.vector_load %arg8[%parallel_loop3A_551, %parallel_loop3A_552, %parallel_loop3A_553] {strides = array<i32>} : memref<4x16x1024xf32, #tpu.memory_space<vmem>>, vector<1x1x16xf32>,
        %parallel_loop3A_555 = vector.shape_cast %parallel_loop3A_554 : vector<1x1x16xf32> to vector<16xf32>
        %parallel_loop3A_556 = vector.shape_cast %parallel_loop3A_542 : vector<16xf32> to vector<1x1x16xf32>
        tpu.vector_store %arg8[%parallel_loop3A_551, %parallel_loop3A_552, %parallel_loop3A_553], %parallel_loop3A_556 {add = true, strides = array<i32>} : memref<4x16x1024xf32, #tpu.memory_space<vmem>>, vector<1x1x16xf32>,
        %parallel_loop3A_557 = arith.index_cast %parallel_loop3A_304 : i32 to index
        %parallel_loop3A_558 = arith.constant 224 : index
        %parallel_loop3A_559 = tpu.vector_load %arg7[%parallel_loop3A_557, %parallel_loop3A_558] {strides = array<i32>} : memref<32x1024xf32, #tpu.memory_space<vmem>>, vector<1x16xf32>,
        %parallel_loop3A_560 = vector.shape_cast %parallel_loop3A_559 : vector<1x16xf32> to vector<16xf32>
        %parallel_loop3A_561 = arith.constant 1 : i32
        %parallel_loop3A_562 = arith.index_cast %parallel_loop3A_561 : i32 to index
        %parallel_loop3A_563 = arith.index_cast %parallel_loop3A_302 : i32 to index
        %parallel_loop3A_564 = arith.constant 224 : index
        %parallel_loop3A_565 = tpu.vector_load %arg8[%parallel_loop3A_562, %parallel_loop3A_563, %parallel_loop3A_564] {strides = array<i32>} : memref<4x16x1024xf32, #tpu.memory_space<vmem>>, vector<1x1x16xf32>,
        %parallel_loop3A_566 = vector.shape_cast %parallel_loop3A_565 : vector<1x1x16xf32> to vector<16xf32>
        %parallel_loop3A_567 = vector.shape_cast %parallel_loop3A_560 : vector<16xf32> to vector<1x1x16xf32>
        tpu.vector_store %arg8[%parallel_loop3A_562, %parallel_loop3A_563, %parallel_loop3A_564], %parallel_loop3A_567 {add = true, strides = array<i32>} : memref<4x16x1024xf32, #tpu.memory_space<vmem>>, vector<1x1x16xf32>,
        %parallel_loop3A_568 = arith.constant 3 : i32
        %parallel_loop3A_569 = arith.index_cast %parallel_loop3A_568 : i32 to index
        %parallel_loop3A_570 = arith.index_cast %parallel_loop3A_302 : i32 to index
        %parallel_loop3A_571 = arith.constant 224 : index
        %parallel_loop3A_572 = tpu.vector_load %arg8[%parallel_loop3A_569, %parallel_loop3A_570, %parallel_loop3A_571] {strides = array<i32>} : memref<4x16x1024xf32, #tpu.memory_space<vmem>>, vector<1x1x16xf32>,
        %parallel_loop3A_573 = vector.shape_cast %parallel_loop3A_572 : vector<1x1x16xf32> to vector<16xf32>
        %parallel_loop3A_574 = vector.shape_cast %parallel_loop3A_560 : vector<16xf32> to vector<1x1x16xf32>
        tpu.vector_store %arg8[%parallel_loop3A_569, %parallel_loop3A_570, %parallel_loop3A_571], %parallel_loop3A_574 {add = true, strides = array<i32>} : memref<4x16x1024xf32, #tpu.memory_space<vmem>>, vector<1x1x16xf32>,
        %parallel_loop3A_575 = arith.index_cast %parallel_loop3A_304 : i32 to index
        %parallel_loop3A_576 = arith.constant 240 : index
        %parallel_loop3A_577 = tpu.vector_load %arg7[%parallel_loop3A_575, %parallel_loop3A_576] {strides = array<i32>} : memref<32x1024xf32, #tpu.memory_space<vmem>>, vector<1x16xf32>,
        %parallel_loop3A_578 = vector.shape_cast %parallel_loop3A_577 : vector<1x16xf32> to vector<16xf32>
        %parallel_loop3A_579 = arith.constant 1 : i32
        %parallel_loop3A_580 = arith.index_cast %parallel_loop3A_579 : i32 to index
        %parallel_loop3A_581 = arith.index_cast %parallel_loop3A_302 : i32 to index
        %parallel_loop3A_582 = arith.constant 240 : index
        %parallel_loop3A_583 = tpu.vector_load %arg8[%parallel_loop3A_580, %parallel_loop3A_581, %parallel_loop3A_582] {strides = array<i32>} : memref<4x16x1024xf32, #tpu.memory_space<vmem>>, vector<1x1x16xf32>,
        %parallel_loop3A_584 = vector.shape_cast %parallel_loop3A_583 : vector<1x1x16xf32> to vector<16xf32>
        %parallel_loop3A_585 = vector.shape_cast %parallel_loop3A_578 : vector<16xf32> to vector<1x1x16xf32>
        tpu.vector_store %arg8[%parallel_loop3A_580, %parallel_loop3A_581, %parallel_loop3A_582], %parallel_loop3A_585 {add = true, strides = array<i32>} : memref<4x16x1024xf32, #tpu.memory_space<vmem>>, vector<1x1x16xf32>,
        %parallel_loop3A_586 = arith.constant 3 : i32
        %parallel_loop3A_587 = arith.index_cast %parallel_loop3A_586 : i32 to index
        %parallel_loop3A_588 = arith.index_cast %parallel_loop3A_302 : i32 to index
        %parallel_loop3A_589 = arith.constant 240 : index
        %parallel_loop3A_590 = tpu.vector_load %arg8[%parallel_loop3A_587, %parallel_loop3A_588, %parallel_loop3A_589] {strides = array<i32>} : memref<4x16x1024xf32, #tpu.memory_space<vmem>>, vector<1x1x16xf32>,
        %parallel_loop3A_591 = vector.shape_cast %parallel_loop3A_590 : vector<1x1x16xf32> to vector<16xf32>
        %parallel_loop3A_592 = vector.shape_cast %parallel_loop3A_578 : vector<16xf32> to vector<1x1x16xf32>
        tpu.vector_store %arg8[%parallel_loop3A_587, %parallel_loop3A_588, %parallel_loop3A_589], %parallel_loop3A_592 {add = true, strides = array<i32>} : memref<4x16x1024xf32, #tpu.memory_space<vmem>>, vector<1x1x16xf32>,
        %parallel_loop3A_593 = arith.index_cast %parallel_loop3A_304 : i32 to index
        %parallel_loop3A_594 = arith.constant 256 : index
        %parallel_loop3A_595 = tpu.vector_load %arg7[%parallel_loop3A_593, %parallel_loop3A_594] {strides = array<i32>} : memref<32x1024xf32, #tpu.memory_space<vmem>>, vector<1x16xf32>,
        %parallel_loop3A_596 = vector.shape_cast %parallel_loop3A_595 : vector<1x16xf32> to vector<16xf32>
        %parallel_loop3A_597 = arith.constant 1 : i32
        %parallel_loop3A_598 = arith.index_cast %parallel_loop3A_597 : i32 to index
        %parallel_loop3A_599 = arith.index_cast %parallel_loop3A_302 : i32 to index
        %parallel_loop3A_600 = arith.constant 256 : index
        %parallel_loop3A_601 = tpu.vector_load %arg8[%parallel_loop3A_598, %parallel_loop3A_599, %parallel_loop3A_600] {strides = array<i32>} : memref<4x16x1024xf32, #tpu.memory_space<vmem>>, vector<1x1x16xf32>,
        %parallel_loop3A_602 = vector.shape_cast %parallel_loop3A_601 : vector<1x1x16xf32> to vector<16xf32>
        %parallel_loop3A_603 = vector.shape_cast %parallel_loop3A_596 : vector<16xf32> to vector<1x1x16xf32>
        tpu.vector_store %arg8[%parallel_loop3A_598, %parallel_loop3A_599, %parallel_loop3A_600], %parallel_loop3A_603 {add = true, strides = array<i32>} : memref<4x16x1024xf32, #tpu.memory_space<vmem>>, vector<1x1x16xf32>,
        %parallel_loop3A_604 = arith.constant 3 : i32
        %parallel_loop3A_605 = arith.index_cast %parallel_loop3A_604 : i32 to index
        %parallel_loop3A_606 = arith.index_cast %parallel_loop3A_302 : i32 to index
        %parallel_loop3A_607 = arith.constant 256 : index
        %parallel_loop3A_608 = tpu.vector_load %arg8[%parallel_loop3A_605, %parallel_loop3A_606, %parallel_loop3A_607] {strides = array<i32>} : memref<4x16x1024xf32, #tpu.memory_space<vmem>>, vector<1x1x16xf32>,
        %parallel_loop3A_609 = vector.shape_cast %parallel_loop3A_608 : vector<1x1x16xf32> to vector<16xf32>
        %parallel_loop3A_610 = vector.shape_cast %parallel_loop3A_596 : vector<16xf32> to vector<1x1x16xf32>
        tpu.vector_store %arg8[%parallel_loop3A_605, %parallel_loop3A_606, %parallel_loop3A_607], %parallel_loop3A_610 {add = true, strides = array<i32>} : memref<4x16x1024xf32, #tpu.memory_space<vmem>>, vector<1x1x16xf32>,
        %parallel_loop3A_611 = arith.index_cast %parallel_loop3A_304 : i32 to index
        %parallel_loop3A_612 = arith.constant 272 : index
        %parallel_loop3A_613 = tpu.vector_load %arg7[%parallel_loop3A_611, %parallel_loop3A_612] {strides = array<i32>} : memref<32x1024xf32, #tpu.memory_space<vmem>>, vector<1x16xf32>,
        %parallel_loop3A_614 = vector.shape_cast %parallel_loop3A_613 : vector<1x16xf32> to vector<16xf32>
        %parallel_loop3A_615 = arith.constant 1 : i32
        %parallel_loop3A_616 = arith.index_cast %parallel_loop3A_615 : i32 to index
        %parallel_loop3A_617 = arith.index_cast %parallel_loop3A_302 : i32 to index
        %parallel_loop3A_618 = arith.constant 272 : index
        %parallel_loop3A_619 = tpu.vector_load %arg8[%parallel_loop3A_616, %parallel_loop3A_617, %parallel_loop3A_618] {strides = array<i32>} : memref<4x16x1024xf32, #tpu.memory_space<vmem>>, vector<1x1x16xf32>,
        %parallel_loop3A_620 = vector.shape_cast %parallel_loop3A_619 : vector<1x1x16xf32> to vector<16xf32>
        %parallel_loop3A_621 = vector.shape_cast %parallel_loop3A_614 : vector<16xf32> to vector<1x1x16xf32>
        tpu.vector_store %arg8[%parallel_loop3A_616, %parallel_loop3A_617, %parallel_loop3A_618], %parallel_loop3A_621 {add = true, strides = array<i32>} : memref<4x16x1024xf32, #tpu.memory_space<vmem>>, vector<1x1x16xf32>,
        %parallel_loop3A_622 = arith.constant 3 : i32
        %parallel_loop3A_623 = arith.index_cast %parallel_loop3A_622 : i32 to index
        %parallel_loop3A_624 = arith.index_cast %parallel_loop3A_302 : i32 to index
        %parallel_loop3A_625 = arith.constant 272 : index
        %parallel_loop3A_626 = tpu.vector_load %arg8[%parallel_loop3A_623, %parallel_loop3A_624, %parallel_loop3A_625] {strides = array<i32>} : memref<4x16x1024xf32, #tpu.memory_space<vmem>>, vector<1x1x16xf32>,
        %parallel_loop3A_627 = vector.shape_cast %parallel_loop3A_626 : vector<1x1x16xf32> to vector<16xf32>
        %parallel_loop3A_628 = vector.shape_cast %parallel_loop3A_614 : vector<16xf32> to vector<1x1x16xf32>
        tpu.vector_store %arg8[%parallel_loop3A_623, %parallel_loop3A_624, %parallel_loop3A_625], %parallel_loop3A_628 {add = true, strides = array<i32>} : memref<4x16x1024xf32, #tpu.memory_space<vmem>>, vector<1x1x16xf32>,
        %parallel_loop3A_629 = arith.index_cast %parallel_loop3A_304 : i32 to index
        %parallel_loop3A_630 = arith.constant 288 : index
        %parallel_loop3A_631 = tpu.vector_load %arg7[%parallel_loop3A_629, %parallel_loop3A_630] {strides = array<i32>} : memref<32x1024xf32, #tpu.memory_space<vmem>>, vector<1x16xf32>,
        %parallel_loop3A_632 = vector.shape_cast %parallel_loop3A_631 : vector<1x16xf32> to vector<16xf32>
        %parallel_loop3A_633 = arith.constant 1 : i32
        %parallel_loop3A_634 = arith.index_cast %parallel_loop3A_633 : i32 to index
        %parallel_loop3A_635 = arith.index_cast %parallel_loop3A_302 : i32 to index
        %parallel_loop3A_636 = arith.constant 288 : index
        %parallel_loop3A_637 = tpu.vector_load %arg8[%parallel_loop3A_634, %parallel_loop3A_635, %parallel_loop3A_636] {strides = array<i32>} : memref<4x16x1024xf32, #tpu.memory_space<vmem>>, vector<1x1x16xf32>,
        %parallel_loop3A_638 = vector.shape_cast %parallel_loop3A_637 : vector<1x1x16xf32> to vector<16xf32>
        %parallel_loop3A_639 = vector.shape_cast %parallel_loop3A_632 : vector<16xf32> to vector<1x1x16xf32>
        tpu.vector_store %arg8[%parallel_loop3A_634, %parallel_loop3A_635, %parallel_loop3A_636], %parallel_loop3A_639 {add = true, strides = array<i32>} : memref<4x16x1024xf32, #tpu.memory_space<vmem>>, vector<1x1x16xf32>,
        %parallel_loop3A_640 = arith.constant 3 : i32
        %parallel_loop3A_641 = arith.index_cast %parallel_loop3A_640 : i32 to index
        %parallel_loop3A_642 = arith.index_cast %parallel_loop3A_302 : i32 to index
        %parallel_loop3A_643 = arith.constant 288 : index
        %parallel_loop3A_644 = tpu.vector_load %arg8[%parallel_loop3A_641, %parallel_loop3A_642, %parallel_loop3A_643] {strides = array<i32>} : memref<4x16x1024xf32, #tpu.memory_space<vmem>>, vector<1x1x16xf32>,
        %parallel_loop3A_645 = vector.shape_cast %parallel_loop3A_644 : vector<1x1x16xf32> to vector<16xf32>
        %parallel_loop3A_646 = vector.shape_cast %parallel_loop3A_632 : vector<16xf32> to vector<1x1x16xf32>
        tpu.vector_store %arg8[%parallel_loop3A_641, %parallel_loop3A_642, %parallel_loop3A_643], %parallel_loop3A_646 {add = true, strides = array<i32>} : memref<4x16x1024xf32, #tpu.memory_space<vmem>>, vector<1x1x16xf32>,
        %parallel_loop3A_647 = arith.index_cast %parallel_loop3A_304 : i32 to index
        %parallel_loop3A_648 = arith.constant 304 : index
        %parallel_loop3A_649 = tpu.vector_load %arg7[%parallel_loop3A_647, %parallel_loop3A_648] {strides = array<i32>} : memref<32x1024xf32, #tpu.memory_space<vmem>>, vector<1x16xf32>,
        %parallel_loop3A_650 = vector.shape_cast %parallel_loop3A_649 : vector<1x16xf32> to vector<16xf32>
        %parallel_loop3A_651 = arith.constant 1 : i32
        %parallel_loop3A_652 = arith.index_cast %parallel_loop3A_651 : i32 to index
        %parallel_loop3A_653 = arith.index_cast %parallel_loop3A_302 : i32 to index
        %parallel_loop3A_654 = arith.constant 304 : index
        %parallel_loop3A_655 = tpu.vector_load %arg8[%parallel_loop3A_652, %parallel_loop3A_653, %parallel_loop3A_654] {strides = array<i32>} : memref<4x16x1024xf32, #tpu.memory_space<vmem>>, vector<1x1x16xf32>,
        %parallel_loop3A_656 = vector.shape_cast %parallel_loop3A_655 : vector<1x1x16xf32> to vector<16xf32>
        %parallel_loop3A_657 = vector.shape_cast %parallel_loop3A_650 : vector<16xf32> to vector<1x1x16xf32>
        tpu.vector_store %arg8[%parallel_loop3A_652, %parallel_loop3A_653, %parallel_loop3A_654], %parallel_loop3A_657 {add = true, strides = array<i32>} : memref<4x16x1024xf32, #tpu.memory_space<vmem>>, vector<1x1x16xf32>,
        %parallel_loop3A_658 = arith.constant 3 : i32
        %parallel_loop3A_659 = arith.index_cast %parallel_loop3A_658 : i32 to index
        %parallel_loop3A_660 = arith.index_cast %parallel_loop3A_302 : i32 to index
        %parallel_loop3A_661 = arith.constant 304 : index
        %parallel_loop3A_662 = tpu.vector_load %arg8[%parallel_loop3A_659, %parallel_loop3A_660, %parallel_loop3A_661] {strides = array<i32>} : memref<4x16x1024xf32, #tpu.memory_space<vmem>>, vector<1x1x16xf32>,
        %parallel_loop3A_663 = vector.shape_cast %parallel_loop3A_662 : vector<1x1x16xf32> to vector<16xf32>
        %parallel_loop3A_664 = vector.shape_cast %parallel_loop3A_650 : vector<16xf32> to vector<1x1x16xf32>
        tpu.vector_store %arg8[%parallel_loop3A_659, %parallel_loop3A_660, %parallel_loop3A_661], %parallel_loop3A_664 {add = true, strides = array<i32>} : memref<4x16x1024xf32, #tpu.memory_space<vmem>>, vector<1x1x16xf32>,
        %parallel_loop3A_665 = arith.index_cast %parallel_loop3A_304 : i32 to index
        %parallel_loop3A_666 = arith.constant 320 : index
        %parallel_loop3A_667 = tpu.vector_load %arg7[%parallel_loop3A_665, %parallel_loop3A_666] {strides = array<i32>} : memref<32x1024xf32, #tpu.memory_space<vmem>>, vector<1x16xf32>,
        %parallel_loop3A_668 = vector.shape_cast %parallel_loop3A_667 : vector<1x16xf32> to vector<16xf32>
        %parallel_loop3A_669 = arith.constant 1 : i32
        %parallel_loop3A_670 = arith.index_cast %parallel_loop3A_669 : i32 to index
        %parallel_loop3A_671 = arith.index_cast %parallel_loop3A_302 : i32 to index
        %parallel_loop3A_672 = arith.constant 320 : index
        %parallel_loop3A_673 = tpu.vector_load %arg8[%parallel_loop3A_670, %parallel_loop3A_671, %parallel_loop3A_672] {strides = array<i32>} : memref<4x16x1024xf32, #tpu.memory_space<vmem>>, vector<1x1x16xf32>,
        %parallel_loop3A_674 = vector.shape_cast %parallel_loop3A_673 : vector<1x1x16xf32> to vector<16xf32>
        %parallel_loop3A_675 = vector.shape_cast %parallel_loop3A_668 : vector<16xf32> to vector<1x1x16xf32>
        tpu.vector_store %arg8[%parallel_loop3A_670, %parallel_loop3A_671, %parallel_loop3A_672], %parallel_loop3A_675 {add = true, strides = array<i32>} : memref<4x16x1024xf32, #tpu.memory_space<vmem>>, vector<1x1x16xf32>,
        %parallel_loop3A_676 = arith.constant 3 : i32
        %parallel_loop3A_677 = arith.index_cast %parallel_loop3A_676 : i32 to index
        %parallel_loop3A_678 = arith.index_cast %parallel_loop3A_302 : i32 to index
        %parallel_loop3A_679 = arith.constant 320 : index
        %parallel_loop3A_680 = tpu.vector_load %arg8[%parallel_loop3A_677, %parallel_loop3A_678, %parallel_loop3A_679] {strides = array<i32>} : memref<4x16x1024xf32, #tpu.memory_space<vmem>>, vector<1x1x16xf32>,
        %parallel_loop3A_681 = vector.shape_cast %parallel_loop3A_680 : vector<1x1x16xf32> to vector<16xf32>
        %parallel_loop3A_682 = vector.shape_cast %parallel_loop3A_668 : vector<16xf32> to vector<1x1x16xf32>
        tpu.vector_store %arg8[%parallel_loop3A_677, %parallel_loop3A_678, %parallel_loop3A_679], %parallel_loop3A_682 {add = true, strides = array<i32>} : memref<4x16x1024xf32, #tpu.memory_space<vmem>>, vector<1x1x16xf32>,
        %parallel_loop3A_683 = arith.index_cast %parallel_loop3A_304 : i32 to index
        %parallel_loop3A_684 = arith.constant 336 : index
        %parallel_loop3A_685 = tpu.vector_load %arg7[%parallel_loop3A_683, %parallel_loop3A_684] {strides = array<i32>} : memref<32x1024xf32, #tpu.memory_space<vmem>>, vector<1x16xf32>,
        %parallel_loop3A_686 = vector.shape_cast %parallel_loop3A_685 : vector<1x16xf32> to vector<16xf32>
        %parallel_loop3A_687 = arith.constant 1 : i32
        %parallel_loop3A_688 = arith.index_cast %parallel_loop3A_687 : i32 to index
        %parallel_loop3A_689 = arith.index_cast %parallel_loop3A_302 : i32 to index
        %parallel_loop3A_690 = arith.constant 336 : index
        %parallel_loop3A_691 = tpu.vector_load %arg8[%parallel_loop3A_688, %parallel_loop3A_689, %parallel_loop3A_690] {strides = array<i32>} : memref<4x16x1024xf32, #tpu.memory_space<vmem>>, vector<1x1x16xf32>,
        %parallel_loop3A_692 = vector.shape_cast %parallel_loop3A_691 : vector<1x1x16xf32> to vector<16xf32>
        %parallel_loop3A_693 = vector.shape_cast %parallel_loop3A_686 : vector<16xf32> to vector<1x1x16xf32>
        tpu.vector_store %arg8[%parallel_loop3A_688, %parallel_loop3A_689, %parallel_loop3A_690], %parallel_loop3A_693 {add = true, strides = array<i32>} : memref<4x16x1024xf32, #tpu.memory_space<vmem>>, vector<1x1x16xf32>,
        %parallel_loop3A_694 = arith.constant 3 : i32
        %parallel_loop3A_695 = arith.index_cast %parallel_loop3A_694 : i32 to index
        %parallel_loop3A_696 = arith.index_cast %parallel_loop3A_302 : i32 to index
        %parallel_loop3A_697 = arith.constant 336 : index
        %parallel_loop3A_698 = tpu.vector_load %arg8[%parallel_loop3A_695, %parallel_loop3A_696, %parallel_loop3A_697] {strides = array<i32>} : memref<4x16x1024xf32, #tpu.memory_space<vmem>>, vector<1x1x16xf32>,
        %parallel_loop3A_699 = vector.shape_cast %parallel_loop3A_698 : vector<1x1x16xf32> to vector<16xf32>
        %parallel_loop3A_700 = vector.shape_cast %parallel_loop3A_686 : vector<16xf32> to vector<1x1x16xf32>
        tpu.vector_store %arg8[%parallel_loop3A_695, %parallel_loop3A_696, %parallel_loop3A_697], %parallel_loop3A_700 {add = true, strides = array<i32>} : memref<4x16x1024xf32, #tpu.memory_space<vmem>>, vector<1x1x16xf32>,
        %parallel_loop3A_701 = arith.index_cast %parallel_loop3A_304 : i32 to index
        %parallel_loop3A_702 = arith.constant 352 : index
        %parallel_loop3A_703 = tpu.vector_load %arg7[%parallel_loop3A_701, %parallel_loop3A_702] {strides = array<i32>} : memref<32x1024xf32, #tpu.memory_space<vmem>>, vector<1x16xf32>,
        %parallel_loop3A_704 = vector.shape_cast %parallel_loop3A_703 : vector<1x16xf32> to vector<16xf32>
        %parallel_loop3A_705 = arith.constant 1 : i32
        %parallel_loop3A_706 = arith.index_cast %parallel_loop3A_705 : i32 to index
        %parallel_loop3A_707 = arith.index_cast %parallel_loop3A_302 : i32 to index
        %parallel_loop3A_708 = arith.constant 352 : index
        %parallel_loop3A_709 = tpu.vector_load %arg8[%parallel_loop3A_706, %parallel_loop3A_707, %parallel_loop3A_708] {strides = array<i32>} : memref<4x16x1024xf32, #tpu.memory_space<vmem>>, vector<1x1x16xf32>,
        %parallel_loop3A_710 = vector.shape_cast %parallel_loop3A_709 : vector<1x1x16xf32> to vector<16xf32>
        %parallel_loop3A_711 = vector.shape_cast %parallel_loop3A_704 : vector<16xf32> to vector<1x1x16xf32>
        tpu.vector_store %arg8[%parallel_loop3A_706, %parallel_loop3A_707, %parallel_loop3A_708], %parallel_loop3A_711 {add = true, strides = array<i32>} : memref<4x16x1024xf32, #tpu.memory_space<vmem>>, vector<1x1x16xf32>,
        %parallel_loop3A_712 = arith.constant 3 : i32
        %parallel_loop3A_713 = arith.index_cast %parallel_loop3A_712 : i32 to index
        %parallel_loop3A_714 = arith.index_cast %parallel_loop3A_302 : i32 to index
        %parallel_loop3A_715 = arith.constant 352 : index
        %parallel_loop3A_716 = tpu.vector_load %arg8[%parallel_loop3A_713, %parallel_loop3A_714, %parallel_loop3A_715] {strides = array<i32>} : memref<4x16x1024xf32, #tpu.memory_space<vmem>>, vector<1x1x16xf32>,
        %parallel_loop3A_717 = vector.shape_cast %parallel_loop3A_716 : vector<1x1x16xf32> to vector<16xf32>
        %parallel_loop3A_718 = vector.shape_cast %parallel_loop3A_704 : vector<16xf32> to vector<1x1x16xf32>
        tpu.vector_store %arg8[%parallel_loop3A_713, %parallel_loop3A_714, %parallel_loop3A_715], %parallel_loop3A_718 {add = true, strides = array<i32>} : memref<4x16x1024xf32, #tpu.memory_space<vmem>>, vector<1x1x16xf32>,
        %parallel_loop3A_719 = arith.index_cast %parallel_loop3A_304 : i32 to index
        %parallel_loop3A_720 = arith.constant 368 : index
        %parallel_loop3A_721 = tpu.vector_load %arg7[%parallel_loop3A_719, %parallel_loop3A_720] {strides = array<i32>} : memref<32x1024xf32, #tpu.memory_space<vmem>>, vector<1x16xf32>,
        %parallel_loop3A_722 = vector.shape_cast %parallel_loop3A_721 : vector<1x16xf32> to vector<16xf32>
        %parallel_loop3A_723 = arith.constant 1 : i32
        %parallel_loop3A_724 = arith.index_cast %parallel_loop3A_723 : i32 to index
        %parallel_loop3A_725 = arith.index_cast %parallel_loop3A_302 : i32 to index
        %parallel_loop3A_726 = arith.constant 368 : index
        %parallel_loop3A_727 = tpu.vector_load %arg8[%parallel_loop3A_724, %parallel_loop3A_725, %parallel_loop3A_726] {strides = array<i32>} : memref<4x16x1024xf32, #tpu.memory_space<vmem>>, vector<1x1x16xf32>,
        %parallel_loop3A_728 = vector.shape_cast %parallel_loop3A_727 : vector<1x1x16xf32> to vector<16xf32>
        %parallel_loop3A_729 = vector.shape_cast %parallel_loop3A_722 : vector<16xf32> to vector<1x1x16xf32>
        tpu.vector_store %arg8[%parallel_loop3A_724, %parallel_loop3A_725, %parallel_loop3A_726], %parallel_loop3A_729 {add = true, strides = array<i32>} : memref<4x16x1024xf32, #tpu.memory_space<vmem>>, vector<1x1x16xf32>,
        %parallel_loop3A_730 = arith.constant 3 : i32
        %parallel_loop3A_731 = arith.index_cast %parallel_loop3A_730 : i32 to index
        %parallel_loop3A_732 = arith.index_cast %parallel_loop3A_302 : i32 to index
        %parallel_loop3A_733 = arith.constant 368 : index
        %parallel_loop3A_734 = tpu.vector_load %arg8[%parallel_loop3A_731, %parallel_loop3A_732, %parallel_loop3A_733] {strides = array<i32>} : memref<4x16x1024xf32, #tpu.memory_space<vmem>>, vector<1x1x16xf32>,
        %parallel_loop3A_735 = vector.shape_cast %parallel_loop3A_734 : vector<1x1x16xf32> to vector<16xf32>
        %parallel_loop3A_736 = vector.shape_cast %parallel_loop3A_722 : vector<16xf32> to vector<1x1x16xf32>
        tpu.vector_store %arg8[%parallel_loop3A_731, %parallel_loop3A_732, %parallel_loop3A_733], %parallel_loop3A_736 {add = true, strides = array<i32>} : memref<4x16x1024xf32, #tpu.memory_space<vmem>>, vector<1x1x16xf32>,
        %parallel_loop3A_737 = arith.index_cast %parallel_loop3A_304 : i32 to index
        %parallel_loop3A_738 = arith.constant 384 : index
        %parallel_loop3A_739 = tpu.vector_load %arg7[%parallel_loop3A_737, %parallel_loop3A_738] {strides = array<i32>} : memref<32x1024xf32, #tpu.memory_space<vmem>>, vector<1x16xf32>,
        %parallel_loop3A_740 = vector.shape_cast %parallel_loop3A_739 : vector<1x16xf32> to vector<16xf32>
        %parallel_loop3A_741 = arith.constant 1 : i32
        %parallel_loop3A_742 = arith.index_cast %parallel_loop3A_741 : i32 to index
        %parallel_loop3A_743 = arith.index_cast %parallel_loop3A_302 : i32 to index
        %parallel_loop3A_744 = arith.constant 384 : index
        %parallel_loop3A_745 = tpu.vector_load %arg8[%parallel_loop3A_742, %parallel_loop3A_743, %parallel_loop3A_744] {strides = array<i32>} : memref<4x16x1024xf32, #tpu.memory_space<vmem>>, vector<1x1x16xf32>,
        %parallel_loop3A_746 = vector.shape_cast %parallel_loop3A_745 : vector<1x1x16xf32> to vector<16xf32>
        %parallel_loop3A_747 = vector.shape_cast %parallel_loop3A_740 : vector<16xf32> to vector<1x1x16xf32>
        tpu.vector_store %arg8[%parallel_loop3A_742, %parallel_loop3A_743, %parallel_loop3A_744], %parallel_loop3A_747 {add = true, strides = array<i32>} : memref<4x16x1024xf32, #tpu.memory_space<vmem>>, vector<1x1x16xf32>,
        %parallel_loop3A_748 = arith.constant 3 : i32
        %parallel_loop3A_749 = arith.index_cast %parallel_loop3A_748 : i32 to index
        %parallel_loop3A_750 = arith.index_cast %parallel_loop3A_302 : i32 to index
        %parallel_loop3A_751 = arith.constant 384 : index
        %parallel_loop3A_752 = tpu.vector_load %arg8[%parallel_loop3A_749, %parallel_loop3A_750, %parallel_loop3A_751] {strides = array<i32>} : memref<4x16x1024xf32, #tpu.memory_space<vmem>>, vector<1x1x16xf32>,
        %parallel_loop3A_753 = vector.shape_cast %parallel_loop3A_752 : vector<1x1x16xf32> to vector<16xf32>
        %parallel_loop3A_754 = vector.shape_cast %parallel_loop3A_740 : vector<16xf32> to vector<1x1x16xf32>
        tpu.vector_store %arg8[%parallel_loop3A_749, %parallel_loop3A_750, %parallel_loop3A_751], %parallel_loop3A_754 {add = true, strides = array<i32>} : memref<4x16x1024xf32, #tpu.memory_space<vmem>>, vector<1x1x16xf32>,
        %parallel_loop3A_755 = arith.index_cast %parallel_loop3A_304 : i32 to index
        %parallel_loop3A_756 = arith.constant 400 : index
        %parallel_loop3A_757 = tpu.vector_load %arg7[%parallel_loop3A_755, %parallel_loop3A_756] {strides = array<i32>} : memref<32x1024xf32, #tpu.memory_space<vmem>>, vector<1x16xf32>,
        %parallel_loop3A_758 = vector.shape_cast %parallel_loop3A_757 : vector<1x16xf32> to vector<16xf32>
        %parallel_loop3A_759 = arith.constant 1 : i32
        %parallel_loop3A_760 = arith.index_cast %parallel_loop3A_759 : i32 to index
        %parallel_loop3A_761 = arith.index_cast %parallel_loop3A_302 : i32 to index
        %parallel_loop3A_762 = arith.constant 400 : index
        %parallel_loop3A_763 = tpu.vector_load %arg8[%parallel_loop3A_760, %parallel_loop3A_761, %parallel_loop3A_762] {strides = array<i32>} : memref<4x16x1024xf32, #tpu.memory_space<vmem>>, vector<1x1x16xf32>,
        %parallel_loop3A_764 = vector.shape_cast %parallel_loop3A_763 : vector<1x1x16xf32> to vector<16xf32>
        %parallel_loop3A_765 = vector.shape_cast %parallel_loop3A_758 : vector<16xf32> to vector<1x1x16xf32>
        tpu.vector_store %arg8[%parallel_loop3A_760, %parallel_loop3A_761, %parallel_loop3A_762], %parallel_loop3A_765 {add = true, strides = array<i32>} : memref<4x16x1024xf32, #tpu.memory_space<vmem>>, vector<1x1x16xf32>,
        %parallel_loop3A_766 = arith.constant 3 : i32
        %parallel_loop3A_767 = arith.index_cast %parallel_loop3A_766 : i32 to index
        %parallel_loop3A_768 = arith.index_cast %parallel_loop3A_302 : i32 to index
        %parallel_loop3A_769 = arith.constant 400 : index
        %parallel_loop3A_770 = tpu.vector_load %arg8[%parallel_loop3A_767, %parallel_loop3A_768, %parallel_loop3A_769] {strides = array<i32>} : memref<4x16x1024xf32, #tpu.memory_space<vmem>>, vector<1x1x16xf32>,
        %parallel_loop3A_771 = vector.shape_cast %parallel_loop3A_770 : vector<1x1x16xf32> to vector<16xf32>
        %parallel_loop3A_772 = vector.shape_cast %parallel_loop3A_758 : vector<16xf32> to vector<1x1x16xf32>
        tpu.vector_store %arg8[%parallel_loop3A_767, %parallel_loop3A_768, %parallel_loop3A_769], %parallel_loop3A_772 {add = true, strides = array<i32>} : memref<4x16x1024xf32, #tpu.memory_space<vmem>>, vector<1x1x16xf32>,
        %parallel_loop3A_773 = arith.index_cast %parallel_loop3A_304 : i32 to index
        %parallel_loop3A_774 = arith.constant 416 : index
        %parallel_loop3A_775 = tpu.vector_load %arg7[%parallel_loop3A_773, %parallel_loop3A_774] {strides = array<i32>} : memref<32x1024xf32, #tpu.memory_space<vmem>>, vector<1x16xf32>,
        %parallel_loop3A_776 = vector.shape_cast %parallel_loop3A_775 : vector<1x16xf32> to vector<16xf32>
        %parallel_loop3A_777 = arith.constant 1 : i32
        %parallel_loop3A_778 = arith.index_cast %parallel_loop3A_777 : i32 to index
        %parallel_loop3A_779 = arith.index_cast %parallel_loop3A_302 : i32 to index
        %parallel_loop3A_780 = arith.constant 416 : index
        %parallel_loop3A_781 = tpu.vector_load %arg8[%parallel_loop3A_778, %parallel_loop3A_779, %parallel_loop3A_780] {strides = array<i32>} : memref<4x16x1024xf32, #tpu.memory_space<vmem>>, vector<1x1x16xf32>,
        %parallel_loop3A_782 = vector.shape_cast %parallel_loop3A_781 : vector<1x1x16xf32> to vector<16xf32>
        %parallel_loop3A_783 = vector.shape_cast %parallel_loop3A_776 : vector<16xf32> to vector<1x1x16xf32>
        tpu.vector_store %arg8[%parallel_loop3A_778, %parallel_loop3A_779, %parallel_loop3A_780], %parallel_loop3A_783 {add = true, strides = array<i32>} : memref<4x16x1024xf32, #tpu.memory_space<vmem>>, vector<1x1x16xf32>,
        %parallel_loop3A_784 = arith.constant 3 : i32
        %parallel_loop3A_785 = arith.index_cast %parallel_loop3A_784 : i32 to index
        %parallel_loop3A_786 = arith.index_cast %parallel_loop3A_302 : i32 to index
        %parallel_loop3A_787 = arith.constant 416 : index
        %parallel_loop3A_788 = tpu.vector_load %arg8[%parallel_loop3A_785, %parallel_loop3A_786, %parallel_loop3A_787] {strides = array<i32>} : memref<4x16x1024xf32, #tpu.memory_space<vmem>>, vector<1x1x16xf32>,
        %parallel_loop3A_789 = vector.shape_cast %parallel_loop3A_788 : vector<1x1x16xf32> to vector<16xf32>
        %parallel_loop3A_790 = vector.shape_cast %parallel_loop3A_776 : vector<16xf32> to vector<1x1x16xf32>
        tpu.vector_store %arg8[%parallel_loop3A_785, %parallel_loop3A_786, %parallel_loop3A_787], %parallel_loop3A_790 {add = true, strides = array<i32>} : memref<4x16x1024xf32, #tpu.memory_space<vmem>>, vector<1x1x16xf32>,
        %parallel_loop3A_791 = arith.index_cast %parallel_loop3A_304 : i32 to index
        %parallel_loop3A_792 = arith.constant 432 : index
        %parallel_loop3A_793 = tpu.vector_load %arg7[%parallel_loop3A_791, %parallel_loop3A_792] {strides = array<i32>} : memref<32x1024xf32, #tpu.memory_space<vmem>>, vector<1x16xf32>,
        %parallel_loop3A_794 = vector.shape_cast %parallel_loop3A_793 : vector<1x16xf32> to vector<16xf32>
        %parallel_loop3A_795 = arith.constant 1 : i32
        %parallel_loop3A_796 = arith.index_cast %parallel_loop3A_795 : i32 to index
        %parallel_loop3A_797 = arith.index_cast %parallel_loop3A_302 : i32 to index
        %parallel_loop3A_798 = arith.constant 432 : index
        %parallel_loop3A_799 = tpu.vector_load %arg8[%parallel_loop3A_796, %parallel_loop3A_797, %parallel_loop3A_798] {strides = array<i32>} : memref<4x16x1024xf32, #tpu.memory_space<vmem>>, vector<1x1x16xf32>,
        %parallel_loop3A_800 = vector.shape_cast %parallel_loop3A_799 : vector<1x1x16xf32> to vector<16xf32>
        %parallel_loop3A_801 = vector.shape_cast %parallel_loop3A_794 : vector<16xf32> to vector<1x1x16xf32>
        tpu.vector_store %arg8[%parallel_loop3A_796, %parallel_loop3A_797, %parallel_loop3A_798], %parallel_loop3A_801 {add = true, strides = array<i32>} : memref<4x16x1024xf32, #tpu.memory_space<vmem>>, vector<1x1x16xf32>,
        %parallel_loop3A_802 = arith.constant 3 : i32
        %parallel_loop3A_803 = arith.index_cast %parallel_loop3A_802 : i32 to index
        %parallel_loop3A_804 = arith.index_cast %parallel_loop3A_302 : i32 to index
        %parallel_loop3A_805 = arith.constant 432 : index
        %parallel_loop3A_806 = tpu.vector_load %arg8[%parallel_loop3A_803, %parallel_loop3A_804, %parallel_loop3A_805] {strides = array<i32>} : memref<4x16x1024xf32, #tpu.memory_space<vmem>>, vector<1x1x16xf32>,
        %parallel_loop3A_807 = vector.shape_cast %parallel_loop3A_806 : vector<1x1x16xf32> to vector<16xf32>
        %parallel_loop3A_808 = vector.shape_cast %parallel_loop3A_794 : vector<16xf32> to vector<1x1x16xf32>
        tpu.vector_store %arg8[%parallel_loop3A_803, %parallel_loop3A_804, %parallel_loop3A_805], %parallel_loop3A_808 {add = true, strides = array<i32>} : memref<4x16x1024xf32, #tpu.memory_space<vmem>>, vector<1x1x16xf32>,
        %parallel_loop3A_809 = arith.index_cast %parallel_loop3A_304 : i32 to index
        %parallel_loop3A_810 = arith.constant 448 : index
        %parallel_loop3A_811 = tpu.vector_load %arg7[%parallel_loop3A_809, %parallel_loop3A_810] {strides = array<i32>} : memref<32x1024xf32, #tpu.memory_space<vmem>>, vector<1x16xf32>,
        %parallel_loop3A_812 = vector.shape_cast %parallel_loop3A_811 : vector<1x16xf32> to vector<16xf32>
        %parallel_loop3A_813 = arith.constant 1 : i32
        %parallel_loop3A_814 = arith.index_cast %parallel_loop3A_813 : i32 to index
        %parallel_loop3A_815 = arith.index_cast %parallel_loop3A_302 : i32 to index
        %parallel_loop3A_816 = arith.constant 448 : index
        %parallel_loop3A_817 = tpu.vector_load %arg8[%parallel_loop3A_814, %parallel_loop3A_815, %parallel_loop3A_816] {strides = array<i32>} : memref<4x16x1024xf32, #tpu.memory_space<vmem>>, vector<1x1x16xf32>,
        %parallel_loop3A_818 = vector.shape_cast %parallel_loop3A_817 : vector<1x1x16xf32> to vector<16xf32>
        %parallel_loop3A_819 = vector.shape_cast %parallel_loop3A_812 : vector<16xf32> to vector<1x1x16xf32>
        tpu.vector_store %arg8[%parallel_loop3A_814, %parallel_loop3A_815, %parallel_loop3A_816], %parallel_loop3A_819 {add = true, strides = array<i32>} : memref<4x16x1024xf32, #tpu.memory_space<vmem>>, vector<1x1x16xf32>,
        %parallel_loop3A_820 = arith.constant 3 : i32
        %parallel_loop3A_821 = arith.index_cast %parallel_loop3A_820 : i32 to index
        %parallel_loop3A_822 = arith.index_cast %parallel_loop3A_302 : i32 to index
        %parallel_loop3A_823 = arith.constant 448 : index
        %parallel_loop3A_824 = tpu.vector_load %arg8[%parallel_loop3A_821, %parallel_loop3A_822, %parallel_loop3A_823] {strides = array<i32>} : memref<4x16x1024xf32, #tpu.memory_space<vmem>>, vector<1x1x16xf32>,
        %parallel_loop3A_825 = vector.shape_cast %parallel_loop3A_824 : vector<1x1x16xf32> to vector<16xf32>
        %parallel_loop3A_826 = vector.shape_cast %parallel_loop3A_812 : vector<16xf32> to vector<1x1x16xf32>
        tpu.vector_store %arg8[%parallel_loop3A_821, %parallel_loop3A_822, %parallel_loop3A_823], %parallel_loop3A_826 {add = true, strides = array<i32>} : memref<4x16x1024xf32, #tpu.memory_space<vmem>>, vector<1x1x16xf32>,
        %parallel_loop3A_827 = arith.index_cast %parallel_loop3A_304 : i32 to index
        %parallel_loop3A_828 = arith.constant 464 : index
        %parallel_loop3A_829 = tpu.vector_load %arg7[%parallel_loop3A_827, %parallel_loop3A_828] {strides = array<i32>} : memref<32x1024xf32, #tpu.memory_space<vmem>>, vector<1x16xf32>,
        %parallel_loop3A_830 = vector.shape_cast %parallel_loop3A_829 : vector<1x16xf32> to vector<16xf32>
        %parallel_loop3A_831 = arith.constant 1 : i32
        %parallel_loop3A_832 = arith.index_cast %parallel_loop3A_831 : i32 to index
        %parallel_loop3A_833 = arith.index_cast %parallel_loop3A_302 : i32 to index
        %parallel_loop3A_834 = arith.constant 464 : index
        %parallel_loop3A_835 = tpu.vector_load %arg8[%parallel_loop3A_832, %parallel_loop3A_833, %parallel_loop3A_834] {strides = array<i32>} : memref<4x16x1024xf32, #tpu.memory_space<vmem>>, vector<1x1x16xf32>,
        %parallel_loop3A_836 = vector.shape_cast %parallel_loop3A_835 : vector<1x1x16xf32> to vector<16xf32>
        %parallel_loop3A_837 = vector.shape_cast %parallel_loop3A_830 : vector<16xf32> to vector<1x1x16xf32>
        tpu.vector_store %arg8[%parallel_loop3A_832, %parallel_loop3A_833, %parallel_loop3A_834], %parallel_loop3A_837 {add = true, strides = array<i32>} : memref<4x16x1024xf32, #tpu.memory_space<vmem>>, vector<1x1x16xf32>,
        %parallel_loop3A_838 = arith.constant 3 : i32
        %parallel_loop3A_839 = arith.index_cast %parallel_loop3A_838 : i32 to index
        %parallel_loop3A_840 = arith.index_cast %parallel_loop3A_302 : i32 to index
        %parallel_loop3A_841 = arith.constant 464 : index
        %parallel_loop3A_842 = tpu.vector_load %arg8[%parallel_loop3A_839, %parallel_loop3A_840, %parallel_loop3A_841] {strides = array<i32>} : memref<4x16x1024xf32, #tpu.memory_space<vmem>>, vector<1x1x16xf32>,
        %parallel_loop3A_843 = vector.shape_cast %parallel_loop3A_842 : vector<1x1x16xf32> to vector<16xf32>
        %parallel_loop3A_844 = vector.shape_cast %parallel_loop3A_830 : vector<16xf32> to vector<1x1x16xf32>
        tpu.vector_store %arg8[%parallel_loop3A_839, %parallel_loop3A_840, %parallel_loop3A_841], %parallel_loop3A_844 {add = true, strides = array<i32>} : memref<4x16x1024xf32, #tpu.memory_space<vmem>>, vector<1x1x16xf32>,
        %parallel_loop3A_845 = arith.index_cast %parallel_loop3A_304 : i32 to index
        %parallel_loop3A_846 = arith.constant 480 : index
        %parallel_loop3A_847 = tpu.vector_load %arg7[%parallel_loop3A_845, %parallel_loop3A_846] {strides = array<i32>} : memref<32x1024xf32, #tpu.memory_space<vmem>>, vector<1x16xf32>,
        %parallel_loop3A_848 = vector.shape_cast %parallel_loop3A_847 : vector<1x16xf32> to vector<16xf32>
        %parallel_loop3A_849 = arith.constant 1 : i32
        %parallel_loop3A_850 = arith.index_cast %parallel_loop3A_849 : i32 to index
        %parallel_loop3A_851 = arith.index_cast %parallel_loop3A_302 : i32 to index
        %parallel_loop3A_852 = arith.constant 480 : index
        %parallel_loop3A_853 = tpu.vector_load %arg8[%parallel_loop3A_850, %parallel_loop3A_851, %parallel_loop3A_852] {strides = array<i32>} : memref<4x16x1024xf32, #tpu.memory_space<vmem>>, vector<1x1x16xf32>,
        %parallel_loop3A_854 = vector.shape_cast %parallel_loop3A_853 : vector<1x1x16xf32> to vector<16xf32>
        %parallel_loop3A_855 = vector.shape_cast %parallel_loop3A_848 : vector<16xf32> to vector<1x1x16xf32>
        tpu.vector_store %arg8[%parallel_loop3A_850, %parallel_loop3A_851, %parallel_loop3A_852], %parallel_loop3A_855 {add = true, strides = array<i32>} : memref<4x16x1024xf32, #tpu.memory_space<vmem>>, vector<1x1x16xf32>,
        %parallel_loop3A_856 = arith.constant 3 : i32
        %parallel_loop3A_857 = arith.index_cast %parallel_loop3A_856 : i32 to index
        %parallel_loop3A_858 = arith.index_cast %parallel_loop3A_302 : i32 to index
        %parallel_loop3A_859 = arith.constant 480 : index
        %parallel_loop3A_860 = tpu.vector_load %arg8[%parallel_loop3A_857, %parallel_loop3A_858, %parallel_loop3A_859] {strides = array<i32>} : memref<4x16x1024xf32, #tpu.memory_space<vmem>>, vector<1x1x16xf32>,
        %parallel_loop3A_861 = vector.shape_cast %parallel_loop3A_860 : vector<1x1x16xf32> to vector<16xf32>
        %parallel_loop3A_862 = vector.shape_cast %parallel_loop3A_848 : vector<16xf32> to vector<1x1x16xf32>
        tpu.vector_store %arg8[%parallel_loop3A_857, %parallel_loop3A_858, %parallel_loop3A_859], %parallel_loop3A_862 {add = true, strides = array<i32>} : memref<4x16x1024xf32, #tpu.memory_space<vmem>>, vector<1x1x16xf32>,
        %parallel_loop3A_863 = arith.index_cast %parallel_loop3A_304 : i32 to index
        %parallel_loop3A_864 = arith.constant 496 : index
        %parallel_loop3A_865 = tpu.vector_load %arg7[%parallel_loop3A_863, %parallel_loop3A_864] {strides = array<i32>} : memref<32x1024xf32, #tpu.memory_space<vmem>>, vector<1x16xf32>,
        %parallel_loop3A_866 = vector.shape_cast %parallel_loop3A_865 : vector<1x16xf32> to vector<16xf32>
        %parallel_loop3A_867 = arith.constant 1 : i32
        %parallel_loop3A_868 = arith.index_cast %parallel_loop3A_867 : i32 to index
        %parallel_loop3A_869 = arith.index_cast %parallel_loop3A_302 : i32 to index
        %parallel_loop3A_870 = arith.constant 496 : index
        %parallel_loop3A_871 = tpu.vector_load %arg8[%parallel_loop3A_868, %parallel_loop3A_869, %parallel_loop3A_870] {strides = array<i32>} : memref<4x16x1024xf32, #tpu.memory_space<vmem>>, vector<1x1x16xf32>,
        %parallel_loop3A_872 = vector.shape_cast %parallel_loop3A_871 : vector<1x1x16xf32> to vector<16xf32>
        %parallel_loop3A_873 = vector.shape_cast %parallel_loop3A_866 : vector<16xf32> to vector<1x1x16xf32>
        tpu.vector_store %arg8[%parallel_loop3A_868, %parallel_loop3A_869, %parallel_loop3A_870], %parallel_loop3A_873 {add = true, strides = array<i32>} : memref<4x16x1024xf32, #tpu.memory_space<vmem>>, vector<1x1x16xf32>,
        %parallel_loop3A_874 = arith.constant 3 : i32
        %parallel_loop3A_875 = arith.index_cast %parallel_loop3A_874 : i32 to index
        %parallel_loop3A_876 = arith.index_cast %parallel_loop3A_302 : i32 to index
        %parallel_loop3A_877 = arith.constant 496 : index
        %parallel_loop3A_878 = tpu.vector_load %arg8[%parallel_loop3A_875, %parallel_loop3A_876, %parallel_loop3A_877] {strides = array<i32>} : memref<4x16x1024xf32, #tpu.memory_space<vmem>>, vector<1x1x16xf32>,
        %parallel_loop3A_879 = vector.shape_cast %parallel_loop3A_878 : vector<1x1x16xf32> to vector<16xf32>
        %parallel_loop3A_880 = vector.shape_cast %parallel_loop3A_866 : vector<16xf32> to vector<1x1x16xf32>
        tpu.vector_store %arg8[%parallel_loop3A_875, %parallel_loop3A_876, %parallel_loop3A_877], %parallel_loop3A_880 {add = true, strides = array<i32>} : memref<4x16x1024xf32, #tpu.memory_space<vmem>>, vector<1x1x16xf32>,
        %parallel_loop3A_881 = arith.index_cast %parallel_loop3A_304 : i32 to index
        %parallel_loop3A_882 = arith.constant 512 : index
        %parallel_loop3A_883 = tpu.vector_load %arg7[%parallel_loop3A_881, %parallel_loop3A_882] {strides = array<i32>} : memref<32x1024xf32, #tpu.memory_space<vmem>>, vector<1x16xf32>,
        %parallel_loop3A_884 = vector.shape_cast %parallel_loop3A_883 : vector<1x16xf32> to vector<16xf32>
        %parallel_loop3A_885 = arith.constant 1 : i32
        %parallel_loop3A_886 = arith.index_cast %parallel_loop3A_885 : i32 to index
        %parallel_loop3A_887 = arith.index_cast %parallel_loop3A_302 : i32 to index
        %parallel_loop3A_888 = arith.constant 512 : index
        %parallel_loop3A_889 = tpu.vector_load %arg8[%parallel_loop3A_886, %parallel_loop3A_887, %parallel_loop3A_888] {strides = array<i32>} : memref<4x16x1024xf32, #tpu.memory_space<vmem>>, vector<1x1x16xf32>,
        %parallel_loop3A_890 = vector.shape_cast %parallel_loop3A_889 : vector<1x1x16xf32> to vector<16xf32>
        %parallel_loop3A_891 = vector.shape_cast %parallel_loop3A_884 : vector<16xf32> to vector<1x1x16xf32>
        tpu.vector_store %arg8[%parallel_loop3A_886, %parallel_loop3A_887, %parallel_loop3A_888], %parallel_loop3A_891 {add = true, strides = array<i32>} : memref<4x16x1024xf32, #tpu.memory_space<vmem>>, vector<1x1x16xf32>,
        %parallel_loop3A_892 = arith.constant 3 : i32
        %parallel_loop3A_893 = arith.index_cast %parallel_loop3A_892 : i32 to index
        %parallel_loop3A_894 = arith.index_cast %parallel_loop3A_302 : i32 to index
        %parallel_loop3A_895 = arith.constant 512 : index
        %parallel_loop3A_896 = tpu.vector_load %arg8[%parallel_loop3A_893, %parallel_loop3A_894, %parallel_loop3A_895] {strides = array<i32>} : memref<4x16x1024xf32, #tpu.memory_space<vmem>>, vector<1x1x16xf32>,
        %parallel_loop3A_897 = vector.shape_cast %parallel_loop3A_896 : vector<1x1x16xf32> to vector<16xf32>
        %parallel_loop3A_898 = vector.shape_cast %parallel_loop3A_884 : vector<16xf32> to vector<1x1x16xf32>
        tpu.vector_store %arg8[%parallel_loop3A_893, %parallel_loop3A_894, %parallel_loop3A_895], %parallel_loop3A_898 {add = true, strides = array<i32>} : memref<4x16x1024xf32, #tpu.memory_space<vmem>>, vector<1x1x16xf32>,
        %parallel_loop3A_899 = arith.index_cast %parallel_loop3A_304 : i32 to index
        %parallel_loop3A_900 = arith.constant 528 : index
        %parallel_loop3A_901 = tpu.vector_load %arg7[%parallel_loop3A_899, %parallel_loop3A_900] {strides = array<i32>} : memref<32x1024xf32, #tpu.memory_space<vmem>>, vector<1x16xf32>,
        %parallel_loop3A_902 = vector.shape_cast %parallel_loop3A_901 : vector<1x16xf32> to vector<16xf32>
        %parallel_loop3A_903 = arith.constant 1 : i32
        %parallel_loop3A_904 = arith.index_cast %parallel_loop3A_903 : i32 to index
        %parallel_loop3A_905 = arith.index_cast %parallel_loop3A_302 : i32 to index
        %parallel_loop3A_906 = arith.constant 528 : index
        %parallel_loop3A_907 = tpu.vector_load %arg8[%parallel_loop3A_904, %parallel_loop3A_905, %parallel_loop3A_906] {strides = array<i32>} : memref<4x16x1024xf32, #tpu.memory_space<vmem>>, vector<1x1x16xf32>,
        %parallel_loop3A_908 = vector.shape_cast %parallel_loop3A_907 : vector<1x1x16xf32> to vector<16xf32>
        %parallel_loop3A_909 = vector.shape_cast %parallel_loop3A_902 : vector<16xf32> to vector<1x1x16xf32>
        tpu.vector_store %arg8[%parallel_loop3A_904, %parallel_loop3A_905, %parallel_loop3A_906], %parallel_loop3A_909 {add = true, strides = array<i32>} : memref<4x16x1024xf32, #tpu.memory_space<vmem>>, vector<1x1x16xf32>,
        %parallel_loop3A_910 = arith.constant 3 : i32
        %parallel_loop3A_911 = arith.index_cast %parallel_loop3A_910 : i32 to index
        %parallel_loop3A_912 = arith.index_cast %parallel_loop3A_302 : i32 to index
        %parallel_loop3A_913 = arith.constant 528 : index
        %parallel_loop3A_914 = tpu.vector_load %arg8[%parallel_loop3A_911, %parallel_loop3A_912, %parallel_loop3A_913] {strides = array<i32>} : memref<4x16x1024xf32, #tpu.memory_space<vmem>>, vector<1x1x16xf32>,
        %parallel_loop3A_915 = vector.shape_cast %parallel_loop3A_914 : vector<1x1x16xf32> to vector<16xf32>
        %parallel_loop3A_916 = vector.shape_cast %parallel_loop3A_902 : vector<16xf32> to vector<1x1x16xf32>
        tpu.vector_store %arg8[%parallel_loop3A_911, %parallel_loop3A_912, %parallel_loop3A_913], %parallel_loop3A_916 {add = true, strides = array<i32>} : memref<4x16x1024xf32, #tpu.memory_space<vmem>>, vector<1x1x16xf32>,
        %parallel_loop3A_917 = arith.index_cast %parallel_loop3A_304 : i32 to index
        %parallel_loop3A_918 = arith.constant 544 : index
        %parallel_loop3A_919 = tpu.vector_load %arg7[%parallel_loop3A_917, %parallel_loop3A_918] {strides = array<i32>} : memref<32x1024xf32, #tpu.memory_space<vmem>>, vector<1x16xf32>,
        %parallel_loop3A_920 = vector.shape_cast %parallel_loop3A_919 : vector<1x16xf32> to vector<16xf32>
        %parallel_loop3A_921 = arith.constant 1 : i32
        %parallel_loop3A_922 = arith.index_cast %parallel_loop3A_921 : i32 to index
        %parallel_loop3A_923 = arith.index_cast %parallel_loop3A_302 : i32 to index
        %parallel_loop3A_924 = arith.constant 544 : index
        %parallel_loop3A_925 = tpu.vector_load %arg8[%parallel_loop3A_922, %parallel_loop3A_923, %parallel_loop3A_924] {strides = array<i32>} : memref<4x16x1024xf32, #tpu.memory_space<vmem>>, vector<1x1x16xf32>,
        %parallel_loop3A_926 = vector.shape_cast %parallel_loop3A_925 : vector<1x1x16xf32> to vector<16xf32>
        %parallel_loop3A_927 = vector.shape_cast %parallel_loop3A_920 : vector<16xf32> to vector<1x1x16xf32>
        tpu.vector_store %arg8[%parallel_loop3A_922, %parallel_loop3A_923, %parallel_loop3A_924], %parallel_loop3A_927 {add = true, strides = array<i32>} : memref<4x16x1024xf32, #tpu.memory_space<vmem>>, vector<1x1x16xf32>,
        %parallel_loop3A_928 = arith.constant 3 : i32
        %parallel_loop3A_929 = arith.index_cast %parallel_loop3A_928 : i32 to index
        %parallel_loop3A_930 = arith.index_cast %parallel_loop3A_302 : i32 to index
        %parallel_loop3A_931 = arith.constant 544 : index
        %parallel_loop3A_932 = tpu.vector_load %arg8[%parallel_loop3A_929, %parallel_loop3A_930, %parallel_loop3A_931] {strides = array<i32>} : memref<4x16x1024xf32, #tpu.memory_space<vmem>>, vector<1x1x16xf32>,
        %parallel_loop3A_933 = vector.shape_cast %parallel_loop3A_932 : vector<1x1x16xf32> to vector<16xf32>
        %parallel_loop3A_934 = vector.shape_cast %parallel_loop3A_920 : vector<16xf32> to vector<1x1x16xf32>
        tpu.vector_store %arg8[%parallel_loop3A_929, %parallel_loop3A_930, %parallel_loop3A_931], %parallel_loop3A_934 {add = true, strides = array<i32>} : memref<4x16x1024xf32, #tpu.memory_space<vmem>>, vector<1x1x16xf32>,
        %parallel_loop3A_935 = arith.index_cast %parallel_loop3A_304 : i32 to index
        %parallel_loop3A_936 = arith.constant 560 : index
        %parallel_loop3A_937 = tpu.vector_load %arg7[%parallel_loop3A_935, %parallel_loop3A_936] {strides = array<i32>} : memref<32x1024xf32, #tpu.memory_space<vmem>>, vector<1x16xf32>,
        %parallel_loop3A_938 = vector.shape_cast %parallel_loop3A_937 : vector<1x16xf32> to vector<16xf32>
        %parallel_loop3A_939 = arith.constant 1 : i32
        %parallel_loop3A_940 = arith.index_cast %parallel_loop3A_939 : i32 to index
        %parallel_loop3A_941 = arith.index_cast %parallel_loop3A_302 : i32 to index
        %parallel_loop3A_942 = arith.constant 560 : index
        %parallel_loop3A_943 = tpu.vector_load %arg8[%parallel_loop3A_940, %parallel_loop3A_941, %parallel_loop3A_942] {strides = array<i32>} : memref<4x16x1024xf32, #tpu.memory_space<vmem>>, vector<1x1x16xf32>,
        %parallel_loop3A_944 = vector.shape_cast %parallel_loop3A_943 : vector<1x1x16xf32> to vector<16xf32>
        %parallel_loop3A_945 = vector.shape_cast %parallel_loop3A_938 : vector<16xf32> to vector<1x1x16xf32>
        tpu.vector_store %arg8[%parallel_loop3A_940, %parallel_loop3A_941, %parallel_loop3A_942], %parallel_loop3A_945 {add = true, strides = array<i32>} : memref<4x16x1024xf32, #tpu.memory_space<vmem>>, vector<1x1x16xf32>,
        %parallel_loop3A_946 = arith.constant 3 : i32
        %parallel_loop3A_947 = arith.index_cast %parallel_loop3A_946 : i32 to index
        %parallel_loop3A_948 = arith.index_cast %parallel_loop3A_302 : i32 to index
        %parallel_loop3A_949 = arith.constant 560 : index
        %parallel_loop3A_950 = tpu.vector_load %arg8[%parallel_loop3A_947, %parallel_loop3A_948, %parallel_loop3A_949] {strides = array<i32>} : memref<4x16x1024xf32, #tpu.memory_space<vmem>>, vector<1x1x16xf32>,
        %parallel_loop3A_951 = vector.shape_cast %parallel_loop3A_950 : vector<1x1x16xf32> to vector<16xf32>
        %parallel_loop3A_952 = vector.shape_cast %parallel_loop3A_938 : vector<16xf32> to vector<1x1x16xf32>
        tpu.vector_store %arg8[%parallel_loop3A_947, %parallel_loop3A_948, %parallel_loop3A_949], %parallel_loop3A_952 {add = true, strides = array<i32>} : memref<4x16x1024xf32, #tpu.memory_space<vmem>>, vector<1x1x16xf32>,
        %parallel_loop3A_953 = arith.index_cast %parallel_loop3A_304 : i32 to index
        %parallel_loop3A_954 = arith.constant 576 : index
        %parallel_loop3A_955 = tpu.vector_load %arg7[%parallel_loop3A_953, %parallel_loop3A_954] {strides = array<i32>} : memref<32x1024xf32, #tpu.memory_space<vmem>>, vector<1x16xf32>,
        %parallel_loop3A_956 = vector.shape_cast %parallel_loop3A_955 : vector<1x16xf32> to vector<16xf32>
        %parallel_loop3A_957 = arith.constant 1 : i32
        %parallel_loop3A_958 = arith.index_cast %parallel_loop3A_957 : i32 to index
        %parallel_loop3A_959 = arith.index_cast %parallel_loop3A_302 : i32 to index
        %parallel_loop3A_960 = arith.constant 576 : index
        %parallel_loop3A_961 = tpu.vector_load %arg8[%parallel_loop3A_958, %parallel_loop3A_959, %parallel_loop3A_960] {strides = array<i32>} : memref<4x16x1024xf32, #tpu.memory_space<vmem>>, vector<1x1x16xf32>,
        %parallel_loop3A_962 = vector.shape_cast %parallel_loop3A_961 : vector<1x1x16xf32> to vector<16xf32>
        %parallel_loop3A_963 = vector.shape_cast %parallel_loop3A_956 : vector<16xf32> to vector<1x1x16xf32>
        tpu.vector_store %arg8[%parallel_loop3A_958, %parallel_loop3A_959, %parallel_loop3A_960], %parallel_loop3A_963 {add = true, strides = array<i32>} : memref<4x16x1024xf32, #tpu.memory_space<vmem>>, vector<1x1x16xf32>,
        %parallel_loop3A_964 = arith.constant 3 : i32
        %parallel_loop3A_965 = arith.index_cast %parallel_loop3A_964 : i32 to index
        %parallel_loop3A_966 = arith.index_cast %parallel_loop3A_302 : i32 to index
        %parallel_loop3A_967 = arith.constant 576 : index
        %parallel_loop3A_968 = tpu.vector_load %arg8[%parallel_loop3A_965, %parallel_loop3A_966, %parallel_loop3A_967] {strides = array<i32>} : memref<4x16x1024xf32, #tpu.memory_space<vmem>>, vector<1x1x16xf32>,
        %parallel_loop3A_969 = vector.shape_cast %parallel_loop3A_968 : vector<1x1x16xf32> to vector<16xf32>
        %parallel_loop3A_970 = vector.shape_cast %parallel_loop3A_956 : vector<16xf32> to vector<1x1x16xf32>
        tpu.vector_store %arg8[%parallel_loop3A_965, %parallel_loop3A_966, %parallel_loop3A_967], %parallel_loop3A_970 {add = true, strides = array<i32>} : memref<4x16x1024xf32, #tpu.memory_space<vmem>>, vector<1x1x16xf32>,
        %parallel_loop3A_971 = arith.index_cast %parallel_loop3A_304 : i32 to index
        %parallel_loop3A_972 = arith.constant 592 : index
        %parallel_loop3A_973 = tpu.vector_load %arg7[%parallel_loop3A_971, %parallel_loop3A_972] {strides = array<i32>} : memref<32x1024xf32, #tpu.memory_space<vmem>>, vector<1x16xf32>,
        %parallel_loop3A_974 = vector.shape_cast %parallel_loop3A_973 : vector<1x16xf32> to vector<16xf32>
        %parallel_loop3A_975 = arith.constant 1 : i32
        %parallel_loop3A_976 = arith.index_cast %parallel_loop3A_975 : i32 to index
        %parallel_loop3A_977 = arith.index_cast %parallel_loop3A_302 : i32 to index
        %parallel_loop3A_978 = arith.constant 592 : index
        %parallel_loop3A_979 = tpu.vector_load %arg8[%parallel_loop3A_976, %parallel_loop3A_977, %parallel_loop3A_978] {strides = array<i32>} : memref<4x16x1024xf32, #tpu.memory_space<vmem>>, vector<1x1x16xf32>,
        %parallel_loop3A_980 = vector.shape_cast %parallel_loop3A_979 : vector<1x1x16xf32> to vector<16xf32>
        %parallel_loop3A_981 = vector.shape_cast %parallel_loop3A_974 : vector<16xf32> to vector<1x1x16xf32>
        tpu.vector_store %arg8[%parallel_loop3A_976, %parallel_loop3A_977, %parallel_loop3A_978], %parallel_loop3A_981 {add = true, strides = array<i32>} : memref<4x16x1024xf32, #tpu.memory_space<vmem>>, vector<1x1x16xf32>,
        %parallel_loop3A_982 = arith.constant 3 : i32
        %parallel_loop3A_983 = arith.index_cast %parallel_loop3A_982 : i32 to index
        %parallel_loop3A_984 = arith.index_cast %parallel_loop3A_302 : i32 to index
        %parallel_loop3A_985 = arith.constant 592 : index
        %parallel_loop3A_986 = tpu.vector_load %arg8[%parallel_loop3A_983, %parallel_loop3A_984, %parallel_loop3A_985] {strides = array<i32>} : memref<4x16x1024xf32, #tpu.memory_space<vmem>>, vector<1x1x16xf32>,
        %parallel_loop3A_987 = vector.shape_cast %parallel_loop3A_986 : vector<1x1x16xf32> to vector<16xf32>
        %parallel_loop3A_988 = vector.shape_cast %parallel_loop3A_974 : vector<16xf32> to vector<1x1x16xf32>
        tpu.vector_store %arg8[%parallel_loop3A_983, %parallel_loop3A_984, %parallel_loop3A_985], %parallel_loop3A_988 {add = true, strides = array<i32>} : memref<4x16x1024xf32, #tpu.memory_space<vmem>>, vector<1x1x16xf32>,
        %parallel_loop3A_989 = arith.index_cast %parallel_loop3A_304 : i32 to index
        %parallel_loop3A_990 = arith.constant 608 : index
        %parallel_loop3A_991 = tpu.vector_load %arg7[%parallel_loop3A_989, %parallel_loop3A_990] {strides = array<i32>} : memref<32x1024xf32, #tpu.memory_space<vmem>>, vector<1x16xf32>,
        %parallel_loop3A_992 = vector.shape_cast %parallel_loop3A_991 : vector<1x16xf32> to vector<16xf32>
        %parallel_loop3A_993 = arith.constant 1 : i32
        %parallel_loop3A_994 = arith.index_cast %parallel_loop3A_993 : i32 to index
        %parallel_loop3A_995 = arith.index_cast %parallel_loop3A_302 : i32 to index
        %parallel_loop3A_996 = arith.constant 608 : index
        %parallel_loop3A_997 = tpu.vector_load %arg8[%parallel_loop3A_994, %parallel_loop3A_995, %parallel_loop3A_996] {strides = array<i32>} : memref<4x16x1024xf32, #tpu.memory_space<vmem>>, vector<1x1x16xf32>,
        %parallel_loop3A_998 = vector.shape_cast %parallel_loop3A_997 : vector<1x1x16xf32> to vector<16xf32>
        %parallel_loop3A_999 = vector.shape_cast %parallel_loop3A_992 : vector<16xf32> to vector<1x1x16xf32>
        tpu.vector_store %arg8[%parallel_loop3A_994, %parallel_loop3A_995, %parallel_loop3A_996], %parallel_loop3A_999 {add = true, strides = array<i32>} : memref<4x16x1024xf32, #tpu.memory_space<vmem>>, vector<1x1x16xf32>,
        %parallel_loop3A_1000 = arith.constant 3 : i32
        %parallel_loop3A_1001 = arith.index_cast %parallel_loop3A_1000 : i32 to index
        %parallel_loop3A_1002 = arith.index_cast %parallel_loop3A_302 : i32 to index
        %parallel_loop3A_1003 = arith.constant 608 : index
        %parallel_loop3A_1004 = tpu.vector_load %arg8[%parallel_loop3A_1001, %parallel_loop3A_1002, %parallel_loop3A_1003] {strides = array<i32>} : memref<4x16x1024xf32, #tpu.memory_space<vmem>>, vector<1x1x16xf32>,
        %parallel_loop3A_1005 = vector.shape_cast %parallel_loop3A_1004 : vector<1x1x16xf32> to vector<16xf32>
        %parallel_loop3A_1006 = vector.shape_cast %parallel_loop3A_992 : vector<16xf32> to vector<1x1x16xf32>
        tpu.vector_store %arg8[%parallel_loop3A_1001, %parallel_loop3A_1002, %parallel_loop3A_1003], %parallel_loop3A_1006 {add = true, strides = array<i32>} : memref<4x16x1024xf32, #tpu.memory_space<vmem>>, vector<1x1x16xf32>,
        %parallel_loop3A_1007 = arith.index_cast %parallel_loop3A_304 : i32 to index
        %parallel_loop3A_1008 = arith.constant 624 : index
        %parallel_loop3A_1009 = tpu.vector_load %arg7[%parallel_loop3A_1007, %parallel_loop3A_1008] {strides = array<i32>} : memref<32x1024xf32, #tpu.memory_space<vmem>>, vector<1x16xf32>,
        %parallel_loop3A_1010 = vector.shape_cast %parallel_loop3A_1009 : vector<1x16xf32> to vector<16xf32>
        %parallel_loop3A_1011 = arith.constant 1 : i32
        %parallel_loop3A_1012 = arith.index_cast %parallel_loop3A_1011 : i32 to index
        %parallel_loop3A_1013 = arith.index_cast %parallel_loop3A_302 : i32 to index
        %parallel_loop3A_1014 = arith.constant 624 : index
        %parallel_loop3A_1015 = tpu.vector_load %arg8[%parallel_loop3A_1012, %parallel_loop3A_1013, %parallel_loop3A_1014] {strides = array<i32>} : memref<4x16x1024xf32, #tpu.memory_space<vmem>>, vector<1x1x16xf32>,
        %parallel_loop3A_1016 = vector.shape_cast %parallel_loop3A_1015 : vector<1x1x16xf32> to vector<16xf32>
        %parallel_loop3A_1017 = vector.shape_cast %parallel_loop3A_1010 : vector<16xf32> to vector<1x1x16xf32>
        tpu.vector_store %arg8[%parallel_loop3A_1012, %parallel_loop3A_1013, %parallel_loop3A_1014], %parallel_loop3A_1017 {add = true, strides = array<i32>} : memref<4x16x1024xf32, #tpu.memory_space<vmem>>, vector<1x1x16xf32>,
        %parallel_loop3A_1018 = arith.constant 3 : i32
        %parallel_loop3A_1019 = arith.index_cast %parallel_loop3A_1018 : i32 to index
        %parallel_loop3A_1020 = arith.index_cast %parallel_loop3A_302 : i32 to index
        %parallel_loop3A_1021 = arith.constant 624 : index
        %parallel_loop3A_1022 = tpu.vector_load %arg8[%parallel_loop3A_1019, %parallel_loop3A_1020, %parallel_loop3A_1021] {strides = array<i32>} : memref<4x16x1024xf32, #tpu.memory_space<vmem>>, vector<1x1x16xf32>,
        %parallel_loop3A_1023 = vector.shape_cast %parallel_loop3A_1022 : vector<1x1x16xf32> to vector<16xf32>
        %parallel_loop3A_1024 = vector.shape_cast %parallel_loop3A_1010 : vector<16xf32> to vector<1x1x16xf32>
        tpu.vector_store %arg8[%parallel_loop3A_1019, %parallel_loop3A_1020, %parallel_loop3A_1021], %parallel_loop3A_1024 {add = true, strides = array<i32>} : memref<4x16x1024xf32, #tpu.memory_space<vmem>>, vector<1x1x16xf32>,
        %parallel_loop3A_1025 = arith.index_cast %parallel_loop3A_304 : i32 to index
        %parallel_loop3A_1026 = arith.constant 640 : index
        %parallel_loop3A_1027 = tpu.vector_load %arg7[%parallel_loop3A_1025, %parallel_loop3A_1026] {strides = array<i32>} : memref<32x1024xf32, #tpu.memory_space<vmem>>, vector<1x16xf32>,
        %parallel_loop3A_1028 = vector.shape_cast %parallel_loop3A_1027 : vector<1x16xf32> to vector<16xf32>
        %parallel_loop3A_1029 = arith.constant 1 : i32
        %parallel_loop3A_1030 = arith.index_cast %parallel_loop3A_1029 : i32 to index
        %parallel_loop3A_1031 = arith.index_cast %parallel_loop3A_302 : i32 to index
        %parallel_loop3A_1032 = arith.constant 640 : index
        %parallel_loop3A_1033 = tpu.vector_load %arg8[%parallel_loop3A_1030, %parallel_loop3A_1031, %parallel_loop3A_1032] {strides = array<i32>} : memref<4x16x1024xf32, #tpu.memory_space<vmem>>, vector<1x1x16xf32>,
        %parallel_loop3A_1034 = vector.shape_cast %parallel_loop3A_1033 : vector<1x1x16xf32> to vector<16xf32>
        %parallel_loop3A_1035 = vector.shape_cast %parallel_loop3A_1028 : vector<16xf32> to vector<1x1x16xf32>
        tpu.vector_store %arg8[%parallel_loop3A_1030, %parallel_loop3A_1031, %parallel_loop3A_1032], %parallel_loop3A_1035 {add = true, strides = array<i32>} : memref<4x16x1024xf32, #tpu.memory_space<vmem>>, vector<1x1x16xf32>,
        %parallel_loop3A_1036 = arith.constant 3 : i32
        %parallel_loop3A_1037 = arith.index_cast %parallel_loop3A_1036 : i32 to index
        %parallel_loop3A_1038 = arith.index_cast %parallel_loop3A_302 : i32 to index
        %parallel_loop3A_1039 = arith.constant 640 : index
        %parallel_loop3A_1040 = tpu.vector_load %arg8[%parallel_loop3A_1037, %parallel_loop3A_1038, %parallel_loop3A_1039] {strides = array<i32>} : memref<4x16x1024xf32, #tpu.memory_space<vmem>>, vector<1x1x16xf32>,
        %parallel_loop3A_1041 = vector.shape_cast %parallel_loop3A_1040 : vector<1x1x16xf32> to vector<16xf32>
        %parallel_loop3A_1042 = vector.shape_cast %parallel_loop3A_1028 : vector<16xf32> to vector<1x1x16xf32>
        tpu.vector_store %arg8[%parallel_loop3A_1037, %parallel_loop3A_1038, %parallel_loop3A_1039], %parallel_loop3A_1042 {add = true, strides = array<i32>} : memref<4x16x1024xf32, #tpu.memory_space<vmem>>, vector<1x1x16xf32>,
        %parallel_loop3A_1043 = arith.index_cast %parallel_loop3A_304 : i32 to index
        %parallel_loop3A_1044 = arith.constant 656 : index
        %parallel_loop3A_1045 = tpu.vector_load %arg7[%parallel_loop3A_1043, %parallel_loop3A_1044] {strides = array<i32>} : memref<32x1024xf32, #tpu.memory_space<vmem>>, vector<1x16xf32>,
        %parallel_loop3A_1046 = vector.shape_cast %parallel_loop3A_1045 : vector<1x16xf32> to vector<16xf32>
        %parallel_loop3A_1047 = arith.constant 1 : i32
        %parallel_loop3A_1048 = arith.index_cast %parallel_loop3A_1047 : i32 to index
        %parallel_loop3A_1049 = arith.index_cast %parallel_loop3A_302 : i32 to index
        %parallel_loop3A_1050 = arith.constant 656 : index
        %parallel_loop3A_1051 = tpu.vector_load %arg8[%parallel_loop3A_1048, %parallel_loop3A_1049, %parallel_loop3A_1050] {strides = array<i32>} : memref<4x16x1024xf32, #tpu.memory_space<vmem>>, vector<1x1x16xf32>,
        %parallel_loop3A_1052 = vector.shape_cast %parallel_loop3A_1051 : vector<1x1x16xf32> to vector<16xf32>
        %parallel_loop3A_1053 = vector.shape_cast %parallel_loop3A_1046 : vector<16xf32> to vector<1x1x16xf32>
        tpu.vector_store %arg8[%parallel_loop3A_1048, %parallel_loop3A_1049, %parallel_loop3A_1050], %parallel_loop3A_1053 {add = true, strides = array<i32>} : memref<4x16x1024xf32, #tpu.memory_space<vmem>>, vector<1x1x16xf32>,
        %parallel_loop3A_1054 = arith.constant 3 : i32
        %parallel_loop3A_1055 = arith.index_cast %parallel_loop3A_1054 : i32 to index
        %parallel_loop3A_1056 = arith.index_cast %parallel_loop3A_302 : i32 to index
        %parallel_loop3A_1057 = arith.constant 656 : index
        %parallel_loop3A_1058 = tpu.vector_load %arg8[%parallel_loop3A_1055, %parallel_loop3A_1056, %parallel_loop3A_1057] {strides = array<i32>} : memref<4x16x1024xf32, #tpu.memory_space<vmem>>, vector<1x1x16xf32>,
        %parallel_loop3A_1059 = vector.shape_cast %parallel_loop3A_1058 : vector<1x1x16xf32> to vector<16xf32>
        %parallel_loop3A_1060 = vector.shape_cast %parallel_loop3A_1046 : vector<16xf32> to vector<1x1x16xf32>
        tpu.vector_store %arg8[%parallel_loop3A_1055, %parallel_loop3A_1056, %parallel_loop3A_1057], %parallel_loop3A_1060 {add = true, strides = array<i32>} : memref<4x16x1024xf32, #tpu.memory_space<vmem>>, vector<1x1x16xf32>,
        %parallel_loop3A_1061 = arith.index_cast %parallel_loop3A_304 : i32 to index
        %parallel_loop3A_1062 = arith.constant 672 : index
        %parallel_loop3A_1063 = tpu.vector_load %arg7[%parallel_loop3A_1061, %parallel_loop3A_1062] {strides = array<i32>} : memref<32x1024xf32, #tpu.memory_space<vmem>>, vector<1x16xf32>,
        %parallel_loop3A_1064 = vector.shape_cast %parallel_loop3A_1063 : vector<1x16xf32> to vector<16xf32>
        %parallel_loop3A_1065 = arith.constant 1 : i32
        %parallel_loop3A_1066 = arith.index_cast %parallel_loop3A_1065 : i32 to index
        %parallel_loop3A_1067 = arith.index_cast %parallel_loop3A_302 : i32 to index
        %parallel_loop3A_1068 = arith.constant 672 : index
        %parallel_loop3A_1069 = tpu.vector_load %arg8[%parallel_loop3A_1066, %parallel_loop3A_1067, %parallel_loop3A_1068] {strides = array<i32>} : memref<4x16x1024xf32, #tpu.memory_space<vmem>>, vector<1x1x16xf32>,
        %parallel_loop3A_1070 = vector.shape_cast %parallel_loop3A_1069 : vector<1x1x16xf32> to vector<16xf32>
        %parallel_loop3A_1071 = vector.shape_cast %parallel_loop3A_1064 : vector<16xf32> to vector<1x1x16xf32>
        tpu.vector_store %arg8[%parallel_loop3A_1066, %parallel_loop3A_1067, %parallel_loop3A_1068], %parallel_loop3A_1071 {add = true, strides = array<i32>} : memref<4x16x1024xf32, #tpu.memory_space<vmem>>, vector<1x1x16xf32>,
        %parallel_loop3A_1072 = arith.constant 3 : i32
        %parallel_loop3A_1073 = arith.index_cast %parallel_loop3A_1072 : i32 to index
        %parallel_loop3A_1074 = arith.index_cast %parallel_loop3A_302 : i32 to index
        %parallel_loop3A_1075 = arith.constant 672 : index
        %parallel_loop3A_1076 = tpu.vector_load %arg8[%parallel_loop3A_1073, %parallel_loop3A_1074, %parallel_loop3A_1075] {strides = array<i32>} : memref<4x16x1024xf32, #tpu.memory_space<vmem>>, vector<1x1x16xf32>,
        %parallel_loop3A_1077 = vector.shape_cast %parallel_loop3A_1076 : vector<1x1x16xf32> to vector<16xf32>
        %parallel_loop3A_1078 = vector.shape_cast %parallel_loop3A_1064 : vector<16xf32> to vector<1x1x16xf32>
        tpu.vector_store %arg8[%parallel_loop3A_1073, %parallel_loop3A_1074, %parallel_loop3A_1075], %parallel_loop3A_1078 {add = true, strides = array<i32>} : memref<4x16x1024xf32, #tpu.memory_space<vmem>>, vector<1x1x16xf32>,
        %parallel_loop3A_1079 = arith.index_cast %parallel_loop3A_304 : i32 to index
        %parallel_loop3A_1080 = arith.constant 688 : index
        %parallel_loop3A_1081 = tpu.vector_load %arg7[%parallel_loop3A_1079, %parallel_loop3A_1080] {strides = array<i32>} : memref<32x1024xf32, #tpu.memory_space<vmem>>, vector<1x16xf32>,
        %parallel_loop3A_1082 = vector.shape_cast %parallel_loop3A_1081 : vector<1x16xf32> to vector<16xf32>
        %parallel_loop3A_1083 = arith.constant 1 : i32
        %parallel_loop3A_1084 = arith.index_cast %parallel_loop3A_1083 : i32 to index
        %parallel_loop3A_1085 = arith.index_cast %parallel_loop3A_302 : i32 to index
        %parallel_loop3A_1086 = arith.constant 688 : index
        %parallel_loop3A_1087 = tpu.vector_load %arg8[%parallel_loop3A_1084, %parallel_loop3A_1085, %parallel_loop3A_1086] {strides = array<i32>} : memref<4x16x1024xf32, #tpu.memory_space<vmem>>, vector<1x1x16xf32>,
        %parallel_loop3A_1088 = vector.shape_cast %parallel_loop3A_1087 : vector<1x1x16xf32> to vector<16xf32>
        %parallel_loop3A_1089 = vector.shape_cast %parallel_loop3A_1082 : vector<16xf32> to vector<1x1x16xf32>
        tpu.vector_store %arg8[%parallel_loop3A_1084, %parallel_loop3A_1085, %parallel_loop3A_1086], %parallel_loop3A_1089 {add = true, strides = array<i32>} : memref<4x16x1024xf32, #tpu.memory_space<vmem>>, vector<1x1x16xf32>,
        %parallel_loop3A_1090 = arith.constant 3 : i32
        %parallel_loop3A_1091 = arith.index_cast %parallel_loop3A_1090 : i32 to index
        %parallel_loop3A_1092 = arith.index_cast %parallel_loop3A_302 : i32 to index
        %parallel_loop3A_1093 = arith.constant 688 : index
        %parallel_loop3A_1094 = tpu.vector_load %arg8[%parallel_loop3A_1091, %parallel_loop3A_1092, %parallel_loop3A_1093] {strides = array<i32>} : memref<4x16x1024xf32, #tpu.memory_space<vmem>>, vector<1x1x16xf32>,
        %parallel_loop3A_1095 = vector.shape_cast %parallel_loop3A_1094 : vector<1x1x16xf32> to vector<16xf32>
        %parallel_loop3A_1096 = vector.shape_cast %parallel_loop3A_1082 : vector<16xf32> to vector<1x1x16xf32>
        tpu.vector_store %arg8[%parallel_loop3A_1091, %parallel_loop3A_1092, %parallel_loop3A_1093], %parallel_loop3A_1096 {add = true, strides = array<i32>} : memref<4x16x1024xf32, #tpu.memory_space<vmem>>, vector<1x1x16xf32>,
        %parallel_loop3A_1097 = arith.index_cast %parallel_loop3A_304 : i32 to index
        %parallel_loop3A_1098 = arith.constant 704 : index
        %parallel_loop3A_1099 = tpu.vector_load %arg7[%parallel_loop3A_1097, %parallel_loop3A_1098] {strides = array<i32>} : memref<32x1024xf32, #tpu.memory_space<vmem>>, vector<1x16xf32>,
        %parallel_loop3A_1100 = vector.shape_cast %parallel_loop3A_1099 : vector<1x16xf32> to vector<16xf32>
        %parallel_loop3A_1101 = arith.constant 1 : i32
        %parallel_loop3A_1102 = arith.index_cast %parallel_loop3A_1101 : i32 to index
        %parallel_loop3A_1103 = arith.index_cast %parallel_loop3A_302 : i32 to index
        %parallel_loop3A_1104 = arith.constant 704 : index
        %parallel_loop3A_1105 = tpu.vector_load %arg8[%parallel_loop3A_1102, %parallel_loop3A_1103, %parallel_loop3A_1104] {strides = array<i32>} : memref<4x16x1024xf32, #tpu.memory_space<vmem>>, vector<1x1x16xf32>,
        %parallel_loop3A_1106 = vector.shape_cast %parallel_loop3A_1105 : vector<1x1x16xf32> to vector<16xf32>
        %parallel_loop3A_1107 = vector.shape_cast %parallel_loop3A_1100 : vector<16xf32> to vector<1x1x16xf32>
        tpu.vector_store %arg8[%parallel_loop3A_1102, %parallel_loop3A_1103, %parallel_loop3A_1104], %parallel_loop3A_1107 {add = true, strides = array<i32>} : memref<4x16x1024xf32, #tpu.memory_space<vmem>>, vector<1x1x16xf32>,
        %parallel_loop3A_1108 = arith.constant 3 : i32
        %parallel_loop3A_1109 = arith.index_cast %parallel_loop3A_1108 : i32 to index
        %parallel_loop3A_1110 = arith.index_cast %parallel_loop3A_302 : i32 to index
        %parallel_loop3A_1111 = arith.constant 704 : index
        %parallel_loop3A_1112 = tpu.vector_load %arg8[%parallel_loop3A_1109, %parallel_loop3A_1110, %parallel_loop3A_1111] {strides = array<i32>} : memref<4x16x1024xf32, #tpu.memory_space<vmem>>, vector<1x1x16xf32>,
        %parallel_loop3A_1113 = vector.shape_cast %parallel_loop3A_1112 : vector<1x1x16xf32> to vector<16xf32>
        %parallel_loop3A_1114 = vector.shape_cast %parallel_loop3A_1100 : vector<16xf32> to vector<1x1x16xf32>
        tpu.vector_store %arg8[%parallel_loop3A_1109, %parallel_loop3A_1110, %parallel_loop3A_1111], %parallel_loop3A_1114 {add = true, strides = array<i32>} : memref<4x16x1024xf32, #tpu.memory_space<vmem>>, vector<1x1x16xf32>,
        %parallel_loop3A_1115 = arith.index_cast %parallel_loop3A_304 : i32 to index
        %parallel_loop3A_1116 = arith.constant 720 : index
        %parallel_loop3A_1117 = tpu.vector_load %arg7[%parallel_loop3A_1115, %parallel_loop3A_1116] {strides = array<i32>} : memref<32x1024xf32, #tpu.memory_space<vmem>>, vector<1x16xf32>,
        %parallel_loop3A_1118 = vector.shape_cast %parallel_loop3A_1117 : vector<1x16xf32> to vector<16xf32>
        %parallel_loop3A_1119 = arith.constant 1 : i32
        %parallel_loop3A_1120 = arith.index_cast %parallel_loop3A_1119 : i32 to index
        %parallel_loop3A_1121 = arith.index_cast %parallel_loop3A_302 : i32 to index
        %parallel_loop3A_1122 = arith.constant 720 : index
        %parallel_loop3A_1123 = tpu.vector_load %arg8[%parallel_loop3A_1120, %parallel_loop3A_1121, %parallel_loop3A_1122] {strides = array<i32>} : memref<4x16x1024xf32, #tpu.memory_space<vmem>>, vector<1x1x16xf32>,
        %parallel_loop3A_1124 = vector.shape_cast %parallel_loop3A_1123 : vector<1x1x16xf32> to vector<16xf32>
        %parallel_loop3A_1125 = vector.shape_cast %parallel_loop3A_1118 : vector<16xf32> to vector<1x1x16xf32>
        tpu.vector_store %arg8[%parallel_loop3A_1120, %parallel_loop3A_1121, %parallel_loop3A_1122], %parallel_loop3A_1125 {add = true, strides = array<i32>} : memref<4x16x1024xf32, #tpu.memory_space<vmem>>, vector<1x1x16xf32>,
        %parallel_loop3A_1126 = arith.constant 3 : i32
        %parallel_loop3A_1127 = arith.index_cast %parallel_loop3A_1126 : i32 to index
        %parallel_loop3A_1128 = arith.index_cast %parallel_loop3A_302 : i32 to index
        %parallel_loop3A_1129 = arith.constant 720 : index
        %parallel_loop3A_1130 = tpu.vector_load %arg8[%parallel_loop3A_1127, %parallel_loop3A_1128, %parallel_loop3A_1129] {strides = array<i32>} : memref<4x16x1024xf32, #tpu.memory_space<vmem>>, vector<1x1x16xf32>,
        %parallel_loop3A_1131 = vector.shape_cast %parallel_loop3A_1130 : vector<1x1x16xf32> to vector<16xf32>
        %parallel_loop3A_1132 = vector.shape_cast %parallel_loop3A_1118 : vector<16xf32> to vector<1x1x16xf32>
        tpu.vector_store %arg8[%parallel_loop3A_1127, %parallel_loop3A_1128, %parallel_loop3A_1129], %parallel_loop3A_1132 {add = true, strides = array<i32>} : memref<4x16x1024xf32, #tpu.memory_space<vmem>>, vector<1x1x16xf32>,
        %parallel_loop3A_1133 = arith.index_cast %parallel_loop3A_304 : i32 to index
        %parallel_loop3A_1134 = arith.constant 736 : index
        %parallel_loop3A_1135 = tpu.vector_load %arg7[%parallel_loop3A_1133, %parallel_loop3A_1134] {strides = array<i32>} : memref<32x1024xf32, #tpu.memory_space<vmem>>, vector<1x16xf32>,
        %parallel_loop3A_1136 = vector.shape_cast %parallel_loop3A_1135 : vector<1x16xf32> to vector<16xf32>
        %parallel_loop3A_1137 = arith.constant 1 : i32
        %parallel_loop3A_1138 = arith.index_cast %parallel_loop3A_1137 : i32 to index
        %parallel_loop3A_1139 = arith.index_cast %parallel_loop3A_302 : i32 to index
        %parallel_loop3A_1140 = arith.constant 736 : index
        %parallel_loop3A_1141 = tpu.vector_load %arg8[%parallel_loop3A_1138, %parallel_loop3A_1139, %parallel_loop3A_1140] {strides = array<i32>} : memref<4x16x1024xf32, #tpu.memory_space<vmem>>, vector<1x1x16xf32>,
        %parallel_loop3A_1142 = vector.shape_cast %parallel_loop3A_1141 : vector<1x1x16xf32> to vector<16xf32>
        %parallel_loop3A_1143 = vector.shape_cast %parallel_loop3A_1136 : vector<16xf32> to vector<1x1x16xf32>
        tpu.vector_store %arg8[%parallel_loop3A_1138, %parallel_loop3A_1139, %parallel_loop3A_1140], %parallel_loop3A_1143 {add = true, strides = array<i32>} : memref<4x16x1024xf32, #tpu.memory_space<vmem>>, vector<1x1x16xf32>,
        %parallel_loop3A_1144 = arith.constant 3 : i32
        %parallel_loop3A_1145 = arith.index_cast %parallel_loop3A_1144 : i32 to index
        %parallel_loop3A_1146 = arith.index_cast %parallel_loop3A_302 : i32 to index
        %parallel_loop3A_1147 = arith.constant 736 : index
        %parallel_loop3A_1148 = tpu.vector_load %arg8[%parallel_loop3A_1145, %parallel_loop3A_1146, %parallel_loop3A_1147] {strides = array<i32>} : memref<4x16x1024xf32, #tpu.memory_space<vmem>>, vector<1x1x16xf32>,
        %parallel_loop3A_1149 = vector.shape_cast %parallel_loop3A_1148 : vector<1x1x16xf32> to vector<16xf32>
        %parallel_loop3A_1150 = vector.shape_cast %parallel_loop3A_1136 : vector<16xf32> to vector<1x1x16xf32>
        tpu.vector_store %arg8[%parallel_loop3A_1145, %parallel_loop3A_1146, %parallel_loop3A_1147], %parallel_loop3A_1150 {add = true, strides = array<i32>} : memref<4x16x1024xf32, #tpu.memory_space<vmem>>, vector<1x1x16xf32>,
        %parallel_loop3A_1151 = arith.index_cast %parallel_loop3A_304 : i32 to index
        %parallel_loop3A_1152 = arith.constant 752 : index
        %parallel_loop3A_1153 = tpu.vector_load %arg7[%parallel_loop3A_1151, %parallel_loop3A_1152] {strides = array<i32>} : memref<32x1024xf32, #tpu.memory_space<vmem>>, vector<1x16xf32>,
        %parallel_loop3A_1154 = vector.shape_cast %parallel_loop3A_1153 : vector<1x16xf32> to vector<16xf32>
        %parallel_loop3A_1155 = arith.constant 1 : i32
        %parallel_loop3A_1156 = arith.index_cast %parallel_loop3A_1155 : i32 to index
        %parallel_loop3A_1157 = arith.index_cast %parallel_loop3A_302 : i32 to index
        %parallel_loop3A_1158 = arith.constant 752 : index
        %parallel_loop3A_1159 = tpu.vector_load %arg8[%parallel_loop3A_1156, %parallel_loop3A_1157, %parallel_loop3A_1158] {strides = array<i32>} : memref<4x16x1024xf32, #tpu.memory_space<vmem>>, vector<1x1x16xf32>,
        %parallel_loop3A_1160 = vector.shape_cast %parallel_loop3A_1159 : vector<1x1x16xf32> to vector<16xf32>
        %parallel_loop3A_1161 = vector.shape_cast %parallel_loop3A_1154 : vector<16xf32> to vector<1x1x16xf32>
        tpu.vector_store %arg8[%parallel_loop3A_1156, %parallel_loop3A_1157, %parallel_loop3A_1158], %parallel_loop3A_1161 {add = true, strides = array<i32>} : memref<4x16x1024xf32, #tpu.memory_space<vmem>>, vector<1x1x16xf32>,
        %parallel_loop3A_1162 = arith.constant 3 : i32
        %parallel_loop3A_1163 = arith.index_cast %parallel_loop3A_1162 : i32 to index
        %parallel_loop3A_1164 = arith.index_cast %parallel_loop3A_302 : i32 to index
        %parallel_loop3A_1165 = arith.constant 752 : index
        %parallel_loop3A_1166 = tpu.vector_load %arg8[%parallel_loop3A_1163, %parallel_loop3A_1164, %parallel_loop3A_1165] {strides = array<i32>} : memref<4x16x1024xf32, #tpu.memory_space<vmem>>, vector<1x1x16xf32>,
        %parallel_loop3A_1167 = vector.shape_cast %parallel_loop3A_1166 : vector<1x1x16xf32> to vector<16xf32>
        %parallel_loop3A_1168 = vector.shape_cast %parallel_loop3A_1154 : vector<16xf32> to vector<1x1x16xf32>
        tpu.vector_store %arg8[%parallel_loop3A_1163, %parallel_loop3A_1164, %parallel_loop3A_1165], %parallel_loop3A_1168 {add = true, strides = array<i32>} : memref<4x16x1024xf32, #tpu.memory_space<vmem>>, vector<1x1x16xf32>,
        %parallel_loop3A_1169 = arith.index_cast %parallel_loop3A_304 : i32 to index
        %parallel_loop3A_1170 = arith.constant 768 : index
        %parallel_loop3A_1171 = tpu.vector_load %arg7[%parallel_loop3A_1169, %parallel_loop3A_1170] {strides = array<i32>} : memref<32x1024xf32, #tpu.memory_space<vmem>>, vector<1x16xf32>,
        %parallel_loop3A_1172 = vector.shape_cast %parallel_loop3A_1171 : vector<1x16xf32> to vector<16xf32>
        %parallel_loop3A_1173 = arith.constant 1 : i32
        %parallel_loop3A_1174 = arith.index_cast %parallel_loop3A_1173 : i32 to index
        %parallel_loop3A_1175 = arith.index_cast %parallel_loop3A_302 : i32 to index
        %parallel_loop3A_1176 = arith.constant 768 : index
        %parallel_loop3A_1177 = tpu.vector_load %arg8[%parallel_loop3A_1174, %parallel_loop3A_1175, %parallel_loop3A_1176] {strides = array<i32>} : memref<4x16x1024xf32, #tpu.memory_space<vmem>>, vector<1x1x16xf32>,
        %parallel_loop3A_1178 = vector.shape_cast %parallel_loop3A_1177 : vector<1x1x16xf32> to vector<16xf32>
        %parallel_loop3A_1179 = vector.shape_cast %parallel_loop3A_1172 : vector<16xf32> to vector<1x1x16xf32>
        tpu.vector_store %arg8[%parallel_loop3A_1174, %parallel_loop3A_1175, %parallel_loop3A_1176], %parallel_loop3A_1179 {add = true, strides = array<i32>} : memref<4x16x1024xf32, #tpu.memory_space<vmem>>, vector<1x1x16xf32>,
        %parallel_loop3A_1180 = arith.constant 3 : i32
        %parallel_loop3A_1181 = arith.index_cast %parallel_loop3A_1180 : i32 to index
        %parallel_loop3A_1182 = arith.index_cast %parallel_loop3A_302 : i32 to index
        %parallel_loop3A_1183 = arith.constant 768 : index
        %parallel_loop3A_1184 = tpu.vector_load %arg8[%parallel_loop3A_1181, %parallel_loop3A_1182, %parallel_loop3A_1183] {strides = array<i32>} : memref<4x16x1024xf32, #tpu.memory_space<vmem>>, vector<1x1x16xf32>,
        %parallel_loop3A_1185 = vector.shape_cast %parallel_loop3A_1184 : vector<1x1x16xf32> to vector<16xf32>
        %parallel_loop3A_1186 = vector.shape_cast %parallel_loop3A_1172 : vector<16xf32> to vector<1x1x16xf32>
        tpu.vector_store %arg8[%parallel_loop3A_1181, %parallel_loop3A_1182, %parallel_loop3A_1183], %parallel_loop3A_1186 {add = true, strides = array<i32>} : memref<4x16x1024xf32, #tpu.memory_space<vmem>>, vector<1x1x16xf32>,
        %parallel_loop3A_1187 = arith.index_cast %parallel_loop3A_304 : i32 to index
        %parallel_loop3A_1188 = arith.constant 784 : index
        %parallel_loop3A_1189 = tpu.vector_load %arg7[%parallel_loop3A_1187, %parallel_loop3A_1188] {strides = array<i32>} : memref<32x1024xf32, #tpu.memory_space<vmem>>, vector<1x16xf32>,
        %parallel_loop3A_1190 = vector.shape_cast %parallel_loop3A_1189 : vector<1x16xf32> to vector<16xf32>
        %parallel_loop3A_1191 = arith.constant 1 : i32
        %parallel_loop3A_1192 = arith.index_cast %parallel_loop3A_1191 : i32 to index
        %parallel_loop3A_1193 = arith.index_cast %parallel_loop3A_302 : i32 to index
        %parallel_loop3A_1194 = arith.constant 784 : index
        %parallel_loop3A_1195 = tpu.vector_load %arg8[%parallel_loop3A_1192, %parallel_loop3A_1193, %parallel_loop3A_1194] {strides = array<i32>} : memref<4x16x1024xf32, #tpu.memory_space<vmem>>, vector<1x1x16xf32>,
        %parallel_loop3A_1196 = vector.shape_cast %parallel_loop3A_1195 : vector<1x1x16xf32> to vector<16xf32>
        %parallel_loop3A_1197 = vector.shape_cast %parallel_loop3A_1190 : vector<16xf32> to vector<1x1x16xf32>
        tpu.vector_store %arg8[%parallel_loop3A_1192, %parallel_loop3A_1193, %parallel_loop3A_1194], %parallel_loop3A_1197 {add = true, strides = array<i32>} : memref<4x16x1024xf32, #tpu.memory_space<vmem>>, vector<1x1x16xf32>,
        %parallel_loop3A_1198 = arith.constant 3 : i32
        %parallel_loop3A_1199 = arith.index_cast %parallel_loop3A_1198 : i32 to index
        %parallel_loop3A_1200 = arith.index_cast %parallel_loop3A_302 : i32 to index
        %parallel_loop3A_1201 = arith.constant 784 : index
        %parallel_loop3A_1202 = tpu.vector_load %arg8[%parallel_loop3A_1199, %parallel_loop3A_1200, %parallel_loop3A_1201] {strides = array<i32>} : memref<4x16x1024xf32, #tpu.memory_space<vmem>>, vector<1x1x16xf32>,
        %parallel_loop3A_1203 = vector.shape_cast %parallel_loop3A_1202 : vector<1x1x16xf32> to vector<16xf32>
        %parallel_loop3A_1204 = vector.shape_cast %parallel_loop3A_1190 : vector<16xf32> to vector<1x1x16xf32>
        tpu.vector_store %arg8[%parallel_loop3A_1199, %parallel_loop3A_1200, %parallel_loop3A_1201], %parallel_loop3A_1204 {add = true, strides = array<i32>} : memref<4x16x1024xf32, #tpu.memory_space<vmem>>, vector<1x1x16xf32>,
        %parallel_loop3A_1205 = arith.index_cast %parallel_loop3A_304 : i32 to index
        %parallel_loop3A_1206 = arith.constant 800 : index
        %parallel_loop3A_1207 = tpu.vector_load %arg7[%parallel_loop3A_1205, %parallel_loop3A_1206] {strides = array<i32>} : memref<32x1024xf32, #tpu.memory_space<vmem>>, vector<1x16xf32>,
        %parallel_loop3A_1208 = vector.shape_cast %parallel_loop3A_1207 : vector<1x16xf32> to vector<16xf32>
        %parallel_loop3A_1209 = arith.constant 1 : i32
        %parallel_loop3A_1210 = arith.index_cast %parallel_loop3A_1209 : i32 to index
        %parallel_loop3A_1211 = arith.index_cast %parallel_loop3A_302 : i32 to index
        %parallel_loop3A_1212 = arith.constant 800 : index
        %parallel_loop3A_1213 = tpu.vector_load %arg8[%parallel_loop3A_1210, %parallel_loop3A_1211, %parallel_loop3A_1212] {strides = array<i32>} : memref<4x16x1024xf32, #tpu.memory_space<vmem>>, vector<1x1x16xf32>,
        %parallel_loop3A_1214 = vector.shape_cast %parallel_loop3A_1213 : vector<1x1x16xf32> to vector<16xf32>
        %parallel_loop3A_1215 = vector.shape_cast %parallel_loop3A_1208 : vector<16xf32> to vector<1x1x16xf32>
        tpu.vector_store %arg8[%parallel_loop3A_1210, %parallel_loop3A_1211, %parallel_loop3A_1212], %parallel_loop3A_1215 {add = true, strides = array<i32>} : memref<4x16x1024xf32, #tpu.memory_space<vmem>>, vector<1x1x16xf32>,
        %parallel_loop3A_1216 = arith.constant 3 : i32
        %parallel_loop3A_1217 = arith.index_cast %parallel_loop3A_1216 : i32 to index
        %parallel_loop3A_1218 = arith.index_cast %parallel_loop3A_302 : i32 to index
        %parallel_loop3A_1219 = arith.constant 800 : index
        %parallel_loop3A_1220 = tpu.vector_load %arg8[%parallel_loop3A_1217, %parallel_loop3A_1218, %parallel_loop3A_1219] {strides = array<i32>} : memref<4x16x1024xf32, #tpu.memory_space<vmem>>, vector<1x1x16xf32>,
        %parallel_loop3A_1221 = vector.shape_cast %parallel_loop3A_1220 : vector<1x1x16xf32> to vector<16xf32>
        %parallel_loop3A_1222 = vector.shape_cast %parallel_loop3A_1208 : vector<16xf32> to vector<1x1x16xf32>
        tpu.vector_store %arg8[%parallel_loop3A_1217, %parallel_loop3A_1218, %parallel_loop3A_1219], %parallel_loop3A_1222 {add = true, strides = array<i32>} : memref<4x16x1024xf32, #tpu.memory_space<vmem>>, vector<1x1x16xf32>,
        %parallel_loop3A_1223 = arith.index_cast %parallel_loop3A_304 : i32 to index
        %parallel_loop3A_1224 = arith.constant 816 : index
        %parallel_loop3A_1225 = tpu.vector_load %arg7[%parallel_loop3A_1223, %parallel_loop3A_1224] {strides = array<i32>} : memref<32x1024xf32, #tpu.memory_space<vmem>>, vector<1x16xf32>,
        %parallel_loop3A_1226 = vector.shape_cast %parallel_loop3A_1225 : vector<1x16xf32> to vector<16xf32>
        %parallel_loop3A_1227 = arith.constant 1 : i32
        %parallel_loop3A_1228 = arith.index_cast %parallel_loop3A_1227 : i32 to index
        %parallel_loop3A_1229 = arith.index_cast %parallel_loop3A_302 : i32 to index
        %parallel_loop3A_1230 = arith.constant 816 : index
        %parallel_loop3A_1231 = tpu.vector_load %arg8[%parallel_loop3A_1228, %parallel_loop3A_1229, %parallel_loop3A_1230] {strides = array<i32>} : memref<4x16x1024xf32, #tpu.memory_space<vmem>>, vector<1x1x16xf32>,
        %parallel_loop3A_1232 = vector.shape_cast %parallel_loop3A_1231 : vector<1x1x16xf32> to vector<16xf32>
        %parallel_loop3A_1233 = vector.shape_cast %parallel_loop3A_1226 : vector<16xf32> to vector<1x1x16xf32>
        tpu.vector_store %arg8[%parallel_loop3A_1228, %parallel_loop3A_1229, %parallel_loop3A_1230], %parallel_loop3A_1233 {add = true, strides = array<i32>} : memref<4x16x1024xf32, #tpu.memory_space<vmem>>, vector<1x1x16xf32>,
        %parallel_loop3A_1234 = arith.constant 3 : i32
        %parallel_loop3A_1235 = arith.index_cast %parallel_loop3A_1234 : i32 to index
        %parallel_loop3A_1236 = arith.index_cast %parallel_loop3A_302 : i32 to index
        %parallel_loop3A_1237 = arith.constant 816 : index
        %parallel_loop3A_1238 = tpu.vector_load %arg8[%parallel_loop3A_1235, %parallel_loop3A_1236, %parallel_loop3A_1237] {strides = array<i32>} : memref<4x16x1024xf32, #tpu.memory_space<vmem>>, vector<1x1x16xf32>,
        %parallel_loop3A_1239 = vector.shape_cast %parallel_loop3A_1238 : vector<1x1x16xf32> to vector<16xf32>
        %parallel_loop3A_1240 = vector.shape_cast %parallel_loop3A_1226 : vector<16xf32> to vector<1x1x16xf32>
        tpu.vector_store %arg8[%parallel_loop3A_1235, %parallel_loop3A_1236, %parallel_loop3A_1237], %parallel_loop3A_1240 {add = true, strides = array<i32>} : memref<4x16x1024xf32, #tpu.memory_space<vmem>>, vector<1x1x16xf32>,
        %parallel_loop3A_1241 = arith.index_cast %parallel_loop3A_304 : i32 to index
        %parallel_loop3A_1242 = arith.constant 832 : index
        %parallel_loop3A_1243 = tpu.vector_load %arg7[%parallel_loop3A_1241, %parallel_loop3A_1242] {strides = array<i32>} : memref<32x1024xf32, #tpu.memory_space<vmem>>, vector<1x16xf32>,
        %parallel_loop3A_1244 = vector.shape_cast %parallel_loop3A_1243 : vector<1x16xf32> to vector<16xf32>
        %parallel_loop3A_1245 = arith.constant 1 : i32
        %parallel_loop3A_1246 = arith.index_cast %parallel_loop3A_1245 : i32 to index
        %parallel_loop3A_1247 = arith.index_cast %parallel_loop3A_302 : i32 to index
        %parallel_loop3A_1248 = arith.constant 832 : index
        %parallel_loop3A_1249 = tpu.vector_load %arg8[%parallel_loop3A_1246, %parallel_loop3A_1247, %parallel_loop3A_1248] {strides = array<i32>} : memref<4x16x1024xf32, #tpu.memory_space<vmem>>, vector<1x1x16xf32>,
        %parallel_loop3A_1250 = vector.shape_cast %parallel_loop3A_1249 : vector<1x1x16xf32> to vector<16xf32>
        %parallel_loop3A_1251 = vector.shape_cast %parallel_loop3A_1244 : vector<16xf32> to vector<1x1x16xf32>
        tpu.vector_store %arg8[%parallel_loop3A_1246, %parallel_loop3A_1247, %parallel_loop3A_1248], %parallel_loop3A_1251 {add = true, strides = array<i32>} : memref<4x16x1024xf32, #tpu.memory_space<vmem>>, vector<1x1x16xf32>,
        %parallel_loop3A_1252 = arith.constant 3 : i32
        %parallel_loop3A_1253 = arith.index_cast %parallel_loop3A_1252 : i32 to index
        %parallel_loop3A_1254 = arith.index_cast %parallel_loop3A_302 : i32 to index
        %parallel_loop3A_1255 = arith.constant 832 : index
        %parallel_loop3A_1256 = tpu.vector_load %arg8[%parallel_loop3A_1253, %parallel_loop3A_1254, %parallel_loop3A_1255] {strides = array<i32>} : memref<4x16x1024xf32, #tpu.memory_space<vmem>>, vector<1x1x16xf32>,
        %parallel_loop3A_1257 = vector.shape_cast %parallel_loop3A_1256 : vector<1x1x16xf32> to vector<16xf32>
        %parallel_loop3A_1258 = vector.shape_cast %parallel_loop3A_1244 : vector<16xf32> to vector<1x1x16xf32>
        tpu.vector_store %arg8[%parallel_loop3A_1253, %parallel_loop3A_1254, %parallel_loop3A_1255], %parallel_loop3A_1258 {add = true, strides = array<i32>} : memref<4x16x1024xf32, #tpu.memory_space<vmem>>, vector<1x1x16xf32>,
        %parallel_loop3A_1259 = arith.index_cast %parallel_loop3A_304 : i32 to index
        %parallel_loop3A_1260 = arith.constant 848 : index
        %parallel_loop3A_1261 = tpu.vector_load %arg7[%parallel_loop3A_1259, %parallel_loop3A_1260] {strides = array<i32>} : memref<32x1024xf32, #tpu.memory_space<vmem>>, vector<1x16xf32>,
        %parallel_loop3A_1262 = vector.shape_cast %parallel_loop3A_1261 : vector<1x16xf32> to vector<16xf32>
        %parallel_loop3A_1263 = arith.constant 1 : i32
        %parallel_loop3A_1264 = arith.index_cast %parallel_loop3A_1263 : i32 to index
        %parallel_loop3A_1265 = arith.index_cast %parallel_loop3A_302 : i32 to index
        %parallel_loop3A_1266 = arith.constant 848 : index
        %parallel_loop3A_1267 = tpu.vector_load %arg8[%parallel_loop3A_1264, %parallel_loop3A_1265, %parallel_loop3A_1266] {strides = array<i32>} : memref<4x16x1024xf32, #tpu.memory_space<vmem>>, vector<1x1x16xf32>,
        %parallel_loop3A_1268 = vector.shape_cast %parallel_loop3A_1267 : vector<1x1x16xf32> to vector<16xf32>
        %parallel_loop3A_1269 = vector.shape_cast %parallel_loop3A_1262 : vector<16xf32> to vector<1x1x16xf32>
        tpu.vector_store %arg8[%parallel_loop3A_1264, %parallel_loop3A_1265, %parallel_loop3A_1266], %parallel_loop3A_1269 {add = true, strides = array<i32>} : memref<4x16x1024xf32, #tpu.memory_space<vmem>>, vector<1x1x16xf32>,
        %parallel_loop3A_1270 = arith.constant 3 : i32
        %parallel_loop3A_1271 = arith.index_cast %parallel_loop3A_1270 : i32 to index
        %parallel_loop3A_1272 = arith.index_cast %parallel_loop3A_302 : i32 to index
        %parallel_loop3A_1273 = arith.constant 848 : index
        %parallel_loop3A_1274 = tpu.vector_load %arg8[%parallel_loop3A_1271, %parallel_loop3A_1272, %parallel_loop3A_1273] {strides = array<i32>} : memref<4x16x1024xf32, #tpu.memory_space<vmem>>, vector<1x1x16xf32>,
        %parallel_loop3A_1275 = vector.shape_cast %parallel_loop3A_1274 : vector<1x1x16xf32> to vector<16xf32>
        %parallel_loop3A_1276 = vector.shape_cast %parallel_loop3A_1262 : vector<16xf32> to vector<1x1x16xf32>
        tpu.vector_store %arg8[%parallel_loop3A_1271, %parallel_loop3A_1272, %parallel_loop3A_1273], %parallel_loop3A_1276 {add = true, strides = array<i32>} : memref<4x16x1024xf32, #tpu.memory_space<vmem>>, vector<1x1x16xf32>,
        %parallel_loop3A_1277 = arith.index_cast %parallel_loop3A_304 : i32 to index
        %parallel_loop3A_1278 = arith.constant 864 : index
        %parallel_loop3A_1279 = tpu.vector_load %arg7[%parallel_loop3A_1277, %parallel_loop3A_1278] {strides = array<i32>} : memref<32x1024xf32, #tpu.memory_space<vmem>>, vector<1x16xf32>,
        %parallel_loop3A_1280 = vector.shape_cast %parallel_loop3A_1279 : vector<1x16xf32> to vector<16xf32>
        %parallel_loop3A_1281 = arith.constant 1 : i32
        %parallel_loop3A_1282 = arith.index_cast %parallel_loop3A_1281 : i32 to index
        %parallel_loop3A_1283 = arith.index_cast %parallel_loop3A_302 : i32 to index
        %parallel_loop3A_1284 = arith.constant 864 : index
        %parallel_loop3A_1285 = tpu.vector_load %arg8[%parallel_loop3A_1282, %parallel_loop3A_1283, %parallel_loop3A_1284] {strides = array<i32>} : memref<4x16x1024xf32, #tpu.memory_space<vmem>>, vector<1x1x16xf32>,
        %parallel_loop3A_1286 = vector.shape_cast %parallel_loop3A_1285 : vector<1x1x16xf32> to vector<16xf32>
        %parallel_loop3A_1287 = vector.shape_cast %parallel_loop3A_1280 : vector<16xf32> to vector<1x1x16xf32>
        tpu.vector_store %arg8[%parallel_loop3A_1282, %parallel_loop3A_1283, %parallel_loop3A_1284], %parallel_loop3A_1287 {add = true, strides = array<i32>} : memref<4x16x1024xf32, #tpu.memory_space<vmem>>, vector<1x1x16xf32>,
        %parallel_loop3A_1288 = arith.constant 3 : i32
        %parallel_loop3A_1289 = arith.index_cast %parallel_loop3A_1288 : i32 to index
        %parallel_loop3A_1290 = arith.index_cast %parallel_loop3A_302 : i32 to index
        %parallel_loop3A_1291 = arith.constant 864 : index
        %parallel_loop3A_1292 = tpu.vector_load %arg8[%parallel_loop3A_1289, %parallel_loop3A_1290, %parallel_loop3A_1291] {strides = array<i32>} : memref<4x16x1024xf32, #tpu.memory_space<vmem>>, vector<1x1x16xf32>,
        %parallel_loop3A_1293 = vector.shape_cast %parallel_loop3A_1292 : vector<1x1x16xf32> to vector<16xf32>
        %parallel_loop3A_1294 = vector.shape_cast %parallel_loop3A_1280 : vector<16xf32> to vector<1x1x16xf32>
        tpu.vector_store %arg8[%parallel_loop3A_1289, %parallel_loop3A_1290, %parallel_loop3A_1291], %parallel_loop3A_1294 {add = true, strides = array<i32>} : memref<4x16x1024xf32, #tpu.memory_space<vmem>>, vector<1x1x16xf32>,
        %parallel_loop3A_1295 = arith.index_cast %parallel_loop3A_304 : i32 to index
        %parallel_loop3A_1296 = arith.constant 880 : index
        %parallel_loop3A_1297 = tpu.vector_load %arg7[%parallel_loop3A_1295, %parallel_loop3A_1296] {strides = array<i32>} : memref<32x1024xf32, #tpu.memory_space<vmem>>, vector<1x16xf32>,
        %parallel_loop3A_1298 = vector.shape_cast %parallel_loop3A_1297 : vector<1x16xf32> to vector<16xf32>
        %parallel_loop3A_1299 = arith.constant 1 : i32
        %parallel_loop3A_1300 = arith.index_cast %parallel_loop3A_1299 : i32 to index
        %parallel_loop3A_1301 = arith.index_cast %parallel_loop3A_302 : i32 to index
        %parallel_loop3A_1302 = arith.constant 880 : index
        %parallel_loop3A_1303 = tpu.vector_load %arg8[%parallel_loop3A_1300, %parallel_loop3A_1301, %parallel_loop3A_1302] {strides = array<i32>} : memref<4x16x1024xf32, #tpu.memory_space<vmem>>, vector<1x1x16xf32>,
        %parallel_loop3A_1304 = vector.shape_cast %parallel_loop3A_1303 : vector<1x1x16xf32> to vector<16xf32>
        %parallel_loop3A_1305 = vector.shape_cast %parallel_loop3A_1298 : vector<16xf32> to vector<1x1x16xf32>
        tpu.vector_store %arg8[%parallel_loop3A_1300, %parallel_loop3A_1301, %parallel_loop3A_1302], %parallel_loop3A_1305 {add = true, strides = array<i32>} : memref<4x16x1024xf32, #tpu.memory_space<vmem>>, vector<1x1x16xf32>,
        %parallel_loop3A_1306 = arith.constant 3 : i32
        %parallel_loop3A_1307 = arith.index_cast %parallel_loop3A_1306 : i32 to index
        %parallel_loop3A_1308 = arith.index_cast %parallel_loop3A_302 : i32 to index
        %parallel_loop3A_1309 = arith.constant 880 : index
        %parallel_loop3A_1310 = tpu.vector_load %arg8[%parallel_loop3A_1307, %parallel_loop3A_1308, %parallel_loop3A_1309] {strides = array<i32>} : memref<4x16x1024xf32, #tpu.memory_space<vmem>>, vector<1x1x16xf32>,
        %parallel_loop3A_1311 = vector.shape_cast %parallel_loop3A_1310 : vector<1x1x16xf32> to vector<16xf32>
        %parallel_loop3A_1312 = vector.shape_cast %parallel_loop3A_1298 : vector<16xf32> to vector<1x1x16xf32>
        tpu.vector_store %arg8[%parallel_loop3A_1307, %parallel_loop3A_1308, %parallel_loop3A_1309], %parallel_loop3A_1312 {add = true, strides = array<i32>} : memref<4x16x1024xf32, #tpu.memory_space<vmem>>, vector<1x1x16xf32>,
        %parallel_loop3A_1313 = arith.index_cast %parallel_loop3A_304 : i32 to index
        %parallel_loop3A_1314 = arith.constant 896 : index
        %parallel_loop3A_1315 = tpu.vector_load %arg7[%parallel_loop3A_1313, %parallel_loop3A_1314] {strides = array<i32>} : memref<32x1024xf32, #tpu.memory_space<vmem>>, vector<1x16xf32>,
        %parallel_loop3A_1316 = vector.shape_cast %parallel_loop3A_1315 : vector<1x16xf32> to vector<16xf32>
        %parallel_loop3A_1317 = arith.constant 1 : i32
        %parallel_loop3A_1318 = arith.index_cast %parallel_loop3A_1317 : i32 to index
        %parallel_loop3A_1319 = arith.index_cast %parallel_loop3A_302 : i32 to index
        %parallel_loop3A_1320 = arith.constant 896 : index
        %parallel_loop3A_1321 = tpu.vector_load %arg8[%parallel_loop3A_1318, %parallel_loop3A_1319, %parallel_loop3A_1320] {strides = array<i32>} : memref<4x16x1024xf32, #tpu.memory_space<vmem>>, vector<1x1x16xf32>,
        %parallel_loop3A_1322 = vector.shape_cast %parallel_loop3A_1321 : vector<1x1x16xf32> to vector<16xf32>
        %parallel_loop3A_1323 = vector.shape_cast %parallel_loop3A_1316 : vector<16xf32> to vector<1x1x16xf32>
        tpu.vector_store %arg8[%parallel_loop3A_1318, %parallel_loop3A_1319, %parallel_loop3A_1320], %parallel_loop3A_1323 {add = true, strides = array<i32>} : memref<4x16x1024xf32, #tpu.memory_space<vmem>>, vector<1x1x16xf32>,
        %parallel_loop3A_1324 = arith.constant 3 : i32
        %parallel_loop3A_1325 = arith.index_cast %parallel_loop3A_1324 : i32 to index
        %parallel_loop3A_1326 = arith.index_cast %parallel_loop3A_302 : i32 to index
        %parallel_loop3A_1327 = arith.constant 896 : index
        %parallel_loop3A_1328 = tpu.vector_load %arg8[%parallel_loop3A_1325, %parallel_loop3A_1326, %parallel_loop3A_1327] {strides = array<i32>} : memref<4x16x1024xf32, #tpu.memory_space<vmem>>, vector<1x1x16xf32>,
        %parallel_loop3A_1329 = vector.shape_cast %parallel_loop3A_1328 : vector<1x1x16xf32> to vector<16xf32>
        %parallel_loop3A_1330 = vector.shape_cast %parallel_loop3A_1316 : vector<16xf32> to vector<1x1x16xf32>
        tpu.vector_store %arg8[%parallel_loop3A_1325, %parallel_loop3A_1326, %parallel_loop3A_1327], %parallel_loop3A_1330 {add = true, strides = array<i32>} : memref<4x16x1024xf32, #tpu.memory_space<vmem>>, vector<1x1x16xf32>,
        %parallel_loop3A_1331 = arith.index_cast %parallel_loop3A_304 : i32 to index
        %parallel_loop3A_1332 = arith.constant 912 : index
        %parallel_loop3A_1333 = tpu.vector_load %arg7[%parallel_loop3A_1331, %parallel_loop3A_1332] {strides = array<i32>} : memref<32x1024xf32, #tpu.memory_space<vmem>>, vector<1x16xf32>,
        %parallel_loop3A_1334 = vector.shape_cast %parallel_loop3A_1333 : vector<1x16xf32> to vector<16xf32>
        %parallel_loop3A_1335 = arith.constant 1 : i32
        %parallel_loop3A_1336 = arith.index_cast %parallel_loop3A_1335 : i32 to index
        %parallel_loop3A_1337 = arith.index_cast %parallel_loop3A_302 : i32 to index
        %parallel_loop3A_1338 = arith.constant 912 : index
        %parallel_loop3A_1339 = tpu.vector_load %arg8[%parallel_loop3A_1336, %parallel_loop3A_1337, %parallel_loop3A_1338] {strides = array<i32>} : memref<4x16x1024xf32, #tpu.memory_space<vmem>>, vector<1x1x16xf32>,
        %parallel_loop3A_1340 = vector.shape_cast %parallel_loop3A_1339 : vector<1x1x16xf32> to vector<16xf32>
        %parallel_loop3A_1341 = vector.shape_cast %parallel_loop3A_1334 : vector<16xf32> to vector<1x1x16xf32>
        tpu.vector_store %arg8[%parallel_loop3A_1336, %parallel_loop3A_1337, %parallel_loop3A_1338], %parallel_loop3A_1341 {add = true, strides = array<i32>} : memref<4x16x1024xf32, #tpu.memory_space<vmem>>, vector<1x1x16xf32>,
        %parallel_loop3A_1342 = arith.constant 3 : i32
        %parallel_loop3A_1343 = arith.index_cast %parallel_loop3A_1342 : i32 to index
        %parallel_loop3A_1344 = arith.index_cast %parallel_loop3A_302 : i32 to index
        %parallel_loop3A_1345 = arith.constant 912 : index
        %parallel_loop3A_1346 = tpu.vector_load %arg8[%parallel_loop3A_1343, %parallel_loop3A_1344, %parallel_loop3A_1345] {strides = array<i32>} : memref<4x16x1024xf32, #tpu.memory_space<vmem>>, vector<1x1x16xf32>,
        %parallel_loop3A_1347 = vector.shape_cast %parallel_loop3A_1346 : vector<1x1x16xf32> to vector<16xf32>
        %parallel_loop3A_1348 = vector.shape_cast %parallel_loop3A_1334 : vector<16xf32> to vector<1x1x16xf32>
        tpu.vector_store %arg8[%parallel_loop3A_1343, %parallel_loop3A_1344, %parallel_loop3A_1345], %parallel_loop3A_1348 {add = true, strides = array<i32>} : memref<4x16x1024xf32, #tpu.memory_space<vmem>>, vector<1x1x16xf32>,
        %parallel_loop3A_1349 = arith.index_cast %parallel_loop3A_304 : i32 to index
        %parallel_loop3A_1350 = arith.constant 928 : index
        %parallel_loop3A_1351 = tpu.vector_load %arg7[%parallel_loop3A_1349, %parallel_loop3A_1350] {strides = array<i32>} : memref<32x1024xf32, #tpu.memory_space<vmem>>, vector<1x16xf32>,
        %parallel_loop3A_1352 = vector.shape_cast %parallel_loop3A_1351 : vector<1x16xf32> to vector<16xf32>
        %parallel_loop3A_1353 = arith.constant 1 : i32
        %parallel_loop3A_1354 = arith.index_cast %parallel_loop3A_1353 : i32 to index
        %parallel_loop3A_1355 = arith.index_cast %parallel_loop3A_302 : i32 to index
        %parallel_loop3A_1356 = arith.constant 928 : index
        %parallel_loop3A_1357 = tpu.vector_load %arg8[%parallel_loop3A_1354, %parallel_loop3A_1355, %parallel_loop3A_1356] {strides = array<i32>} : memref<4x16x1024xf32, #tpu.memory_space<vmem>>, vector<1x1x16xf32>,
        %parallel_loop3A_1358 = vector.shape_cast %parallel_loop3A_1357 : vector<1x1x16xf32> to vector<16xf32>
        %parallel_loop3A_1359 = vector.shape_cast %parallel_loop3A_1352 : vector<16xf32> to vector<1x1x16xf32>
        tpu.vector_store %arg8[%parallel_loop3A_1354, %parallel_loop3A_1355, %parallel_loop3A_1356], %parallel_loop3A_1359 {add = true, strides = array<i32>} : memref<4x16x1024xf32, #tpu.memory_space<vmem>>, vector<1x1x16xf32>,
        %parallel_loop3A_1360 = arith.constant 3 : i32
        %parallel_loop3A_1361 = arith.index_cast %parallel_loop3A_1360 : i32 to index
        %parallel_loop3A_1362 = arith.index_cast %parallel_loop3A_302 : i32 to index
        %parallel_loop3A_1363 = arith.constant 928 : index
        %parallel_loop3A_1364 = tpu.vector_load %arg8[%parallel_loop3A_1361, %parallel_loop3A_1362, %parallel_loop3A_1363] {strides = array<i32>} : memref<4x16x1024xf32, #tpu.memory_space<vmem>>, vector<1x1x16xf32>,
        %parallel_loop3A_1365 = vector.shape_cast %parallel_loop3A_1364 : vector<1x1x16xf32> to vector<16xf32>
        %parallel_loop3A_1366 = vector.shape_cast %parallel_loop3A_1352 : vector<16xf32> to vector<1x1x16xf32>
        tpu.vector_store %arg8[%parallel_loop3A_1361, %parallel_loop3A_1362, %parallel_loop3A_1363], %parallel_loop3A_1366 {add = true, strides = array<i32>} : memref<4x16x1024xf32, #tpu.memory_space<vmem>>, vector<1x1x16xf32>,
        %parallel_loop3A_1367 = arith.index_cast %parallel_loop3A_304 : i32 to index
        %parallel_loop3A_1368 = arith.constant 944 : index
        %parallel_loop3A_1369 = tpu.vector_load %arg7[%parallel_loop3A_1367, %parallel_loop3A_1368] {strides = array<i32>} : memref<32x1024xf32, #tpu.memory_space<vmem>>, vector<1x16xf32>,
        %parallel_loop3A_1370 = vector.shape_cast %parallel_loop3A_1369 : vector<1x16xf32> to vector<16xf32>
        %parallel_loop3A_1371 = arith.constant 1 : i32
        %parallel_loop3A_1372 = arith.index_cast %parallel_loop3A_1371 : i32 to index
        %parallel_loop3A_1373 = arith.index_cast %parallel_loop3A_302 : i32 to index
        %parallel_loop3A_1374 = arith.constant 944 : index
        %parallel_loop3A_1375 = tpu.vector_load %arg8[%parallel_loop3A_1372, %parallel_loop3A_1373, %parallel_loop3A_1374] {strides = array<i32>} : memref<4x16x1024xf32, #tpu.memory_space<vmem>>, vector<1x1x16xf32>,
        %parallel_loop3A_1376 = vector.shape_cast %parallel_loop3A_1375 : vector<1x1x16xf32> to vector<16xf32>
        %parallel_loop3A_1377 = vector.shape_cast %parallel_loop3A_1370 : vector<16xf32> to vector<1x1x16xf32>
        tpu.vector_store %arg8[%parallel_loop3A_1372, %parallel_loop3A_1373, %parallel_loop3A_1374], %parallel_loop3A_1377 {add = true, strides = array<i32>} : memref<4x16x1024xf32, #tpu.memory_space<vmem>>, vector<1x1x16xf32>,
        %parallel_loop3A_1378 = arith.constant 3 : i32
        %parallel_loop3A_1379 = arith.index_cast %parallel_loop3A_1378 : i32 to index
        %parallel_loop3A_1380 = arith.index_cast %parallel_loop3A_302 : i32 to index
        %parallel_loop3A_1381 = arith.constant 944 : index
        %parallel_loop3A_1382 = tpu.vector_load %arg8[%parallel_loop3A_1379, %parallel_loop3A_1380, %parallel_loop3A_1381] {strides = array<i32>} : memref<4x16x1024xf32, #tpu.memory_space<vmem>>, vector<1x1x16xf32>,
        %parallel_loop3A_1383 = vector.shape_cast %parallel_loop3A_1382 : vector<1x1x16xf32> to vector<16xf32>
        %parallel_loop3A_1384 = vector.shape_cast %parallel_loop3A_1370 : vector<16xf32> to vector<1x1x16xf32>
        tpu.vector_store %arg8[%parallel_loop3A_1379, %parallel_loop3A_1380, %parallel_loop3A_1381], %parallel_loop3A_1384 {add = true, strides = array<i32>} : memref<4x16x1024xf32, #tpu.memory_space<vmem>>, vector<1x1x16xf32>,
        %parallel_loop3A_1385 = arith.index_cast %parallel_loop3A_304 : i32 to index
        %parallel_loop3A_1386 = arith.constant 960 : index
        %parallel_loop3A_1387 = tpu.vector_load %arg7[%parallel_loop3A_1385, %parallel_loop3A_1386] {strides = array<i32>} : memref<32x1024xf32, #tpu.memory_space<vmem>>, vector<1x16xf32>,
        %parallel_loop3A_1388 = vector.shape_cast %parallel_loop3A_1387 : vector<1x16xf32> to vector<16xf32>
        %parallel_loop3A_1389 = arith.constant 1 : i32
        %parallel_loop3A_1390 = arith.index_cast %parallel_loop3A_1389 : i32 to index
        %parallel_loop3A_1391 = arith.index_cast %parallel_loop3A_302 : i32 to index
        %parallel_loop3A_1392 = arith.constant 960 : index
        %parallel_loop3A_1393 = tpu.vector_load %arg8[%parallel_loop3A_1390, %parallel_loop3A_1391, %parallel_loop3A_1392] {strides = array<i32>} : memref<4x16x1024xf32, #tpu.memory_space<vmem>>, vector<1x1x16xf32>,
        %parallel_loop3A_1394 = vector.shape_cast %parallel_loop3A_1393 : vector<1x1x16xf32> to vector<16xf32>
        %parallel_loop3A_1395 = vector.shape_cast %parallel_loop3A_1388 : vector<16xf32> to vector<1x1x16xf32>
        tpu.vector_store %arg8[%parallel_loop3A_1390, %parallel_loop3A_1391, %parallel_loop3A_1392], %parallel_loop3A_1395 {add = true, strides = array<i32>} : memref<4x16x1024xf32, #tpu.memory_space<vmem>>, vector<1x1x16xf32>,
        %parallel_loop3A_1396 = arith.constant 3 : i32
        %parallel_loop3A_1397 = arith.index_cast %parallel_loop3A_1396 : i32 to index
        %parallel_loop3A_1398 = arith.index_cast %parallel_loop3A_302 : i32 to index
        %parallel_loop3A_1399 = arith.constant 960 : index
        %parallel_loop3A_1400 = tpu.vector_load %arg8[%parallel_loop3A_1397, %parallel_loop3A_1398, %parallel_loop3A_1399] {strides = array<i32>} : memref<4x16x1024xf32, #tpu.memory_space<vmem>>, vector<1x1x16xf32>,
        %parallel_loop3A_1401 = vector.shape_cast %parallel_loop3A_1400 : vector<1x1x16xf32> to vector<16xf32>
        %parallel_loop3A_1402 = vector.shape_cast %parallel_loop3A_1388 : vector<16xf32> to vector<1x1x16xf32>
        tpu.vector_store %arg8[%parallel_loop3A_1397, %parallel_loop3A_1398, %parallel_loop3A_1399], %parallel_loop3A_1402 {add = true, strides = array<i32>} : memref<4x16x1024xf32, #tpu.memory_space<vmem>>, vector<1x1x16xf32>,
        %parallel_loop3A_1403 = arith.index_cast %parallel_loop3A_304 : i32 to index
        %parallel_loop3A_1404 = arith.constant 976 : index
        %parallel_loop3A_1405 = tpu.vector_load %arg7[%parallel_loop3A_1403, %parallel_loop3A_1404] {strides = array<i32>} : memref<32x1024xf32, #tpu.memory_space<vmem>>, vector<1x16xf32>,
        %parallel_loop3A_1406 = vector.shape_cast %parallel_loop3A_1405 : vector<1x16xf32> to vector<16xf32>
        %parallel_loop3A_1407 = arith.constant 1 : i32
        %parallel_loop3A_1408 = arith.index_cast %parallel_loop3A_1407 : i32 to index
        %parallel_loop3A_1409 = arith.index_cast %parallel_loop3A_302 : i32 to index
        %parallel_loop3A_1410 = arith.constant 976 : index
        %parallel_loop3A_1411 = tpu.vector_load %arg8[%parallel_loop3A_1408, %parallel_loop3A_1409, %parallel_loop3A_1410] {strides = array<i32>} : memref<4x16x1024xf32, #tpu.memory_space<vmem>>, vector<1x1x16xf32>,
        %parallel_loop3A_1412 = vector.shape_cast %parallel_loop3A_1411 : vector<1x1x16xf32> to vector<16xf32>
        %parallel_loop3A_1413 = vector.shape_cast %parallel_loop3A_1406 : vector<16xf32> to vector<1x1x16xf32>
        tpu.vector_store %arg8[%parallel_loop3A_1408, %parallel_loop3A_1409, %parallel_loop3A_1410], %parallel_loop3A_1413 {add = true, strides = array<i32>} : memref<4x16x1024xf32, #tpu.memory_space<vmem>>, vector<1x1x16xf32>,
        %parallel_loop3A_1414 = arith.constant 3 : i32
        %parallel_loop3A_1415 = arith.index_cast %parallel_loop3A_1414 : i32 to index
        %parallel_loop3A_1416 = arith.index_cast %parallel_loop3A_302 : i32 to index
        %parallel_loop3A_1417 = arith.constant 976 : index
        %parallel_loop3A_1418 = tpu.vector_load %arg8[%parallel_loop3A_1415, %parallel_loop3A_1416, %parallel_loop3A_1417] {strides = array<i32>} : memref<4x16x1024xf32, #tpu.memory_space<vmem>>, vector<1x1x16xf32>,
        %parallel_loop3A_1419 = vector.shape_cast %parallel_loop3A_1418 : vector<1x1x16xf32> to vector<16xf32>
        %parallel_loop3A_1420 = vector.shape_cast %parallel_loop3A_1406 : vector<16xf32> to vector<1x1x16xf32>
        tpu.vector_store %arg8[%parallel_loop3A_1415, %parallel_loop3A_1416, %parallel_loop3A_1417], %parallel_loop3A_1420 {add = true, strides = array<i32>} : memref<4x16x1024xf32, #tpu.memory_space<vmem>>, vector<1x1x16xf32>,
        %parallel_loop3A_1421 = arith.index_cast %parallel_loop3A_304 : i32 to index
        %parallel_loop3A_1422 = arith.constant 992 : index
        %parallel_loop3A_1423 = tpu.vector_load %arg7[%parallel_loop3A_1421, %parallel_loop3A_1422] {strides = array<i32>} : memref<32x1024xf32, #tpu.memory_space<vmem>>, vector<1x16xf32>,
        %parallel_loop3A_1424 = vector.shape_cast %parallel_loop3A_1423 : vector<1x16xf32> to vector<16xf32>
        %parallel_loop3A_1425 = arith.constant 1 : i32
        %parallel_loop3A_1426 = arith.index_cast %parallel_loop3A_1425 : i32 to index
        %parallel_loop3A_1427 = arith.index_cast %parallel_loop3A_302 : i32 to index
        %parallel_loop3A_1428 = arith.constant 992 : index
        %parallel_loop3A_1429 = tpu.vector_load %arg8[%parallel_loop3A_1426, %parallel_loop3A_1427, %parallel_loop3A_1428] {strides = array<i32>} : memref<4x16x1024xf32, #tpu.memory_space<vmem>>, vector<1x1x16xf32>,
        %parallel_loop3A_1430 = vector.shape_cast %parallel_loop3A_1429 : vector<1x1x16xf32> to vector<16xf32>
        %parallel_loop3A_1431 = vector.shape_cast %parallel_loop3A_1424 : vector<16xf32> to vector<1x1x16xf32>
        tpu.vector_store %arg8[%parallel_loop3A_1426, %parallel_loop3A_1427, %parallel_loop3A_1428], %parallel_loop3A_1431 {add = true, strides = array<i32>} : memref<4x16x1024xf32, #tpu.memory_space<vmem>>, vector<1x1x16xf32>,
        %parallel_loop3A_1432 = arith.constant 3 : i32
        %parallel_loop3A_1433 = arith.index_cast %parallel_loop3A_1432 : i32 to index
        %parallel_loop3A_1434 = arith.index_cast %parallel_loop3A_302 : i32 to index
        %parallel_loop3A_1435 = arith.constant 992 : index
        %parallel_loop3A_1436 = tpu.vector_load %arg8[%parallel_loop3A_1433, %parallel_loop3A_1434, %parallel_loop3A_1435] {strides = array<i32>} : memref<4x16x1024xf32, #tpu.memory_space<vmem>>, vector<1x1x16xf32>,
        %parallel_loop3A_1437 = vector.shape_cast %parallel_loop3A_1436 : vector<1x1x16xf32> to vector<16xf32>
        %parallel_loop3A_1438 = vector.shape_cast %parallel_loop3A_1424 : vector<16xf32> to vector<1x1x16xf32>
        tpu.vector_store %arg8[%parallel_loop3A_1433, %parallel_loop3A_1434, %parallel_loop3A_1435], %parallel_loop3A_1438 {add = true, strides = array<i32>} : memref<4x16x1024xf32, #tpu.memory_space<vmem>>, vector<1x1x16xf32>,
        %parallel_loop3A_1439 = arith.index_cast %parallel_loop3A_304 : i32 to index
        %parallel_loop3A_1440 = arith.constant 1008 : index
        %parallel_loop3A_1441 = tpu.vector_load %arg7[%parallel_loop3A_1439, %parallel_loop3A_1440] {strides = array<i32>} : memref<32x1024xf32, #tpu.memory_space<vmem>>, vector<1x16xf32>,
        %parallel_loop3A_1442 = vector.shape_cast %parallel_loop3A_1441 : vector<1x16xf32> to vector<16xf32>
        %parallel_loop3A_1443 = arith.constant 1 : i32
        %parallel_loop3A_1444 = arith.index_cast %parallel_loop3A_1443 : i32 to index
        %parallel_loop3A_1445 = arith.index_cast %parallel_loop3A_302 : i32 to index
        %parallel_loop3A_1446 = arith.constant 1008 : index
        %parallel_loop3A_1447 = tpu.vector_load %arg8[%parallel_loop3A_1444, %parallel_loop3A_1445, %parallel_loop3A_1446] {strides = array<i32>} : memref<4x16x1024xf32, #tpu.memory_space<vmem>>, vector<1x1x16xf32>,
        %parallel_loop3A_1448 = vector.shape_cast %parallel_loop3A_1447 : vector<1x1x16xf32> to vector<16xf32>
        %parallel_loop3A_1449 = vector.shape_cast %parallel_loop3A_1442 : vector<16xf32> to vector<1x1x16xf32>
        tpu.vector_store %arg8[%parallel_loop3A_1444, %parallel_loop3A_1445, %parallel_loop3A_1446], %parallel_loop3A_1449 {add = true, strides = array<i32>} : memref<4x16x1024xf32, #tpu.memory_space<vmem>>, vector<1x1x16xf32>,
        %parallel_loop3A_1450 = arith.constant 3 : i32
        %parallel_loop3A_1451 = arith.index_cast %parallel_loop3A_1450 : i32 to index
        %parallel_loop3A_1452 = arith.index_cast %parallel_loop3A_302 : i32 to index
        %parallel_loop3A_1453 = arith.constant 1008 : index
        %parallel_loop3A_1454 = tpu.vector_load %arg8[%parallel_loop3A_1451, %parallel_loop3A_1452, %parallel_loop3A_1453] {strides = array<i32>} : memref<4x16x1024xf32, #tpu.memory_space<vmem>>, vector<1x1x16xf32>,
        %parallel_loop3A_1455 = vector.shape_cast %parallel_loop3A_1454 : vector<1x1x16xf32> to vector<16xf32>
        %parallel_loop3A_1456 = vector.shape_cast %parallel_loop3A_1442 : vector<16xf32> to vector<1x1x16xf32>
        tpu.vector_store %arg8[%parallel_loop3A_1451, %parallel_loop3A_1452, %parallel_loop3A_1453], %parallel_loop3A_1456 {add = true, strides = array<i32>} : memref<4x16x1024xf32, #tpu.memory_space<vmem>>, vector<1x1x16xf32>,
      } {sc.loop_unroll_factor = 1 : i64, sc.parallel_access}
      %mul3A_254 = arith.constant 4 : i32
      %mul3A_255 = arith.muli %mul3A_254, %add3A_93 : i32
      %add3A_256 = arith.constant 1 : i32
      %add3A_257 = arith.addi %mul3A_255, %add3A_256 : i32
      %sub3A_258 = arith.constant 1 : i32
      %sub3A_259 = arith.subi %add3A_257, %sub3A_258 : i32
      %mul3A_260 = arith.constant 512 : i32
      %mul3A_261 = arith.muli %sub3A_259, %mul3A_260 : i32
      %add3A_262 = arith.addi %mul3A_261, %mul3A_2 : i32
      %add3A_263 = arith.constant 16 : i32
      %add3A_264 = arith.addi %add3A_262, %add3A_263 : i32
      %dma_start3A_265 = arith.constant 1 : i32
      %dma_start3A_266 = arith.constant 0 : i32
      %dma_start3A_267 = arith.constant 0 : i32
      %dma_start3A_268 = tpu.memref_slice %arg8[%dma_start3A_265, %dma_start3A_266, %dma_start3A_267] : memref<4x16x1024xf32, #tpu.memory_space<vmem>> -> memref<1x16x1024xf32, #tpu.memory_space<vmem>>
      %dma_start3A_269 = tpu.memref_squeeze %dma_start3A_268 : memref<1x16x1024xf32, #tpu.memory_space<vmem>> -> memref<16x1024xf32, #tpu.memory_space<vmem>>
      %dma_start3A_270 = arith.constant 0 : i32
      %dma_start3A_271 = tpu.memref_slice %arg5[%add3A_264, %dma_start3A_270] : memref<16384x1024xf32, #tpu.memory_space<hbm>> -> memref<16x1024xf32, #tpu.memory_space<hbm>>
      %dma_start3A_272 = arith.constant 0 : i32
      %dma_start3A_273 = tpu.memref_slice %arg5[%add3A_264, %dma_start3A_272] : memref<16384x1024xf32, #tpu.memory_space<hbm>> -> memref<16x1024xf32, #tpu.memory_space<hbm>>
      %dma_start3A_274 = arith.constant 0 : i32
      %dma_start3A_275 = arith.constant 0 : i32
      %dma_start3A_276 = tpu.memref_slice %arg8[%dma_start3A_265, %dma_start3A_274, %dma_start3A_275] : memref<4x16x1024xf32, #tpu.memory_space<vmem>> -> memref<1x16x1024xf32, #tpu.memory_space<vmem>>
      %dma_start3A_277 = tpu.memref_squeeze %dma_start3A_276 : memref<1x16x1024xf32, #tpu.memory_space<vmem>> -> memref<16x1024xf32, #tpu.memory_space<vmem>>
      tpu.enqueue_dma source(%dma_start3A_277 : memref<16x1024xf32, #tpu.memory_space<vmem>>) target(%dma_start3A_273 : memref<16x1024xf32, #tpu.memory_space<hbm>>) target_semaphore(%arg14 : memref<!tpu.dma_semaphore, #tpu.memory_space<semaphore_mem>>)
      %mul3A_278 = arith.constant 4 : i32
      %mul3A_279 = arith.muli %mul3A_278, %add3A_93 : i32
      %add3A_280 = arith.constant 3 : i32
      %add3A_281 = arith.addi %mul3A_279, %add3A_280 : i32
      %sub3A_282 = arith.constant 1 : i32
      %sub3A_283 = arith.subi %add3A_281, %sub3A_282 : i32
      %mul3A_284 = arith.constant 512 : i32
      %mul3A_285 = arith.muli %sub3A_283, %mul3A_284 : i32
      %add3A_286 = arith.addi %mul3A_285, %mul3A_2 : i32
      %add3A_287 = arith.constant 16 : i32
      %add3A_288 = arith.addi %add3A_286, %add3A_287 : i32
      %dma_start3A_289 = arith.constant 3 : i32
      %dma_start3A_290 = arith.constant 0 : i32
      %dma_start3A_291 = arith.constant 0 : i32
      %dma_start3A_292 = tpu.memref_slice %arg8[%dma_start3A_289, %dma_start3A_290, %dma_start3A_291] : memref<4x16x1024xf32, #tpu.memory_space<vmem>> -> memref<1x16x1024xf32, #tpu.memory_space<vmem>>
      %dma_start3A_293 = tpu.memref_squeeze %dma_start3A_292 : memref<1x16x1024xf32, #tpu.memory_space<vmem>> -> memref<16x1024xf32, #tpu.memory_space<vmem>>
      %dma_start3A_294 = arith.constant 0 : i32
      %dma_start3A_295 = tpu.memref_slice %arg5[%add3A_288, %dma_start3A_294] : memref<16384x1024xf32, #tpu.memory_space<hbm>> -> memref<16x1024xf32, #tpu.memory_space<hbm>>
      %dma_start3A_296 = arith.constant 0 : i32
      %dma_start3A_297 = tpu.memref_slice %arg5[%add3A_288, %dma_start3A_296] : memref<16384x1024xf32, #tpu.memory_space<hbm>> -> memref<16x1024xf32, #tpu.memory_space<hbm>>
      %dma_start3A_298 = arith.constant 0 : i32
      %dma_start3A_299 = arith.constant 0 : i32
      %dma_start3A_300 = tpu.memref_slice %arg8[%dma_start3A_289, %dma_start3A_298, %dma_start3A_299] : memref<4x16x1024xf32, #tpu.memory_space<vmem>> -> memref<1x16x1024xf32, #tpu.memory_space<vmem>>
      %dma_start3A_301 = tpu.memref_squeeze %dma_start3A_300 : memref<1x16x1024xf32, #tpu.memory_space<vmem>> -> memref<16x1024xf32, #tpu.memory_space<vmem>>
      tpu.enqueue_dma source(%dma_start3A_301 : memref<16x1024xf32, #tpu.memory_space<vmem>>) target(%dma_start3A_297 : memref<16x1024xf32, #tpu.memory_space<hbm>>) target_semaphore(%arg16 : memref<!tpu.dma_semaphore, #tpu.memory_space<semaphore_mem>>)
    }
    %scan3A_29 = arith.constant 8 : i32
    %dma_wait3A = arith.constant 0 : i32
    %dma_wait3A_30 = arith.constant 0 : i32
    %dma_wait3A_31 = arith.constant 0 : i32
    %dma_wait3A_32 = tpu.memref_slice %arg8[%dma_wait3A, %dma_wait3A_30, %dma_wait3A_31] : memref<4x16x1024xf32, #tpu.memory_space<vmem>> -> memref<1x16x1024xf32, #tpu.memory_space<vmem>>
    %dma_wait3A_33 = tpu.memref_squeeze %dma_wait3A_32 : memref<1x16x1024xf32, #tpu.memory_space<vmem>> -> memref<16x1024xf32, #tpu.memory_space<vmem>>
    %dma_wait3A_34 = arith.constant 0 : i32
    %dma_wait3A_35 = arith.constant 0 : i32
    %dma_wait3A_36 = tpu.memref_slice %arg5[%dma_wait3A_34, %dma_wait3A_35] : memref<16384x1024xf32, #tpu.memory_space<hbm>> -> memref<16x1024xf32, #tpu.memory_space<hbm>>
    %dma_wait3A_37 = arith.constant 0 : i32
    %dma_wait3A_38 = arith.constant 0 : i32
    %dma_wait3A_39 = tpu.memref_slice %arg5[%dma_wait3A_37, %dma_wait3A_38] : memref<16384x1024xf32, #tpu.memory_space<hbm>> -> memref<16x1024xf32, #tpu.memory_space<hbm>>
    %dma_wait3A_40 = arith.constant 0 : i32
    %dma_wait3A_41 = arith.constant 0 : i32
    %dma_wait3A_42 = tpu.memref_slice %arg8[%dma_wait3A, %dma_wait3A_40, %dma_wait3A_41] : memref<4x16x1024xf32, #tpu.memory_space<vmem>> -> memref<1x16x1024xf32, #tpu.memory_space<vmem>>
    %dma_wait3A_43 = tpu.memref_squeeze %dma_wait3A_42 : memref<1x16x1024xf32, #tpu.memory_space<vmem>> -> memref<16x1024xf32, #tpu.memory_space<vmem>>
    tpu.wait_dma2 semaphore(%arg13 : memref<!tpu.dma_semaphore, #tpu.memory_space<semaphore_mem>>) src(%dma_wait3A_43 : memref<16x1024xf32, #tpu.memory_space<vmem>>) dst(%dma_wait3A_39 : memref<16x1024xf32, #tpu.memory_space<hbm>>)
    %dma_wait3A_44 = arith.constant 2 : i32
    %dma_wait3A_45 = arith.constant 0 : i32
    %dma_wait3A_46 = arith.constant 0 : i32
    %dma_wait3A_47 = tpu.memref_slice %arg8[%dma_wait3A_44, %dma_wait3A_45, %dma_wait3A_46] : memref<4x16x1024xf32, #tpu.memory_space<vmem>> -> memref<1x16x1024xf32, #tpu.memory_space<vmem>>
    %dma_wait3A_48 = tpu.memref_squeeze %dma_wait3A_47 : memref<1x16x1024xf32, #tpu.memory_space<vmem>> -> memref<16x1024xf32, #tpu.memory_space<vmem>>
    %dma_wait3A_49 = arith.constant 0 : i32
    %dma_wait3A_50 = arith.constant 0 : i32
    %dma_wait3A_51 = tpu.memref_slice %arg5[%dma_wait3A_49, %dma_wait3A_50] : memref<16384x1024xf32, #tpu.memory_space<hbm>> -> memref<16x1024xf32, #tpu.memory_space<hbm>>
    %dma_wait3A_52 = arith.constant 0 : i32
    %dma_wait3A_53 = arith.constant 0 : i32
    %dma_wait3A_54 = tpu.memref_slice %arg5[%dma_wait3A_52, %dma_wait3A_53] : memref<16384x1024xf32, #tpu.memory_space<hbm>> -> memref<16x1024xf32, #tpu.memory_space<hbm>>
    %dma_wait3A_55 = arith.constant 0 : i32
    %dma_wait3A_56 = arith.constant 0 : i32
    %dma_wait3A_57 = tpu.memref_slice %arg8[%dma_wait3A_44, %dma_wait3A_55, %dma_wait3A_56] : memref<4x16x1024xf32, #tpu.memory_space<vmem>> -> memref<1x16x1024xf32, #tpu.memory_space<vmem>>
    %dma_wait3A_58 = tpu.memref_squeeze %dma_wait3A_57 : memref<1x16x1024xf32, #tpu.memory_space<vmem>> -> memref<16x1024xf32, #tpu.memory_space<vmem>>
    tpu.wait_dma2 semaphore(%arg15 : memref<!tpu.dma_semaphore, #tpu.memory_space<semaphore_mem>>) src(%dma_wait3A_58 : memref<16x1024xf32, #tpu.memory_space<vmem>>) dst(%dma_wait3A_54 : memref<16x1024xf32, #tpu.memory_space<hbm>>)
    %dma_wait3A_59 = arith.constant 1 : i32
    %dma_wait3A_60 = arith.constant 0 : i32
    %dma_wait3A_61 = arith.constant 0 : i32
    %dma_wait3A_62 = tpu.memref_slice %arg8[%dma_wait3A_59, %dma_wait3A_60, %dma_wait3A_61] : memref<4x16x1024xf32, #tpu.memory_space<vmem>> -> memref<1x16x1024xf32, #tpu.memory_space<vmem>>
    %dma_wait3A_63 = tpu.memref_squeeze %dma_wait3A_62 : memref<1x16x1024xf32, #tpu.memory_space<vmem>> -> memref<16x1024xf32, #tpu.memory_space<vmem>>
    %dma_wait3A_64 = arith.constant 0 : i32
    %dma_wait3A_65 = arith.constant 0 : i32
    %dma_wait3A_66 = tpu.memref_slice %arg5[%dma_wait3A_64, %dma_wait3A_65] : memref<16384x1024xf32, #tpu.memory_space<hbm>> -> memref<16x1024xf32, #tpu.memory_space<hbm>>
    %dma_wait3A_67 = arith.constant 0 : i32
    %dma_wait3A_68 = arith.constant 0 : i32
    %dma_wait3A_69 = tpu.memref_slice %arg5[%dma_wait3A_67, %dma_wait3A_68] : memref<16384x1024xf32, #tpu.memory_space<hbm>> -> memref<16x1024xf32, #tpu.memory_space<hbm>>
    %dma_wait3A_70 = arith.constant 0 : i32
    %dma_wait3A_71 = arith.constant 0 : i32
    %dma_wait3A_72 = tpu.memref_slice %arg8[%dma_wait3A_59, %dma_wait3A_70, %dma_wait3A_71] : memref<4x16x1024xf32, #tpu.memory_space<vmem>> -> memref<1x16x1024xf32, #tpu.memory_space<vmem>>
    %dma_wait3A_73 = tpu.memref_squeeze %dma_wait3A_72 : memref<1x16x1024xf32, #tpu.memory_space<vmem>> -> memref<16x1024xf32, #tpu.memory_space<vmem>>
    tpu.wait_dma2 semaphore(%arg14 : memref<!tpu.dma_semaphore, #tpu.memory_space<semaphore_mem>>) src(%dma_wait3A_73 : memref<16x1024xf32, #tpu.memory_space<vmem>>) dst(%dma_wait3A_69 : memref<16x1024xf32, #tpu.memory_space<hbm>>)
    %dma_wait3A_74 = arith.constant 3 : i32
    %dma_wait3A_75 = arith.constant 0 : i32
    %dma_wait3A_76 = arith.constant 0 : i32
    %dma_wait3A_77 = tpu.memref_slice %arg8[%dma_wait3A_74, %dma_wait3A_75, %dma_wait3A_76] : memref<4x16x1024xf32, #tpu.memory_space<vmem>> -> memref<1x16x1024xf32, #tpu.memory_space<vmem>>
    %dma_wait3A_78 = tpu.memref_squeeze %dma_wait3A_77 : memref<1x16x1024xf32, #tpu.memory_space<vmem>> -> memref<16x1024xf32, #tpu.memory_space<vmem>>
    %dma_wait3A_79 = arith.constant 0 : i32
    %dma_wait3A_80 = arith.constant 0 : i32
    %dma_wait3A_81 = tpu.memref_slice %arg5[%dma_wait3A_79, %dma_wait3A_80] : memref<16384x1024xf32, #tpu.memory_space<hbm>> -> memref<16x1024xf32, #tpu.memory_space<hbm>>
    %dma_wait3A_82 = arith.constant 0 : i32
    %dma_wait3A_83 = arith.constant 0 : i32
    %dma_wait3A_84 = tpu.memref_slice %arg5[%dma_wait3A_82, %dma_wait3A_83] : memref<16384x1024xf32, #tpu.memory_space<hbm>> -> memref<16x1024xf32, #tpu.memory_space<hbm>>
    %dma_wait3A_85 = arith.constant 0 : i32
    %dma_wait3A_86 = arith.constant 0 : i32
    %dma_wait3A_87 = tpu.memref_slice %arg8[%dma_wait3A_74, %dma_wait3A_85, %dma_wait3A_86] : memref<4x16x1024xf32, #tpu.memory_space<vmem>> -> memref<1x16x1024xf32, #tpu.memory_space<vmem>>
    %dma_wait3A_88 = tpu.memref_squeeze %dma_wait3A_87 : memref<1x16x1024xf32, #tpu.memory_space<vmem>> -> memref<16x1024xf32, #tpu.memory_space<vmem>>
    tpu.wait_dma2 semaphore(%arg16 : memref<!tpu.dma_semaphore, #tpu.memory_space<semaphore_mem>>) src(%dma_wait3A_88 : memref<16x1024xf32, #tpu.memory_space<vmem>>) dst(%dma_wait3A_84 : memref<16x1024xf32, #tpu.memory_space<hbm>>)
    return
  }
}

</mosaic_0001>

<sc_bundles>
// kernel: kernel.3.cloned.1.call-start
scs
__scs_entry_jumppad:
0x0: {  	(pc) =	sbr.rel $0x88, $3  }
0x1: {  	(tag) =	ssettag $0x0;
	lr =	simm.s32 $0x1  }
0x2: {  	[smem:$0x3F9E] =	sst lr;
	_ =	strace $0xD0000000  }
0x3: {  	_ = 	snop  }
0x4: {  	_ = 	snop  }
0x5: {  	_ = 	snop  }
0x6: {  	_ = 	snop  }
0x7: {  	_ = 	snop  }
__scs_overlays_trampoline_lowered:
0x8: {  	[smem:$0x3FAD] =	sst s0  }
0x9: {  	[smem:$0x3FAE] =	sst s1  }
0xa: {  	[smem:$0x3FAF] =	sst s2  }
0xb: {  	[smem:$0x3FB0] =	sst s3  }
0xc: {  	[smem:$0x3FB1] =	sst s4  }
0xd: {  	[smem:$0x3FB2] =	sst s5  }
0xe: {  	[smem:$0x3FB3] =	sst s6  }
0xf: {  	[smem:$0x3FB4] =	sst s7  }
0x10: {  	[smem:$0x3FB5] =	sst s8  }
0x11: {  	[smem:$0x3FB6] =	sst s9;
	s0 =	simm.s32 @!p0 $0x0  }
0x12: {  	s1 =	sld [smem:$0x3F9C];
	s0 =	simm.s32 @p0 $0x1  }
0x13: {  	[smem:$0x3FB7] =	sst s0;
	s0 =	simm.s32 @!p1 $0x0  }
0x14: {  	s2 =	sld [smem:$0x3F9B];
	s0 =	simm.s32 @p1 $0x1  }
0x15: {  	[smem:$0x3FB8] =	sst s0;
	s0 =	simm.s32 @!p2 $0x0  }
0x16: {  	s3 =	sld [smem:$0x3FDB];
	s0 =	simm.s32 @p2 $0x1  }
0x17: {  	s4 =	simm.s32 $0x1BF5;
	[smem:$0x3FBA] =	sst s0  }
0x18: {  	s0 =	sld [smem:$0x3F9D];
	_ =	swait.ge [sflag:s4], $0x0  }
0x19: {  	s7 =	sld [smem:$0x3F9E]  }
0x1a: {  	s8 =	sadd.s32 $0xFFFFE003, lr  }
0x1b: {  	s9 =	sadd.s32 $0xFFFFFEF7, lr;
	s5 =	simm.s32 $0xFFFFFFFF;
	p2 =	slt.u32 s8, $0xFFFFF086  }
0x1c: {  	p1 =	slt.u32 s9, $0xF7A;
	s5 =	simm.s32 @!p2 $0x0  }
0x1d: {  	s5 =	simm.s32 @p1 $0x1;
	p0 =	seq.s32 s7, s2  }
0x1e: {  	s7 =	smul.u32 @!p0 $0xF7A, s2;
	p2 =	seq.s32 @!p0 s5, $0x0  }
0x1f: {  	s9 =	smul.u32 $0xF7A, s1;
	s8 =	simm.s32 @!p0 $0x1BF5;
	p2 =	por !p2, p0  }
0x20: {  	[sflag:s8] =	ssyncset.s32 @!p0 $0xFFFFF086;
	s6 =	sadd.s32 @!p0 s3, s7;
	s7 =	simm.s32 @!p0 $0x108  }
0x21: {  	s3 =	sadd.s32 s3, s9;
	s6 =	sadd.s32 @!p0 $0x88, s6;
	s7 =	simm.s32 @p2 $0x1082  }
0x22: {  	[simem:s7], [sflag:s8] =	dma.local @!p0 [hbm:s6], $0xF7A  }
0x23: {  	s9 =	sor.u32 $0xD0000000, s2;
	s6 =	simm.s32 $0x108;
	_ =	swait.ge @!p0 [sflag:s8], $0x0  }
0x24: {  	s3 =	sadd.s32 $0x88, s3;
	s6 =	simm.s32 @!p1 $0x1082;
	[sflag:s4] =	ssyncset.s32 $0xFFFFF086  }
0x25: {  	[simem:s6], [sflag:s4] =	dma.local [hbm:s3], $0xF7A  }
0x26: {  	[smem:$0x3F9E] =	sst s1;
	(tag) =	ssettag s2;
	_ =	strace s9  }
0x27: {  	s1 =	sld [smem:$0x3FAE]  }
0x28: {  	s2 =	sld [smem:$0x3FAF]  }
0x29: {  	s4 =	sld [smem:$0x3FB1]  }
0x2a: {  	p0 =	seq.s32 s5, $0x0;
	s5 =	sld [smem:$0x3FB2]  }
0x2b: {  	s6 =	sld [smem:$0x3FB3]  }
0x2c: {  	s7 =	sld [smem:$0x3FB4]  }
0x2d: {  	s3 =	simm.s32 $0x108;
	s8 =	sld [smem:$0x3FB5]  }
0x2e: {  	s3 =	simm.s32 @!p0 $0x1082;
	s9 =	sld [smem:$0x3FB6]  }
0x2f: {  	lr =	sadd.s32 s0, s3;
	s0 =	sld [smem:$0x3FAD]  }
0x30: {  	s3 =	sld [smem:$0x3FB0]  }
0x31: {  	[smem:$0x3FB9] =	sst s10  }
0x32: {  	s10 =	sld [smem:$0x3FB7];
	_ =	sdelay $0x3  }
0x33: {  	p0 =	seq.s32 s10, $0x1;
	s10 =	sld [smem:$0x3FB9];
	_ =	sdelay $0x3  }
0x34: {  	[smem:$0x3FB9] =	sst s10  }
0x35: {  	s10 =	sld [smem:$0x3FB8];
	_ =	sdelay $0x3  }
0x36: {  	p1 =	seq.s32 s10, $0x1;
	s10 =	sld [smem:$0x3FB9];
	_ =	sdelay $0x3  }
0x37: {  	[smem:$0x3FB9] =	sst s10  }
0x38: {  	s10 =	sld [smem:$0x3FBA]  }
0x39: {  	_ = 	snop;
	(pc) =	sbr.ind lr, $3  }
0x3a: {  	_ = 	snop  }
0x3b: {  	_ = 	snop  }
0x3c: {  	p2 =	seq.s32 s10, $0x1;
	s10 =	sld [smem:$0x3FB9]  }
0x3d: {  	_ =	shalt  }
0x3e: {  	_ =	shalt  }
0x3f: {  	_ =	shalt  }
0x40: {  	_ =	shalt  }
0x41: {  	_ =	shalt  }
0x42: {  	_ =	shalt  }
0x43: {  	_ =	shalt  }
0x44: {  	_ =	shalt  }
0x45: {  	_ =	shalt  }
0x46: {  	_ =	shalt  }
0x47: {  	_ =	shalt  }
0x48: {  	_ =	shalt  }
0x49: {  	_ =	shalt  }
0x4a: {  	_ =	shalt  }
0x4b: {  	_ =	shalt  }
0x4c: {  	_ =	shalt  }
0x4d: {  	_ =	shalt  }
0x4e: {  	_ =	shalt  }
0x4f: {  	_ =	shalt  }
0x50: {  	_ =	shalt  }
0x51: {  	_ =	shalt  }
0x52: {  	_ =	shalt  }
0x53: {  	_ =	shalt  }
0x54: {  	_ =	shalt  }
0x55: {  	_ =	shalt  }
0x56: {  	_ =	shalt  }
0x57: {  	_ =	shalt  }
0x58: {  	_ =	shalt  }
0x59: {  	_ =	shalt  }
0x5a: {  	_ =	shalt  }
0x5b: {  	_ =	shalt  }
0x5c: {  	_ =	shalt  }
0x5d: {  	_ =	shalt  }
0x5e: {  	_ =	shalt  }
0x5f: {  	_ =	shalt  }
0x60: {  	_ =	shalt  }
0x61: {  	_ =	shalt  }
0x62: {  	_ =	shalt  }
0x63: {  	_ =	shalt  }
0x64: {  	_ =	shalt  }
0x65: {  	_ =	shalt  }
0x66: {  	_ =	shalt  }
0x67: {  	_ =	shalt  }
0x68: {  	_ =	shalt  }
0x69: {  	_ =	shalt  }
0x6a: {  	_ =	shalt  }
0x6b: {  	_ =	shalt  }
0x6c: {  	_ =	shalt  }
0x6d: {  	_ =	shalt  }
0x6e: {  	_ =	shalt  }
0x6f: {  	_ =	shalt  }
0x70: {  	_ =	shalt  }
0x71: {  	_ =	shalt  }
0x72: {  	_ =	shalt  }
0x73: {  	_ =	shalt  }
0x74: {  	_ =	shalt  }
0x75: {  	_ =	shalt  }
0x76: {  	_ =	shalt  }
0x77: {  	_ =	shalt  }
0x78: {  	_ =	shalt  }
0x79: {  	_ =	shalt  }
0x7a: {  	_ =	shalt  }
0x7b: {  	_ =	shalt  }
0x7c: {  	_ =	shalt  }
0x7d: {  	_ =	shalt  }
0x7e: {  	_ =	shalt  }
0x7f: {  	_ =	shalt  }
0x80: {  	_ =	shalt  }
0x81: {  	_ =	shalt  }
0x82: {  	_ =	shalt  }
0x83: {  	_ =	shalt  }
0x84: {  	_ =	shalt  }
0x85: {  	_ =	shalt  }
0x86: {  	_ =	shalt  }
0x87: {  	_ =	shalt  }
.Lfunc_end0:
.L_simem_size_0:
called_computation_lowered:
.L_overlay_start_0:
0x88: {  	s2 =	sld [smem:$0x3FD9]  }
0x89: {  	s3 =	sld [smem:$0x3FFE];
	_ =	sdelay $0x1  }
0x8a: {  	s1 =	srdreg.scid  }
0x8b: {  	s0 =	sand.u32 $0x1, s1  }
0x8c: {  	s17 =	sshll.u32 s0, $0xA;
	s2 =	sadd.s32 s3, s2  }
0x8d: {  	s2 =	sadd.s32 s2, s17  }
0x8e: {  	[smem:$0x3FC5] =	sst s2  }
0x8f: {  	_ = 	snop  }
0x90: {  	s2 =	sld [smem:$0x3FC8]  }
0x91: {  	s18 =	sld [smem:$0x3FC7]  }
0x92: {  	s4 =	sld [smem:$0x3FD0];
	(tm) =	ssettm $0x1  }
0x93: {  	s5 =	sld [smem:$0x3FFB];
	_ =	sdelay $0x3  }
0x94: {  	_ =	strace s5  }
0x95: {  	s5 =	sld [smem:$0x3FFC];
	_ =	sdelay $0x3  }
0x96: {  	_ =	strace s5  }
0x97: {  	s5 =	sld [smem:$0x3FFD];
	_ =	sdelay $0x3  }
0x98: {  	_ =	strace s5  }
0x99: {  	_ =	strace $0x8FFFFFFF  }
0x9a: {  	s19 =	sld [smem:$0x3FDB];
	_ =	sdelay $0x1  }
0x9b: {  	s6 =	simm.s32 $_scs_section_size  }
0x9c: {  	s7 =	simm.s32 $_size__tile_overlayer_lowered;
	s8 =	simm.s32 $_tile_overlayer_lowered  }
0x9d: {  	s22 =	simm.s32 $0x1BFF;
	s21 =	sshll.u32 s8, $0x1;
	s5 =	sadd.s32 s6, s19  }
0x9e: {  	s9 =	simm.s32 $0x0;
	s20 =	sshll.u32 s7, $0x1;
	s7 =	sadd.s32 s21, s5  }
0x9f: {  	[timem:s9], [sflag:s22] =	dma.local [hbm:s7], s20  }
0xa0: {  	_ =	swait.ge [sflag:s22], s20  }
0xa1: {  	s6 =	ssub.s32 $0x0, s20;
	[sflag:s22] =	ssyncset.done $0x0  }
0xa2: {  	[sflag:s22] =	ssyncadd.s32 s6;
	_ =	sdelay $0x1  }
0xa3: {  	s23 =	simm.s32 $0x1B8B  }
0xa4: {  	_ =	swait.ge [sflag:s23], $0x1  }
0xa5: {  	[sflag:s23] =	ssyncset.done $0x0  }
0xa6: {  	s25 =	simm.s32 $0x1B8E;
	s24 =	sld [smem:$0x3FFE];
	[sflag:s23] =	ssyncadd.s32 $0xFFFFFFFF  }
0xa7: {  	s26 =	simm.s32 $execute0_lowered;
	[smem:$0x3FD2] =	sst s25  }
0xa8: {  	s7 =	sshll.u32 s26, $0x1;
	_ =	strace $0x80000046;
	[dreg:$0x1] =	wrdreg $0xFFFFFFFF  }
0xa9: {  	s28 =	simm.s32 $_size_execute0_lowered;
	s5 =	sadd.s32 s5, s7;
	[dreg:$0x0] =	wrdreg $0x0  }
0xaa: {  	s7 =	sshll.u32 s28, $0x1;
	[dreg:$0x2] =	wrdreg s5  }
0xab: {  	[dreg:$0x3] =	wrdreg s7  }
0xac: {  	[dreg:$0x4] =	wrdreg $0xC0  }
0xad: {  	_ =	task [dreg:s9], $0x5FFFF  }
0xae: {  	[dreg:$0x1] =	wrdreg $0xFFFFFFFF  }
0xaf: {  	[dreg:$0x0] =	wrdreg $0x60  }
0xb0: {  	[dreg:$0x2] =	wrdreg s24  }
0xb1: {  	[dreg:$0x3] =	wrdreg s2  }
0xb2: {  	[dreg:$0x4] =	wrdreg s18  }
0xb3: {  	[dreg:$0x5] =	wrdreg s4  }
0xb4: {  	[dreg:$0x6] =	wrdreg $0x9  }
0xb5: {  	_ =	task.clear_ibuf [dreg:s9], $0x7FFFF;
	_ =	strace $0x90000046  }
0xb6: {  	s29 =	simm.s32 $0x9;
	_ =	strace $0x80000048  }
0xb7: {  	_ =	swait.ge [sflag:s29], $0x1  }
0xb8: {  	[sflag:s29] =	ssyncadd.s32 $0xFFFFFFFF  }
0xb9: {  	_ =	strace $0x90000048  }
0xba: {  	_ =	sfence  }
0xbb: {  	s30 =	sld [smem:$0x0];
	_ =	sdelay $0x2  }
0xbc: {  	s31 =	sshll.u32 s1, $0xD;
	s1 =	sshrl.u32 s1, $0x2  }
0xbd: {  	s3 =	sand.u32 $0x4000, s31;
	s1 =	sadd.s32 s1, s30  }
0xbe: {  	s0 =	sor.u32 s3, s0;
	s1 =	sshll.u32 s1, $0x11  }
0xbf: {  	s0 =	sor.u32 s1, s0  }
0xc0: {  	s0 =	sadd.s32 $0x8F2B, s0  }
0xc1: {  	[sflag:s0] =	ssyncadd.remote.s32 $0x1  }
0xc2: {  	_ =	sfence.sel $0xFFFF  }
0xc3: {  	[dreg:$0x0] =	wrdreg $0xFFFFFFFF;
	(pc) =	sbr.abs _section_cstart, $3  }
0xc4: {  	[dreg:$0x1] =	wrdreg $0xFFFFFFFF  }
0xc5: {  	_ =	task.clear_ibuf [dreg:s9], $0x2FFFF;
	_ =	strace $0x9FFFFFFF  }
0xc6: {  	(tm) =	ssettm $0x7FFFFFFF  }
0xc7: {  	_ =	shalt  }
tec
execute0_lowered:
.L_overlay_start_1:
0x0: {  	(tag) =	ssettag $0x1  }
0x1: {  	s0 =	rddreg [dreg:$0x0]  }
0x2: {  	s2 =	rddreg [dreg:$0x1]  }
0x3: {  	s1 =	rddreg [dreg:$0x2]  }
0x4: {  	s10 =	rddreg [dreg:$0x3];
	s3 =	srdreg.scid  }
0x5: {  	s4 =	stileid.u32;
	s31 =	simm.s32 $0xD000;
	s18 =	simm.s32 $0x15000  }
0x6: {  	s28 =	simm.s32 $0x2;
	s29 =	simm.s32 $0x4;
	s3 =	sand.u32 $0x1, s3  }
0x7: {  	s5 =	sshll.u32 s4, $0x1;
	s4 =	simm.s32 $0x0;
	s8 =	sadd.s32 $0x200, s2  }
0x8: {  	s9 =	sadd.s32 $0x300, s2;
	s11 =	sadd.s32 $0x800, s10;
	s5 =	sor.u32 s3, s5  }
0x9: {  	s10 =	simm.s32 $0x0;
	s3 =	ssub.s32 $0x2, s3;
	s6 =	sshll.u32 s5, $0x9  }
0xa: {  	[smem:$0x7FF] =	sst s4;
	s7 =	sshrl.u32 s3, $0x1;
	s0 =	sadd.s32 s6, s0  }
0xb: {  	s3 =	ssub.s32 s3, s7;
	s7 =	sshll.u32 s5, $0xC;
	s0 =	sadd.s32 $0x400, s0  }
0xc: {  	v2 =	vlaneseq.u32;
	_ =	strace $0x80000047;
	s26 =	sadd.s32 s1, s7;
	[dreg:$0x5] =	wrdreg s0  }
0xd: {  	vm0 =	vmmov $0xffff;
	v1 =	vshrl.u32 v2, $0x3;
	s6 =	sadd.s32 $0x100, s2;
	s30 =	smax.u32 s3, $0x1;
	[dreg:$0x6] =	wrdreg s26  }
0xe: {  	v0 =	vand.u32 $0x7, v2;
	v2 =	vor.u32 $0x8, v2;
	v1 =	vmul.u32 $0x8, v1;
	s1 =	simm.s32 $0x3;
	[dreg:$0x7] =	wrdreg s30;
	s0 =	simm.s32 $0x1  }
.LBB2_1:
0xf: {  	[dreg:$0x8] =	wrdreg s10  }
0x10: {  	s3 =	rddreg [dreg:$0x5];
	s5 =	simm.s32 $0x9  }
0x11: {  	[tilespmem:s4], [sflag:$0x9] =	stream.linear.gather [hbm4b:s3+s4], $0x1000, $0x38;
	[tilespmem:$0x19000] =	vst v63  }
0x12: {  	_ =	swait.ge [sflag:s5], $0x1000  }
0x13: {  	[sflag:s5] =	ssyncset.done $0x0  }
0x14: {  	[sflag:s5] =	ssyncadd.s32 $0xFFFFF000  }
0x15: {  	v3 =	vld [tilespmem:$0x0];
	_ =	sdelay $0x4  }
0x16: {  	v4 =	vshll.u32 v3, $0x3  }
0x17: {  	v3 =	vand.u32 $0x7, v3;
	v4 =	vand.u32 $0xFFFFFFC0, v4  }
0x18: {  	v3 =	vor.u32 v3, v4  }
0x19: {  	v4 =	vperm.xlane v3, v0;
	_ =	sdelay $0x1  }
0x1a: {  	v4 =	vadd.s32 v1, v4;
	_ =	sdelay $0x3  }
0x1b: {  	s26 =	simm.s32 $0x9000  }
0x1c: {  	[tilespmem:s26], [sflag:$0x1] =	stream.indirect_vreg.gather [hbm4b:s2+s4], $0x80, v4, vm0, $0xb8;
	[tilespmem:$0x19000] =	vst v63  }
0x1d: {  	s30 =	simm.s32 $0x9800;
	v3 =	vperm.xlane v3, v2  }
0x1e: {  	[tilespmem:s30], [sflag:$0x1] =	stream.indirect_vreg.gather [hbm4b:s6+s4], $0x80, v4, vm0, $0xb8;
	[tilespmem:$0x19000] =	vst v63  }
0x1f: {  	s10 =	simm.s32 $0xA000;
	v3 =	vadd.s32 v1, v3  }
0x20: {  	[tilespmem:s10], [sflag:$0x1] =	stream.indirect_vreg.gather [hbm4b:s8+s4], $0x80, v4, vm0, $0xb8;
	[tilespmem:$0x19000] =	vst v63  }
0x21: {  	s12 =	simm.s32 $0xA800  }
0x22: {  	[tilespmem:s12], [sflag:$0x1] =	stream.indirect_vreg.gather [hbm4b:s9+s4], $0x80, v4, vm0, $0xb8;
	[tilespmem:$0x19000] =	vst v63  }
0x23: {  	s13 =	simm.s32 $0xB000  }
0x24: {  	[tilespmem:s13], [sflag:$0x1] =	stream.indirect_vreg.gather [hbm4b:s2+s4], $0x80, v3, vm0, $0xb8;
	[tilespmem:$0x19000] =	vst v63  }
0x25: {  	s14 =	simm.s32 $0xB800  }
0x26: {  	[tilespmem:s14], [sflag:$0x1] =	stream.indirect_vreg.gather [hbm4b:s6+s4], $0x80, v3, vm0, $0xb8;
	[tilespmem:$0x19000] =	vst v63  }
0x27: {  	s15 =	simm.s32 $0xC000  }
0x28: {  	[tilespmem:s15], [sflag:$0x1] =	stream.indirect_vreg.gather [hbm4b:s8+s4], $0x80, v3, vm0, $0xb8;
	[tilespmem:$0x19000] =	vst v63  }
0x29: {  	s16 =	simm.s32 $0xC800  }
0x2a: {  	[tilespmem:s16], [sflag:$0x1] =	stream.indirect_vreg.gather [hbm4b:s9+s4], $0x80, v3, vm0, $0xb8;
	[tilespmem:$0x19000] =	vst v63  }
0x2b: {  	v3 =	vld [tilespmem:$0x100];
	_ =	sdelay $0x4  }
0x2c: {  	v63 =	vshll.u32 v3, $0x3  }
0x2d: {  	v3 =	vand.u32 $0x7, v3;
	v4 =	vand.u32 $0xFFFFFFC0, v63  }
0x2e: {  	v3 =	vor.u32 v3, v4  }
0x2f: {  	v4 =	vperm.xlane v3, v0;
	_ =	sdelay $0x1  }
0x30: {  	v4 =	vadd.s32 v1, v4;
	_ =	sdelay $0x3  }
0x31: {  	s17 =	simm.s32 $0x11000  }
0x32: {  	[tilespmem:s17], [sflag:$0x3] =	stream.indirect_vreg.gather [hbm4b:s2+s4], $0x80, v4, vm0, $0xb8;
	[tilespmem:$0x19000] =	vst v63  }
0x33: {  	s19 =	simm.s32 $0x11800;
	v3 =	vperm.xlane v3, v2  }
0x34: {  	[tilespmem:s19], [sflag:$0x3] =	stream.indirect_vreg.gather [hbm4b:s6+s4], $0x80, v4, vm0, $0xb8;
	[tilespmem:$0x19000] =	vst v63  }
0x35: {  	s20 =	simm.s32 $0x12000;
	v3 =	vadd.s32 v1, v3  }
0x36: {  	[tilespmem:s20], [sflag:$0x3] =	stream.indirect_vreg.gather [hbm4b:s8+s4], $0x80, v4, vm0, $0xb8;
	[tilespmem:$0x19000] =	vst v63  }
0x37: {  	s21 =	simm.s32 $0x12800  }
0x38: {  	[tilespmem:s21], [sflag:$0x3] =	stream.indirect_vreg.gather [hbm4b:s9+s4], $0x80, v4, vm0, $0xb8;
	[tilespmem:$0x19000] =	vst v63  }
0x39: {  	s22 =	simm.s32 $0x13000  }
0x3a: {  	[tilespmem:s22], [sflag:$0x3] =	stream.indirect_vreg.gather [hbm4b:s2+s4], $0x80, v3, vm0, $0xb8;
	[tilespmem:$0x19000] =	vst v63  }
0x3b: {  	s23 =	simm.s32 $0x13800  }
0x3c: {  	[tilespmem:s23], [sflag:$0x3] =	stream.indirect_vreg.gather [hbm4b:s6+s4], $0x80, v3, vm0, $0xb8;
	[tilespmem:$0x19000] =	vst v63  }
0x3d: {  	s24 =	simm.s32 $0x14000  }
0x3e: {  	[tilespmem:s24], [sflag:$0x3] =	stream.indirect_vreg.gather [hbm4b:s8+s4], $0x80, v3, vm0, $0xb8;
	[tilespmem:$0x19000] =	vst v63  }
0x3f: {  	s25 =	simm.s32 $0x14800  }
0x40: {  	[tilespmem:s25], [sflag:$0x3] =	stream.indirect_vreg.gather [hbm4b:s9+s4], $0x80, v3, vm0, $0xb8;
	[tilespmem:$0x19000] =	vst v63  }
0x41: {  	s26 =	rddreg [dreg:$0x6];
	s30 =	simm.s32 $0x1000  }
0x42: {  	[tilespmem:s30], [sflag:$0x9] =	stream.linear.gather [hbm4b:s26+s4], $0x8000, $0x38;
	[tilespmem:$0x19000] =	vst v63  }
0x43: {  	_ =	swait.ge [sflag:s5], $0x8000  }
0x44: {  	[sflag:s5] =	ssyncset.done $0x0  }
0x45: {  	s10 =	simm.s32 $0x0;
	[sflag:s5] =	ssyncadd.s32 $0xFFFF8000  }
.LBB2_2:
0x46: {  	_ =	swait.ge [sflag:s0], $0x4000  }
0x47: {  	[sflag:s0] =	ssyncset.done $0x0  }
0x48: {  	[sflag:s0] =	ssyncadd.s32 $0xFFFFC000  }
0x49: {  	_ =	swait.ge [sflag:s1], $0x4000  }
0x4a: {  	p0 =	seq.s32 s10, $0x0;
	[sflag:s1] =	ssyncset.done $0x0  }
0x4b: {  	s3 =	simm.s32 @!p0 $0x6;
	[sflag:s1] =	ssyncadd.s32 $0xFFFFC000  }
0x4c: {  	_ =	swait.ge @!p0 [sflag:s3], $0x4000  }
0x4d: {  	[sflag:s3] =	ssyncset.done @!p0 $0x0  }
0x4e: {  	[sflag:s3] =	ssyncadd.s32 @!p0 $0xFFFFC000;
	s3 =	simm.s32 @!p0 $0x8  }
0x4f: {  	_ =	swait.ge @!p0 [sflag:s3], $0x4000  }
0x50: {  	s5 =	sshll.u32 s10, $0x9;
	[sflag:s3] =	ssyncset.done @!p0 $0x0  }
0x51: {  	s12 =	sand.u32 $0x3FFFFE00, s5;
	[sflag:s3] =	ssyncadd.s32 @!p0 $0xFFFFC000  }
0x52: {  	v3 =	vld [tilespmem:s12+$0x80];
	_ =	sdelay $0x4  }
0x53: {  	v4 =	vshll.u32 v3, $0x3  }
0x54: {  	v3 =	vand.u32 $0x7, v3;
	v4 =	vand.u32 $0xFFFFFFC0, v4  }
0x55: {  	v3 =	vor.u32 v3, v4  }
0x56: {  	v4 =	vperm.xlane v3, v0;
	_ =	sdelay $0x1  }
0x57: {  	v4 =	vadd.s32 v1, v4;
	_ =	sdelay $0x3  }
0x58: {  	s13 =	simm.s32 $0x0  }
0x59: {  	[tilespmem:s31], [sflag:$0x2] =	stream.indirect_vreg.gather [hbm4b:s2+s13], $0x80, v4, vm0, $0xb8;
	[tilespmem:$0x19000] =	vst v63  }
0x5a: {  	s5 =	simm.s32 $0xD800;
	v3 =	vperm.xlane v3, v2  }
0x5b: {  	[tilespmem:s5], [sflag:$0x2] =	stream.indirect_vreg.gather [hbm4b:s6+s13], $0x80, v4, vm0, $0xb8;
	[tilespmem:$0x19000] =	vst v63  }
0x5c: {  	s14 =	simm.s32 $0xE000;
	v3 =	vadd.s32 v1, v3  }
0x5d: {  	[tilespmem:s14], [sflag:$0x2] =	stream.indirect_vreg.gather [hbm4b:s8+s13], $0x80, v4, vm0, $0xb8;
	[tilespmem:$0x19000] =	vst v63  }
0x5e: {  	s15 =	simm.s32 $0xE800  }
0x5f: {  	[tilespmem:s15], [sflag:$0x2] =	stream.indirect_vreg.gather [hbm4b:s9+s13], $0x80, v4, vm0, $0xb8;
	[tilespmem:$0x19000] =	vst v63  }
0x60: {  	s16 =	simm.s32 $0xF000  }
0x61: {  	[tilespmem:s16], [sflag:$0x2] =	stream.indirect_vreg.gather [hbm4b:s2+s13], $0x80, v3, vm0, $0xb8;
	[tilespmem:$0x19000] =	vst v63  }
0x62: {  	s17 =	simm.s32 $0xF800  }
0x63: {  	[tilespmem:s17], [sflag:$0x2] =	stream.indirect_vreg.gather [hbm4b:s6+s13], $0x80, v3, vm0, $0xb8;
	[tilespmem:$0x19000] =	vst v63  }
0x64: {  	s19 =	simm.s32 $0x10000  }
0x65: {  	[tilespmem:s19], [sflag:$0x2] =	stream.indirect_vreg.gather [hbm4b:s8+s13], $0x80, v3, vm0, $0xb8;
	[tilespmem:$0x19000] =	vst v63  }
0x66: {  	s20 =	simm.s32 $0x10800  }
0x67: {  	[tilespmem:s20], [sflag:$0x2] =	stream.indirect_vreg.gather [hbm4b:s9+s13], $0x80, v3, vm0, $0xb8;
	[tilespmem:$0x19000] =	vst v63  }
0x68: {  	v3 =	vld [tilespmem:s12+$0x180];
	_ =	sdelay $0x4  }
0x69: {  	v4 =	vshll.u32 v3, $0x3  }
0x6a: {  	v3 =	vand.u32 $0x7, v3;
	v4 =	vand.u32 $0xFFFFFFC0, v4  }
0x6b: {  	v3 =	vor.u32 v3, v4  }
0x6c: {  	v4 =	vperm.xlane v3, v0;
	_ =	sdelay $0x1  }
0x6d: {  	v4 =	vadd.s32 v1, v4;
	_ =	sdelay $0x4  }
0x6e: {  	[tilespmem:s18], [sflag:$0x4] =	stream.indirect_vreg.gather [hbm4b:s2+s13], $0x80, v4, vm0, $0xb8;
	[tilespmem:$0x19000] =	vst v63  }
0x6f: {  	s21 =	simm.s32 $0x15800;
	v3 =	vperm.xlane v3, v2  }
0x70: {  	[tilespmem:s21], [sflag:$0x4] =	stream.indirect_vreg.gather [hbm4b:s6+s13], $0x80, v4, vm0, $0xb8;
	[tilespmem:$0x19000] =	vst v63  }
0x71: {  	s22 =	simm.s32 $0x16000;
	v3 =	vadd.s32 v1, v3  }
0x72: {  	[tilespmem:s22], [sflag:$0x4] =	stream.indirect_vreg.gather [hbm4b:s8+s13], $0x80, v4, vm0, $0xb8;
	[tilespmem:$0x19000] =	vst v63  }
0x73: {  	s23 =	simm.s32 $0x16800  }
0x74: {  	[tilespmem:s23], [sflag:$0x4] =	stream.indirect_vreg.gather [hbm4b:s9+s13], $0x80, v4, vm0, $0xb8;
	[tilespmem:$0x19000] =	vst v63  }
0x75: {  	s24 =	simm.s32 $0x17000  }
0x76: {  	[tilespmem:s24], [sflag:$0x4] =	stream.indirect_vreg.gather [hbm4b:s2+s13], $0x80, v3, vm0, $0xb8;
	[tilespmem:$0x19000] =	vst v63  }
0x77: {  	s25 =	simm.s32 $0x17800  }
0x78: {  	[tilespmem:s25], [sflag:$0x4] =	stream.indirect_vreg.gather [hbm4b:s6+s13], $0x80, v3, vm0, $0xb8;
	[tilespmem:$0x19000] =	vst v63  }
0x79: {  	s26 =	simm.s32 $0x18000;
	s5 =	sand.u32 $0x2000, s13;
	s14 =	sand.u32 $0x380, s13  }
0x7a: {  	[tilespmem:s26], [sflag:$0x4] =	stream.indirect_vreg.gather [hbm4b:s8+s13], $0x80, v3, vm0, $0xb8;
	[tilespmem:$0x19000] =	vst v63  }
0x7b: {  	s30 =	simm.s32 $0x18800;
	s23 =	sor.u32 s14, s5  }
0x7c: {  	[tilespmem:s30], [sflag:$0x4] =	stream.indirect_vreg.gather [hbm4b:s9+s13], $0x80, v3, vm0, $0xb8;
	[tilespmem:$0x19000] =	vst v63  }
0x7d: {  	v3 =	vld [tilespmem:s23+$0x1000];
	_ =	sdelay $0x3  }
0x7e: {  	s3 =	sor.u32 $0x9000, s23  }
0x7f: {  	s15 =	sor.u32 $0x11000, s23;
	[tilespmem:s3+$0x0] =	vst.add.f32.msk $0xffff, v3  }
0x80: {  	[tilespmem:s15+$0x0] =	vst.add.f32.msk $0xffff, v3  }
0x81: {  	v3 =	vld [tilespmem:s23+$0x1010];
	_ =	sdelay $0x3  }
0x82: {  	s16 =	sor.u32 $0x9010, s23  }
0x83: {  	s17 =	sor.u32 $0x11010, s23;
	[tilespmem:s16+$0x0] =	vst.add.f32.msk $0xffff, v3  }
0x84: {  	[tilespmem:s17+$0x0] =	vst.add.f32.msk $0xffff, v3  }
0x85: {  	v3 =	vld [tilespmem:s23+$0x1020];
	_ =	sdelay $0x3  }
0x86: {  	s19 =	sor.u32 $0x9020, s23  }
0x87: {  	s20 =	sor.u32 $0x11020, s23;
	[tilespmem:s19+$0x0] =	vst.add.f32.msk $0xffff, v3  }
0x88: {  	[tilespmem:s20+$0x0] =	vst.add.f32.msk $0xffff, v3  }
0x89: {  	v3 =	vld [tilespmem:s23+$0x1030];
	_ =	sdelay $0x3  }
0x8a: {  	s21 =	sor.u32 $0x9030, s23  }
0x8b: {  	s22 =	sor.u32 $0x11030, s23;
	[tilespmem:s21+$0x0] =	vst.add.f32.msk $0xffff, v3  }
0x8c: {  	[tilespmem:s22+$0x0] =	vst.add.f32.msk $0xffff, v3  }
0x8d: {  	v3 =	vld [tilespmem:s23+$0x1040];
	_ =	sdelay $0x3  }
0x8e: {  	s24 =	sor.u32 $0x9040, s23  }
0x8f: {  	s25 =	sor.u32 $0x11040, s23;
	[tilespmem:s24+$0x0] =	vst.add.f32.msk $0xffff, v3  }
0x90: {  	[tilespmem:s25+$0x0] =	vst.add.f32.msk $0xffff, v3  }
0x91: {  	v3 =	vld [tilespmem:s23+$0x1050];
	_ =	sdelay $0x3  }
0x92: {  	s26 =	sor.u32 $0x9050, s23  }
0x93: {  	s30 =	sor.u32 $0x11050, s23;
	[tilespmem:s26+$0x0] =	vst.add.f32.msk $0xffff, v3  }
0x94: {  	[tilespmem:s30+$0x0] =	vst.add.f32.msk $0xffff, v3  }
0x95: {  	v3 =	vld [tilespmem:s23+$0x1060];
	_ =	sdelay $0x3  }
0x96: {  	s5 =	sor.u32 $0x9060, s23  }
0x97: {  	s14 =	sor.u32 $0x11060, s23;
	[tilespmem:s5+$0x0] =	vst.add.f32.msk $0xffff, v3  }
0x98: {  	[tilespmem:s14+$0x0] =	vst.add.f32.msk $0xffff, v3  }
0x99: {  	v3 =	vld [tilespmem:s23+$0x1070];
	_ =	sdelay $0x3  }
0x9a: {  	s15 =	sor.u32 $0x9070, s23  }
0x9b: {  	s16 =	sor.u32 $0x11070, s23;
	[tilespmem:s15+$0x0] =	vst.add.f32.msk $0xffff, v3  }
0x9c: {  	[tilespmem:s16+$0x0] =	vst.add.f32.msk $0xffff, v3  }
0x9d: {  	v3 =	vld [tilespmem:s23+$0x1400];
	_ =	sdelay $0x2  }
0x9e: {  	s17 =	sand.u32 $0xFFFFE000, s13  }
0x9f: {  	s5 =	sor.u32 $0x9400, s23;
	s14 =	sadd.s32 $0x0, s17  }
0xa0: {  	s3 =	sor.u32 $0x8400, s14;
	[tilespmem:s5+$0x0] =	vst.add.f32.msk $0xffff, v3  }
0xa1: {  	[tilespmem:s3+$0x9000] =	vst.add.f32.msk $0xffff, v3  }
0xa2: {  	v3 =	vld [tilespmem:s23+$0x1410];
	_ =	sdelay $0x3  }
0xa3: {  	s19 =	sor.u32 $0x9410, s23  }
0xa4: {  	[tilespmem:s19+$0x0] =	vst.add.f32.msk $0xffff, v3  }
0xa5: {  	[tilespmem:s3+$0x9010] =	vst.add.f32.msk $0xffff, v3  }
0xa6: {  	v3 =	vld [tilespmem:s23+$0x1420];
	_ =	sdelay $0x3  }
0xa7: {  	s20 =	sor.u32 $0x9420, s23  }
0xa8: {  	[tilespmem:s20+$0x0] =	vst.add.f32.msk $0xffff, v3  }
0xa9: {  	[tilespmem:s3+$0x9020] =	vst.add.f32.msk $0xffff, v3  }
0xaa: {  	v3 =	vld [tilespmem:s23+$0x1430];
	_ =	sdelay $0x3  }
0xab: {  	s21 =	sor.u32 $0x9430, s23  }
0xac: {  	[tilespmem:s21+$0x0] =	vst.add.f32.msk $0xffff, v3  }
0xad: {  	[tilespmem:s3+$0x9030] =	vst.add.f32.msk $0xffff, v3  }
0xae: {  	v3 =	vld [tilespmem:s23+$0x1440];
	_ =	sdelay $0x3  }
0xaf: {  	s22 =	sor.u32 $0x9440, s23  }
0xb0: {  	[tilespmem:s22+$0x0] =	vst.add.f32.msk $0xffff, v3  }
0xb1: {  	[tilespmem:s3+$0x9040] =	vst.add.f32.msk $0xffff, v3  }
0xb2: {  	v3 =	vld [tilespmem:s23+$0x1450];
	_ =	sdelay $0x3  }
0xb3: {  	s24 =	sor.u32 $0x9450, s23  }
0xb4: {  	[tilespmem:s24+$0x0] =	vst.add.f32.msk $0xffff, v3  }
0xb5: {  	[tilespmem:s3+$0x9050] =	vst.add.f32.msk $0xffff, v3  }
0xb6: {  	v3 =	vld [tilespmem:s23+$0x1460];
	_ =	sdelay $0x3  }
0xb7: {  	s25 =	sor.u32 $0x9460, s23  }
0xb8: {  	[tilespmem:s25+$0x0] =	vst.add.f32.msk $0xffff, v3  }
0xb9: {  	[tilespmem:s3+$0x9060] =	vst.add.f32.msk $0xffff, v3  }
0xba: {  	v3 =	vld [tilespmem:s23+$0x1470];
	_ =	sdelay $0x3  }
0xbb: {  	s26 =	sor.u32 $0x9470, s23  }
0xbc: {  	[tilespmem:s26+$0x0] =	vst.add.f32.msk $0xffff, v3  }
0xbd: {  	[tilespmem:s3+$0x9070] =	vst.add.f32.msk $0xffff, v3  }
0xbe: {  	v3 =	vld [tilespmem:s23+$0x1800];
	_ =	sdelay $0x3  }
0xbf: {  	s30 =	sor.u32 $0x9800, s23  }
0xc0: {  	s5 =	sor.u32 $0x11800, s23;
	[tilespmem:s30+$0x0] =	vst.add.f32.msk $0xffff, v3  }
0xc1: {  	[tilespmem:s5+$0x0] =	vst.add.f32.msk $0xffff, v3  }
0xc2: {  	v3 =	vld [tilespmem:s23+$0x1810];
	_ =	sdelay $0x3  }
0xc3: {  	s15 =	sor.u32 $0x9810, s23  }
0xc4: {  	s16 =	sor.u32 $0x11810, s23;
	[tilespmem:s15+$0x0] =	vst.add.f32.msk $0xffff, v3  }
0xc5: {  	[tilespmem:s16+$0x0] =	vst.add.f32.msk $0xffff, v3  }
0xc6: {  	v3 =	vld [tilespmem:s23+$0x1820];
	_ =	sdelay $0x3  }
0xc7: {  	s17 =	sor.u32 $0x9820, s23  }
0xc8: {  	s19 =	sor.u32 $0x11820, s23;
	[tilespmem:s17+$0x0] =	vst.add.f32.msk $0xffff, v3  }
0xc9: {  	[tilespmem:s19+$0x0] =	vst.add.f32.msk $0xffff, v3  }
0xca: {  	v3 =	vld [tilespmem:s23+$0x1830];
	_ =	sdelay $0x3  }
0xcb: {  	s20 =	sor.u32 $0x9830, s23  }
0xcc: {  	s21 =	sor.u32 $0x11830, s23;
	[tilespmem:s20+$0x0] =	vst.add.f32.msk $0xffff, v3  }
0xcd: {  	[tilespmem:s21+$0x0] =	vst.add.f32.msk $0xffff, v3  }
0xce: {  	v3 =	vld [tilespmem:s23+$0x1840]  }
0xcf: {  	s15 =	simm.s32 $0x80;
	s16 =	simm.s32 $0x400  }
0xd0: {  	s26 =	sand.u32 $0x380, s15;
	s25 =	sand.u32 $0x2000, s16  }
0xd1: {  	s17 =	sor.u32 s26, s25  }
0xd2: {  	s22 =	sor.u32 $0x9840, s23;
	v4 =	vld [tilespmem:s17+$0x1000]  }
0xd3: {  	s24 =	sor.u32 $0x11840, s23;
	[tilespmem:s22+$0x0] =	vst.add.f32.msk $0xffff, v3  }
0xd4: {  	[tilespmem:s24+$0x0] =	vst.add.f32.msk $0xffff, v3  }
0xd5: {  	v3 =	vld [tilespmem:s23+$0x1850]  }
0xd6: {  	s19 =	sor.u32 $0x9000, s17  }
0xd7: {  	[tilespmem:s19+$0x0] =	vst.add.f32.msk $0xffff, v4;
	s20 =	sor.u32 $0x11000, s17  }
0xd8: {  	[tilespmem:s20+$0x0] =	vst.add.f32.msk $0xffff, v4  }
0xd9: {  	s30 =	sor.u32 $0x9850, s23;
	v4 =	vld [tilespmem:s17+$0x1010]  }
0xda: {  	s5 =	sor.u32 $0x11850, s23;
	[tilespmem:s30+$0x0] =	vst.add.f32.msk $0xffff, v3  }
0xdb: {  	[tilespmem:s5+$0x0] =	vst.add.f32.msk $0xffff, v3  }
0xdc: {  	v3 =	vld [tilespmem:s23+$0x1860]  }
0xdd: {  	s24 =	sor.u32 $0x9010, s17  }
0xde: {  	s25 =	sor.u32 $0x11010, s17;
	[tilespmem:s24+$0x0] =	vst.add.f32.msk $0xffff, v4  }
0xdf: {  	[tilespmem:s25+$0x0] =	vst.add.f32.msk $0xffff, v4  }
0xe0: {  	s21 =	sor.u32 $0x9860, s23;
	v4 =	vld [tilespmem:s17+$0x1020]  }
0xe1: {  	s22 =	sor.u32 $0x11860, s23;
	[tilespmem:s21+$0x0] =	vst.add.f32.msk $0xffff, v3  }
0xe2: {  	[tilespmem:s22+$0x0] =	vst.add.f32.msk $0xffff, v3  }
0xe3: {  	v3 =	vld [tilespmem:s23+$0x1870]  }
0xe4: {  	s5 =	sor.u32 $0x9020, s17  }
0xe5: {  	s19 =	sor.u32 $0x11020, s17;
	[tilespmem:s5+$0x0] =	vst.add.f32.msk $0xffff, v4  }
0xe6: {  	[tilespmem:s19+$0x0] =	vst.add.f32.msk $0xffff, v4  }
0xe7: {  	s26 =	sor.u32 $0x9870, s23;
	v4 =	vld [tilespmem:s17+$0x1030]  }
0xe8: {  	s30 =	sor.u32 $0x11870, s23;
	[tilespmem:s26+$0x0] =	vst.add.f32.msk $0xffff, v3  }
0xe9: {  	[tilespmem:s30+$0x0] =	vst.add.f32.msk $0xffff, v3  }
0xea: {  	v3 =	vld [tilespmem:s23+$0x1C00]  }
0xeb: {  	s21 =	sor.u32 $0x9030, s17  }
0xec: {  	s22 =	sor.u32 $0x11030, s17;
	[tilespmem:s21+$0x0] =	vst.add.f32.msk $0xffff, v4  }
0xed: {  	[tilespmem:s22+$0x0] =	vst.add.f32.msk $0xffff, v4  }
0xee: {  	s20 =	sor.u32 $0x9C00, s23;
	v4 =	vld [tilespmem:s17+$0x1040]  }
0xef: {  	s5 =	sor.u32 $0x8C00, s14;
	[tilespmem:s20+$0x0] =	vst.add.f32.msk $0xffff, v3  }
0xf0: {  	[tilespmem:s5+$0x9000] =	vst.add.f32.msk $0xffff, v3  }
0xf1: {  	v3 =	vld [tilespmem:s23+$0x1C10]  }
0xf2: {  	s25 =	sor.u32 $0x9040, s17  }
0xf3: {  	s26 =	sor.u32 $0x11040, s17;
	[tilespmem:s25+$0x0] =	vst.add.f32.msk $0xffff, v4  }
0xf4: {  	[tilespmem:s26+$0x0] =	vst.add.f32.msk $0xffff, v4  }
0xf5: {  	s24 =	sor.u32 $0x9C10, s23;
	v4 =	vld [tilespmem:s17+$0x1050]  }
0xf6: {  	[tilespmem:s24+$0x0] =	vst.add.f32.msk $0xffff, v3  }
0xf7: {  	[tilespmem:s5+$0x9010] =	vst.add.f32.msk $0xffff, v3  }
0xf8: {  	v3 =	vld [tilespmem:s23+$0x1C20]  }
0xf9: {  	s19 =	sor.u32 $0x9050, s17  }
0xfa: {  	s20 =	sor.u32 $0x11050, s17;
	[tilespmem:s19+$0x0] =	vst.add.f32.msk $0xffff, v4  }
0xfb: {  	[tilespmem:s20+$0x0] =	vst.add.f32.msk $0xffff, v4  }
0xfc: {  	s30 =	sor.u32 $0x9C20, s23;
	v4 =	vld [tilespmem:s17+$0x1060]  }
0xfd: {  	[tilespmem:s30+$0x0] =	vst.add.f32.msk $0xffff, v3  }
0xfe: {  	[tilespmem:s5+$0x9020] =	vst.add.f32.msk $0xffff, v3  }
0xff: {  	v3 =	vld [tilespmem:s23+$0x1C30]  }
0x100: {  	s22 =	sor.u32 $0x9060, s17  }
0x101: {  	s24 =	sor.u32 $0x11060, s17;
	[tilespmem:s22+$0x0] =	vst.add.f32.msk $0xffff, v4  }
0x102: {  	[tilespmem:s24+$0x0] =	vst.add.f32.msk $0xffff, v4  }
0x103: {  	s21 =	sor.u32 $0x9C30, s23;
	v4 =	vld [tilespmem:s17+$0x1070]  }
0x104: {  	[tilespmem:s21+$0x0] =	vst.add.f32.msk $0xffff, v3  }
0x105: {  	[tilespmem:s5+$0x9030] =	vst.add.f32.msk $0xffff, v3  }
0x106: {  	v3 =	vld [tilespmem:s23+$0x1C40];
	_ =	sdelay $0x2  }
0x107: {  	s26 =	sor.u32 $0x9070, s17  }
0x108: {  	s25 =	sor.u32 $0x9C40, s23;
	[tilespmem:s26+$0x0] =	vst.add.f32.msk $0xffff, v4  }
0x109: {  	[tilespmem:s25+$0x0] =	vst.add.f32.msk $0xffff, v3  }
0x10a: {  	[tilespmem:s5+$0x9040] =	vst.add.f32.msk $0xffff, v3  }
0x10b: {  	s30 =	sor.u32 $0x11070, s17;
	v3 =	vld [tilespmem:s23+$0x1C50]  }
0x10c: {  	[tilespmem:s30+$0x0] =	vst.add.f32.msk $0xffff, v4  }
0x10d: {  	v4 =	vld [tilespmem:s17+$0x1400];
	_ =	sdelay $0x1  }
0x10e: {  	s19 =	sor.u32 $0x9C50, s23  }
0x10f: {  	[tilespmem:s19+$0x0] =	vst.add.f32.msk $0xffff, v3  }
0x110: {  	s20 =	sand.u32 $0xFFFFE000, s16;
	s19 =	sor.u32 $0x9400, s17;
	[tilespmem:s5+$0x9050] =	vst.add.f32.msk $0xffff, v3  }
0x111: {  	s24 =	sadd.s32 $0x80, s20;
	[tilespmem:s19+$0x0] =	vst.add.f32.msk $0xffff, v4  }
0x112: {  	s3 =	sor.u32 $0x8400, s24;
	v3 =	vld [tilespmem:s23+$0x1C60]  }
0x113: {  	[tilespmem:s3+$0x9000] =	vst.add.f32.msk $0xffff, v4  }
0x114: {  	v4 =	vld [tilespmem:s17+$0x1410];
	_ =	sdelay $0x1  }
0x115: {  	s21 =	sor.u32 $0x9C60, s23  }
0x116: {  	[tilespmem:s21+$0x0] =	vst.add.f32.msk $0xffff, v3  }
0x117: {  	s22 =	sor.u32 $0x9410, s17;
	[tilespmem:s5+$0x9060] =	vst.add.f32.msk $0xffff, v3  }
0x118: {  	[tilespmem:s22+$0x0] =	vst.add.f32.msk $0xffff, v4  }
0x119: {  	v3 =	vld [tilespmem:s23+$0x1C70]  }
0x11a: {  	[tilespmem:s3+$0x9010] =	vst.add.f32.msk $0xffff, v4  }
0x11b: {  	v4 =	vld [tilespmem:s17+$0x1420];
	_ =	sdelay $0x1  }
0x11c: {  	s25 =	sor.u32 $0x9C70, s23  }
0x11d: {  	[tilespmem:s25+$0x0] =	vst.add.f32.msk $0xffff, v3  }
0x11e: {  	s26 =	sor.u32 $0x9420, s17;
	[tilespmem:s5+$0x9070] =	vst.add.f32.msk $0xffff, v3  }
0x11f: {  	[tilespmem:s26+$0x0] =	vst.add.f32.msk $0xffff, v4  }
0x120: {  	v3 =	vld [tilespmem:s23+$0x2000]  }
0x121: {  	v5 =	vld [tilespmem:s23+$0x2010]  }
0x122: {  	v6 =	vld [tilespmem:s23+$0x2020]  }
0x123: {  	v7 =	vld [tilespmem:s23+$0x2030]  }
0x124: {  	v8 =	vld [tilespmem:s23+$0x2040]  }
0x125: {  	v9 =	vld [tilespmem:s23+$0x2050]  }
0x126: {  	v10 =	vld [tilespmem:s23+$0x2060]  }
0x127: {  	v11 =	vld [tilespmem:s23+$0x2070]  }
0x128: {  	v12 =	vld [tilespmem:s23+$0x2400]  }
0x129: {  	[tilespmem:s3+$0x9020] =	vst.add.f32.msk $0xffff, v4  }
0x12a: {  	v4 =	vld [tilespmem:s17+$0x1430]  }
0x12b: {  	[tilespmem:s23+$0xA000] =	vst.add.f32.msk $0xffff, v3  }
0x12c: {  	[tilespmem:s23+$0x12000] =	vst.add.f32.msk $0xffff, v3  }
0x12d: {  	[tilespmem:s23+$0xA010] =	vst.add.f32.msk $0xffff, v5  }
0x12e: {  	[tilespmem:s23+$0x12010] =	vst.add.f32.msk $0xffff, v5  }
0x12f: {  	[tilespmem:s23+$0xA020] =	vst.add.f32.msk $0xffff, v6  }
0x130: {  	[tilespmem:s23+$0x12020] =	vst.add.f32.msk $0xffff, v6  }
0x131: {  	[tilespmem:s23+$0xA030] =	vst.add.f32.msk $0xffff, v7  }
0x132: {  	[tilespmem:s23+$0x12030] =	vst.add.f32.msk $0xffff, v7  }
0x133: {  	[tilespmem:s23+$0xA040] =	vst.add.f32.msk $0xffff, v8  }
0x134: {  	[tilespmem:s23+$0x12040] =	vst.add.f32.msk $0xffff, v8  }
0x135: {  	[tilespmem:s23+$0xA050] =	vst.add.f32.msk $0xffff, v9  }
0x136: {  	[tilespmem:s23+$0x12050] =	vst.add.f32.msk $0xffff, v9  }
0x137: {  	[tilespmem:s23+$0xA060] =	vst.add.f32.msk $0xffff, v10  }
0x138: {  	[tilespmem:s23+$0x12060] =	vst.add.f32.msk $0xffff, v10  }
0x139: {  	[tilespmem:s23+$0xA070] =	vst.add.f32.msk $0xffff, v11  }
0x13a: {  	[tilespmem:s23+$0x12070] =	vst.add.f32.msk $0xffff, v11  }
0x13b: {  	s5 =	sor.u32 $0x9400, s14;
	[tilespmem:s23+$0xA400] =	vst.add.f32.msk $0xffff, v12  }
0x13c: {  	[tilespmem:s5+$0x9000] =	vst.add.f32.msk $0xffff, v12  }
0x13d: {  	v3 =	vld [tilespmem:s23+$0x2410]  }
0x13e: {  	s30 =	sor.u32 $0x9430, s17  }
0x13f: {  	[tilespmem:s30+$0x0] =	vst.add.f32.msk $0xffff, v4  }
0x140: {  	[tilespmem:s3+$0x9030] =	vst.add.f32.msk $0xffff, v4  }
0x141: {  	v4 =	vld [tilespmem:s17+$0x1440]  }
0x142: {  	[tilespmem:s23+$0xA410] =	vst.add.f32.msk $0xffff, v3  }
0x143: {  	[tilespmem:s5+$0x9010] =	vst.add.f32.msk $0xffff, v3  }
0x144: {  	v3 =	vld [tilespmem:s23+$0x2420]  }
0x145: {  	s19 =	sor.u32 $0x9440, s17  }
0x146: {  	[tilespmem:s19+$0x0] =	vst.add.f32.msk $0xffff, v4  }
0x147: {  	[tilespmem:s3+$0x9040] =	vst.add.f32.msk $0xffff, v4  }
0x148: {  	v4 =	vld [tilespmem:s17+$0x1450]  }
0x149: {  	[tilespmem:s23+$0xA420] =	vst.add.f32.msk $0xffff, v3  }
0x14a: {  	[tilespmem:s5+$0x9020] =	vst.add.f32.msk $0xffff, v3  }
0x14b: {  	v3 =	vld [tilespmem:s23+$0x2430]  }
0x14c: {  	s20 =	sor.u32 $0x9450, s17  }
0x14d: {  	[tilespmem:s20+$0x0] =	vst.add.f32.msk $0xffff, v4  }
0x14e: {  	[tilespmem:s3+$0x9050] =	vst.add.f32.msk $0xffff, v4  }
0x14f: {  	v4 =	vld [tilespmem:s17+$0x1460]  }
0x150: {  	[tilespmem:s23+$0xA430] =	vst.add.f32.msk $0xffff, v3  }
0x151: {  	[tilespmem:s5+$0x9030] =	vst.add.f32.msk $0xffff, v3  }
0x152: {  	v3 =	vld [tilespmem:s23+$0x2440]  }
0x153: {  	s21 =	sor.u32 $0x9460, s17  }
0x154: {  	[tilespmem:s21+$0x0] =	vst.add.f32.msk $0xffff, v4  }
0x155: {  	[tilespmem:s3+$0x9060] =	vst.add.f32.msk $0xffff, v4  }
0x156: {  	v4 =	vld [tilespmem:s17+$0x1470]  }
0x157: {  	[tilespmem:s23+$0xA440] =	vst.add.f32.msk $0xffff, v3  }
0x158: {  	[tilespmem:s5+$0x9040] =	vst.add.f32.msk $0xffff, v3  }
0x159: {  	v3 =	vld [tilespmem:s23+$0x2450]  }
0x15a: {  	s22 =	sor.u32 $0x9470, s17  }
0x15b: {  	[tilespmem:s22+$0x0] =	vst.add.f32.msk $0xffff, v4  }
0x15c: {  	[tilespmem:s3+$0x9070] =	vst.add.f32.msk $0xffff, v4  }
0x15d: {  	v4 =	vld [tilespmem:s17+$0x1800]  }
0x15e: {  	[tilespmem:s23+$0xA450] =	vst.add.f32.msk $0xffff, v3  }
0x15f: {  	[tilespmem:s5+$0x9050] =	vst.add.f32.msk $0xffff, v3  }
0x160: {  	v3 =	vld [tilespmem:s23+$0x2460]  }
0x161: {  	s30 =	sor.u32 $0x9800, s17  }
0x162: {  	s14 =	sor.u32 $0x11800, s17;
	[tilespmem:s30+$0x0] =	vst.add.f32.msk $0xffff, v4  }
0x163: {  	[tilespmem:s14+$0x0] =	vst.add.f32.msk $0xffff, v4  }
0x164: {  	v4 =	vld [tilespmem:s17+$0x1810]  }
0x165: {  	[tilespmem:s23+$0xA460] =	vst.add.f32.msk $0xffff, v3  }
0x166: {  	[tilespmem:s5+$0x9060] =	vst.add.f32.msk $0xffff, v3  }
0x167: {  	v3 =	vld [tilespmem:s23+$0x2470]  }
0x168: {  	s19 =	simm.s32 $0x800;
	s21 =	simm.s32 $0x100  }
0x169: {  	s25 =	sand.u32 $0x2000, s19;
	s26 =	sand.u32 $0x380, s21;
	s22 =	sor.u32 $0x9810, s17  }
0x16a: {  	s20 =	sor.u32 s26, s25;
	s25 =	sor.u32 $0x11810, s17;
	[tilespmem:s22+$0x0] =	vst.add.f32.msk $0xffff, v4  }
0x16b: {  	[tilespmem:s25+$0x0] =	vst.add.f32.msk $0xffff, v4  }
0x16c: {  	[tilespmem:s23+$0xA470] =	vst.add.f32.msk $0xffff, v3  }
0x16d: {  	[tilespmem:s5+$0x9070] =	vst.add.f32.msk $0xffff, v3  }
0x16e: {  	v3 =	vld [tilespmem:s23+$0x2800]  }
0x16f: {  	v50 =	vld [tilespmem:s23+$0x2810]  }
0x170: {  	v51 =	vld [tilespmem:s23+$0x2820]  }
0x171: {  	v52 =	vld [tilespmem:s23+$0x2830]  }
0x172: {  	v53 =	vld [tilespmem:s23+$0x2840]  }
0x173: {  	v54 =	vld [tilespmem:s23+$0x2850]  }
0x174: {  	v55 =	vld [tilespmem:s23+$0x2860]  }
0x175: {  	v12 =	vld [tilespmem:s23+$0x2870]  }
0x176: {  	[tilespmem:s23+$0xA800] =	vst.add.f32.msk $0xffff, v3  }
0x177: {  	[tilespmem:s23+$0x12800] =	vst.add.f32.msk $0xffff, v3  }
0x178: {  	[tilespmem:s23+$0xA810] =	vst.add.f32.msk $0xffff, v50  }
0x179: {  	[tilespmem:s23+$0x12810] =	vst.add.f32.msk $0xffff, v50  }
0x17a: {  	[tilespmem:s23+$0xA820] =	vst.add.f32.msk $0xffff, v51  }
0x17b: {  	v3 =	vld [tilespmem:s17+$0x1820]  }
0x17c: {  	[tilespmem:s23+$0x12820] =	vst.add.f32.msk $0xffff, v51  }
0x17d: {  	[tilespmem:s23+$0xA830] =	vst.add.f32.msk $0xffff, v52  }
0x17e: {  	[tilespmem:s23+$0x12830] =	vst.add.f32.msk $0xffff, v52  }
0x17f: {  	[tilespmem:s23+$0xA840] =	vst.add.f32.msk $0xffff, v53  }
0x180: {  	[tilespmem:s23+$0x12840] =	vst.add.f32.msk $0xffff, v53  }
0x181: {  	[tilespmem:s23+$0xA850] =	vst.add.f32.msk $0xffff, v54  }
0x182: {  	[tilespmem:s23+$0x12850] =	vst.add.f32.msk $0xffff, v54  }
0x183: {  	[tilespmem:s23+$0xA860] =	vst.add.f32.msk $0xffff, v55  }
0x184: {  	s26 =	sor.u32 $0x9820, s17;
	[tilespmem:s23+$0x12860] =	vst.add.f32.msk $0xffff, v55  }
0x185: {  	s30 =	sor.u32 $0x11820, s17;
	[tilespmem:s26+$0x0] =	vst.add.f32.msk $0xffff, v3  }
0x186: {  	s22 =	sand.u32 $0x7, s13;
	[tilespmem:s30+$0x0] =	vst.add.f32.msk $0xffff, v3  }
0x187: {  	s3 =	sshll.u32 s22, $0x7;
	v3 =	vld [tilespmem:s17+$0x1830]  }
0x188: {  	s22 =	sadd.s32 $0x0, s3;
	[tilespmem:s23+$0xA870] =	vst.add.f32.msk $0xffff, v12  }
0x189: {  	s3 =	sor.u32 $0x1C00, s22;
	[tilespmem:s23+$0x12870] =	vst.add.f32.msk $0xffff, v12  }
0x18a: {  	v4 =	vld [tilespmem:s3+$0x1000]  }
0x18b: {  	v5 =	vld [tilespmem:s20+$0x1000];
	s5 =	sor.u32 $0x9830, s17  }
0x18c: {  	s14 =	sor.u32 $0x11830, s17;
	[tilespmem:s5+$0x0] =	vst.add.f32.msk $0xffff, v3  }
0x18d: {  	[tilespmem:s14+$0x0] =	vst.add.f32.msk $0xffff, v3  }
0x18e: {  	v3 =	vld [tilespmem:s17+$0x1840]  }
0x18f: {  	s30 =	sor.u32 $0x9000, s20;
	[tilespmem:s3+$0x9000] =	vst.add.f32.msk $0xffff, v4;
	s14 =	sor.u32 s13, s13  }
0x190: {  	[tilespmem:s30+$0x0] =	vst.add.f32.msk $0xffff, v5;
	s14 =	sor.u32 $0x9C00, s14  }
0x191: {  	s23 =	sor.u32 $0x1C10, s22;
	[tilespmem:s14+$0x9000] =	vst.add.f32.msk $0xffff, v4  }
0x192: {  	s25 =	sor.u32 $0x9840, s17;
	v4 =	vld [tilespmem:s23+$0x1000]  }
0x193: {  	s26 =	sor.u32 $0x11840, s17;
	[tilespmem:s25+$0x0] =	vst.add.f32.msk $0xffff, v3  }
0x194: {  	[tilespmem:s26+$0x0] =	vst.add.f32.msk $0xffff, v3  }
0x195: {  	s30 =	sor.u32 $0x11000, s20;
	v3 =	vld [tilespmem:s17+$0x1850]  }
0x196: {  	[tilespmem:s30+$0x0] =	vst.add.f32.msk $0xffff, v5  }
0x197: {  	[tilespmem:s23+$0x9000] =	vst.add.f32.msk $0xffff, v4  }
0x198: {  	[tilespmem:s14+$0x9010] =	vst.add.f32.msk $0xffff, v4  }
0x199: {  	s25 =	sor.u32 $0x9850, s17;
	v4 =	vld [tilespmem:s20+$0x1010]  }
0x19a: {  	s26 =	sor.u32 $0x11850, s17;
	[tilespmem:s25+$0x0] =	vst.add.f32.msk $0xffff, v3  }
0x19b: {  	[tilespmem:s26+$0x0] =	vst.add.f32.msk $0xffff, v3  }
0x19c: {  	v3 =	vld [tilespmem:s17+$0x1860]  }
0x19d: {  	s26 =	sor.u32 $0x9010, s20  }
0x19e: {  	s30 =	sor.u32 $0x11010, s20;
	[tilespmem:s26+$0x0] =	vst.add.f32.msk $0xffff, v4  }
0x19f: {  	[tilespmem:s30+$0x0] =	vst.add.f32.msk $0xffff, v4  }
0x1a0: {  	s23 =	sor.u32 $0x9860, s17;
	v4 =	vld [tilespmem:s20+$0x1020]  }
0x1a1: {  	s25 =	sor.u32 $0x11860, s17;
	[tilespmem:s23+$0x0] =	vst.add.f32.msk $0xffff, v3  }
0x1a2: {  	[tilespmem:s25+$0x0] =	vst.add.f32.msk $0xffff, v3  }
0x1a3: {  	s3 =	sor.u32 $0x1C20, s22;
	v3 =	vld [tilespmem:s17+$0x1870]  }
0x1a4: {  	v5 =	vld [tilespmem:s3+$0x1000];
	s26 =	sor.u32 $0x9020, s20  }
0x1a5: {  	s30 =	sor.u32 $0x11020, s20;
	[tilespmem:s26+$0x0] =	vst.add.f32.msk $0xffff, v4  }
0x1a6: {  	[tilespmem:s30+$0x0] =	vst.add.f32.msk $0xffff, v4  }
0x1a7: {  	s23 =	sor.u32 $0x9870, s17;
	v4 =	vld [tilespmem:s20+$0x1030]  }
0x1a8: {  	s25 =	sor.u32 $0x11870, s17;
	[tilespmem:s23+$0x0] =	vst.add.f32.msk $0xffff, v3  }
0x1a9: {  	[tilespmem:s25+$0x0] =	vst.add.f32.msk $0xffff, v3  }
0x1aa: {  	v3 =	vld [tilespmem:s17+$0x1C00]  }
0x1ab: {  	[tilespmem:s3+$0x9000] =	vst.add.f32.msk $0xffff, v5;
	s23 =	sor.u32 $0x9030, s20  }
0x1ac: {  	s25 =	sor.u32 $0x11030, s20;
	[tilespmem:s23+$0x0] =	vst.add.f32.msk $0xffff, v4  }
0x1ad: {  	[tilespmem:s25+$0x0] =	vst.add.f32.msk $0xffff, v4  }
0x1ae: {  	s5 =	sor.u32 $0x9C00, s17;
	v4 =	vld [tilespmem:s20+$0x1040]  }
0x1af: {  	s3 =	sor.u32 $0x8C00, s24;
	[tilespmem:s5+$0x0] =	vst.add.f32.msk $0xffff, v3  }
0x1b0: {  	[tilespmem:s3+$0x9000] =	vst.add.f32.msk $0xffff, v3  }
0x1b1: {  	v3 =	vld [tilespmem:s17+$0x1C10];
	_ =	sdelay $0x1  }
0x1b2: {  	[tilespmem:s14+$0x9020] =	vst.add.f32.msk $0xffff, v5;
	s5 =	sor.u32 $0x1C30, s22  }
0x1b3: {  	s30 =	sor.u32 $0x9040, s20;
	v5 =	vld [tilespmem:s5+$0x1000]  }
0x1b4: {  	s26 =	sor.u32 $0x9C10, s17;
	[tilespmem:s30+$0x0] =	vst.add.f32.msk $0xffff, v4  }
0x1b5: {  	[tilespmem:s26+$0x0] =	vst.add.f32.msk $0xffff, v3  }
0x1b6: {  	[tilespmem:s3+$0x9010] =	vst.add.f32.msk $0xffff, v3  }
0x1b7: {  	s25 =	sor.u32 $0x11040, s20;
	v3 =	vld [tilespmem:s17+$0x1C20]  }
0x1b8: {  	[tilespmem:s25+$0x0] =	vst.add.f32.msk $0xffff, v4  }
0x1b9: {  	v4 =	vld [tilespmem:s20+$0x1050]  }
0x1ba: {  	[tilespmem:s5+$0x9000] =	vst.add.f32.msk $0xffff, v5  }
0x1bb: {  	s26 =	sor.u32 $0x9C20, s17;
	[tilespmem:s14+$0x9030] =	vst.add.f32.msk $0xffff, v5  }
0x1bc: {  	[tilespmem:s26+$0x0] =	vst.add.f32.msk $0xffff, v3  }
0x1bd: {  	[tilespmem:s3+$0x9020] =	vst.add.f32.msk $0xffff, v3  }
0x1be: {  	s5 =	sor.u32 $0x1C40, s22;
	v3 =	vld [tilespmem:s17+$0x1C30]  }
0x1bf: {  	s30 =	sor.u32 $0x9050, s20;
	v5 =	vld [tilespmem:s5+$0x1000]  }
0x1c0: {  	s23 =	sor.u32 $0x11050, s20;
	[tilespmem:s30+$0x0] =	vst.add.f32.msk $0xffff, v4  }
0x1c1: {  	[tilespmem:s23+$0x0] =	vst.add.f32.msk $0xffff, v4  }
0x1c2: {  	s25 =	sor.u32 $0x9C30, s17;
	v4 =	vld [tilespmem:s20+$0x1060]  }
0x1c3: {  	[tilespmem:s25+$0x0] =	vst.add.f32.msk $0xffff, v3  }
0x1c4: {  	[tilespmem:s3+$0x9030] =	vst.add.f32.msk $0xffff, v3  }
0x1c5: {  	v3 =	vld [tilespmem:s17+$0x1C40]  }
0x1c6: {  	[tilespmem:s5+$0x9000] =	vst.add.f32.msk $0xffff, v5;
	s26 =	sor.u32 $0x9060, s20  }
0x1c7: {  	s30 =	sor.u32 $0x11060, s20;
	[tilespmem:s26+$0x0] =	vst.add.f32.msk $0xffff, v4  }
0x1c8: {  	[tilespmem:s30+$0x0] =	vst.add.f32.msk $0xffff, v4  }
0x1c9: {  	s23 =	sor.u32 $0x9C40, s17;
	v4 =	vld [tilespmem:s20+$0x1070]  }
0x1ca: {  	[tilespmem:s23+$0x0] =	vst.add.f32.msk $0xffff, v3  }
0x1cb: {  	[tilespmem:s3+$0x9040] =	vst.add.f32.msk $0xffff, v3  }
0x1cc: {  	v3 =	vld [tilespmem:s17+$0x1C50]  }
0x1cd: {  	[tilespmem:s14+$0x9040] =	vst.add.f32.msk $0xffff, v5;
	s25 =	sor.u32 $0x9070, s20  }
0x1ce: {  	s26 =	sor.u32 $0x11070, s20;
	[tilespmem:s25+$0x0] =	vst.add.f32.msk $0xffff, v4  }
0x1cf: {  	[tilespmem:s26+$0x0] =	vst.add.f32.msk $0xffff, v4  }
0x1d0: {  	s30 =	sor.u32 $0x9C50, s17;
	v4 =	vld [tilespmem:s20+$0x1400]  }
0x1d1: {  	[tilespmem:s30+$0x0] =	vst.add.f32.msk $0xffff, v3  }
0x1d2: {  	[tilespmem:s3+$0x9050] =	vst.add.f32.msk $0xffff, v3  }
0x1d3: {  	s25 =	sor.u32 $0x1C50, s22;
	s23 =	sand.u32 $0xFFFFE000, s19;
	v3 =	vld [tilespmem:s17+$0x1C60]  }
0x1d4: {  	v5 =	vld [tilespmem:s25+$0x1000];
	s26 =	sor.u32 $0x9400, s20;
	s23 =	sadd.s32 $0x100, s23  }
0x1d5: {  	[tilespmem:s26+$0x0] =	vst.add.f32.msk $0xffff, v4;
	s5 =	sor.u32 $0x8400, s23  }
0x1d6: {  	[tilespmem:s5+$0x9000] =	vst.add.f32.msk $0xffff, v4  }
0x1d7: {  	s26 =	sor.u32 $0x9C60, s17;
	v4 =	vld [tilespmem:s20+$0x1410]  }
0x1d8: {  	[tilespmem:s26+$0x0] =	vst.add.f32.msk $0xffff, v3  }
0x1d9: {  	[tilespmem:s3+$0x9060] =	vst.add.f32.msk $0xffff, v3  }
0x1da: {  	v3 =	vld [tilespmem:s17+$0x1C70]  }
0x1db: {  	[tilespmem:s25+$0x9000] =	vst.add.f32.msk $0xffff, v5  }
0x1dc: {  	[tilespmem:s14+$0x9050] =	vst.add.f32.msk $0xffff, v5;
	s30 =	sor.u32 $0x9410, s20  }
0x1dd: {  	[tilespmem:s30+$0x0] =	vst.add.f32.msk $0xffff, v4  }
0x1de: {  	[tilespmem:s5+$0x9010] =	vst.add.f32.msk $0xffff, v4;
	s26 =	sor.u32 $0x9C70, s17  }
0x1df: {  	[tilespmem:s26+$0x0] =	vst.add.f32.msk $0xffff, v3  }
0x1e0: {  	[tilespmem:s3+$0x9070] =	vst.add.f32.msk $0xffff, v3  }
0x1e1: {  	v3 =	vld [tilespmem:s17+$0x2000]  }
0x1e2: {  	v4 =	vld [tilespmem:s17+$0x2010]  }
0x1e3: {  	v56 =	vld [tilespmem:s17+$0x2020]  }
0x1e4: {  	v57 =	vld [tilespmem:s17+$0x2030]  }
0x1e5: {  	v58 =	vld [tilespmem:s17+$0x2040]  }
0x1e6: {  	v59 =	vld [tilespmem:s17+$0x2050]  }
0x1e7: {  	v60 =	vld [tilespmem:s17+$0x2060]  }
0x1e8: {  	v61 =	vld [tilespmem:s17+$0x2070]  }
0x1e9: {  	v62 =	vld [tilespmem:s17+$0x2400]  }
0x1ea: {  	[tilespmem:s17+$0xA000] =	vst.add.f32.msk $0xffff, v3  }
0x1eb: {  	[tilespmem:s17+$0x12000] =	vst.add.f32.msk $0xffff, v3  }
0x1ec: {  	v3 =	vld [tilespmem:s20+$0x1420]  }
0x1ed: {  	[tilespmem:s17+$0xA010] =	vst.add.f32.msk $0xffff, v4  }
0x1ee: {  	[tilespmem:s17+$0x12010] =	vst.add.f32.msk $0xffff, v4  }
0x1ef: {  	[tilespmem:s17+$0xA020] =	vst.add.f32.msk $0xffff, v56  }
0x1f0: {  	[tilespmem:s17+$0x12020] =	vst.add.f32.msk $0xffff, v56  }
0x1f1: {  	[tilespmem:s17+$0xA030] =	vst.add.f32.msk $0xffff, v57  }
0x1f2: {  	[tilespmem:s17+$0x12030] =	vst.add.f32.msk $0xffff, v57  }
0x1f3: {  	[tilespmem:s17+$0xA040] =	vst.add.f32.msk $0xffff, v58  }
0x1f4: {  	[tilespmem:s17+$0x12040] =	vst.add.f32.msk $0xffff, v58  }
0x1f5: {  	[tilespmem:s17+$0xA050] =	vst.add.f32.msk $0xffff, v59  }
0x1f6: {  	[tilespmem:s17+$0x12050] =	vst.add.f32.msk $0xffff, v59  }
0x1f7: {  	[tilespmem:s17+$0xA060] =	vst.add.f32.msk $0xffff, v60  }
0x1f8: {  	[tilespmem:s17+$0x12060] =	vst.add.f32.msk $0xffff, v60  }
0x1f9: {  	[tilespmem:s17+$0xA070] =	vst.add.f32.msk $0xffff, v61  }
0x1fa: {  	[tilespmem:s17+$0x12070] =	vst.add.f32.msk $0xffff, v61  }
0x1fb: {  	s26 =	sor.u32 $0x9400, s24;
	[tilespmem:s17+$0xA400] =	vst.add.f32.msk $0xffff, v62  }
0x1fc: {  	[tilespmem:s26+$0x9000] =	vst.add.f32.msk $0xffff, v62  }
0x1fd: {  	s25 =	sor.u32 $0x1C60, s22;
	v4 =	vld [tilespmem:s17+$0x2410]  }
0x1fe: {  	v5 =	vld [tilespmem:s25+$0x1000];
	s30 =	sor.u32 $0x9420, s20  }
0x1ff: {  	[tilespmem:s30+$0x0] =	vst.add.f32.msk $0xffff, v3  }
0x200: {  	[tilespmem:s5+$0x9020] =	vst.add.f32.msk $0xffff, v3  }
0x201: {  	v3 =	vld [tilespmem:s20+$0x1430]  }
0x202: {  	[tilespmem:s17+$0xA410] =	vst.add.f32.msk $0xffff, v4  }
0x203: {  	[tilespmem:s26+$0x9010] =	vst.add.f32.msk $0xffff, v4  }
0x204: {  	v4 =	vld [tilespmem:s17+$0x2420]  }
0x205: {  	[tilespmem:s25+$0x9000] =	vst.add.f32.msk $0xffff, v5;
	s24 =	sor.u32 $0x9430, s20  }
0x206: {  	[tilespmem:s24+$0x0] =	vst.add.f32.msk $0xffff, v3  }
0x207: {  	[tilespmem:s5+$0x9030] =	vst.add.f32.msk $0xffff, v3  }
0x208: {  	v3 =	vld [tilespmem:s20+$0x1440]  }
0x209: {  	[tilespmem:s17+$0xA420] =	vst.add.f32.msk $0xffff, v4  }
0x20a: {  	[tilespmem:s26+$0x9020] =	vst.add.f32.msk $0xffff, v4  }
0x20b: {  	v4 =	vld [tilespmem:s17+$0x2430]  }
0x20c: {  	s25 =	sor.u32 $0x9440, s20;
	[tilespmem:s14+$0x9060] =	vst.add.f32.msk $0xffff, v5  }
0x20d: {  	[tilespmem:s25+$0x0] =	vst.add.f32.msk $0xffff, v3  }
0x20e: {  	[tilespmem:s5+$0x9040] =	vst.add.f32.msk $0xffff, v3  }
0x20f: {  	v3 =	vld [tilespmem:s20+$0x1450]  }
0x210: {  	[tilespmem:s17+$0xA430] =	vst.add.f32.msk $0xffff, v4  }
0x211: {  	[tilespmem:s26+$0x9030] =	vst.add.f32.msk $0xffff, v4  }
0x212: {  	s30 =	sor.u32 $0x1C70, s22;
	v4 =	vld [tilespmem:s17+$0x2440]  }
0x213: {  	v5 =	vld [tilespmem:s30+$0x1000];
	s24 =	sor.u32 $0x9450, s20  }
0x214: {  	[tilespmem:s24+$0x0] =	vst.add.f32.msk $0xffff, v3  }
0x215: {  	[tilespmem:s5+$0x9050] =	vst.add.f32.msk $0xffff, v3  }
0x216: {  	v3 =	vld [tilespmem:s20+$0x1460]  }
0x217: {  	[tilespmem:s17+$0xA440] =	vst.add.f32.msk $0xffff, v4  }
0x218: {  	[tilespmem:s26+$0x9040] =	vst.add.f32.msk $0xffff, v4  }
0x219: {  	v4 =	vld [tilespmem:s17+$0x2450]  }
0x21a: {  	[tilespmem:s30+$0x9000] =	vst.add.f32.msk $0xffff, v5;
	s25 =	sor.u32 $0x9460, s20  }
0x21b: {  	[tilespmem:s25+$0x0] =	vst.add.f32.msk $0xffff, v3  }
0x21c: {  	[tilespmem:s5+$0x9060] =	vst.add.f32.msk $0xffff, v3  }
0x21d: {  	v63 =	vld [tilespmem:s20+$0x1470]  }
0x21e: {  	[tilespmem:s17+$0xA450] =	vst.add.f32.msk $0xffff, v4  }
0x21f: {  	[tilespmem:s26+$0x9050] =	vst.add.f32.msk $0xffff, v4  }
0x220: {  	v3 =	vld [tilespmem:s17+$0x2460]  }
0x221: {  	s30 =	sor.u32 $0x9470, s20;
	[tilespmem:s14+$0x9070] =	vst.add.f32.msk $0xffff, v5  }
0x222: {  	[tilespmem:s30+$0x0] =	vst.add.f32.msk $0xffff, v63  }
0x223: {  	s24 =	simm.s32 $0x100;
	s25 =	simm.s32 $0xC00;
	[tilespmem:s5+$0x9070] =	vst.add.f32.msk $0xffff, v63  }
.LBB2_3:
0x224: {  	p0 =	sne.s32 s25, $0x3C00;
	v4 =	vld [tilespmem:s20+$0x1800]  }
0x225: {  	s21 =	sadd.s32 $0x80, s21;
	[tilespmem:s17+$0xA460] =	vst.add.f32.msk $0xffff, v3  }
0x226: {  	s3 =	sand.u32 $0x2000, s25;
	s5 =	sand.u32 $0x380, s21;
	[tilespmem:s26+$0x9060] =	vst.add.f32.msk $0xffff, v3  }
0x227: {  	s3 =	sor.u32 s5, s3;
	v3 =	vld [tilespmem:s17+$0x2470]  }
0x228: {  	s5 =	sor.u32 $0x9800, s20;
	v5 =	vld [tilespmem:s3+$0x1000]  }
0x229: {  	[tilespmem:s5+$0x0] =	vst.add.f32.msk $0xffff, v4;
	s5 =	sor.u32 $0x11800, s20  }
0x22a: {  	[tilespmem:s5+$0x0] =	vst.add.f32.msk $0xffff, v4  }
0x22b: {  	v4 =	vld [tilespmem:s20+$0x1810]  }
0x22c: {  	[tilespmem:s17+$0xA470] =	vst.add.f32.msk $0xffff, v3  }
0x22d: {  	[tilespmem:s26+$0x9070] =	vst.add.f32.msk $0xffff, v3  }
0x22e: {  	v3 =	vld [tilespmem:s17+$0x2800]  }
0x22f: {  	v6 =	vld [tilespmem:s17+$0x2810]  }
0x230: {  	v7 =	vld [tilespmem:s17+$0x2820]  }
0x231: {  	v8 =	vld [tilespmem:s17+$0x2830]  }
0x232: {  	v9 =	vld [tilespmem:s17+$0x2840]  }
0x233: {  	v10 =	vld [tilespmem:s17+$0x2850]  }
0x234: {  	v11 =	vld [tilespmem:s17+$0x2860]  }
0x235: {  	v12 =	vld [tilespmem:s17+$0x2870]  }
0x236: {  	[tilespmem:s17+$0xA800] =	vst.add.f32.msk $0xffff, v3  }
0x237: {  	[tilespmem:s17+$0x12800] =	vst.add.f32.msk $0xffff, v3  }
0x238: {  	[tilespmem:s17+$0xA810] =	vst.add.f32.msk $0xffff, v6  }
0x239: {  	[tilespmem:s17+$0x12810] =	vst.add.f32.msk $0xffff, v6  }
0x23a: {  	[tilespmem:s17+$0xA820] =	vst.add.f32.msk $0xffff, v7  }
0x23b: {  	[tilespmem:s17+$0x12820] =	vst.add.f32.msk $0xffff, v7  }
0x23c: {  	[tilespmem:s17+$0xA830] =	vst.add.f32.msk $0xffff, v8  }
0x23d: {  	[tilespmem:s17+$0x12830] =	vst.add.f32.msk $0xffff, v8  }
0x23e: {  	[tilespmem:s17+$0xA840] =	vst.add.f32.msk $0xffff, v9  }
0x23f: {  	[tilespmem:s17+$0x12840] =	vst.add.f32.msk $0xffff, v9  }
0x240: {  	[tilespmem:s17+$0xA850] =	vst.add.f32.msk $0xffff, v10  }
0x241: {  	s13 =	sadd.s32 $0x1, s13;
	[tilespmem:s17+$0x12850] =	vst.add.f32.msk $0xffff, v10  }
0x242: {  	s5 =	sand.u32 $0x7, s13;
	[tilespmem:s17+$0xA860] =	vst.add.f32.msk $0xffff, v11  }
0x243: {  	s5 =	sshll.u32 s5, $0x7;
	[tilespmem:s17+$0x12860] =	vst.add.f32.msk $0xffff, v11  }
0x244: {  	s14 =	sadd.s32 s5, s16;
	[tilespmem:s17+$0xA870] =	vst.add.f32.msk $0xffff, v12  }
0x245: {  	s5 =	sor.u32 $0x1C00, s14;
	[tilespmem:s17+$0x12870] =	vst.add.f32.msk $0xffff, v12;
	s17 =	smov.u32 s20;
	s20 =	smov.u32 s3  }
0x246: {  	s3 =	sor.u32 $0x9000, s20;
	v3 =	vld [tilespmem:s5+$0x1000]  }
0x247: {  	[tilespmem:s3+$0x0] =	vst.add.f32.msk $0xffff, v5;
	s3 =	sor.u32 $0x9810, s17  }
0x248: {  	[tilespmem:s3+$0x0] =	vst.add.f32.msk $0xffff, v4;
	s3 =	sor.u32 $0x11810, s17  }
0x249: {  	[tilespmem:s3+$0x0] =	vst.add.f32.msk $0xffff, v4  }
0x24a: {  	s3 =	sor.u32 s16, s15;
	s15 =	smov.u32 s24;
	s24 =	smov.u32 s21;
	v4 =	vld [tilespmem:s17+$0x1820]  }
0x24b: {  	s16 =	smov.u32 s19;
	s19 =	smov.u32 s25;
	s22 =	sor.u32 $0x9C00, s3;
	[tilespmem:s5+$0x9000] =	vst.add.f32.msk $0xffff, v3  }
0x24c: {  	s3 =	sor.u32 $0x1C10, s14;
	[tilespmem:s22+$0x9000] =	vst.add.f32.msk $0xffff, v3  }
0x24d: {  	s5 =	sor.u32 $0x11000, s20;
	v3 =	vld [tilespmem:s3+$0x1000]  }
0x24e: {  	[tilespmem:s5+$0x0] =	vst.add.f32.msk $0xffff, v5;
	s5 =	sor.u32 $0x9820, s17  }
0x24f: {  	[tilespmem:s5+$0x0] =	vst.add.f32.msk $0xffff, v4;
	s5 =	sor.u32 $0x11820, s17  }
0x250: {  	[tilespmem:s5+$0x0] =	vst.add.f32.msk $0xffff, v4  }
0x251: {  	v4 =	vld [tilespmem:s17+$0x1830]  }
0x252: {  	[tilespmem:s3+$0x9000] =	vst.add.f32.msk $0xffff, v3  }
0x253: {  	s3 =	sor.u32 $0x1C20, s14;
	[tilespmem:s22+$0x9010] =	vst.add.f32.msk $0xffff, v3  }
0x254: {  	v3 =	vld [tilespmem:s3+$0x1000]  }
0x255: {  	s5 =	sor.u32 $0x9830, s17;
	v5 =	vld [tilespmem:s20+$0x1010]  }
0x256: {  	[tilespmem:s5+$0x0] =	vst.add.f32.msk $0xffff, v4;
	s5 =	sor.u32 $0x11830, s17  }
0x257: {  	[tilespmem:s5+$0x0] =	vst.add.f32.msk $0xffff, v4  }
0x258: {  	v4 =	vld [tilespmem:s17+$0x1840]  }
0x259: {  	[tilespmem:s3+$0x9000] =	vst.add.f32.msk $0xffff, v3  }
0x25a: {  	s3 =	sor.u32 $0x1C30, s14;
	[tilespmem:s22+$0x9020] =	vst.add.f32.msk $0xffff, v3  }
0x25b: {  	s5 =	sor.u32 $0x9010, s20;
	v3 =	vld [tilespmem:s3+$0x1000]  }
0x25c: {  	[tilespmem:s5+$0x0] =	vst.add.f32.msk $0xffff, v5;
	s5 =	sor.u32 $0x9840, s17  }
0x25d: {  	[tilespmem:s5+$0x0] =	vst.add.f32.msk $0xffff, v4;
	s5 =	sor.u32 $0x11840, s17  }
0x25e: {  	[tilespmem:s5+$0x0] =	vst.add.f32.msk $0xffff, v4  }
0x25f: {  	v4 =	vld [tilespmem:s17+$0x1850]  }
0x260: {  	[tilespmem:s3+$0x9000] =	vst.add.f32.msk $0xffff, v3  }
0x261: {  	s3 =	sor.u32 $0x1C40, s14;
	[tilespmem:s22+$0x9030] =	vst.add.f32.msk $0xffff, v3  }
0x262: {  	s5 =	sor.u32 $0x11010, s20;
	v3 =	vld [tilespmem:s3+$0x1000]  }
0x263: {  	[tilespmem:s5+$0x0] =	vst.add.f32.msk $0xffff, v5;
	s5 =	sor.u32 $0x9850, s17  }
0x264: {  	[tilespmem:s5+$0x0] =	vst.add.f32.msk $0xffff, v4;
	s5 =	sor.u32 $0x11850, s17  }
0x265: {  	[tilespmem:s5+$0x0] =	vst.add.f32.msk $0xffff, v4  }
0x266: {  	v4 =	vld [tilespmem:s17+$0x1860]  }
0x267: {  	[tilespmem:s3+$0x9000] =	vst.add.f32.msk $0xffff, v3  }
0x268: {  	s3 =	sor.u32 $0x1C50, s14;
	[tilespmem:s22+$0x9040] =	vst.add.f32.msk $0xffff, v3  }
0x269: {  	v3 =	vld [tilespmem:s3+$0x1000]  }
0x26a: {  	s5 =	sor.u32 $0x9860, s17;
	v5 =	vld [tilespmem:s20+$0x1020]  }
0x26b: {  	[tilespmem:s5+$0x0] =	vst.add.f32.msk $0xffff, v4;
	s5 =	sor.u32 $0x11860, s17  }
0x26c: {  	[tilespmem:s5+$0x0] =	vst.add.f32.msk $0xffff, v4  }
0x26d: {  	v4 =	vld [tilespmem:s17+$0x1870]  }
0x26e: {  	[tilespmem:s3+$0x9000] =	vst.add.f32.msk $0xffff, v3  }
0x26f: {  	s3 =	sor.u32 $0x1C60, s14;
	[tilespmem:s22+$0x9050] =	vst.add.f32.msk $0xffff, v3  }
0x270: {  	s5 =	sor.u32 $0x9020, s20;
	v3 =	vld [tilespmem:s3+$0x1000]  }
0x271: {  	[tilespmem:s5+$0x0] =	vst.add.f32.msk $0xffff, v5;
	s5 =	sor.u32 $0x9870, s17  }
0x272: {  	[tilespmem:s5+$0x0] =	vst.add.f32.msk $0xffff, v4;
	s5 =	sor.u32 $0x11870, s17  }
0x273: {  	[tilespmem:s5+$0x0] =	vst.add.f32.msk $0xffff, v4  }
0x274: {  	v4 =	vld [tilespmem:s17+$0x1C00]  }
0x275: {  	[tilespmem:s3+$0x9000] =	vst.add.f32.msk $0xffff, v3  }
0x276: {  	s3 =	sor.u32 $0x1C70, s14;
	[tilespmem:s22+$0x9060] =	vst.add.f32.msk $0xffff, v3  }
0x277: {  	s5 =	sor.u32 $0x11020, s20;
	v3 =	vld [tilespmem:s3+$0x1000]  }
0x278: {  	[tilespmem:s5+$0x0] =	vst.add.f32.msk $0xffff, v5  }
0x279: {  	s5 =	sor.u32 $0x9C00, s17;
	v5 =	vld [tilespmem:s20+$0x1030]  }
0x27a: {  	s26 =	sor.u32 $0x8C00, s23;
	[tilespmem:s5+$0x0] =	vst.add.f32.msk $0xffff, v4  }
0x27b: {  	[tilespmem:s26+$0x9000] =	vst.add.f32.msk $0xffff, v4  }
0x27c: {  	[tilespmem:s3+$0x9000] =	vst.add.f32.msk $0xffff, v3  }
0x27d: {  	[tilespmem:s22+$0x9070] =	vst.add.f32.msk $0xffff, v3  }
0x27e: {  	v3 =	vld [tilespmem:s17+$0x1C10]  }
0x27f: {  	s3 =	sor.u32 $0x9030, s20  }
0x280: {  	[tilespmem:s3+$0x0] =	vst.add.f32.msk $0xffff, v5;
	s3 =	sor.u32 $0x11030, s20  }
0x281: {  	[tilespmem:s3+$0x0] =	vst.add.f32.msk $0xffff, v5  }
0x282: {  	s3 =	sor.u32 $0x9C10, s17;
	v4 =	vld [tilespmem:s20+$0x1040]  }
0x283: {  	[tilespmem:s3+$0x0] =	vst.add.f32.msk $0xffff, v3  }
0x284: {  	[tilespmem:s26+$0x9010] =	vst.add.f32.msk $0xffff, v3  }
0x285: {  	v3 =	vld [tilespmem:s17+$0x1C20]  }
0x286: {  	s3 =	sor.u32 $0x9040, s20  }
0x287: {  	[tilespmem:s3+$0x0] =	vst.add.f32.msk $0xffff, v4;
	s3 =	sor.u32 $0x11040, s20  }
0x288: {  	[tilespmem:s3+$0x0] =	vst.add.f32.msk $0xffff, v4  }
0x289: {  	s3 =	sor.u32 $0x9C20, s17;
	v4 =	vld [tilespmem:s20+$0x1050]  }
0x28a: {  	[tilespmem:s3+$0x0] =	vst.add.f32.msk $0xffff, v3  }
0x28b: {  	[tilespmem:s26+$0x9020] =	vst.add.f32.msk $0xffff, v3  }
0x28c: {  	v3 =	vld [tilespmem:s17+$0x1C30]  }
0x28d: {  	s3 =	sor.u32 $0x9050, s20  }
0x28e: {  	[tilespmem:s3+$0x0] =	vst.add.f32.msk $0xffff, v4;
	s3 =	sor.u32 $0x11050, s20  }
0x28f: {  	[tilespmem:s3+$0x0] =	vst.add.f32.msk $0xffff, v4  }
0x290: {  	s3 =	sor.u32 $0x9C30, s17;
	v4 =	vld [tilespmem:s20+$0x1060]  }
0x291: {  	[tilespmem:s3+$0x0] =	vst.add.f32.msk $0xffff, v3  }
0x292: {  	[tilespmem:s26+$0x9030] =	vst.add.f32.msk $0xffff, v3  }
0x293: {  	v3 =	vld [tilespmem:s17+$0x1C40]  }
0x294: {  	s3 =	sor.u32 $0x9060, s20  }
0x295: {  	[tilespmem:s3+$0x0] =	vst.add.f32.msk $0xffff, v4;
	s3 =	sor.u32 $0x11060, s20  }
0x296: {  	[tilespmem:s3+$0x0] =	vst.add.f32.msk $0xffff, v4  }
0x297: {  	s3 =	sor.u32 $0x9C40, s17;
	v4 =	vld [tilespmem:s20+$0x1070]  }
0x298: {  	[tilespmem:s3+$0x0] =	vst.add.f32.msk $0xffff, v3  }
0x299: {  	[tilespmem:s26+$0x9040] =	vst.add.f32.msk $0xffff, v3  }
0x29a: {  	v3 =	vld [tilespmem:s17+$0x1C50]  }
0x29b: {  	s3 =	sor.u32 $0x9070, s20  }
0x29c: {  	[tilespmem:s3+$0x0] =	vst.add.f32.msk $0xffff, v4;
	s3 =	sor.u32 $0x11070, s20  }
0x29d: {  	[tilespmem:s3+$0x0] =	vst.add.f32.msk $0xffff, v4  }
0x29e: {  	s3 =	sor.u32 $0x9C50, s17;
	v4 =	vld [tilespmem:s20+$0x1400]  }
0x29f: {  	[tilespmem:s3+$0x0] =	vst.add.f32.msk $0xffff, v3  }
0x2a0: {  	[tilespmem:s26+$0x9050] =	vst.add.f32.msk $0xffff, v3  }
0x2a1: {  	s3 =	sand.u32 $0xFFFFE000, s25;
	v3 =	vld [tilespmem:s17+$0x1C60]  }
0x2a2: {  	s5 =	sor.u32 $0x9400, s20;
	s3 =	sadd.s32 s3, s21  }
0x2a3: {  	s14 =	sor.u32 $0x8400, s3;
	[tilespmem:s5+$0x0] =	vst.add.f32.msk $0xffff, v4  }
0x2a4: {  	[tilespmem:s14+$0x9000] =	vst.add.f32.msk $0xffff, v4  }
0x2a5: {  	s5 =	sor.u32 $0x9C60, s17;
	v4 =	vld [tilespmem:s20+$0x1410]  }
0x2a6: {  	[tilespmem:s5+$0x0] =	vst.add.f32.msk $0xffff, v3  }
0x2a7: {  	[tilespmem:s26+$0x9060] =	vst.add.f32.msk $0xffff, v3  }
0x2a8: {  	v3 =	vld [tilespmem:s17+$0x1C70]  }
0x2a9: {  	s5 =	sor.u32 $0x9410, s20  }
0x2aa: {  	[tilespmem:s5+$0x0] =	vst.add.f32.msk $0xffff, v4  }
0x2ab: {  	[tilespmem:s14+$0x9010] =	vst.add.f32.msk $0xffff, v4  }
0x2ac: {  	s5 =	sor.u32 $0x9C70, s17;
	v4 =	vld [tilespmem:s20+$0x1420]  }
0x2ad: {  	[tilespmem:s5+$0x0] =	vst.add.f32.msk $0xffff, v3  }
0x2ae: {  	[tilespmem:s26+$0x9070] =	vst.add.f32.msk $0xffff, v3  }
0x2af: {  	v3 =	vld [tilespmem:s17+$0x2000]  }
0x2b0: {  	v5 =	vld [tilespmem:s17+$0x2010]  }
0x2b1: {  	v6 =	vld [tilespmem:s17+$0x2020]  }
0x2b2: {  	v7 =	vld [tilespmem:s17+$0x2030]  }
0x2b3: {  	v8 =	vld [tilespmem:s17+$0x2040]  }
0x2b4: {  	v9 =	vld [tilespmem:s17+$0x2050]  }
0x2b5: {  	v10 =	vld [tilespmem:s17+$0x2060]  }
0x2b6: {  	v11 =	vld [tilespmem:s17+$0x2070]  }
0x2b7: {  	v12 =	vld [tilespmem:s17+$0x2400]  }
0x2b8: {  	[tilespmem:s17+$0xA000] =	vst.add.f32.msk $0xffff, v3  }
0x2b9: {  	[tilespmem:s17+$0x12000] =	vst.add.f32.msk $0xffff, v3  }
0x2ba: {  	[tilespmem:s17+$0xA010] =	vst.add.f32.msk $0xffff, v5  }
0x2bb: {  	[tilespmem:s17+$0x12010] =	vst.add.f32.msk $0xffff, v5  }
0x2bc: {  	[tilespmem:s17+$0xA020] =	vst.add.f32.msk $0xffff, v6  }
0x2bd: {  	[tilespmem:s17+$0x12020] =	vst.add.f32.msk $0xffff, v6  }
0x2be: {  	[tilespmem:s17+$0xA030] =	vst.add.f32.msk $0xffff, v7  }
0x2bf: {  	[tilespmem:s17+$0x12030] =	vst.add.f32.msk $0xffff, v7  }
0x2c0: {  	[tilespmem:s17+$0xA040] =	vst.add.f32.msk $0xffff, v8  }
0x2c1: {  	[tilespmem:s17+$0x12040] =	vst.add.f32.msk $0xffff, v8  }
0x2c2: {  	[tilespmem:s17+$0xA050] =	vst.add.f32.msk $0xffff, v9  }
0x2c3: {  	[tilespmem:s17+$0x12050] =	vst.add.f32.msk $0xffff, v9  }
0x2c4: {  	[tilespmem:s17+$0xA060] =	vst.add.f32.msk $0xffff, v10  }
0x2c5: {  	[tilespmem:s17+$0x12060] =	vst.add.f32.msk $0xffff, v10  }
0x2c6: {  	[tilespmem:s17+$0xA070] =	vst.add.f32.msk $0xffff, v11  }
0x2c7: {  	[tilespmem:s17+$0x12070] =	vst.add.f32.msk $0xffff, v11  }
0x2c8: {  	s26 =	sor.u32 $0x9400, s23;
	s23 =	smov.u32 s3;
	[tilespmem:s17+$0xA400] =	vst.add.f32.msk $0xffff, v12  }
0x2c9: {  	[tilespmem:s26+$0x9000] =	vst.add.f32.msk $0xffff, v12  }
0x2ca: {  	v3 =	vld [tilespmem:s17+$0x2410]  }
0x2cb: {  	s3 =	sor.u32 $0x9420, s20  }
0x2cc: {  	[tilespmem:s3+$0x0] =	vst.add.f32.msk $0xffff, v4  }
0x2cd: {  	[tilespmem:s14+$0x9020] =	vst.add.f32.msk $0xffff, v4  }
0x2ce: {  	v4 =	vld [tilespmem:s20+$0x1430]  }
0x2cf: {  	[tilespmem:s17+$0xA410] =	vst.add.f32.msk $0xffff, v3  }
0x2d0: {  	[tilespmem:s26+$0x9010] =	vst.add.f32.msk $0xffff, v3  }
0x2d1: {  	v3 =	vld [tilespmem:s17+$0x2420]  }
0x2d2: {  	s3 =	sor.u32 $0x9430, s20  }
0x2d3: {  	[tilespmem:s3+$0x0] =	vst.add.f32.msk $0xffff, v4  }
0x2d4: {  	[tilespmem:s14+$0x9030] =	vst.add.f32.msk $0xffff, v4  }
0x2d5: {  	v4 =	vld [tilespmem:s20+$0x1440]  }
0x2d6: {  	[tilespmem:s17+$0xA420] =	vst.add.f32.msk $0xffff, v3  }
0x2d7: {  	[tilespmem:s26+$0x9020] =	vst.add.f32.msk $0xffff, v3  }
0x2d8: {  	v3 =	vld [tilespmem:s17+$0x2430]  }
0x2d9: {  	s3 =	sor.u32 $0x9440, s20  }
0x2da: {  	[tilespmem:s3+$0x0] =	vst.add.f32.msk $0xffff, v4  }
0x2db: {  	[tilespmem:s14+$0x9040] =	vst.add.f32.msk $0xffff, v4  }
0x2dc: {  	v4 =	vld [tilespmem:s20+$0x1450]  }
0x2dd: {  	[tilespmem:s17+$0xA430] =	vst.add.f32.msk $0xffff, v3  }
0x2de: {  	[tilespmem:s26+$0x9030] =	vst.add.f32.msk $0xffff, v3  }
0x2df: {  	v3 =	vld [tilespmem:s17+$0x2440]  }
0x2e0: {  	s3 =	sor.u32 $0x9450, s20  }
0x2e1: {  	[tilespmem:s3+$0x0] =	vst.add.f32.msk $0xffff, v4  }
0x2e2: {  	[tilespmem:s14+$0x9050] =	vst.add.f32.msk $0xffff, v4  }
0x2e3: {  	v4 =	vld [tilespmem:s20+$0x1460]  }
0x2e4: {  	[tilespmem:s17+$0xA440] =	vst.add.f32.msk $0xffff, v3  }
0x2e5: {  	[tilespmem:s26+$0x9040] =	vst.add.f32.msk $0xffff, v3  }
0x2e6: {  	v3 =	vld [tilespmem:s17+$0x2450]  }
0x2e7: {  	s3 =	sor.u32 $0x9460, s20  }
0x2e8: {  	[tilespmem:s3+$0x0] =	vst.add.f32.msk $0xffff, v4  }
0x2e9: {  	[tilespmem:s14+$0x9060] =	vst.add.f32.msk $0xffff, v4  }
0x2ea: {  	v4 =	vld [tilespmem:s20+$0x1470]  }
0x2eb: {  	[tilespmem:s17+$0xA450] =	vst.add.f32.msk $0xffff, v3  }
.Ltmp0:
0x2ec: {  	[tilespmem:s26+$0x9050] =	vst.add.f32.msk $0xffff, v3;
	(pc) =	sbr.rel @p0 .LBB2_3-.Ltmp0, $4  }
0x2ed: {  	v3 =	vld [tilespmem:s17+$0x2460]  }
0x2ee: {  	s3 =	sor.u32 $0x9470, s20  }
0x2ef: {  	[tilespmem:s3+$0x0] =	vst.add.f32.msk $0xffff, v4  }
0x2f0: {  	s25 =	sadd.s32 $0x400, s25;
	[tilespmem:s14+$0x9070] =	vst.add.f32.msk $0xffff, v4  }
0x2f1: {  	v4 =	vld [tilespmem:s20+$0x1800];
	_ =	sdelay $0x3  }
0x2f2: {  	s3 =	sor.u32 $0x9800, s20  }
0x2f3: {  	s30 =	sor.u32 $0x11800, s20;
	[tilespmem:s3+$0x0] =	vst.add.f32.msk $0xffff, v4  }
0x2f4: {  	[tilespmem:s30+$0x0] =	vst.add.f32.msk $0xffff, v4  }
0x2f5: {  	v4 =	vld [tilespmem:s20+$0x1810];
	_ =	sdelay $0x3  }
0x2f6: {  	s5 =	sor.u32 $0x9810, s20  }
0x2f7: {  	s14 =	sor.u32 $0x11810, s20;
	[tilespmem:s5+$0x0] =	vst.add.f32.msk $0xffff, v4  }
0x2f8: {  	[tilespmem:s14+$0x0] =	vst.add.f32.msk $0xffff, v4  }
0x2f9: {  	v4 =	vld [tilespmem:s20+$0x1820];
	_ =	sdelay $0x3  }
0x2fa: {  	s21 =	sor.u32 $0x9820, s20  }
0x2fb: {  	s22 =	sor.u32 $0x11820, s20;
	[tilespmem:s21+$0x0] =	vst.add.f32.msk $0xffff, v4  }
0x2fc: {  	[tilespmem:s22+$0x0] =	vst.add.f32.msk $0xffff, v4  }
0x2fd: {  	v4 =	vld [tilespmem:s20+$0x1830];
	_ =	sdelay $0x3  }
0x2fe: {  	s25 =	sor.u32 $0x9830, s20  }
0x2ff: {  	s30 =	sor.u32 $0x11830, s20;
	[tilespmem:s25+$0x0] =	vst.add.f32.msk $0xffff, v4  }
0x300: {  	[tilespmem:s30+$0x0] =	vst.add.f32.msk $0xffff, v4  }
0x301: {  	v4 =	vld [tilespmem:s20+$0x1840];
	_ =	sdelay $0x3  }
0x302: {  	s5 =	sor.u32 $0x9840, s20  }
0x303: {  	s14 =	sor.u32 $0x11840, s20;
	[tilespmem:s5+$0x0] =	vst.add.f32.msk $0xffff, v4  }
0x304: {  	[tilespmem:s14+$0x0] =	vst.add.f32.msk $0xffff, v4  }
0x305: {  	v4 =	vld [tilespmem:s20+$0x1850];
	_ =	sdelay $0x3  }
0x306: {  	s21 =	sor.u32 $0x9850, s20  }
0x307: {  	s22 =	sor.u32 $0x11850, s20;
	[tilespmem:s21+$0x0] =	vst.add.f32.msk $0xffff, v4  }
0x308: {  	[tilespmem:s22+$0x0] =	vst.add.f32.msk $0xffff, v4  }
0x309: {  	v4 =	vld [tilespmem:s20+$0x1860];
	_ =	sdelay $0x3  }
0x30a: {  	s25 =	sor.u32 $0x9860, s20  }
0x30b: {  	s30 =	sor.u32 $0x11860, s20;
	[tilespmem:s25+$0x0] =	vst.add.f32.msk $0xffff, v4  }
0x30c: {  	[tilespmem:s30+$0x0] =	vst.add.f32.msk $0xffff, v4  }
0x30d: {  	v4 =	vld [tilespmem:s20+$0x1870];
	_ =	sdelay $0x3  }
0x30e: {  	s5 =	sor.u32 $0x9870, s20  }
0x30f: {  	s14 =	sor.u32 $0x11870, s20;
	[tilespmem:s5+$0x0] =	vst.add.f32.msk $0xffff, v4  }
0x310: {  	[tilespmem:s14+$0x0] =	vst.add.f32.msk $0xffff, v4  }
0x311: {  	v4 =	vld [tilespmem:s20+$0x1C00];
	_ =	sdelay $0x3  }
0x312: {  	s21 =	sor.u32 $0x9C00, s20  }
0x313: {  	s3 =	sor.u32 $0x8C00, s23;
	[tilespmem:s21+$0x0] =	vst.add.f32.msk $0xffff, v4  }
0x314: {  	[tilespmem:s3+$0x9000] =	vst.add.f32.msk $0xffff, v4  }
0x315: {  	v4 =	vld [tilespmem:s20+$0x1C10];
	_ =	sdelay $0x3  }
0x316: {  	s5 =	sor.u32 $0x9C10, s20  }
0x317: {  	[tilespmem:s5+$0x0] =	vst.add.f32.msk $0xffff, v4  }
0x318: {  	[tilespmem:s3+$0x9010] =	vst.add.f32.msk $0xffff, v4  }
0x319: {  	v4 =	vld [tilespmem:s20+$0x1C20];
	_ =	sdelay $0x3  }
0x31a: {  	s22 =	sor.u32 $0x9C20, s20  }
0x31b: {  	[tilespmem:s22+$0x0] =	vst.add.f32.msk $0xffff, v4  }
0x31c: {  	[tilespmem:s3+$0x9020] =	vst.add.f32.msk $0xffff, v4  }
0x31d: {  	v4 =	vld [tilespmem:s20+$0x1C30];
	_ =	sdelay $0x3  }
0x31e: {  	s25 =	sor.u32 $0x9C30, s20  }
0x31f: {  	[tilespmem:s25+$0x0] =	vst.add.f32.msk $0xffff, v4  }
0x320: {  	[tilespmem:s3+$0x9030] =	vst.add.f32.msk $0xffff, v4  }
0x321: {  	v4 =	vld [tilespmem:s20+$0x1C40];
	_ =	sdelay $0x3  }
0x322: {  	s30 =	sor.u32 $0x9C40, s20  }
0x323: {  	[tilespmem:s30+$0x0] =	vst.add.f32.msk $0xffff, v4  }
0x324: {  	[tilespmem:s3+$0x9040] =	vst.add.f32.msk $0xffff, v4  }
0x325: {  	v4 =	vld [tilespmem:s20+$0x1C50];
	_ =	sdelay $0x3  }
0x326: {  	s14 =	sor.u32 $0x9C50, s20  }
0x327: {  	[tilespmem:s14+$0x0] =	vst.add.f32.msk $0xffff, v4  }
0x328: {  	[tilespmem:s3+$0x9050] =	vst.add.f32.msk $0xffff, v4  }
0x329: {  	v4 =	vld [tilespmem:s20+$0x1C60];
	_ =	sdelay $0x3  }
0x32a: {  	s21 =	sor.u32 $0x9C60, s20  }
0x32b: {  	[tilespmem:s21+$0x0] =	vst.add.f32.msk $0xffff, v4  }
0x32c: {  	[tilespmem:s3+$0x9060] =	vst.add.f32.msk $0xffff, v4  }
0x32d: {  	v4 =	vld [tilespmem:s20+$0x1C70];
	_ =	sdelay $0x2  }
0x32e: {  	[tilespmem:s17+$0xA460] =	vst.add.f32.msk $0xffff, v3  }
0x32f: {  	[tilespmem:s26+$0x9060] =	vst.add.f32.msk $0xffff, v3;
	s22 =	sor.u32 $0x9C70, s20  }
0x330: {  	[tilespmem:s22+$0x0] =	vst.add.f32.msk $0xffff, v4  }
0x331: {  	[tilespmem:s3+$0x9070] =	vst.add.f32.msk $0xffff, v4  }
0x332: {  	v3 =	vld [tilespmem:s20+$0x2000]  }
0x333: {  	v4 =	vld [tilespmem:s20+$0x2010]  }
0x334: {  	v5 =	vld [tilespmem:s20+$0x2020]  }
0x335: {  	v6 =	vld [tilespmem:s20+$0x2030]  }
0x336: {  	v7 =	vld [tilespmem:s20+$0x2040]  }
0x337: {  	v8 =	vld [tilespmem:s20+$0x2050]  }
0x338: {  	v9 =	vld [tilespmem:s20+$0x2060]  }
0x339: {  	v10 =	vld [tilespmem:s20+$0x2070]  }
0x33a: {  	v11 =	vld [tilespmem:s20+$0x2400]  }
0x33b: {  	[tilespmem:s20+$0xA000] =	vst.add.f32.msk $0xffff, v3  }
0x33c: {  	[tilespmem:s20+$0x12000] =	vst.add.f32.msk $0xffff, v3  }
0x33d: {  	v3 =	vld [tilespmem:s17+$0x2470]  }
0x33e: {  	[tilespmem:s20+$0xA010] =	vst.add.f32.msk $0xffff, v4  }
0x33f: {  	[tilespmem:s20+$0x12010] =	vst.add.f32.msk $0xffff, v4  }
0x340: {  	[tilespmem:s20+$0xA020] =	vst.add.f32.msk $0xffff, v5  }
0x341: {  	[tilespmem:s20+$0x12020] =	vst.add.f32.msk $0xffff, v5  }
0x342: {  	[tilespmem:s20+$0xA030] =	vst.add.f32.msk $0xffff, v6  }
0x343: {  	[tilespmem:s20+$0x12030] =	vst.add.f32.msk $0xffff, v6  }
0x344: {  	[tilespmem:s20+$0xA040] =	vst.add.f32.msk $0xffff, v7  }
0x345: {  	[tilespmem:s20+$0x12040] =	vst.add.f32.msk $0xffff, v7  }
0x346: {  	[tilespmem:s20+$0xA050] =	vst.add.f32.msk $0xffff, v8  }
0x347: {  	[tilespmem:s20+$0x12050] =	vst.add.f32.msk $0xffff, v8  }
0x348: {  	[tilespmem:s20+$0xA060] =	vst.add.f32.msk $0xffff, v9  }
0x349: {  	[tilespmem:s20+$0x12060] =	vst.add.f32.msk $0xffff, v9  }
0x34a: {  	[tilespmem:s20+$0xA070] =	vst.add.f32.msk $0xffff, v10  }
0x34b: {  	[tilespmem:s20+$0x12070] =	vst.add.f32.msk $0xffff, v10  }
0x34c: {  	s23 =	sor.u32 $0x9400, s23;
	[tilespmem:s20+$0xA400] =	vst.add.f32.msk $0xffff, v11  }
0x34d: {  	[tilespmem:s23+$0x9000] =	vst.add.f32.msk $0xffff, v11  }
0x34e: {  	v48 =	vld [tilespmem:s20+$0x2410];
	_ =	sdelay $0x1  }
0x34f: {  	[tilespmem:s17+$0xA470] =	vst.add.f32.msk $0xffff, v3  }
0x350: {  	[tilespmem:s26+$0x9070] =	vst.add.f32.msk $0xffff, v3  }
0x351: {  	v3 =	vld [tilespmem:s17+$0x2800]  }
0x352: {  	[tilespmem:s20+$0xA410] =	vst.add.f32.msk $0xffff, v48  }
0x353: {  	[tilespmem:s23+$0x9010] =	vst.add.f32.msk $0xffff, v48  }
0x354: {  	v4 =	vld [tilespmem:s20+$0x2420]  }
0x355: {  	v49 =	vld [tilespmem:s17+$0x2810]  }
0x356: {  	v50 =	vld [tilespmem:s17+$0x2820]  }
0x357: {  	v51 =	vld [tilespmem:s17+$0x2830]  }
0x358: {  	v52 =	vld [tilespmem:s17+$0x2840]  }
0x359: {  	[tilespmem:s20+$0xA420] =	vst.add.f32.msk $0xffff, v4  }
0x35a: {  	[tilespmem:s23+$0x9020] =	vst.add.f32.msk $0xffff, v4  }
0x35b: {  	v4 =	vld [tilespmem:s20+$0x2430]  }
0x35c: {  	v53 =	vld [tilespmem:s17+$0x2850]  }
0x35d: {  	v54 =	vld [tilespmem:s17+$0x2860]  }
0x35e: {  	v55 =	vld [tilespmem:s17+$0x2870]  }
0x35f: {  	[tilespmem:s17+$0xA800] =	vst.add.f32.msk $0xffff, v3  }
0x360: {  	[tilespmem:s20+$0xA430] =	vst.add.f32.msk $0xffff, v4  }
0x361: {  	[tilespmem:s23+$0x9030] =	vst.add.f32.msk $0xffff, v4  }
0x362: {  	v4 =	vld [tilespmem:s20+$0x2440]  }
0x363: {  	[tilespmem:s17+$0x12800] =	vst.add.f32.msk $0xffff, v3  }
0x364: {  	[tilespmem:s17+$0xA810] =	vst.add.f32.msk $0xffff, v49  }
0x365: {  	[tilespmem:s17+$0x12810] =	vst.add.f32.msk $0xffff, v49  }
0x366: {  	[tilespmem:s17+$0xA820] =	vst.add.f32.msk $0xffff, v50  }
0x367: {  	[tilespmem:s20+$0xA440] =	vst.add.f32.msk $0xffff, v4  }
0x368: {  	[tilespmem:s23+$0x9040] =	vst.add.f32.msk $0xffff, v4  }
0x369: {  	v3 =	vld [tilespmem:s20+$0x2450]  }
0x36a: {  	[tilespmem:s17+$0x12820] =	vst.add.f32.msk $0xffff, v50  }
0x36b: {  	[tilespmem:s17+$0xA830] =	vst.add.f32.msk $0xffff, v51  }
0x36c: {  	[tilespmem:s17+$0x12830] =	vst.add.f32.msk $0xffff, v51  }
0x36d: {  	[tilespmem:s17+$0xA840] =	vst.add.f32.msk $0xffff, v52  }
0x36e: {  	[tilespmem:s20+$0xA450] =	vst.add.f32.msk $0xffff, v3  }
0x36f: {  	[tilespmem:s23+$0x9050] =	vst.add.f32.msk $0xffff, v3  }
0x370: {  	v3 =	vld [tilespmem:s20+$0x2460]  }
0x371: {  	[tilespmem:s17+$0x12840] =	vst.add.f32.msk $0xffff, v52  }
0x372: {  	[tilespmem:s17+$0xA850] =	vst.add.f32.msk $0xffff, v53  }
0x373: {  	[tilespmem:s17+$0x12850] =	vst.add.f32.msk $0xffff, v53  }
0x374: {  	[tilespmem:s17+$0xA860] =	vst.add.f32.msk $0xffff, v54  }
0x375: {  	[tilespmem:s20+$0xA460] =	vst.add.f32.msk $0xffff, v3  }
0x376: {  	s13 =	sadd.s32 $0x1, s13;
	[tilespmem:s23+$0x9060] =	vst.add.f32.msk $0xffff, v3  }
0x377: {  	s25 =	sand.u32 $0x7, s13;
	v3 =	vld [tilespmem:s20+$0x2470]  }
0x378: {  	s5 =	sshll.u32 s25, $0x7;
	[tilespmem:s17+$0x12860] =	vst.add.f32.msk $0xffff, v54  }
0x379: {  	s5 =	sadd.s32 s5, s16;
	[tilespmem:s17+$0xA870] =	vst.add.f32.msk $0xffff, v55  }
0x37a: {  	s14 =	sor.u32 $0x1C00, s5;
	[tilespmem:s17+$0x12870] =	vst.add.f32.msk $0xffff, v55  }
0x37b: {  	v56 =	vld [tilespmem:s14+$0x1000]  }
0x37c: {  	[tilespmem:s20+$0xA470] =	vst.add.f32.msk $0xffff, v3  }
0x37d: {  	[tilespmem:s23+$0x9070] =	vst.add.f32.msk $0xffff, v3  }
0x37e: {  	v3 =	vld [tilespmem:s20+$0x2800]  }
0x37f: {  	v57 =	vld [tilespmem:s20+$0x2810]  }
0x380: {  	v58 =	vld [tilespmem:s20+$0x2820]  }
0x381: {  	v59 =	vld [tilespmem:s20+$0x2830]  }
0x382: {  	v60 =	vld [tilespmem:s20+$0x2840]  }
0x383: {  	v61 =	vld [tilespmem:s20+$0x2850]  }
0x384: {  	v62 =	vld [tilespmem:s20+$0x2860]  }
0x385: {  	v63 =	vld [tilespmem:s20+$0x2870]  }
0x386: {  	[tilespmem:s20+$0xA800] =	vst.add.f32.msk $0xffff, v3  }
0x387: {  	[tilespmem:s20+$0x12800] =	vst.add.f32.msk $0xffff, v3  }
0x388: {  	[tilespmem:s20+$0xA810] =	vst.add.f32.msk $0xffff, v57  }
0x389: {  	[tilespmem:s20+$0x12810] =	vst.add.f32.msk $0xffff, v57  }
0x38a: {  	[tilespmem:s20+$0xA820] =	vst.add.f32.msk $0xffff, v58  }
0x38b: {  	[tilespmem:s20+$0x12820] =	vst.add.f32.msk $0xffff, v58  }
0x38c: {  	[tilespmem:s20+$0xA830] =	vst.add.f32.msk $0xffff, v59  }
0x38d: {  	[tilespmem:s20+$0x12830] =	vst.add.f32.msk $0xffff, v59  }
0x38e: {  	[tilespmem:s20+$0xA840] =	vst.add.f32.msk $0xffff, v60  }
0x38f: {  	[tilespmem:s20+$0x12840] =	vst.add.f32.msk $0xffff, v60  }
0x390: {  	[tilespmem:s20+$0xA850] =	vst.add.f32.msk $0xffff, v61  }
0x391: {  	s26 =	sadd.s32 $0x1, s13;
	[tilespmem:s20+$0x12850] =	vst.add.f32.msk $0xffff, v61  }
0x392: {  	s3 =	sand.u32 $0x7, s26;
	[tilespmem:s20+$0xA860] =	vst.add.f32.msk $0xffff, v62  }
0x393: {  	s3 =	sshll.u32 s3, $0x7;
	[tilespmem:s20+$0x12860] =	vst.add.f32.msk $0xffff, v62  }
0x394: {  	s3 =	sadd.s32 s3, s19;
	[tilespmem:s20+$0xA870] =	vst.add.f32.msk $0xffff, v63  }
0x395: {  	s30 =	sor.u32 $0x1C00, s3;
	[tilespmem:s20+$0x12870] =	vst.add.f32.msk $0xffff, v63  }
0x396: {  	v3 =	vld [tilespmem:s30+$0x1000]  }
0x397: {  	s15 =	sor.u32 s16, s15  }
0x398: {  	[tilespmem:s14+$0x9000] =	vst.add.f32.msk $0xffff, v56;
	s14 =	sor.u32 $0x9C00, s15  }
0x399: {  	s17 =	sor.u32 $0x1C10, s5;
	[tilespmem:s14+$0x9000] =	vst.add.f32.msk $0xffff, v56  }
0x39a: {  	v4 =	vld [tilespmem:s17+$0x1000];
	s20 =	sor.u32 s19, s24  }
0x39b: {  	s16 =	sor.u32 $0x9C00, s20;
	[tilespmem:s30+$0x9000] =	vst.add.f32.msk $0xffff, v3  }
0x39c: {  	s21 =	sor.u32 $0x1C10, s3;
	[tilespmem:s16+$0x9000] =	vst.add.f32.msk $0xffff, v3  }
0x39d: {  	v3 =	vld [tilespmem:s21+$0x1000];
	_ =	sdelay $0x1  }
0x39e: {  	[tilespmem:s17+$0x9000] =	vst.add.f32.msk $0xffff, v4  }
0x39f: {  	s22 =	sor.u32 $0x1C20, s5;
	[tilespmem:s14+$0x9010] =	vst.add.f32.msk $0xffff, v4  }
0x3a0: {  	v4 =	vld [tilespmem:s22+$0x1000]  }
0x3a1: {  	[tilespmem:s21+$0x9000] =	vst.add.f32.msk $0xffff, v3  }
0x3a2: {  	s23 =	sor.u32 $0x1C20, s3;
	[tilespmem:s16+$0x9010] =	vst.add.f32.msk $0xffff, v3  }
0x3a3: {  	v3 =	vld [tilespmem:s23+$0x1000];
	_ =	sdelay $0x1  }
0x3a4: {  	[tilespmem:s22+$0x9000] =	vst.add.f32.msk $0xffff, v4  }
0x3a5: {  	[tilespmem:s14+$0x9020] =	vst.add.f32.msk $0xffff, v4;
	s24 =	sor.u32 $0x1C30, s5  }
0x3a6: {  	v4 =	vld [tilespmem:s24+$0x1000]  }
0x3a7: {  	[tilespmem:s23+$0x9000] =	vst.add.f32.msk $0xffff, v3  }
0x3a8: {  	s25 =	sor.u32 $0x1C30, s3;
	[tilespmem:s16+$0x9020] =	vst.add.f32.msk $0xffff, v3  }
0x3a9: {  	v3 =	vld [tilespmem:s25+$0x1000];
	_ =	sdelay $0x1  }
0x3aa: {  	[tilespmem:s24+$0x9000] =	vst.add.f32.msk $0xffff, v4  }
0x3ab: {  	s26 =	sor.u32 $0x1C40, s5;
	[tilespmem:s14+$0x9030] =	vst.add.f32.msk $0xffff, v4  }
0x3ac: {  	v4 =	vld [tilespmem:s26+$0x1000]  }
0x3ad: {  	[tilespmem:s25+$0x9000] =	vst.add.f32.msk $0xffff, v3  }
0x3ae: {  	s30 =	sor.u32 $0x1C40, s3;
	[tilespmem:s16+$0x9030] =	vst.add.f32.msk $0xffff, v3  }
0x3af: {  	v3 =	vld [tilespmem:s30+$0x1000];
	_ =	sdelay $0x1  }
0x3b0: {  	[tilespmem:s26+$0x9000] =	vst.add.f32.msk $0xffff, v4  }
0x3b1: {  	s17 =	sor.u32 $0x1C50, s5;
	[tilespmem:s14+$0x9040] =	vst.add.f32.msk $0xffff, v4  }
0x3b2: {  	v4 =	vld [tilespmem:s17+$0x1000]  }
0x3b3: {  	[tilespmem:s30+$0x9000] =	vst.add.f32.msk $0xffff, v3  }
0x3b4: {  	s19 =	sor.u32 $0x1C50, s3;
	[tilespmem:s16+$0x9040] =	vst.add.f32.msk $0xffff, v3  }
0x3b5: {  	v3 =	vld [tilespmem:s19+$0x1000];
	_ =	sdelay $0x1  }
0x3b6: {  	[tilespmem:s17+$0x9000] =	vst.add.f32.msk $0xffff, v4  }
0x3b7: {  	s20 =	sor.u32 $0x1C60, s5;
	[tilespmem:s14+$0x9050] =	vst.add.f32.msk $0xffff, v4  }
0x3b8: {  	v4 =	vld [tilespmem:s20+$0x1000]  }
0x3b9: {  	[tilespmem:s19+$0x9000] =	vst.add.f32.msk $0xffff, v3  }
0x3ba: {  	s21 =	sor.u32 $0x1C60, s3;
	[tilespmem:s16+$0x9050] =	vst.add.f32.msk $0xffff, v3  }
0x3bb: {  	v3 =	vld [tilespmem:s21+$0x1000];
	_ =	sdelay $0x1  }
0x3bc: {  	[tilespmem:s20+$0x9000] =	vst.add.f32.msk $0xffff, v4  }
0x3bd: {  	s5 =	sor.u32 $0x1C70, s5;
	[tilespmem:s14+$0x9060] =	vst.add.f32.msk $0xffff, v4  }
0x3be: {  	v4 =	vld [tilespmem:s5+$0x1000]  }
0x3bf: {  	[tilespmem:s21+$0x9000] =	vst.add.f32.msk $0xffff, v3  }
0x3c0: {  	s3 =	sor.u32 $0x1C70, s3;
	[tilespmem:s16+$0x9060] =	vst.add.f32.msk $0xffff, v3  }
0x3c1: {  	v3 =	vld [tilespmem:s3+$0x1000];
	_ =	sdelay $0x2  }
0x3c2: {  	[tilespmem:s5+$0x9000] =	vst.add.f32.msk $0xffff, v4  }
0x3c3: {  	s22 =	sshll.u32 s10, $0x12;
	[tilespmem:s14+$0x9070] =	vst.add.f32.msk $0xffff, v4  }
0x3c4: {  	s13 =	sor.u32 s22, s7;
	s23 =	rddreg [dreg:$0x3];
	[tilespmem:s3+$0x9000] =	vst.add.f32.msk $0xffff, v3  }
0x3c5: {  	s15 =	sor.u32 $0x20000, s13;
	s24 =	sadd.s32 s23, s13;
	s25 =	simm.s32 $0x9000;
	[tilespmem:s16+$0x9070] =	vst.add.f32.msk $0xffff, v3  }
0x3c6: {  	[hbm4b:s24+s4] =	stream.linear.scatter [tilespmem:s25], [sflag:$0x5], $0x4000, $0x38;
	[tilespmem:$0x19000] =	vst v63  }
0x3c7: {  	s26 =	sadd.s32 s23, s15;
	s30 =	simm.s32 $0x11000  }
0x3c8: {  	[hbm4b:s26+s4] =	stream.linear.scatter [tilespmem:s30], [sflag:$0x7], $0x4000, $0x38;
	[tilespmem:$0x19000] =	vst v63  }
0x3c9: {  	p0 =	seq.s32 s10, $0x7;
	_ =	swait.ge [sflag:s28], $0x4000  }
.Ltmp1:
0x3ca: {  	[sflag:s28] =	ssyncset.done $0x0;
	(pc) =	sbr.rel @p0 .LBB2_6-.Ltmp1, $4  }
0x3cb: {  	[sflag:s28] =	ssyncadd.s32 $0xFFFFC000  }
0x3cc: {  	_ =	swait.ge [sflag:s29], $0x4000  }
0x3cd: {  	[sflag:s29] =	ssyncset.done $0x0  }
0x3ce: {  	[sflag:s29] =	ssyncadd.s32 $0xFFFFC000  }
0x3cf: {  	s3 =	simm.s32 $0x5  }
0x3d0: {  	_ =	swait.ge [sflag:s3], $0x4000  }
0x3d1: {  	[sflag:s3] =	ssyncset.done $0x0  }
0x3d2: {  	s24 =	simm.s32 $0x7;
	[sflag:s3] =	ssyncadd.s32 $0xFFFFC000  }
0x3d3: {  	_ =	swait.ge [sflag:s24], $0x4000  }
0x3d4: {  	[sflag:s24] =	ssyncset.done $0x0  }
0x3d5: {  	[sflag:s24] =	ssyncadd.s32 $0xFFFFC000  }
0x3d6: {  	v3 =	vld [tilespmem:s12+$0x200];
	_ =	sdelay $0x4  }
0x3d7: {  	v4 =	vshll.u32 v3, $0x3  }
0x3d8: {  	v3 =	vand.u32 $0x7, v3;
	v4 =	vand.u32 $0xFFFFFFC0, v4  }
0x3d9: {  	v3 =	vor.u32 v3, v4  }
0x3da: {  	v4 =	vperm.xlane v3, v0;
	_ =	sdelay $0x1  }
0x3db: {  	v4 =	vadd.s32 v1, v4;
	_ =	sdelay $0x3  }
0x3dc: {  	s25 =	simm.s32 $0x9000  }
0x3dd: {  	[tilespmem:s25], [sflag:$0x1] =	stream.indirect_vreg.gather [hbm4b:s2+s4], $0x80, v4, vm0, $0xb8;
	[tilespmem:$0x19000] =	vst v63  }
0x3de: {  	s26 =	simm.s32 $0x9800;
	v3 =	vperm.xlane v3, v2  }
0x3df: {  	[tilespmem:s26], [sflag:$0x1] =	stream.indirect_vreg.gather [hbm4b:s6+s4], $0x80, v4, vm0, $0xb8;
	[tilespmem:$0x19000] =	vst v63  }
0x3e0: {  	s30 =	simm.s32 $0xA000;
	v3 =	vadd.s32 v1, v3  }
0x3e1: {  	[tilespmem:s30], [sflag:$0x1] =	stream.indirect_vreg.gather [hbm4b:s8+s4], $0x80, v4, vm0, $0xb8;
	[tilespmem:$0x19000] =	vst v63  }
0x3e2: {  	s5 =	simm.s32 $0xA800  }
0x3e3: {  	[tilespmem:s5], [sflag:$0x1] =	stream.indirect_vreg.gather [hbm4b:s9+s4], $0x80, v4, vm0, $0xb8;
	[tilespmem:$0x19000] =	vst v63  }
0x3e4: {  	s14 =	simm.s32 $0xB000  }
0x3e5: {  	[tilespmem:s14], [sflag:$0x1] =	stream.indirect_vreg.gather [hbm4b:s2+s4], $0x80, v3, vm0, $0xb8;
	[tilespmem:$0x19000] =	vst v63  }
0x3e6: {  	s16 =	simm.s32 $0xB800  }
0x3e7: {  	[tilespmem:s16], [sflag:$0x1] =	stream.indirect_vreg.gather [hbm4b:s6+s4], $0x80, v3, vm0, $0xb8;
	[tilespmem:$0x19000] =	vst v63  }
0x3e8: {  	s17 =	simm.s32 $0xC000  }
0x3e9: {  	[tilespmem:s17], [sflag:$0x1] =	stream.indirect_vreg.gather [hbm4b:s8+s4], $0x80, v3, vm0, $0xb8;
	[tilespmem:$0x19000] =	vst v63  }
0x3ea: {  	s19 =	simm.s32 $0xC800  }
0x3eb: {  	[tilespmem:s19], [sflag:$0x1] =	stream.indirect_vreg.gather [hbm4b:s9+s4], $0x80, v3, vm0, $0xb8;
	[tilespmem:$0x19000] =	vst v63  }
0x3ec: {  	v3 =	vld [tilespmem:s12+$0x300];
	_ =	sdelay $0x4  }
0x3ed: {  	v63 =	vshll.u32 v3, $0x3  }
0x3ee: {  	v3 =	vand.u32 $0x7, v3;
	v4 =	vand.u32 $0xFFFFFFC0, v63  }
0x3ef: {  	v3 =	vor.u32 v3, v4  }
0x3f0: {  	v4 =	vperm.xlane v3, v0;
	_ =	sdelay $0x1  }
0x3f1: {  	v4 =	vadd.s32 v1, v4;
	_ =	sdelay $0x3  }
0x3f2: {  	s20 =	simm.s32 $0x11000  }
0x3f3: {  	[tilespmem:s20], [sflag:$0x3] =	stream.indirect_vreg.gather [hbm4b:s2+s4], $0x80, v4, vm0, $0xb8;
	[tilespmem:$0x19000] =	vst v63  }
0x3f4: {  	s21 =	simm.s32 $0x11800;
	v3 =	vperm.xlane v3, v2  }
0x3f5: {  	[tilespmem:s21], [sflag:$0x3] =	stream.indirect_vreg.gather [hbm4b:s6+s4], $0x80, v4, vm0, $0xb8;
	[tilespmem:$0x19000] =	vst v63  }
0x3f6: {  	s22 =	simm.s32 $0x12000;
	v3 =	vadd.s32 v1, v3  }
0x3f7: {  	[tilespmem:s22], [sflag:$0x3] =	stream.indirect_vreg.gather [hbm4b:s8+s4], $0x80, v4, vm0, $0xb8;
	[tilespmem:$0x19000] =	vst v63  }
0x3f8: {  	s23 =	simm.s32 $0x12800  }
0x3f9: {  	[tilespmem:s23], [sflag:$0x3] =	stream.indirect_vreg.gather [hbm4b:s9+s4], $0x80, v4, vm0, $0xb8;
	[tilespmem:$0x19000] =	vst v63  }
0x3fa: {  	s24 =	simm.s32 $0x13000  }
0x3fb: {  	[tilespmem:s24], [sflag:$0x3] =	stream.indirect_vreg.gather [hbm4b:s2+s4], $0x80, v3, vm0, $0xb8;
	[tilespmem:$0x19000] =	vst v63  }
0x3fc: {  	s25 =	simm.s32 $0x13800  }
0x3fd: {  	[tilespmem:s25], [sflag:$0x3] =	stream.indirect_vreg.gather [hbm4b:s6+s4], $0x80, v3, vm0, $0xb8;
	[tilespmem:$0x19000] =	vst v63  }
0x3fe: {  	s26 =	simm.s32 $0x14000  }
0x3ff: {  	[tilespmem:s26], [sflag:$0x3] =	stream.indirect_vreg.gather [hbm4b:s8+s4], $0x80, v3, vm0, $0xb8;
	[tilespmem:$0x19000] =	vst v63  }
0x400: {  	s30 =	simm.s32 $0x14800  }
0x401: {  	[tilespmem:s30], [sflag:$0x3] =	stream.indirect_vreg.gather [hbm4b:s9+s4], $0x80, v3, vm0, $0xb8;
	[tilespmem:$0x19000] =	vst v63  }
.LBB2_6:
0x402: {  	s16 =	simm.s32 $0x0  }
0x403: {  	s3 =	sand.u32 $0x2000, s16;
	s5 =	sand.u32 $0x380, s16  }
0x404: {  	s12 =	sor.u32 s5, s3  }
0x405: {  	v3 =	vld [tilespmem:s12+$0x5000];
	_ =	sdelay $0x3  }
0x406: {  	s3 =	sor.u32 $0xD000, s12  }
0x407: {  	s22 =	sor.u32 $0x15000, s12;
	[tilespmem:s3+$0x0] =	vst.add.f32.msk $0xffff, v3  }
0x408: {  	[tilespmem:s22+$0x0] =	vst.add.f32.msk $0xffff, v3  }
0x409: {  	v3 =	vld [tilespmem:s12+$0x5010];
	_ =	sdelay $0x3  }
0x40a: {  	s23 =	sor.u32 $0xD010, s12  }
0x40b: {  	s24 =	sor.u32 $0x15010, s12;
	[tilespmem:s23+$0x0] =	vst.add.f32.msk $0xffff, v3  }
0x40c: {  	[tilespmem:s24+$0x0] =	vst.add.f32.msk $0xffff, v3  }
0x40d: {  	v3 =	vld [tilespmem:s12+$0x5020];
	_ =	sdelay $0x3  }
0x40e: {  	s25 =	sor.u32 $0xD020, s12  }
0x40f: {  	s26 =	sor.u32 $0x15020, s12;
	[tilespmem:s25+$0x0] =	vst.add.f32.msk $0xffff, v3  }
0x410: {  	[tilespmem:s26+$0x0] =	vst.add.f32.msk $0xffff, v3  }
0x411: {  	v3 =	vld [tilespmem:s12+$0x5030];
	_ =	sdelay $0x3  }
0x412: {  	s5 =	sor.u32 $0xD030, s12  }
0x413: {  	s14 =	sor.u32 $0x15030, s12;
	[tilespmem:s5+$0x0] =	vst.add.f32.msk $0xffff, v3  }
0x414: {  	[tilespmem:s14+$0x0] =	vst.add.f32.msk $0xffff, v3  }
0x415: {  	v3 =	vld [tilespmem:s12+$0x5040];
	_ =	sdelay $0x3  }
0x416: {  	s17 =	sor.u32 $0xD040, s12  }
0x417: {  	s19 =	sor.u32 $0x15040, s12;
	[tilespmem:s17+$0x0] =	vst.add.f32.msk $0xffff, v3  }
0x418: {  	[tilespmem:s19+$0x0] =	vst.add.f32.msk $0xffff, v3  }
0x419: {  	v3 =	vld [tilespmem:s12+$0x5050];
	_ =	sdelay $0x3  }
0x41a: {  	s20 =	sor.u32 $0xD050, s12  }
0x41b: {  	s21 =	sor.u32 $0x15050, s12;
	[tilespmem:s20+$0x0] =	vst.add.f32.msk $0xffff, v3  }
0x41c: {  	[tilespmem:s21+$0x0] =	vst.add.f32.msk $0xffff, v3  }
0x41d: {  	v3 =	vld [tilespmem:s12+$0x5060];
	_ =	sdelay $0x3  }
0x41e: {  	s22 =	sor.u32 $0xD060, s12  }
0x41f: {  	s23 =	sor.u32 $0x15060, s12;
	[tilespmem:s22+$0x0] =	vst.add.f32.msk $0xffff, v3  }
0x420: {  	[tilespmem:s23+$0x0] =	vst.add.f32.msk $0xffff, v3  }
0x421: {  	v3 =	vld [tilespmem:s12+$0x5070];
	_ =	sdelay $0x3  }
0x422: {  	s24 =	sand.u32 $0xFFFFE000, s16;
	s5 =	sor.u32 $0xD070, s12  }
0x423: {  	s25 =	sor.u32 $0x15070, s12;
	s14 =	sadd.s32 $0x0, s24;
	[tilespmem:s5+$0x0] =	vst.add.f32.msk $0xffff, v3  }
0x424: {  	s3 =	sor.u32 $0x4400, s14;
	[tilespmem:s25+$0x0] =	vst.add.f32.msk $0xffff, v3  }
0x425: {  	v3 =	vld [tilespmem:s3+$0x1000];
	_ =	sdelay $0x4  }
0x426: {  	s26 =	sor.u32 $0xC400, s14;
	[tilespmem:s3+$0x9000] =	vst.add.f32.msk $0xffff, v3  }
0x427: {  	[tilespmem:s26+$0x9000] =	vst.add.f32.msk $0xffff, v3  }
0x428: {  	v3 =	vld [tilespmem:s3+$0x1010];
	_ =	sdelay $0x4  }
0x429: {  	[tilespmem:s3+$0x9010] =	vst.add.f32.msk $0xffff, v3  }
0x42a: {  	[tilespmem:s26+$0x9010] =	vst.add.f32.msk $0xffff, v3  }
0x42b: {  	v3 =	vld [tilespmem:s3+$0x1020];
	_ =	sdelay $0x4  }
0x42c: {  	[tilespmem:s3+$0x9020] =	vst.add.f32.msk $0xffff, v3  }
0x42d: {  	[tilespmem:s26+$0x9020] =	vst.add.f32.msk $0xffff, v3  }
0x42e: {  	v3 =	vld [tilespmem:s3+$0x1030];
	_ =	sdelay $0x4  }
0x42f: {  	[tilespmem:s3+$0x9030] =	vst.add.f32.msk $0xffff, v3  }
0x430: {  	[tilespmem:s26+$0x9030] =	vst.add.f32.msk $0xffff, v3  }
0x431: {  	v3 =	vld [tilespmem:s3+$0x1040];
	_ =	sdelay $0x4  }
0x432: {  	[tilespmem:s3+$0x9040] =	vst.add.f32.msk $0xffff, v3  }
0x433: {  	[tilespmem:s26+$0x9040] =	vst.add.f32.msk $0xffff, v3  }
0x434: {  	v3 =	vld [tilespmem:s3+$0x1050];
	_ =	sdelay $0x4  }
0x435: {  	[tilespmem:s3+$0x9050] =	vst.add.f32.msk $0xffff, v3  }
0x436: {  	[tilespmem:s26+$0x9050] =	vst.add.f32.msk $0xffff, v3  }
0x437: {  	v3 =	vld [tilespmem:s3+$0x1060];
	_ =	sdelay $0x4  }
0x438: {  	[tilespmem:s3+$0x9060] =	vst.add.f32.msk $0xffff, v3  }
0x439: {  	[tilespmem:s26+$0x9060] =	vst.add.f32.msk $0xffff, v3  }
0x43a: {  	v3 =	vld [tilespmem:s3+$0x1070];
	_ =	sdelay $0x4  }
0x43b: {  	[tilespmem:s3+$0x9070] =	vst.add.f32.msk $0xffff, v3  }
0x43c: {  	[tilespmem:s26+$0x9070] =	vst.add.f32.msk $0xffff, v3  }
0x43d: {  	v3 =	vld [tilespmem:s12+$0x5800];
	_ =	sdelay $0x3  }
0x43e: {  	s5 =	sor.u32 $0xD800, s12  }
0x43f: {  	s17 =	sor.u32 $0x15800, s12;
	[tilespmem:s5+$0x0] =	vst.add.f32.msk $0xffff, v3  }
0x440: {  	[tilespmem:s17+$0x0] =	vst.add.f32.msk $0xffff, v3  }
0x441: {  	v3 =	vld [tilespmem:s12+$0x5810];
	_ =	sdelay $0x3  }
0x442: {  	s19 =	sor.u32 $0xD810, s12  }
0x443: {  	s20 =	sor.u32 $0x15810, s12;
	[tilespmem:s19+$0x0] =	vst.add.f32.msk $0xffff, v3  }
0x444: {  	[tilespmem:s20+$0x0] =	vst.add.f32.msk $0xffff, v3  }
0x445: {  	v3 =	vld [tilespmem:s12+$0x5820];
	_ =	sdelay $0x3  }
0x446: {  	s21 =	sor.u32 $0xD820, s12  }
0x447: {  	s22 =	sor.u32 $0x15820, s12;
	[tilespmem:s21+$0x0] =	vst.add.f32.msk $0xffff, v3  }
0x448: {  	[tilespmem:s22+$0x0] =	vst.add.f32.msk $0xffff, v3  }
0x449: {  	v3 =	vld [tilespmem:s12+$0x5830];
	_ =	sdelay $0x3  }
0x44a: {  	s23 =	sor.u32 $0xD830, s12  }
0x44b: {  	s24 =	sor.u32 $0x15830, s12;
	[tilespmem:s23+$0x0] =	vst.add.f32.msk $0xffff, v3  }
0x44c: {  	[tilespmem:s24+$0x0] =	vst.add.f32.msk $0xffff, v3  }
0x44d: {  	v3 =	vld [tilespmem:s12+$0x5840];
	_ =	sdelay $0x3  }
0x44e: {  	s25 =	sor.u32 $0xD840, s12  }
0x44f: {  	s26 =	sor.u32 $0x15840, s12;
	[tilespmem:s25+$0x0] =	vst.add.f32.msk $0xffff, v3  }
0x450: {  	[tilespmem:s26+$0x0] =	vst.add.f32.msk $0xffff, v3  }
0x451: {  	v3 =	vld [tilespmem:s12+$0x5850];
	_ =	sdelay $0x3  }
0x452: {  	s5 =	sor.u32 $0xD850, s12  }
0x453: {  	s17 =	sor.u32 $0x15850, s12;
	[tilespmem:s5+$0x0] =	vst.add.f32.msk $0xffff, v3  }
0x454: {  	[tilespmem:s17+$0x0] =	vst.add.f32.msk $0xffff, v3  }
0x455: {  	v3 =	vld [tilespmem:s12+$0x5860]  }
0x456: {  	s23 =	simm.s32 $0x80;
	s17 =	simm.s32 $0x400  }
0x457: {  	s20 =	sand.u32 $0x380, s23;
	s19 =	sand.u32 $0x2000, s17  }
0x458: {  	s19 =	sor.u32 s20, s19  }
0x459: {  	s21 =	sor.u32 $0xD860, s12;
	v4 =	vld [tilespmem:s19+$0x5000]  }
0x45a: {  	s22 =	sor.u32 $0x15860, s12;
	[tilespmem:s21+$0x0] =	vst.add.f32.msk $0xffff, v3  }
0x45b: {  	[tilespmem:s22+$0x0] =	vst.add.f32.msk $0xffff, v3  }
0x45c: {  	v3 =	vld [tilespmem:s12+$0x5870]  }
0x45d: {  	s24 =	sor.u32 $0xD000, s19  }
0x45e: {  	s25 =	sor.u32 $0x15000, s19;
	[tilespmem:s24+$0x0] =	vst.add.f32.msk $0xffff, v4  }
0x45f: {  	[tilespmem:s25+$0x0] =	vst.add.f32.msk $0xffff, v4  }
0x460: {  	s26 =	sor.u32 $0xD870, s12;
	v4 =	vld [tilespmem:s19+$0x5010]  }
0x461: {  	s5 =	sor.u32 $0x15870, s12;
	[tilespmem:s26+$0x0] =	vst.add.f32.msk $0xffff, v3  }
0x462: {  	s3 =	sor.u32 $0x4C00, s14;
	[tilespmem:s5+$0x0] =	vst.add.f32.msk $0xffff, v3  }
0x463: {  	v3 =	vld [tilespmem:s3+$0x1000]  }
0x464: {  	s5 =	sor.u32 $0xD010, s19  }
0x465: {  	s20 =	sor.u32 $0x15010, s19;
	[tilespmem:s5+$0x0] =	vst.add.f32.msk $0xffff, v4  }
0x466: {  	[tilespmem:s20+$0x0] =	vst.add.f32.msk $0xffff, v4  }
0x467: {  	v4 =	vld [tilespmem:s19+$0x5020]  }
0x468: {  	s5 =	sor.u32 $0xCC00, s14;
	[tilespmem:s3+$0x9000] =	vst.add.f32.msk $0xffff, v3  }
0x469: {  	[tilespmem:s5+$0x9000] =	vst.add.f32.msk $0xffff, v3  }
0x46a: {  	v3 =	vld [tilespmem:s3+$0x1010]  }
0x46b: {  	s20 =	sor.u32 $0xD020, s19  }
0x46c: {  	s21 =	sor.u32 $0x15020, s19;
	[tilespmem:s20+$0x0] =	vst.add.f32.msk $0xffff, v4  }
0x46d: {  	[tilespmem:s21+$0x0] =	vst.add.f32.msk $0xffff, v4  }
0x46e: {  	v4 =	vld [tilespmem:s19+$0x5030]  }
0x46f: {  	[tilespmem:s3+$0x9010] =	vst.add.f32.msk $0xffff, v3  }
0x470: {  	[tilespmem:s5+$0x9010] =	vst.add.f32.msk $0xffff, v3  }
0x471: {  	v3 =	vld [tilespmem:s3+$0x1020]  }
0x472: {  	s22 =	sor.u32 $0xD030, s19  }
0x473: {  	s24 =	sor.u32 $0x15030, s19;
	[tilespmem:s22+$0x0] =	vst.add.f32.msk $0xffff, v4  }
0x474: {  	[tilespmem:s24+$0x0] =	vst.add.f32.msk $0xffff, v4  }
0x475: {  	v4 =	vld [tilespmem:s19+$0x5040]  }
0x476: {  	[tilespmem:s3+$0x9020] =	vst.add.f32.msk $0xffff, v3  }
0x477: {  	[tilespmem:s5+$0x9020] =	vst.add.f32.msk $0xffff, v3  }
0x478: {  	v3 =	vld [tilespmem:s3+$0x1030]  }
0x479: {  	s25 =	sor.u32 $0xD040, s19  }
0x47a: {  	s26 =	sor.u32 $0x15040, s19;
	[tilespmem:s25+$0x0] =	vst.add.f32.msk $0xffff, v4  }
0x47b: {  	[tilespmem:s26+$0x0] =	vst.add.f32.msk $0xffff, v4  }
0x47c: {  	v4 =	vld [tilespmem:s19+$0x5050]  }
0x47d: {  	[tilespmem:s3+$0x9030] =	vst.add.f32.msk $0xffff, v3  }
0x47e: {  	[tilespmem:s5+$0x9030] =	vst.add.f32.msk $0xffff, v3  }
0x47f: {  	v3 =	vld [tilespmem:s3+$0x1040]  }
0x480: {  	s21 =	sor.u32 $0xD050, s19  }
0x481: {  	s22 =	sor.u32 $0x15050, s19;
	[tilespmem:s21+$0x0] =	vst.add.f32.msk $0xffff, v4  }
0x482: {  	[tilespmem:s22+$0x0] =	vst.add.f32.msk $0xffff, v4  }
0x483: {  	v4 =	vld [tilespmem:s19+$0x5060]  }
0x484: {  	[tilespmem:s3+$0x9040] =	vst.add.f32.msk $0xffff, v3  }
0x485: {  	[tilespmem:s5+$0x9040] =	vst.add.f32.msk $0xffff, v3  }
0x486: {  	v3 =	vld [tilespmem:s3+$0x1050]  }
0x487: {  	s24 =	sor.u32 $0xD060, s19  }
0x488: {  	s25 =	sor.u32 $0x15060, s19;
	[tilespmem:s24+$0x0] =	vst.add.f32.msk $0xffff, v4  }
0x489: {  	[tilespmem:s25+$0x0] =	vst.add.f32.msk $0xffff, v4  }
0x48a: {  	v4 =	vld [tilespmem:s19+$0x5070]  }
0x48b: {  	[tilespmem:s3+$0x9050] =	vst.add.f32.msk $0xffff, v3  }
0x48c: {  	[tilespmem:s5+$0x9050] =	vst.add.f32.msk $0xffff, v3  }
0x48d: {  	v3 =	vld [tilespmem:s3+$0x1060]  }
0x48e: {  	s26 =	sand.u32 $0xFFFFE000, s17;
	s21 =	sor.u32 $0xD070, s19  }
0x48f: {  	s22 =	sor.u32 $0x15070, s19;
	[tilespmem:s21+$0x0] =	vst.add.f32.msk $0xffff, v4;
	s21 =	sadd.s32 $0x80, s26  }
0x490: {  	[tilespmem:s22+$0x0] =	vst.add.f32.msk $0xffff, v4;
	s22 =	sor.u32 $0x4400, s21  }
0x491: {  	v4 =	vld [tilespmem:s22+$0x1000]  }
0x492: {  	[tilespmem:s3+$0x9060] =	vst.add.f32.msk $0xffff, v3  }
0x493: {  	[tilespmem:s5+$0x9060] =	vst.add.f32.msk $0xffff, v3  }
0x494: {  	v3 =	vld [tilespmem:s3+$0x1070];
	_ =	sdelay $0x1  }
0x495: {  	s30 =	sor.u32 $0xC400, s21;
	[tilespmem:s22+$0x9000] =	vst.add.f32.msk $0xffff, v4  }
0x496: {  	[tilespmem:s30+$0x9000] =	vst.add.f32.msk $0xffff, v4  }
0x497: {  	v4 =	vld [tilespmem:s22+$0x1010]  }
0x498: {  	[tilespmem:s3+$0x9070] =	vst.add.f32.msk $0xffff, v3  }
0x499: {  	[tilespmem:s5+$0x9070] =	vst.add.f32.msk $0xffff, v3  }
0x49a: {  	v3 =	vld [tilespmem:s12+$0x6000]  }
0x49b: {  	v5 =	vld [tilespmem:s12+$0x6010]  }
0x49c: {  	v6 =	vld [tilespmem:s12+$0x6020]  }
0x49d: {  	v7 =	vld [tilespmem:s12+$0x6030]  }
0x49e: {  	v8 =	vld [tilespmem:s12+$0x6040]  }
0x49f: {  	v9 =	vld [tilespmem:s12+$0x6050]  }
0x4a0: {  	v10 =	vld [tilespmem:s12+$0x6060]  }
0x4a1: {  	v11 =	vld [tilespmem:s12+$0x6070]  }
0x4a2: {  	[tilespmem:s12+$0xE000] =	vst.add.f32.msk $0xffff, v3  }
0x4a3: {  	[tilespmem:s12+$0x16000] =	vst.add.f32.msk $0xffff, v3  }
0x4a4: {  	[tilespmem:s12+$0xE010] =	vst.add.f32.msk $0xffff, v5  }
0x4a5: {  	[tilespmem:s12+$0x16010] =	vst.add.f32.msk $0xffff, v5  }
0x4a6: {  	[tilespmem:s12+$0xE020] =	vst.add.f32.msk $0xffff, v6  }
0x4a7: {  	[tilespmem:s12+$0x16020] =	vst.add.f32.msk $0xffff, v6  }
0x4a8: {  	[tilespmem:s12+$0xE030] =	vst.add.f32.msk $0xffff, v7  }
0x4a9: {  	[tilespmem:s12+$0x16030] =	vst.add.f32.msk $0xffff, v7  }
0x4aa: {  	[tilespmem:s12+$0xE040] =	vst.add.f32.msk $0xffff, v8  }
0x4ab: {  	[tilespmem:s12+$0x16040] =	vst.add.f32.msk $0xffff, v8  }
0x4ac: {  	[tilespmem:s12+$0xE050] =	vst.add.f32.msk $0xffff, v9  }
0x4ad: {  	[tilespmem:s12+$0x16050] =	vst.add.f32.msk $0xffff, v9  }
0x4ae: {  	[tilespmem:s12+$0xE060] =	vst.add.f32.msk $0xffff, v10  }
0x4af: {  	[tilespmem:s12+$0x16060] =	vst.add.f32.msk $0xffff, v10  }
0x4b0: {  	[tilespmem:s12+$0xE070] =	vst.add.f32.msk $0xffff, v11  }
0x4b1: {  	s26 =	sor.u32 $0x5400, s14;
	[tilespmem:s12+$0x16070] =	vst.add.f32.msk $0xffff, v11  }
0x4b2: {  	v3 =	vld [tilespmem:s26+$0x1000];
	_ =	sdelay $0x1  }
0x4b3: {  	[tilespmem:s22+$0x9010] =	vst.add.f32.msk $0xffff, v4  }
0x4b4: {  	[tilespmem:s30+$0x9010] =	vst.add.f32.msk $0xffff, v4  }
0x4b5: {  	v4 =	vld [tilespmem:s22+$0x1020]  }
0x4b6: {  	s14 =	sor.u32 $0xD400, s14;
	[tilespmem:s26+$0x9000] =	vst.add.f32.msk $0xffff, v3  }
0x4b7: {  	[tilespmem:s14+$0x9000] =	vst.add.f32.msk $0xffff, v3  }
0x4b8: {  	v3 =	vld [tilespmem:s26+$0x1010];
	_ =	sdelay $0x1  }
0x4b9: {  	[tilespmem:s22+$0x9020] =	vst.add.f32.msk $0xffff, v4  }
0x4ba: {  	[tilespmem:s30+$0x9020] =	vst.add.f32.msk $0xffff, v4  }
0x4bb: {  	v4 =	vld [tilespmem:s22+$0x1030]  }
0x4bc: {  	[tilespmem:s26+$0x9010] =	vst.add.f32.msk $0xffff, v3  }
0x4bd: {  	[tilespmem:s14+$0x9010] =	vst.add.f32.msk $0xffff, v3  }
0x4be: {  	v3 =	vld [tilespmem:s26+$0x1020];
	_ =	sdelay $0x1  }
0x4bf: {  	[tilespmem:s22+$0x9030] =	vst.add.f32.msk $0xffff, v4  }
0x4c0: {  	[tilespmem:s30+$0x9030] =	vst.add.f32.msk $0xffff, v4  }
0x4c1: {  	v4 =	vld [tilespmem:s22+$0x1040]  }
0x4c2: {  	[tilespmem:s26+$0x9020] =	vst.add.f32.msk $0xffff, v3  }
0x4c3: {  	[tilespmem:s14+$0x9020] =	vst.add.f32.msk $0xffff, v3  }
0x4c4: {  	v3 =	vld [tilespmem:s26+$0x1030];
	_ =	sdelay $0x1  }
0x4c5: {  	[tilespmem:s22+$0x9040] =	vst.add.f32.msk $0xffff, v4  }
0x4c6: {  	[tilespmem:s30+$0x9040] =	vst.add.f32.msk $0xffff, v4  }
0x4c7: {  	v4 =	vld [tilespmem:s22+$0x1050]  }
0x4c8: {  	[tilespmem:s26+$0x9030] =	vst.add.f32.msk $0xffff, v3  }
0x4c9: {  	[tilespmem:s14+$0x9030] =	vst.add.f32.msk $0xffff, v3  }
0x4ca: {  	v3 =	vld [tilespmem:s26+$0x1040];
	_ =	sdelay $0x1  }
0x4cb: {  	[tilespmem:s22+$0x9050] =	vst.add.f32.msk $0xffff, v4  }
0x4cc: {  	[tilespmem:s30+$0x9050] =	vst.add.f32.msk $0xffff, v4  }
0x4cd: {  	v4 =	vld [tilespmem:s22+$0x1060]  }
0x4ce: {  	[tilespmem:s26+$0x9040] =	vst.add.f32.msk $0xffff, v3  }
0x4cf: {  	[tilespmem:s14+$0x9040] =	vst.add.f32.msk $0xffff, v3  }
0x4d0: {  	v3 =	vld [tilespmem:s26+$0x1050];
	_ =	sdelay $0x1  }
0x4d1: {  	[tilespmem:s22+$0x9060] =	vst.add.f32.msk $0xffff, v4  }
0x4d2: {  	[tilespmem:s30+$0x9060] =	vst.add.f32.msk $0xffff, v4  }
0x4d3: {  	s20 =	simm.s32 $0x80;
	s24 =	simm.s32 $0x0;
	s25 =	simm.s32 $0x800;
	v4 =	vld [tilespmem:s22+$0x1070]  }
.LBB2_7:
0x4d4: {  	p0 =	sne.s32 s25, $0x3C00;
	[tilespmem:s26+$0x9050] =	vst.add.f32.msk $0xffff, v3  }
0x4d5: {  	[tilespmem:s14+$0x9050] =	vst.add.f32.msk $0xffff, v3  }
0x4d6: {  	v3 =	vld [tilespmem:s26+$0x1060];
	_ =	sdelay $0x1  }
0x4d7: {  	[tilespmem:s22+$0x9070] =	vst.add.f32.msk $0xffff, v4  }
0x4d8: {  	[tilespmem:s30+$0x9070] =	vst.add.f32.msk $0xffff, v4  }
0x4d9: {  	v4 =	vld [tilespmem:s19+$0x5800]  }
0x4da: {  	s23 =	sadd.s32 $0x80, s23;
	[tilespmem:s26+$0x9060] =	vst.add.f32.msk $0xffff, v3  }
0x4db: {  	s3 =	sand.u32 $0x2000, s25;
	s5 =	sand.u32 $0x380, s23;
	[tilespmem:s14+$0x9060] =	vst.add.f32.msk $0xffff, v3  }
0x4dc: {  	s3 =	sor.u32 s5, s3;
	v3 =	vld [tilespmem:s26+$0x1070]  }
0x4dd: {  	s5 =	sor.u32 $0xD800, s19;
	v5 =	vld [tilespmem:s3+$0x5000]  }
0x4de: {  	[tilespmem:s5+$0x0] =	vst.add.f32.msk $0xffff, v4;
	s5 =	sor.u32 $0x15800, s19  }
0x4df: {  	[tilespmem:s5+$0x0] =	vst.add.f32.msk $0xffff, v4  }
0x4e0: {  	v4 =	vld [tilespmem:s19+$0x5810]  }
0x4e1: {  	[tilespmem:s26+$0x9070] =	vst.add.f32.msk $0xffff, v3  }
0x4e2: {  	[tilespmem:s14+$0x9070] =	vst.add.f32.msk $0xffff, v3  }
0x4e3: {  	v3 =	vld [tilespmem:s12+$0x6800]  }
0x4e4: {  	v6 =	vld [tilespmem:s12+$0x6810]  }
0x4e5: {  	v7 =	vld [tilespmem:s12+$0x6820]  }
0x4e6: {  	v8 =	vld [tilespmem:s12+$0x6830]  }
0x4e7: {  	v9 =	vld [tilespmem:s12+$0x6840]  }
0x4e8: {  	v10 =	vld [tilespmem:s12+$0x6850]  }
0x4e9: {  	v11 =	vld [tilespmem:s12+$0x6860]  }
0x4ea: {  	v12 =	vld [tilespmem:s12+$0x6870]  }
0x4eb: {  	[tilespmem:s12+$0xE800] =	vst.add.f32.msk $0xffff, v3  }
0x4ec: {  	[tilespmem:s12+$0x16800] =	vst.add.f32.msk $0xffff, v3  }
0x4ed: {  	[tilespmem:s12+$0xE810] =	vst.add.f32.msk $0xffff, v6  }
0x4ee: {  	[tilespmem:s12+$0x16810] =	vst.add.f32.msk $0xffff, v6  }
0x4ef: {  	[tilespmem:s12+$0xE820] =	vst.add.f32.msk $0xffff, v7  }
0x4f0: {  	[tilespmem:s12+$0x16820] =	vst.add.f32.msk $0xffff, v7  }
0x4f1: {  	[tilespmem:s12+$0xE830] =	vst.add.f32.msk $0xffff, v8  }
0x4f2: {  	[tilespmem:s12+$0x16830] =	vst.add.f32.msk $0xffff, v8  }
0x4f3: {  	[tilespmem:s12+$0xE840] =	vst.add.f32.msk $0xffff, v9  }
0x4f4: {  	[tilespmem:s12+$0x16840] =	vst.add.f32.msk $0xffff, v9  }
0x4f5: {  	[tilespmem:s12+$0xE850] =	vst.add.f32.msk $0xffff, v10  }
0x4f6: {  	[tilespmem:s12+$0x16850] =	vst.add.f32.msk $0xffff, v10  }
0x4f7: {  	[tilespmem:s12+$0xE860] =	vst.add.f32.msk $0xffff, v11  }
0x4f8: {  	[tilespmem:s12+$0x16860] =	vst.add.f32.msk $0xffff, v11  }
0x4f9: {  	s5 =	sor.u32 s24, s16;
	s24 =	smov.u32 s20;
	s20 =	smov.u32 s23;
	[tilespmem:s12+$0xE870] =	vst.add.f32.msk $0xffff, v12  }
0x4fa: {  	s14 =	sor.u32 $0x5C00, s5;
	[tilespmem:s12+$0x16870] =	vst.add.f32.msk $0xffff, v12;
	s12 =	smov.u32 s19;
	s19 =	smov.u32 s3  }
0x4fb: {  	s16 =	smov.u32 s17;
	s17 =	smov.u32 s25;
	s3 =	sor.u32 $0xD810, s12;
	v3 =	vld [tilespmem:s14+$0x1000]  }
0x4fc: {  	[tilespmem:s3+$0x0] =	vst.add.f32.msk $0xffff, v4;
	s3 =	sor.u32 $0x15810, s12  }
0x4fd: {  	[tilespmem:s3+$0x0] =	vst.add.f32.msk $0xffff, v4  }
0x4fe: {  	s3 =	sor.u32 $0xD000, s19;
	v4 =	vld [tilespmem:s12+$0x5820]  }
0x4ff: {  	[tilespmem:s3+$0x0] =	vst.add.f32.msk $0xffff, v5  }
0x500: {  	s22 =	sor.u32 $0xDC00, s5;
	[tilespmem:s14+$0x9000] =	vst.add.f32.msk $0xffff, v3  }
0x501: {  	[tilespmem:s22+$0x9000] =	vst.add.f32.msk $0xffff, v3  }
0x502: {  	s3 =	sor.u32 $0xD820, s12;
	v3 =	vld [tilespmem:s14+$0x1010]  }
0x503: {  	[tilespmem:s3+$0x0] =	vst.add.f32.msk $0xffff, v4;
	s3 =	sor.u32 $0x15820, s12  }
0x504: {  	[tilespmem:s3+$0x0] =	vst.add.f32.msk $0xffff, v4  }
0x505: {  	s3 =	sor.u32 $0x15000, s19;
	v4 =	vld [tilespmem:s12+$0x5830]  }
0x506: {  	[tilespmem:s3+$0x0] =	vst.add.f32.msk $0xffff, v5  }
0x507: {  	[tilespmem:s14+$0x9010] =	vst.add.f32.msk $0xffff, v3  }
0x508: {  	[tilespmem:s22+$0x9010] =	vst.add.f32.msk $0xffff, v3  }
0x509: {  	s3 =	sor.u32 $0xD830, s12;
	v3 =	vld [tilespmem:s14+$0x1020]  }
0x50a: {  	[tilespmem:s3+$0x0] =	vst.add.f32.msk $0xffff, v4;
	s3 =	sor.u32 $0x15830, s12  }
0x50b: {  	[tilespmem:s3+$0x0] =	vst.add.f32.msk $0xffff, v4  }
0x50c: {  	v4 =	vld [tilespmem:s12+$0x5840]  }
0x50d: {  	v5 =	vld [tilespmem:s19+$0x5010]  }
0x50e: {  	[tilespmem:s14+$0x9020] =	vst.add.f32.msk $0xffff, v3  }
0x50f: {  	[tilespmem:s22+$0x9020] =	vst.add.f32.msk $0xffff, v3  }
0x510: {  	s3 =	sor.u32 $0xD840, s12;
	v3 =	vld [tilespmem:s14+$0x1030]  }
0x511: {  	[tilespmem:s3+$0x0] =	vst.add.f32.msk $0xffff, v4;
	s3 =	sor.u32 $0x15840, s12  }
0x512: {  	[tilespmem:s3+$0x0] =	vst.add.f32.msk $0xffff, v4  }
0x513: {  	s3 =	sor.u32 $0xD010, s19;
	v4 =	vld [tilespmem:s12+$0x5850]  }
0x514: {  	[tilespmem:s3+$0x0] =	vst.add.f32.msk $0xffff, v5  }
0x515: {  	[tilespmem:s14+$0x9030] =	vst.add.f32.msk $0xffff, v3  }
0x516: {  	[tilespmem:s22+$0x9030] =	vst.add.f32.msk $0xffff, v3  }
0x517: {  	s3 =	sor.u32 $0xD850, s12;
	v3 =	vld [tilespmem:s14+$0x1040]  }
0x518: {  	[tilespmem:s3+$0x0] =	vst.add.f32.msk $0xffff, v4;
	s3 =	sor.u32 $0x15850, s12  }
0x519: {  	[tilespmem:s3+$0x0] =	vst.add.f32.msk $0xffff, v4  }
0x51a: {  	s3 =	sor.u32 $0x15010, s19;
	v4 =	vld [tilespmem:s12+$0x5860]  }
0x51b: {  	[tilespmem:s3+$0x0] =	vst.add.f32.msk $0xffff, v5  }
0x51c: {  	[tilespmem:s14+$0x9040] =	vst.add.f32.msk $0xffff, v3  }
0x51d: {  	[tilespmem:s22+$0x9040] =	vst.add.f32.msk $0xffff, v3  }
0x51e: {  	s3 =	sor.u32 $0xD860, s12;
	v3 =	vld [tilespmem:s14+$0x1050]  }
0x51f: {  	[tilespmem:s3+$0x0] =	vst.add.f32.msk $0xffff, v4;
	s3 =	sor.u32 $0x15860, s12  }
0x520: {  	[tilespmem:s3+$0x0] =	vst.add.f32.msk $0xffff, v4  }
0x521: {  	v4 =	vld [tilespmem:s12+$0x5870]  }
0x522: {  	v5 =	vld [tilespmem:s19+$0x5020]  }
0x523: {  	[tilespmem:s14+$0x9050] =	vst.add.f32.msk $0xffff, v3  }
0x524: {  	[tilespmem:s22+$0x9050] =	vst.add.f32.msk $0xffff, v3  }
0x525: {  	s3 =	sor.u32 $0xD870, s12;
	v3 =	vld [tilespmem:s14+$0x1060]  }
0x526: {  	[tilespmem:s3+$0x0] =	vst.add.f32.msk $0xffff, v4;
	s3 =	sor.u32 $0x15870, s12  }
0x527: {  	s26 =	sor.u32 $0x4C00, s21;
	[tilespmem:s3+$0x0] =	vst.add.f32.msk $0xffff, v4  }
0x528: {  	s3 =	sor.u32 $0xD020, s19;
	v4 =	vld [tilespmem:s26+$0x1000]  }
0x529: {  	[tilespmem:s3+$0x0] =	vst.add.f32.msk $0xffff, v5  }
0x52a: {  	[tilespmem:s14+$0x9060] =	vst.add.f32.msk $0xffff, v3  }
0x52b: {  	[tilespmem:s22+$0x9060] =	vst.add.f32.msk $0xffff, v3  }
0x52c: {  	v3 =	vld [tilespmem:s14+$0x1070]  }
0x52d: {  	s5 =	sor.u32 $0xCC00, s21;
	[tilespmem:s26+$0x9000] =	vst.add.f32.msk $0xffff, v4  }
0x52e: {  	[tilespmem:s5+$0x9000] =	vst.add.f32.msk $0xffff, v4  }
0x52f: {  	s3 =	sor.u32 $0x15020, s19;
	v4 =	vld [tilespmem:s26+$0x1010]  }
0x530: {  	[tilespmem:s3+$0x0] =	vst.add.f32.msk $0xffff, v5  }
0x531: {  	[tilespmem:s14+$0x9070] =	vst.add.f32.msk $0xffff, v3  }
0x532: {  	[tilespmem:s22+$0x9070] =	vst.add.f32.msk $0xffff, v3  }
0x533: {  	v3 =	vld [tilespmem:s19+$0x5030]  }
0x534: {  	[tilespmem:s26+$0x9010] =	vst.add.f32.msk $0xffff, v4  }
0x535: {  	[tilespmem:s5+$0x9010] =	vst.add.f32.msk $0xffff, v4  }
0x536: {  	v4 =	vld [tilespmem:s26+$0x1020]  }
0x537: {  	s3 =	sor.u32 $0xD030, s19  }
0x538: {  	[tilespmem:s3+$0x0] =	vst.add.f32.msk $0xffff, v3;
	s3 =	sor.u32 $0x15030, s19  }
0x539: {  	[tilespmem:s3+$0x0] =	vst.add.f32.msk $0xffff, v3  }
0x53a: {  	v3 =	vld [tilespmem:s19+$0x5040]  }
0x53b: {  	[tilespmem:s26+$0x9020] =	vst.add.f32.msk $0xffff, v4  }
0x53c: {  	[tilespmem:s5+$0x9020] =	vst.add.f32.msk $0xffff, v4  }
0x53d: {  	v4 =	vld [tilespmem:s26+$0x1030]  }
0x53e: {  	s3 =	sor.u32 $0xD040, s19  }
0x53f: {  	[tilespmem:s3+$0x0] =	vst.add.f32.msk $0xffff, v3;
	s3 =	sor.u32 $0x15040, s19  }
0x540: {  	[tilespmem:s3+$0x0] =	vst.add.f32.msk $0xffff, v3  }
0x541: {  	v3 =	vld [tilespmem:s19+$0x5050]  }
0x542: {  	[tilespmem:s26+$0x9030] =	vst.add.f32.msk $0xffff, v4  }
0x543: {  	[tilespmem:s5+$0x9030] =	vst.add.f32.msk $0xffff, v4  }
0x544: {  	v4 =	vld [tilespmem:s26+$0x1040]  }
0x545: {  	s3 =	sor.u32 $0xD050, s19  }
0x546: {  	[tilespmem:s3+$0x0] =	vst.add.f32.msk $0xffff, v3;
	s3 =	sor.u32 $0x15050, s19  }
0x547: {  	[tilespmem:s3+$0x0] =	vst.add.f32.msk $0xffff, v3  }
0x548: {  	v3 =	vld [tilespmem:s19+$0x5060]  }
0x549: {  	[tilespmem:s26+$0x9040] =	vst.add.f32.msk $0xffff, v4  }
0x54a: {  	[tilespmem:s5+$0x9040] =	vst.add.f32.msk $0xffff, v4  }
0x54b: {  	v4 =	vld [tilespmem:s26+$0x1050]  }
0x54c: {  	s3 =	sor.u32 $0xD060, s19  }
0x54d: {  	[tilespmem:s3+$0x0] =	vst.add.f32.msk $0xffff, v3;
	s3 =	sor.u32 $0x15060, s19  }
0x54e: {  	[tilespmem:s3+$0x0] =	vst.add.f32.msk $0xffff, v3  }
0x54f: {  	v3 =	vld [tilespmem:s19+$0x5070]  }
0x550: {  	[tilespmem:s26+$0x9050] =	vst.add.f32.msk $0xffff, v4  }
0x551: {  	[tilespmem:s5+$0x9050] =	vst.add.f32.msk $0xffff, v4  }
0x552: {  	v4 =	vld [tilespmem:s26+$0x1060]  }
0x553: {  	s14 =	sor.u32 $0xD070, s19;
	s3 =	sand.u32 $0xFFFFE000, s25  }
0x554: {  	s3 =	sadd.s32 s3, s23;
	[tilespmem:s14+$0x0] =	vst.add.f32.msk $0xffff, v3;
	s14 =	sor.u32 $0x15070, s19  }
0x555: {  	s22 =	sor.u32 $0x4400, s3;
	[tilespmem:s14+$0x0] =	vst.add.f32.msk $0xffff, v3  }
0x556: {  	v3 =	vld [tilespmem:s22+$0x1000]  }
0x557: {  	[tilespmem:s26+$0x9060] =	vst.add.f32.msk $0xffff, v4  }
0x558: {  	[tilespmem:s5+$0x9060] =	vst.add.f32.msk $0xffff, v4  }
0x559: {  	v4 =	vld [tilespmem:s26+$0x1070];
	_ =	sdelay $0x1  }
0x55a: {  	s30 =	sor.u32 $0xC400, s3;
	[tilespmem:s22+$0x9000] =	vst.add.f32.msk $0xffff, v3  }
0x55b: {  	[tilespmem:s30+$0x9000] =	vst.add.f32.msk $0xffff, v3  }
0x55c: {  	v3 =	vld [tilespmem:s22+$0x1010]  }
0x55d: {  	[tilespmem:s26+$0x9070] =	vst.add.f32.msk $0xffff, v4  }
0x55e: {  	[tilespmem:s5+$0x9070] =	vst.add.f32.msk $0xffff, v4  }
0x55f: {  	v4 =	vld [tilespmem:s12+$0x6000]  }
0x560: {  	v5 =	vld [tilespmem:s12+$0x6010]  }
0x561: {  	v6 =	vld [tilespmem:s12+$0x6020]  }
0x562: {  	v7 =	vld [tilespmem:s12+$0x6030]  }
0x563: {  	v8 =	vld [tilespmem:s12+$0x6040]  }
0x564: {  	v9 =	vld [tilespmem:s12+$0x6050]  }
0x565: {  	v10 =	vld [tilespmem:s12+$0x6060]  }
0x566: {  	v11 =	vld [tilespmem:s12+$0x6070]  }
0x567: {  	[tilespmem:s12+$0xE000] =	vst.add.f32.msk $0xffff, v4  }
0x568: {  	[tilespmem:s12+$0x16000] =	vst.add.f32.msk $0xffff, v4  }
0x569: {  	[tilespmem:s12+$0xE010] =	vst.add.f32.msk $0xffff, v5  }
0x56a: {  	[tilespmem:s12+$0x16010] =	vst.add.f32.msk $0xffff, v5  }
0x56b: {  	[tilespmem:s12+$0xE020] =	vst.add.f32.msk $0xffff, v6  }
0x56c: {  	[tilespmem:s12+$0x16020] =	vst.add.f32.msk $0xffff, v6  }
0x56d: {  	[tilespmem:s12+$0xE030] =	vst.add.f32.msk $0xffff, v7  }
0x56e: {  	[tilespmem:s12+$0x16030] =	vst.add.f32.msk $0xffff, v7  }
0x56f: {  	[tilespmem:s12+$0xE040] =	vst.add.f32.msk $0xffff, v8  }
0x570: {  	[tilespmem:s12+$0x16040] =	vst.add.f32.msk $0xffff, v8  }
0x571: {  	[tilespmem:s12+$0xE050] =	vst.add.f32.msk $0xffff, v9  }
0x572: {  	[tilespmem:s12+$0x16050] =	vst.add.f32.msk $0xffff, v9  }
0x573: {  	[tilespmem:s12+$0xE060] =	vst.add.f32.msk $0xffff, v10  }
0x574: {  	[tilespmem:s12+$0x16060] =	vst.add.f32.msk $0xffff, v10  }
0x575: {  	[tilespmem:s12+$0xE070] =	vst.add.f32.msk $0xffff, v11  }
0x576: {  	s26 =	sor.u32 $0x5400, s21;
	[tilespmem:s12+$0x16070] =	vst.add.f32.msk $0xffff, v11  }
0x577: {  	v4 =	vld [tilespmem:s26+$0x1000];
	_ =	sdelay $0x1  }
0x578: {  	[tilespmem:s22+$0x9010] =	vst.add.f32.msk $0xffff, v3  }
0x579: {  	[tilespmem:s30+$0x9010] =	vst.add.f32.msk $0xffff, v3  }
0x57a: {  	v3 =	vld [tilespmem:s22+$0x1020]  }
0x57b: {  	s14 =	sor.u32 $0xD400, s21;
	s21 =	smov.u32 s3;
	[tilespmem:s26+$0x9000] =	vst.add.f32.msk $0xffff, v4  }
0x57c: {  	[tilespmem:s14+$0x9000] =	vst.add.f32.msk $0xffff, v4  }
0x57d: {  	v4 =	vld [tilespmem:s26+$0x1010];
	_ =	sdelay $0x1  }
0x57e: {  	[tilespmem:s22+$0x9020] =	vst.add.f32.msk $0xffff, v3  }
0x57f: {  	[tilespmem:s30+$0x9020] =	vst.add.f32.msk $0xffff, v3  }
0x580: {  	v3 =	vld [tilespmem:s22+$0x1030]  }
0x581: {  	[tilespmem:s26+$0x9010] =	vst.add.f32.msk $0xffff, v4  }
0x582: {  	[tilespmem:s14+$0x9010] =	vst.add.f32.msk $0xffff, v4  }
0x583: {  	v4 =	vld [tilespmem:s26+$0x1020];
	_ =	sdelay $0x1  }
0x584: {  	[tilespmem:s22+$0x9030] =	vst.add.f32.msk $0xffff, v3  }
0x585: {  	[tilespmem:s30+$0x9030] =	vst.add.f32.msk $0xffff, v3  }
0x586: {  	v3 =	vld [tilespmem:s22+$0x1040]  }
0x587: {  	[tilespmem:s26+$0x9020] =	vst.add.f32.msk $0xffff, v4  }
0x588: {  	[tilespmem:s14+$0x9020] =	vst.add.f32.msk $0xffff, v4  }
0x589: {  	v4 =	vld [tilespmem:s26+$0x1030];
	_ =	sdelay $0x1  }
0x58a: {  	[tilespmem:s22+$0x9040] =	vst.add.f32.msk $0xffff, v3  }
0x58b: {  	[tilespmem:s30+$0x9040] =	vst.add.f32.msk $0xffff, v3  }
0x58c: {  	v3 =	vld [tilespmem:s22+$0x1050]  }
0x58d: {  	[tilespmem:s26+$0x9030] =	vst.add.f32.msk $0xffff, v4  }
0x58e: {  	[tilespmem:s14+$0x9030] =	vst.add.f32.msk $0xffff, v4  }
0x58f: {  	v4 =	vld [tilespmem:s26+$0x1040];
	_ =	sdelay $0x1  }
0x590: {  	[tilespmem:s22+$0x9050] =	vst.add.f32.msk $0xffff, v3  }
0x591: {  	[tilespmem:s30+$0x9050] =	vst.add.f32.msk $0xffff, v3  }
0x592: {  	v5 =	vld [tilespmem:s22+$0x1060]  }
0x593: {  	[tilespmem:s26+$0x9040] =	vst.add.f32.msk $0xffff, v4  }
0x594: {  	[tilespmem:s14+$0x9040] =	vst.add.f32.msk $0xffff, v4  }
.Ltmp2:
0x595: {  	v3 =	vld [tilespmem:s26+$0x1050];
	(pc) =	sbr.rel @p0 .LBB2_7-.Ltmp2, $4  }
0x596: {  	_ = 	snop  }
0x597: {  	[tilespmem:s22+$0x9060] =	vst.add.f32.msk $0xffff, v5  }
0x598: {  	[tilespmem:s30+$0x9060] =	vst.add.f32.msk $0xffff, v5  }
0x599: {  	s25 =	sadd.s32 $0x400, s25;
	v4 =	vld [tilespmem:s22+$0x1070]  }
0x59a: {  	_ =	sdelay $0x3  }
0x59b: {  	[tilespmem:s22+$0x9070] =	vst.add.f32.msk $0xffff, v4  }
0x59c: {  	[tilespmem:s30+$0x9070] =	vst.add.f32.msk $0xffff, v4  }
0x59d: {  	v4 =	vld [tilespmem:s19+$0x5800];
	_ =	sdelay $0x3  }
0x59e: {  	s3 =	sor.u32 $0xD800, s19  }
0x59f: {  	s25 =	sor.u32 $0x15800, s19;
	[tilespmem:s3+$0x0] =	vst.add.f32.msk $0xffff, v4  }
0x5a0: {  	[tilespmem:s25+$0x0] =	vst.add.f32.msk $0xffff, v4  }
0x5a1: {  	v4 =	vld [tilespmem:s19+$0x5810];
	_ =	sdelay $0x3  }
0x5a2: {  	s30 =	sor.u32 $0xD810, s19  }
0x5a3: {  	s5 =	sor.u32 $0x15810, s19;
	[tilespmem:s30+$0x0] =	vst.add.f32.msk $0xffff, v4  }
0x5a4: {  	[tilespmem:s5+$0x0] =	vst.add.f32.msk $0xffff, v4  }
0x5a5: {  	v4 =	vld [tilespmem:s19+$0x5820];
	_ =	sdelay $0x3  }
0x5a6: {  	s22 =	sor.u32 $0xD820, s19  }
0x5a7: {  	s23 =	sor.u32 $0x15820, s19;
	[tilespmem:s22+$0x0] =	vst.add.f32.msk $0xffff, v4  }
0x5a8: {  	[tilespmem:s23+$0x0] =	vst.add.f32.msk $0xffff, v4  }
0x5a9: {  	v4 =	vld [tilespmem:s19+$0x5830];
	_ =	sdelay $0x3  }
0x5aa: {  	s25 =	sor.u32 $0xD830, s19  }
0x5ab: {  	s30 =	sor.u32 $0x15830, s19;
	[tilespmem:s25+$0x0] =	vst.add.f32.msk $0xffff, v4  }
0x5ac: {  	[tilespmem:s30+$0x0] =	vst.add.f32.msk $0xffff, v4  }
0x5ad: {  	v4 =	vld [tilespmem:s19+$0x5840];
	_ =	sdelay $0x3  }
0x5ae: {  	s5 =	sor.u32 $0xD840, s19  }
0x5af: {  	s22 =	sor.u32 $0x15840, s19;
	[tilespmem:s5+$0x0] =	vst.add.f32.msk $0xffff, v4  }
0x5b0: {  	[tilespmem:s22+$0x0] =	vst.add.f32.msk $0xffff, v4  }
0x5b1: {  	v4 =	vld [tilespmem:s19+$0x5850];
	_ =	sdelay $0x3  }
0x5b2: {  	s23 =	sor.u32 $0xD850, s19  }
0x5b3: {  	s25 =	sor.u32 $0x15850, s19;
	[tilespmem:s23+$0x0] =	vst.add.f32.msk $0xffff, v4  }
0x5b4: {  	[tilespmem:s25+$0x0] =	vst.add.f32.msk $0xffff, v4  }
0x5b5: {  	v4 =	vld [tilespmem:s19+$0x5860];
	_ =	sdelay $0x3  }
0x5b6: {  	s30 =	sor.u32 $0xD860, s19  }
0x5b7: {  	s5 =	sor.u32 $0x15860, s19;
	[tilespmem:s30+$0x0] =	vst.add.f32.msk $0xffff, v4  }
0x5b8: {  	[tilespmem:s5+$0x0] =	vst.add.f32.msk $0xffff, v4  }
0x5b9: {  	v4 =	vld [tilespmem:s19+$0x5870];
	_ =	sdelay $0x3  }
0x5ba: {  	s22 =	sor.u32 $0xD870, s19  }
0x5bb: {  	s23 =	sor.u32 $0x15870, s19;
	[tilespmem:s22+$0x0] =	vst.add.f32.msk $0xffff, v4  }
0x5bc: {  	s25 =	sor.u32 $0x4C00, s21;
	[tilespmem:s23+$0x0] =	vst.add.f32.msk $0xffff, v4  }
0x5bd: {  	v4 =	vld [tilespmem:s25+$0x1000];
	_ =	sdelay $0x4  }
0x5be: {  	s5 =	sor.u32 $0xCC00, s21;
	[tilespmem:s25+$0x9000] =	vst.add.f32.msk $0xffff, v4  }
0x5bf: {  	[tilespmem:s5+$0x9000] =	vst.add.f32.msk $0xffff, v4  }
0x5c0: {  	v4 =	vld [tilespmem:s25+$0x1010];
	_ =	sdelay $0x4  }
0x5c1: {  	[tilespmem:s25+$0x9010] =	vst.add.f32.msk $0xffff, v4  }
0x5c2: {  	[tilespmem:s5+$0x9010] =	vst.add.f32.msk $0xffff, v4  }
0x5c3: {  	v4 =	vld [tilespmem:s25+$0x1020];
	_ =	sdelay $0x4  }
0x5c4: {  	[tilespmem:s25+$0x9020] =	vst.add.f32.msk $0xffff, v4  }
0x5c5: {  	[tilespmem:s5+$0x9020] =	vst.add.f32.msk $0xffff, v4  }
0x5c6: {  	v4 =	vld [tilespmem:s25+$0x1030];
	_ =	sdelay $0x4  }
0x5c7: {  	[tilespmem:s25+$0x9030] =	vst.add.f32.msk $0xffff, v4  }
0x5c8: {  	[tilespmem:s5+$0x9030] =	vst.add.f32.msk $0xffff, v4  }
0x5c9: {  	v4 =	vld [tilespmem:s25+$0x1040];
	_ =	sdelay $0x4  }
0x5ca: {  	[tilespmem:s25+$0x9040] =	vst.add.f32.msk $0xffff, v4  }
0x5cb: {  	[tilespmem:s5+$0x9040] =	vst.add.f32.msk $0xffff, v4  }
0x5cc: {  	v4 =	vld [tilespmem:s25+$0x1050];
	_ =	sdelay $0x4  }
0x5cd: {  	[tilespmem:s25+$0x9050] =	vst.add.f32.msk $0xffff, v4  }
0x5ce: {  	[tilespmem:s5+$0x9050] =	vst.add.f32.msk $0xffff, v4  }
0x5cf: {  	v4 =	vld [tilespmem:s25+$0x1060];
	_ =	sdelay $0x4  }
0x5d0: {  	[tilespmem:s25+$0x9060] =	vst.add.f32.msk $0xffff, v4  }
0x5d1: {  	[tilespmem:s5+$0x9060] =	vst.add.f32.msk $0xffff, v4  }
0x5d2: {  	v4 =	vld [tilespmem:s25+$0x1070];
	_ =	sdelay $0x1  }
0x5d3: {  	[tilespmem:s26+$0x9050] =	vst.add.f32.msk $0xffff, v3  }
0x5d4: {  	[tilespmem:s14+$0x9050] =	vst.add.f32.msk $0xffff, v3  }
0x5d5: {  	v3 =	vld [tilespmem:s26+$0x1060]  }
0x5d6: {  	[tilespmem:s25+$0x9070] =	vst.add.f32.msk $0xffff, v4  }
0x5d7: {  	[tilespmem:s5+$0x9070] =	vst.add.f32.msk $0xffff, v4  }
0x5d8: {  	v4 =	vld [tilespmem:s19+$0x6000]  }
0x5d9: {  	v5 =	vld [tilespmem:s19+$0x6010]  }
0x5da: {  	v6 =	vld [tilespmem:s19+$0x6020]  }
0x5db: {  	v7 =	vld [tilespmem:s19+$0x6030]  }
0x5dc: {  	v8 =	vld [tilespmem:s19+$0x6040]  }
0x5dd: {  	v9 =	vld [tilespmem:s19+$0x6050]  }
0x5de: {  	v10 =	vld [tilespmem:s19+$0x6060]  }
0x5df: {  	v11 =	vld [tilespmem:s19+$0x6070]  }
0x5e0: {  	[tilespmem:s19+$0xE000] =	vst.add.f32.msk $0xffff, v4  }
0x5e1: {  	[tilespmem:s19+$0x16000] =	vst.add.f32.msk $0xffff, v4  }
0x5e2: {  	[tilespmem:s19+$0xE010] =	vst.add.f32.msk $0xffff, v5  }
0x5e3: {  	[tilespmem:s19+$0x16010] =	vst.add.f32.msk $0xffff, v5  }
0x5e4: {  	[tilespmem:s19+$0xE020] =	vst.add.f32.msk $0xffff, v6  }
0x5e5: {  	[tilespmem:s19+$0x16020] =	vst.add.f32.msk $0xffff, v6  }
0x5e6: {  	[tilespmem:s19+$0xE030] =	vst.add.f32.msk $0xffff, v7  }
0x5e7: {  	[tilespmem:s19+$0x16030] =	vst.add.f32.msk $0xffff, v7  }
0x5e8: {  	[tilespmem:s19+$0xE040] =	vst.add.f32.msk $0xffff, v8  }
0x5e9: {  	[tilespmem:s19+$0x16040] =	vst.add.f32.msk $0xffff, v8  }
0x5ea: {  	[tilespmem:s19+$0xE050] =	vst.add.f32.msk $0xffff, v9  }
0x5eb: {  	[tilespmem:s19+$0x16050] =	vst.add.f32.msk $0xffff, v9  }
0x5ec: {  	[tilespmem:s19+$0xE060] =	vst.add.f32.msk $0xffff, v10  }
0x5ed: {  	[tilespmem:s19+$0x16060] =	vst.add.f32.msk $0xffff, v10  }
0x5ee: {  	[tilespmem:s19+$0xE070] =	vst.add.f32.msk $0xffff, v11  }
0x5ef: {  	s30 =	sor.u32 $0x5400, s21;
	[tilespmem:s19+$0x16070] =	vst.add.f32.msk $0xffff, v11  }
0x5f0: {  	v4 =	vld [tilespmem:s30+$0x1000];
	_ =	sdelay $0x1  }
0x5f1: {  	[tilespmem:s26+$0x9060] =	vst.add.f32.msk $0xffff, v3  }
0x5f2: {  	[tilespmem:s14+$0x9060] =	vst.add.f32.msk $0xffff, v3  }
0x5f3: {  	v3 =	vld [tilespmem:s26+$0x1070]  }
0x5f4: {  	s3 =	sor.u32 $0xD400, s21;
	[tilespmem:s30+$0x9000] =	vst.add.f32.msk $0xffff, v4  }
0x5f5: {  	[tilespmem:s3+$0x9000] =	vst.add.f32.msk $0xffff, v4  }
0x5f6: {  	v4 =	vld [tilespmem:s30+$0x1010];
	_ =	sdelay $0x1  }
0x5f7: {  	[tilespmem:s26+$0x9070] =	vst.add.f32.msk $0xffff, v3  }
0x5f8: {  	[tilespmem:s14+$0x9070] =	vst.add.f32.msk $0xffff, v3  }
0x5f9: {  	v3 =	vld [tilespmem:s12+$0x6800]  }
0x5fa: {  	[tilespmem:s30+$0x9010] =	vst.add.f32.msk $0xffff, v4  }
0x5fb: {  	[tilespmem:s3+$0x9010] =	vst.add.f32.msk $0xffff, v4  }
0x5fc: {  	v4 =	vld [tilespmem:s30+$0x1020]  }
0x5fd: {  	v49 =	vld [tilespmem:s12+$0x6810]  }
0x5fe: {  	v50 =	vld [tilespmem:s12+$0x6820]  }
0x5ff: {  	v51 =	vld [tilespmem:s12+$0x6830]  }
0x600: {  	v52 =	vld [tilespmem:s12+$0x6840]  }
0x601: {  	[tilespmem:s30+$0x9020] =	vst.add.f32.msk $0xffff, v4  }
0x602: {  	[tilespmem:s3+$0x9020] =	vst.add.f32.msk $0xffff, v4  }
0x603: {  	v4 =	vld [tilespmem:s30+$0x1030]  }
0x604: {  	v53 =	vld [tilespmem:s12+$0x6850]  }
0x605: {  	v54 =	vld [tilespmem:s12+$0x6860]  }
0x606: {  	v55 =	vld [tilespmem:s12+$0x6870]  }
0x607: {  	[tilespmem:s12+$0xE800] =	vst.add.f32.msk $0xffff, v3  }
0x608: {  	[tilespmem:s30+$0x9030] =	vst.add.f32.msk $0xffff, v4  }
0x609: {  	[tilespmem:s3+$0x9030] =	vst.add.f32.msk $0xffff, v4  }
0x60a: {  	v4 =	vld [tilespmem:s30+$0x1040]  }
0x60b: {  	[tilespmem:s12+$0x16800] =	vst.add.f32.msk $0xffff, v3  }
0x60c: {  	[tilespmem:s12+$0xE810] =	vst.add.f32.msk $0xffff, v49  }
0x60d: {  	[tilespmem:s12+$0x16810] =	vst.add.f32.msk $0xffff, v49  }
0x60e: {  	[tilespmem:s12+$0xE820] =	vst.add.f32.msk $0xffff, v50  }
0x60f: {  	[tilespmem:s30+$0x9040] =	vst.add.f32.msk $0xffff, v4  }
0x610: {  	[tilespmem:s3+$0x9040] =	vst.add.f32.msk $0xffff, v4  }
0x611: {  	v3 =	vld [tilespmem:s30+$0x1050]  }
0x612: {  	[tilespmem:s12+$0x16820] =	vst.add.f32.msk $0xffff, v50  }
0x613: {  	[tilespmem:s12+$0xE830] =	vst.add.f32.msk $0xffff, v51  }
0x614: {  	[tilespmem:s12+$0x16830] =	vst.add.f32.msk $0xffff, v51  }
0x615: {  	[tilespmem:s12+$0xE840] =	vst.add.f32.msk $0xffff, v52  }
0x616: {  	[tilespmem:s30+$0x9050] =	vst.add.f32.msk $0xffff, v3  }
0x617: {  	[tilespmem:s3+$0x9050] =	vst.add.f32.msk $0xffff, v3  }
0x618: {  	v3 =	vld [tilespmem:s30+$0x1060]  }
0x619: {  	[tilespmem:s12+$0x16840] =	vst.add.f32.msk $0xffff, v52  }
0x61a: {  	[tilespmem:s12+$0xE850] =	vst.add.f32.msk $0xffff, v53  }
0x61b: {  	[tilespmem:s12+$0x16850] =	vst.add.f32.msk $0xffff, v53  }
0x61c: {  	[tilespmem:s12+$0xE860] =	vst.add.f32.msk $0xffff, v54  }
0x61d: {  	[tilespmem:s30+$0x9060] =	vst.add.f32.msk $0xffff, v3  }
0x61e: {  	[tilespmem:s3+$0x9060] =	vst.add.f32.msk $0xffff, v3  }
0x61f: {  	v3 =	vld [tilespmem:s30+$0x1070]  }
0x620: {  	[tilespmem:s12+$0x16860] =	vst.add.f32.msk $0xffff, v54  }
0x621: {  	[tilespmem:s12+$0xE870] =	vst.add.f32.msk $0xffff, v55;
	s22 =	sor.u32 s24, s16  }
0x622: {  	[tilespmem:s12+$0x16870] =	vst.add.f32.msk $0xffff, v55;
	s23 =	sor.u32 $0x5C00, s22  }
0x623: {  	v56 =	vld [tilespmem:s23+$0x1000]  }
0x624: {  	[tilespmem:s30+$0x9070] =	vst.add.f32.msk $0xffff, v3  }
0x625: {  	[tilespmem:s3+$0x9070] =	vst.add.f32.msk $0xffff, v3  }
0x626: {  	v3 =	vld [tilespmem:s19+$0x6800]  }
0x627: {  	v57 =	vld [tilespmem:s19+$0x6810]  }
0x628: {  	v58 =	vld [tilespmem:s19+$0x6820]  }
0x629: {  	v59 =	vld [tilespmem:s19+$0x6830]  }
0x62a: {  	v60 =	vld [tilespmem:s19+$0x6840]  }
0x62b: {  	v61 =	vld [tilespmem:s19+$0x6850]  }
0x62c: {  	v62 =	vld [tilespmem:s19+$0x6860]  }
0x62d: {  	v63 =	vld [tilespmem:s19+$0x6870]  }
0x62e: {  	[tilespmem:s19+$0xE800] =	vst.add.f32.msk $0xffff, v3  }
0x62f: {  	[tilespmem:s19+$0x16800] =	vst.add.f32.msk $0xffff, v3  }
0x630: {  	[tilespmem:s19+$0xE810] =	vst.add.f32.msk $0xffff, v57  }
0x631: {  	[tilespmem:s19+$0x16810] =	vst.add.f32.msk $0xffff, v57  }
0x632: {  	[tilespmem:s19+$0xE820] =	vst.add.f32.msk $0xffff, v58  }
0x633: {  	[tilespmem:s19+$0x16820] =	vst.add.f32.msk $0xffff, v58  }
0x634: {  	[tilespmem:s19+$0xE830] =	vst.add.f32.msk $0xffff, v59  }
0x635: {  	[tilespmem:s19+$0x16830] =	vst.add.f32.msk $0xffff, v59  }
0x636: {  	[tilespmem:s19+$0xE840] =	vst.add.f32.msk $0xffff, v60  }
0x637: {  	[tilespmem:s19+$0x16840] =	vst.add.f32.msk $0xffff, v60  }
0x638: {  	[tilespmem:s19+$0xE850] =	vst.add.f32.msk $0xffff, v61  }
0x639: {  	[tilespmem:s19+$0x16850] =	vst.add.f32.msk $0xffff, v61  }
0x63a: {  	[tilespmem:s19+$0xE860] =	vst.add.f32.msk $0xffff, v62  }
0x63b: {  	[tilespmem:s19+$0x16860] =	vst.add.f32.msk $0xffff, v62  }
0x63c: {  	s24 =	sor.u32 s20, s17;
	[tilespmem:s19+$0xE870] =	vst.add.f32.msk $0xffff, v63  }
0x63d: {  	s25 =	sor.u32 $0x5C00, s24;
	[tilespmem:s19+$0x16870] =	vst.add.f32.msk $0xffff, v63  }
0x63e: {  	v3 =	vld [tilespmem:s25+$0x1000];
	_ =	sdelay $0x1  }
0x63f: {  	s14 =	sor.u32 $0xDC00, s22;
	[tilespmem:s23+$0x9000] =	vst.add.f32.msk $0xffff, v56  }
0x640: {  	[tilespmem:s14+$0x9000] =	vst.add.f32.msk $0xffff, v56  }
0x641: {  	v4 =	vld [tilespmem:s23+$0x1010]  }
0x642: {  	s5 =	sor.u32 $0xDC00, s24;
	[tilespmem:s25+$0x9000] =	vst.add.f32.msk $0xffff, v3  }
0x643: {  	[tilespmem:s5+$0x9000] =	vst.add.f32.msk $0xffff, v3  }
0x644: {  	v3 =	vld [tilespmem:s25+$0x1010];
	_ =	sdelay $0x1  }
0x645: {  	[tilespmem:s23+$0x9010] =	vst.add.f32.msk $0xffff, v4  }
0x646: {  	[tilespmem:s14+$0x9010] =	vst.add.f32.msk $0xffff, v4  }
0x647: {  	v4 =	vld [tilespmem:s23+$0x1020]  }
0x648: {  	[tilespmem:s25+$0x9010] =	vst.add.f32.msk $0xffff, v3  }
0x649: {  	[tilespmem:s5+$0x9010] =	vst.add.f32.msk $0xffff, v3  }
0x64a: {  	v3 =	vld [tilespmem:s25+$0x1020];
	_ =	sdelay $0x1  }
0x64b: {  	[tilespmem:s23+$0x9020] =	vst.add.f32.msk $0xffff, v4  }
0x64c: {  	[tilespmem:s14+$0x9020] =	vst.add.f32.msk $0xffff, v4  }
0x64d: {  	v4 =	vld [tilespmem:s23+$0x1030]  }
0x64e: {  	[tilespmem:s25+$0x9020] =	vst.add.f32.msk $0xffff, v3  }
0x64f: {  	[tilespmem:s5+$0x9020] =	vst.add.f32.msk $0xffff, v3  }
0x650: {  	v3 =	vld [tilespmem:s25+$0x1030];
	_ =	sdelay $0x1  }
0x651: {  	[tilespmem:s23+$0x9030] =	vst.add.f32.msk $0xffff, v4  }
0x652: {  	[tilespmem:s14+$0x9030] =	vst.add.f32.msk $0xffff, v4  }
0x653: {  	v4 =	vld [tilespmem:s23+$0x1040]  }
0x654: {  	[tilespmem:s25+$0x9030] =	vst.add.f32.msk $0xffff, v3  }
0x655: {  	[tilespmem:s5+$0x9030] =	vst.add.f32.msk $0xffff, v3  }
0x656: {  	v3 =	vld [tilespmem:s25+$0x1040];
	_ =	sdelay $0x1  }
0x657: {  	[tilespmem:s23+$0x9040] =	vst.add.f32.msk $0xffff, v4  }
0x658: {  	[tilespmem:s14+$0x9040] =	vst.add.f32.msk $0xffff, v4  }
0x659: {  	v4 =	vld [tilespmem:s23+$0x1050]  }
0x65a: {  	[tilespmem:s25+$0x9040] =	vst.add.f32.msk $0xffff, v3  }
0x65b: {  	[tilespmem:s5+$0x9040] =	vst.add.f32.msk $0xffff, v3  }
0x65c: {  	v3 =	vld [tilespmem:s25+$0x1050];
	_ =	sdelay $0x1  }
0x65d: {  	[tilespmem:s23+$0x9050] =	vst.add.f32.msk $0xffff, v4  }
0x65e: {  	[tilespmem:s14+$0x9050] =	vst.add.f32.msk $0xffff, v4  }
0x65f: {  	v4 =	vld [tilespmem:s23+$0x1060]  }
0x660: {  	[tilespmem:s25+$0x9050] =	vst.add.f32.msk $0xffff, v3  }
0x661: {  	[tilespmem:s5+$0x9050] =	vst.add.f32.msk $0xffff, v3  }
0x662: {  	v3 =	vld [tilespmem:s25+$0x1060];
	_ =	sdelay $0x1  }
0x663: {  	[tilespmem:s23+$0x9060] =	vst.add.f32.msk $0xffff, v4  }
0x664: {  	[tilespmem:s14+$0x9060] =	vst.add.f32.msk $0xffff, v4  }
0x665: {  	v4 =	vld [tilespmem:s23+$0x1070]  }
0x666: {  	[tilespmem:s25+$0x9060] =	vst.add.f32.msk $0xffff, v3  }
0x667: {  	[tilespmem:s5+$0x9060] =	vst.add.f32.msk $0xffff, v3  }
0x668: {  	v3 =	vld [tilespmem:s25+$0x1070];
	_ =	sdelay $0x2  }
0x669: {  	s10 =	sadd.s32 $0x1, s10;
	[tilespmem:s23+$0x9070] =	vst.add.f32.msk $0xffff, v4  }
0x66a: {  	p0 =	sne.s32 s10, $0x8;
	[tilespmem:s14+$0x9070] =	vst.add.f32.msk $0xffff, v4  }
.Ltmp3:
0x66b: {  	[tilespmem:s25+$0x9070] =	vst.add.f32.msk $0xffff, v3;
	(pc) =	sbr.rel @p0 .LBB2_2-.Ltmp3, $4  }
0x66c: {  	s26 =	sadd.s32 s13, s11;
	[tilespmem:s5+$0x9070] =	vst.add.f32.msk $0xffff, v3  }
0x66d: {  	[hbm4b:s26+s4] =	stream.linear.scatter [tilespmem:s31], [sflag:$0x6], $0x4000, $0x38;
	[tilespmem:$0x19000] =	vst v63  }
0x66e: {  	s30 =	sadd.s32 s15, s11  }
0x66f: {  	[hbm4b:s30+s4] =	stream.linear.scatter [tilespmem:s18], [sflag:$0x8], $0x4000, $0x38;
	[tilespmem:$0x19000] =	vst v63  }
0x670: {  	s3 =	simm.s32 $0x5  }
0x671: {  	_ =	swait.ge [sflag:s3], $0x4000  }
0x672: {  	[sflag:s3] =	ssyncset.done $0x0  }
0x673: {  	s25 =	simm.s32 $0x7;
	[sflag:s3] =	ssyncadd.s32 $0xFFFFC000  }
0x674: {  	_ =	swait.ge [sflag:s25], $0x4000  }
0x675: {  	[sflag:s25] =	ssyncset.done $0x0  }
0x676: {  	s26 =	simm.s32 $0x6;
	[sflag:s25] =	ssyncadd.s32 $0xFFFFC000  }
0x677: {  	_ =	swait.ge [sflag:s26], $0x4000  }
0x678: {  	[sflag:s26] =	ssyncset.done $0x0  }
0x679: {  	s5 =	simm.s32 $0x8;
	[sflag:s26] =	ssyncadd.s32 $0xFFFFC000  }
0x67a: {  	_ =	swait.ge [sflag:s5], $0x4000  }
0x67b: {  	s10 =	rddreg [dreg:$0x8]  }
0x67c: {  	s30 =	rddreg [dreg:$0x7];
	s10 =	sadd.s32 $0x1, s10  }
0x67d: {  	p0 =	sne.s32 s10, s30  }
.Ltmp4:
0x67e: {  	_ = 	snop;
	(pc) =	sbr.rel @p0 .LBB2_1-.Ltmp4, $3  }
0x67f: {  	_ =	sdelay $0x1  }
0x680: {  	[sflag:s5] =	ssyncset.done $0x0  }
0x681: {  	[sflag:s5] =	ssyncadd.s32 $0xFFFFC000  }
0x682: {  	_ =	sfence.sel $0x180000  }
0x683: {  	[bflag:$0x0] =	sbarrier.arrive $0xFFFF  }
0x684: {  	_ =	strace $0x90000047  }
0x685: {  	s0 =	stileid.u32;
	[bflag:$0x2] =	sbarrier.arrive $0xFFFF  }
0x686: {  	p0 =	sne.s32 s0, $0x0;
	s0 =	rddreg [dreg:$0x4]  }
0x687: {  	s0 =	sadd.s32 @!p0 $0x100000, s0  }
0x688: {  	[sflag:s0] =	ssyncadd.tile.s32 @!p0 $0x1;
	_ =	shalt  }
.Lfunc_end2:
_tile_overlayer_lowered:
.L_overlay_start_2:
0x689: {  	(tag) =	ssettag $0x2  }
0x68a: {  	s0 =	rddreg [dreg:$0x0];
	s2 =	stileid.u32  }
0x68b: {  	s1 =	rddreg [dreg:$0x1];
	p0 =	sne.s32 s2, $0x0  }
0x68c: {  	s3 =	rddreg [dreg:$0x2];
	[bflag:$0x3] =	sbarrier.arrive $0xFFFF;
	s2 =	simm.s32 @!p0 $0x1C09  }
0x68d: {  	[timem:s3], [sflag:s2] =	dma.local @!p0 [hbm:s0], s1  }
0x68e: {  	s0 =	simm.s32 @!p0 $0x9  }
0x68f: {  	_ =	swait.ge @!p0 [sflag:s0], s1  }
0x690: {  	s1 =	ssub.s32 @!p0 $0x0, s1;
	[sflag:s0] =	ssyncset.done @!p0 $0x0  }
0x691: {  	[sflag:s0] =	ssyncadd.s32 @!p0 s1  }
0x692: {  	[bflag:$0x3] =	sbarrier.arrive $0xFFFF  }
0x693: {  	_ =	shalt  }

</sc_bundles>
